<compile_context>
chip_gen: v7x
topology: tpu7x:2x2x1
jax: 0.10.2.dev20260603
libtpu: 0.0.44.dev20260713+nightly
codegen_flags: <defaults>
</compile_context>

<pallas_src>
import functools

import jax
import jax.numpy as jnp
from jax import lax
from jax.experimental import pallas as pl
from jax.experimental.pallas import tpu as pltpu
from jax.experimental.pallas import tpu_sc as plsc

_N = 256
_K = 128
_D = 96
_NW = 32


def _sortable_key(sim):
    i = lax.bitcast_convert_type(sim, jnp.int32)
    return jnp.where(i >= 0, i, i ^ jnp.int32(0x7FFFFFFF))


def _bitonic_argsort_cols(sim):
    n = sim.shape[0]
    key = _sortable_key(sim)
    idx = jax.lax.broadcasted_iota(jnp.int32, sim.shape, 0)
    pos = jax.lax.broadcasted_iota(jnp.int32, (n, 1), 0)

    size = 2
    while size <= n:
        d = size // 2
        dir_up = (pos & size) == 0
        while d >= 1:
            upper = (pos & d) != 0
            k_m = jnp.roll(key, -d, axis=0)
            k_p = jnp.roll(key, d, axis=0)
            i_m = jnp.roll(idx, -d, axis=0)
            i_p = jnp.roll(idx, d, axis=0)
            k_part = jnp.where(upper, k_p, k_m)
            i_part = jnp.where(upper, i_p, i_m)
            before = (key > k_part) | ((key == k_part) & (idx < i_part))
            keep = before ^ upper ^ (~dir_up)
            key = jnp.where(keep, key, k_part)
            idx = jnp.where(keep, idx, i_part)
            d //= 2
        size *= 2
    return idx


def _sort_body(x_ref, idx_ref):
    x = x_ref[0]
    dots = lax.dot_general(x, x, (((1,), (1,)), ((), ())),
                           precision=lax.Precision.DEFAULT,
                           preferred_element_type=jnp.float32)
    n2 = jnp.sum(x * x, axis=1, keepdims=True)
    norms = jnp.sqrt(n2)
    outer = norms * jnp.transpose(norms)
    sim = dots / jnp.maximum(outer, jnp.float32(1e-8))

    strip = 128
    for s0 in range(0, _N, strip):
        idx_sorted = _bitonic_argsort_cols(sim[:, s0:s0 + strip])
        idx_ref[0, :, s0:s0 + strip] = idx_sorted[:_K, :]


_HSLAB = 4 * _K * _N // _NW


@functools.partial(
    pl.kernel,
    mesh=plsc.VectorSubcoreMesh(core_axis_name="c", subcore_axis_name="s"),
    out_type=jax.ShapeDtypeStruct((4 * _K * _N,), jnp.float32),
    compiler_params=pltpu.CompilerParams(needs_layout_passes=False),
    scratch_types=[
        pltpu.VMEM((_HSLAB,), jnp.int32),
        pltpu.VMEM((_HSLAB,), jnp.float32),
    ],
)
def _counts_sc(idx_hbm, c_hbm, idx_v, c_v):
    wid = lax.axis_index("s") * 2 + lax.axis_index("c")
    base = wid * _HSLAB
    pltpu.sync_copy(idx_hbm.at[pl.ds(base, _HSLAB)], idx_v)

    iota = lax.iota(jnp.int32, 16)
    zeros = jnp.zeros((16,), jnp.float32)
    ones = jnp.ones((16,), jnp.float32)
    tvec = iota * _N

    def zero_body(m, _):
        for u in range(4):
            c_v[pl.ds((m * 4 + u) * 16, 16)] = zeros
        return 0

    lax.fori_loop(0, _HSLAB // 64, zero_body, 0)

    def body(i, _):
        for u in range(4):
            cols = plsc.load_gather(idx_v, [tvec + (i * 4 + u)])
            plsc.addupdate_scatter(c_v, [tvec + cols], ones)
        return 0

    lax.fori_loop(0, _N // 4, body, 0)
    pltpu.sync_copy(c_v, c_hbm.at[pl.ds(base, _HSLAB)])


def _merge_body(c_ref, x_ref, out_ref):
    out = lax.dot_general(c_ref[0], x_ref[0], (((1,), (0,)), ((), ())),
                          preferred_element_type=jnp.float32)
    out_ref[0, 0] = out * jnp.float32(1.0 / _N)


def _sort_half(x_half):
    hb, n, d = x_half.shape
    return pl.pallas_call(
        _sort_body,
        grid=(hb,),
        in_specs=[pl.BlockSpec((1, n, d), lambda i: (i, 0, 0))],
        out_specs=pl.BlockSpec((1, _K, n), lambda i: (i, 0, 0)),
        out_shape=jax.ShapeDtypeStruct((hb, _K, n), jnp.int32),
        compiler_params=pltpu.CompilerParams(
            dimension_semantics=("arbitrary",),
        ),
    )(x_half)


@jax.jit
def kernel(clip_embeddings):
    b, n, d = clip_embeddings.shape
    hb = b // 2
    idx_a = _sort_half(clip_embeddings[:hb])
    c_a = _counts_sc(idx_a.reshape(hb * _K * n))
    idx_b = _sort_half(clip_embeddings[hb:])
    c_b = _counts_sc(idx_b.reshape(hb * _K * n))
    c = jnp.concatenate(
        [c_a.reshape(hb, _K, n), c_b.reshape(hb, _K, n)], axis=0)
    return pl.pallas_call(
        _merge_body,
        grid=(b,),
        in_specs=[pl.BlockSpec((1, _K, n), lambda i: (i, 0, 0)),
                  pl.BlockSpec((1, n, d), lambda i: (i, 0, 0))],
        out_specs=pl.BlockSpec((1, 1, _K, d), lambda i: (i, 0, 0, 0)),
        out_shape=jax.ShapeDtypeStruct((b, 1, _K, d), jnp.float32),
        compiler_params=pltpu.CompilerParams(
            dimension_semantics=("arbitrary",),
        ),
    )(c, clip_embeddings)

# --- scband reference (transcript-rebuilt; emitter-appended) ---
"""Pipeline reference for scband-intra-clip-merging-12266426598093 (READ-ONLY COPY).

The authoritative reference and input builder live on the scoring server;
editing this copy changes nothing except your own understanding.
"""

import jax, jax.numpy as jnp
import numpy as np


def setup_inputs(seed: int = 0) -> dict:
    key = jax.random.key(seed)
    clip_embeddings = jax.random.normal(key, (8, 256, 96), dtype=jnp.float32)
    return {"clip_embeddings": clip_embeddings}


def reference(clip_embeddings):
    B, N, D = clip_embeddings.shape
    merge_ratio = 0.5
    # F.cosine_similarity(x.unsqueeze(2), x.unsqueeze(1), dim=-1):
    # sim[b,i,j] = <x_i, x_j> / max(||x_i|| * ||x_j||, 1e-8)
    dots = jnp.einsum('bnd,bmd->bnm', clip_embeddings, clip_embeddings)
    norms = jnp.sqrt(jnp.sum(clip_embeddings * clip_embeddings, axis=-1))
    denom = jnp.maximum(norms[:, :, None] * norms[:, None, :], 1e-8)
    similarity_matrix = dots / denom
    num_tokens_to_keep = int(N * merge_ratio)
    _, top_indices = jax.lax.top_k(similarity_matrix, num_tokens_to_keep)  # [B, N, k]
    # gather per-row top-k most similar token embeddings -> [B, N, k, D]
    b_idx = jnp.arange(B)[:, None, None]
    selected_embeddings = clip_embeddings[b_idx, top_indices]
    # mean over the token (dim=1) axis, keepdim -> [B, 1, k, D]
    merged_clip_embeddings = jnp.mean(selected_embeddings, axis=1, keepdims=True)
    return merged_clip_embeddings

if __name__ == "__main__":
    import jax
    _d = setup_inputs()
    print(jax.jit(kernel)(*tuple(_d.values())))

</pallas_src>

<mosaic_0001>
#map = affine_map<(d0, d1) -> (0)>
module attributes {stable_mosaic.version = 14 : i64} {
  func.func @_counts_sc(%arg0: i32, %arg1: i32, %arg2: memref<131072xi32, #tpu.memory_space<hbm>>, %arg3: memref<131072xf32, #tpu.memory_space<hbm>>, %arg4: memref<4096xi32, #tpu.memory_space<vmem>>, %arg5: memref<4096xf32, #tpu.memory_space<vmem>>) attributes {dimension_semantics = [#tpu.dimension_semantics<core_parallel>, #tpu.dimension_semantics<subcore_parallel>], iteration_bounds = array<i64: 2, 16>, scalar_prefetch = 0 : i64, scratch_operands = 2 : i64, tpu.core_type = #tpu.core_type<sc_vector_subcore>, window_params = [{transform_indices = #map}, {transform_indices = #map}]} {
    %mul3A = arith.constant 2 : i32
    %mul3A_0 = arith.muli %arg1, %mul3A : i32
    %add3A = arith.addi %mul3A_0, %arg0 : i32
    %mul3A_1 = arith.constant 4096 : i32
    %mul3A_2 = arith.muli %add3A, %mul3A_1 : i32
    "tpu.region"() ({
      %run_scoped3A = tpu.sem_alloc : memref<!tpu.dma_semaphore, #tpu.memory_space<semaphore_mem>>
      %dma_start3A = tpu.memref_slice %arg2[%mul3A_2] : memref<131072xi32, #tpu.memory_space<hbm>> -> memref<4096xi32, #tpu.memory_space<hbm>>
      %dma_start3A_22 = tpu.memref_slice %arg2[%mul3A_2] : memref<131072xi32, #tpu.memory_space<hbm>> -> memref<4096xi32, #tpu.memory_space<hbm>>
      tpu.enqueue_dma source(%dma_start3A_22 : memref<4096xi32, #tpu.memory_space<hbm>>) target(%arg4 : memref<4096xi32, #tpu.memory_space<vmem>>) target_semaphore(%run_scoped3A : memref<!tpu.dma_semaphore, #tpu.memory_space<semaphore_mem>>)
      %dma_wait3A = tpu.memref_slice %arg2[%mul3A_2] : memref<131072xi32, #tpu.memory_space<hbm>> -> memref<4096xi32, #tpu.memory_space<hbm>>
      %dma_wait3A_23 = tpu.memref_slice %arg2[%mul3A_2] : memref<131072xi32, #tpu.memory_space<hbm>> -> memref<4096xi32, #tpu.memory_space<hbm>>
      tpu.wait_dma2 semaphore(%run_scoped3A : memref<!tpu.dma_semaphore, #tpu.memory_space<semaphore_mem>>) src(%dma_wait3A_23 : memref<4096xi32, #tpu.memory_space<hbm>>) dst(%arg4 : memref<4096xi32, #tpu.memory_space<vmem>>)
      tpu.yield
    }) : () -> ()
    %iota3A = tpu.iota {dimensions = array<i32: 0>} : vector<16xi32>
    %broadcast_in_dim3A = arith.constant 0.000000e+00 : f32
    %broadcast_in_dim3A_3 = vector.broadcast %broadcast_in_dim3A : f32 to vector<16xf32>
    %broadcast_in_dim3A_4 = arith.constant 1.000000e+00 : f32
    %broadcast_in_dim3A_5 = vector.broadcast %broadcast_in_dim3A_4 : f32 to vector<16xf32>
    %mul3A_6 = arith.constant 256 : i32
    %mul3A_7 = vector.broadcast %mul3A_6 : i32 to vector<16xi32>
    %mul3A_8 = arith.muli %iota3A, %mul3A_7 : vector<16xi32>
    %scan3A = arith.constant 0 : i32
    %scan3A_9 = arith.constant 0 : i32
    %scan3A_10 = arith.constant 64 : i32
    %scan3A_11 = arith.addi %scan3A_9, %scan3A_10 : i32
    %scan3A_12 = arith.constant 1 : i32
    %scan3A_13 = scf.for %scan3A_22 = %scan3A_9 to %scan3A_11 step %scan3A_12 iter_args(%scan3A_23 = %scan3A) -> (i32)  : i32 {
      %mul3A_24 = arith.constant 4 : i32
      %mul3A_25 = arith.muli %scan3A_22, %mul3A_24 : i32
      %add3A_26 = arith.constant 0 : i32
      %add3A_27 = arith.addi %mul3A_25, %add3A_26 : i32
      %mul3A_28 = arith.constant 16 : i32
      %mul3A_29 = arith.muli %add3A_27, %mul3A_28 : i32
      %swap3A = arith.index_cast %mul3A_29 : i32 to index
      %swap3A_30 = tpu.vector_load %arg5[%swap3A] {strides = array<i32>} : memref<4096xf32, #tpu.memory_space<vmem>>, vector<16xf32>,
      tpu.vector_store %arg5[%swap3A], %broadcast_in_dim3A_3 {strides = array<i32>} : memref<4096xf32, #tpu.memory_space<vmem>>, vector<16xf32>,
      %mul3A_31 = arith.constant 4 : i32
      %mul3A_32 = arith.muli %scan3A_22, %mul3A_31 : i32
      %add3A_33 = arith.constant 1 : i32
      %add3A_34 = arith.addi %mul3A_32, %add3A_33 : i32
      %mul3A_35 = arith.constant 16 : i32
      %mul3A_36 = arith.muli %add3A_34, %mul3A_35 : i32
      %swap3A_37 = arith.index_cast %mul3A_36 : i32 to index
      %swap3A_38 = tpu.vector_load %arg5[%swap3A_37] {strides = array<i32>} : memref<4096xf32, #tpu.memory_space<vmem>>, vector<16xf32>,
      tpu.vector_store %arg5[%swap3A_37], %broadcast_in_dim3A_3 {strides = array<i32>} : memref<4096xf32, #tpu.memory_space<vmem>>, vector<16xf32>,
      %mul3A_39 = arith.constant 4 : i32
      %mul3A_40 = arith.muli %scan3A_22, %mul3A_39 : i32
      %add3A_41 = arith.constant 2 : i32
      %add3A_42 = arith.addi %mul3A_40, %add3A_41 : i32
      %mul3A_43 = arith.constant 16 : i32
      %mul3A_44 = arith.muli %add3A_42, %mul3A_43 : i32
      %swap3A_45 = arith.index_cast %mul3A_44 : i32 to index
      %swap3A_46 = tpu.vector_load %arg5[%swap3A_45] {strides = array<i32>} : memref<4096xf32, #tpu.memory_space<vmem>>, vector<16xf32>,
      tpu.vector_store %arg5[%swap3A_45], %broadcast_in_dim3A_3 {strides = array<i32>} : memref<4096xf32, #tpu.memory_space<vmem>>, vector<16xf32>,
      %mul3A_47 = arith.constant 4 : i32
      %mul3A_48 = arith.muli %scan3A_22, %mul3A_47 : i32
      %add3A_49 = arith.constant 3 : i32
      %add3A_50 = arith.addi %mul3A_48, %add3A_49 : i32
      %mul3A_51 = arith.constant 16 : i32
      %mul3A_52 = arith.muli %add3A_50, %mul3A_51 : i32
      %swap3A_53 = arith.index_cast %mul3A_52 : i32 to index
      %swap3A_54 = tpu.vector_load %arg5[%swap3A_53] {strides = array<i32>} : memref<4096xf32, #tpu.memory_space<vmem>>, vector<16xf32>,
      tpu.vector_store %arg5[%swap3A_53], %broadcast_in_dim3A_3 {strides = array<i32>} : memref<4096xf32, #tpu.memory_space<vmem>>, vector<16xf32>,
      %scan3A_55 = arith.constant 0 : i32
      scf.yield %scan3A_55 : i32
    }
    %scan3A_14 = arith.constant 64 : i32
    %scan3A_15 = arith.constant 0 : i32
    %scan3A_16 = arith.constant 0 : i32
    %scan3A_17 = arith.constant 64 : i32
    %scan3A_18 = arith.addi %scan3A_16, %scan3A_17 : i32
    %scan3A_19 = arith.constant 1 : i32
    %scan3A_20 = scf.for %scan3A_22 = %scan3A_16 to %scan3A_18 step %scan3A_19 iter_args(%scan3A_23 = %scan3A_15) -> (i32)  : i32 {
      %mul3A_24 = arith.constant 4 : i32
      %mul3A_25 = arith.muli %scan3A_22, %mul3A_24 : i32
      %add3A_26 = arith.constant 0 : i32
      %add3A_27 = arith.addi %mul3A_25, %add3A_26 : i32
      %add3A_28 = vector.broadcast %add3A_27 : i32 to vector<16xi32>
      %add3A_29 = arith.addi %mul3A_8, %add3A_28 : vector<16xi32>
      %gather3A = tpu.vector_load_idx %arg4[%add3A_29] : memref<4096xi32, #tpu.memory_space<vmem>>[vector<16xi32>], vector<16xi32>,
      %add3A_30 = arith.addi %mul3A_8, %gather3A : vector<16xi32>
      tpu.vector_store_idx %arg5[%add3A_30], %broadcast_in_dim3A_5 {add = true} : memref<4096xf32, #tpu.memory_space<vmem>>[vector<16xi32>], vector<16xf32>,
      %mul3A_31 = arith.constant 4 : i32
      %mul3A_32 = arith.muli %scan3A_22, %mul3A_31 : i32
      %add3A_33 = arith.constant 1 : i32
      %add3A_34 = arith.addi %mul3A_32, %add3A_33 : i32
      %add3A_35 = vector.broadcast %add3A_34 : i32 to vector<16xi32>
      %add3A_36 = arith.addi %mul3A_8, %add3A_35 : vector<16xi32>
      %gather3A_37 = tpu.vector_load_idx %arg4[%add3A_36] : memref<4096xi32, #tpu.memory_space<vmem>>[vector<16xi32>], vector<16xi32>,
      %add3A_38 = arith.addi %mul3A_8, %gather3A_37 : vector<16xi32>
      tpu.vector_store_idx %arg5[%add3A_38], %broadcast_in_dim3A_5 {add = true} : memref<4096xf32, #tpu.memory_space<vmem>>[vector<16xi32>], vector<16xf32>,
      %mul3A_39 = arith.constant 4 : i32
      %mul3A_40 = arith.muli %scan3A_22, %mul3A_39 : i32
      %add3A_41 = arith.constant 2 : i32
      %add3A_42 = arith.addi %mul3A_40, %add3A_41 : i32
      %add3A_43 = vector.broadcast %add3A_42 : i32 to vector<16xi32>
      %add3A_44 = arith.addi %mul3A_8, %add3A_43 : vector<16xi32>
      %gather3A_45 = tpu.vector_load_idx %arg4[%add3A_44] : memref<4096xi32, #tpu.memory_space<vmem>>[vector<16xi32>], vector<16xi32>,
      %add3A_46 = arith.addi %mul3A_8, %gather3A_45 : vector<16xi32>
      tpu.vector_store_idx %arg5[%add3A_46], %broadcast_in_dim3A_5 {add = true} : memref<4096xf32, #tpu.memory_space<vmem>>[vector<16xi32>], vector<16xf32>,
      %mul3A_47 = arith.constant 4 : i32
      %mul3A_48 = arith.muli %scan3A_22, %mul3A_47 : i32
      %add3A_49 = arith.constant 3 : i32
      %add3A_50 = arith.addi %mul3A_48, %add3A_49 : i32
      %add3A_51 = vector.broadcast %add3A_50 : i32 to vector<16xi32>
      %add3A_52 = arith.addi %mul3A_8, %add3A_51 : vector<16xi32>
      %gather3A_53 = tpu.vector_load_idx %arg4[%add3A_52] : memref<4096xi32, #tpu.memory_space<vmem>>[vector<16xi32>], vector<16xi32>,
      %add3A_54 = arith.addi %mul3A_8, %gather3A_53 : vector<16xi32>
      tpu.vector_store_idx %arg5[%add3A_54], %broadcast_in_dim3A_5 {add = true} : memref<4096xf32, #tpu.memory_space<vmem>>[vector<16xi32>], vector<16xf32>,
      %scan3A_55 = arith.constant 0 : i32
      scf.yield %scan3A_55 : i32
    }
    %scan3A_21 = arith.constant 64 : i32
    "tpu.region"() ({
      %run_scoped3A = tpu.sem_alloc : memref<!tpu.dma_semaphore, #tpu.memory_space<semaphore_mem>>
      %dma_start3A = tpu.memref_slice %arg3[%mul3A_2] : memref<131072xf32, #tpu.memory_space<hbm>> -> memref<4096xf32, #tpu.memory_space<hbm>>
      %dma_start3A_22 = tpu.memref_slice %arg3[%mul3A_2] : memref<131072xf32, #tpu.memory_space<hbm>> -> memref<4096xf32, #tpu.memory_space<hbm>>
      tpu.enqueue_dma source(%arg5 : memref<4096xf32, #tpu.memory_space<vmem>>) target(%dma_start3A_22 : memref<4096xf32, #tpu.memory_space<hbm>>) target_semaphore(%run_scoped3A : memref<!tpu.dma_semaphore, #tpu.memory_space<semaphore_mem>>)
      %dma_wait3A = tpu.memref_slice %arg3[%mul3A_2] : memref<131072xf32, #tpu.memory_space<hbm>> -> memref<4096xf32, #tpu.memory_space<hbm>>
      %dma_wait3A_23 = tpu.memref_slice %arg3[%mul3A_2] : memref<131072xf32, #tpu.memory_space<hbm>> -> memref<4096xf32, #tpu.memory_space<hbm>>
      tpu.wait_dma2 semaphore(%run_scoped3A : memref<!tpu.dma_semaphore, #tpu.memory_space<semaphore_mem>>) src(%arg5 : memref<4096xf32, #tpu.memory_space<vmem>>) dst(%dma_wait3A_23 : memref<4096xf32, #tpu.memory_space<hbm>>)
      tpu.yield
    }) : () -> ()
    return
  }
}

#map = affine_map<(d0, d1) -> (0)>
module attributes {stable_mosaic.version = 14 : i64} {
  func.func @_counts_sc(%arg0: i32, %arg1: i32, %arg2: memref<131072xi32, #tpu.memory_space<hbm>>, %arg3: memref<131072xf32, #tpu.memory_space<hbm>>, %arg4: memref<4096xi32, #tpu.memory_space<vmem>>, %arg5: memref<4096xf32, #tpu.memory_space<vmem>>) attributes {dimension_semantics = [#tpu.dimension_semantics<core_parallel>, #tpu.dimension_semantics<subcore_parallel>], iteration_bounds = array<i64: 2, 16>, scalar_prefetch = 0 : i64, scratch_operands = 2 : i64, tpu.core_type = #tpu.core_type<sc_vector_subcore>, window_params = [{transform_indices = #map}, {transform_indices = #map}]} {
    %mul3A = arith.constant 2 : i32
    %mul3A_0 = arith.muli %arg1, %mul3A : i32
    %add3A = arith.addi %mul3A_0, %arg0 : i32
    %mul3A_1 = arith.constant 4096 : i32
    %mul3A_2 = arith.muli %add3A, %mul3A_1 : i32
    "tpu.region"() ({
      %run_scoped3A = tpu.sem_alloc : memref<!tpu.dma_semaphore, #tpu.memory_space<semaphore_mem>>
      %dma_start3A = tpu.memref_slice %arg2[%mul3A_2] : memref<131072xi32, #tpu.memory_space<hbm>> -> memref<4096xi32, #tpu.memory_space<hbm>>
      %dma_start3A_22 = tpu.memref_slice %arg2[%mul3A_2] : memref<131072xi32, #tpu.memory_space<hbm>> -> memref<4096xi32, #tpu.memory_space<hbm>>
      tpu.enqueue_dma source(%dma_start3A_22 : memref<4096xi32, #tpu.memory_space<hbm>>) target(%arg4 : memref<4096xi32, #tpu.memory_space<vmem>>) target_semaphore(%run_scoped3A : memref<!tpu.dma_semaphore, #tpu.memory_space<semaphore_mem>>)
      %dma_wait3A = tpu.memref_slice %arg2[%mul3A_2] : memref<131072xi32, #tpu.memory_space<hbm>> -> memref<4096xi32, #tpu.memory_space<hbm>>
      %dma_wait3A_23 = tpu.memref_slice %arg2[%mul3A_2] : memref<131072xi32, #tpu.memory_space<hbm>> -> memref<4096xi32, #tpu.memory_space<hbm>>
      tpu.wait_dma2 semaphore(%run_scoped3A : memref<!tpu.dma_semaphore, #tpu.memory_space<semaphore_mem>>) src(%dma_wait3A_23 : memref<4096xi32, #tpu.memory_space<hbm>>) dst(%arg4 : memref<4096xi32, #tpu.memory_space<vmem>>)
      tpu.yield
    }) : () -> ()
    %iota3A = tpu.iota {dimensions = array<i32: 0>} : vector<16xi32>
    %broadcast_in_dim3A = arith.constant 0.000000e+00 : f32
    %broadcast_in_dim3A_3 = vector.broadcast %broadcast_in_dim3A : f32 to vector<16xf32>
    %broadcast_in_dim3A_4 = arith.constant 1.000000e+00 : f32
    %broadcast_in_dim3A_5 = vector.broadcast %broadcast_in_dim3A_4 : f32 to vector<16xf32>
    %mul3A_6 = arith.constant 256 : i32
    %mul3A_7 = vector.broadcast %mul3A_6 : i32 to vector<16xi32>
    %mul3A_8 = arith.muli %iota3A, %mul3A_7 : vector<16xi32>
    %scan3A = arith.constant 0 : i32
    %scan3A_9 = arith.constant 0 : i32
    %scan3A_10 = arith.constant 64 : i32
    %scan3A_11 = arith.addi %scan3A_9, %scan3A_10 : i32
    %scan3A_12 = arith.constant 1 : i32
    %scan3A_13 = scf.for %scan3A_22 = %scan3A_9 to %scan3A_11 step %scan3A_12 iter_args(%scan3A_23 = %scan3A) -> (i32)  : i32 {
      %mul3A_24 = arith.constant 4 : i32
      %mul3A_25 = arith.muli %scan3A_22, %mul3A_24 : i32
      %add3A_26 = arith.constant 0 : i32
      %add3A_27 = arith.addi %mul3A_25, %add3A_26 : i32
      %mul3A_28 = arith.constant 16 : i32
      %mul3A_29 = arith.muli %add3A_27, %mul3A_28 : i32
      %swap3A = arith.index_cast %mul3A_29 : i32 to index
      %swap3A_30 = tpu.vector_load %arg5[%swap3A] {strides = array<i32>} : memref<4096xf32, #tpu.memory_space<vmem>>, vector<16xf32>,
      tpu.vector_store %arg5[%swap3A], %broadcast_in_dim3A_3 {strides = array<i32>} : memref<4096xf32, #tpu.memory_space<vmem>>, vector<16xf32>,
      %mul3A_31 = arith.constant 4 : i32
      %mul3A_32 = arith.muli %scan3A_22, %mul3A_31 : i32
      %add3A_33 = arith.constant 1 : i32
      %add3A_34 = arith.addi %mul3A_32, %add3A_33 : i32
      %mul3A_35 = arith.constant 16 : i32
      %mul3A_36 = arith.muli %add3A_34, %mul3A_35 : i32
      %swap3A_37 = arith.index_cast %mul3A_36 : i32 to index
      %swap3A_38 = tpu.vector_load %arg5[%swap3A_37] {strides = array<i32>} : memref<4096xf32, #tpu.memory_space<vmem>>, vector<16xf32>,
      tpu.vector_store %arg5[%swap3A_37], %broadcast_in_dim3A_3 {strides = array<i32>} : memref<4096xf32, #tpu.memory_space<vmem>>, vector<16xf32>,
      %mul3A_39 = arith.constant 4 : i32
      %mul3A_40 = arith.muli %scan3A_22, %mul3A_39 : i32
      %add3A_41 = arith.constant 2 : i32
      %add3A_42 = arith.addi %mul3A_40, %add3A_41 : i32
      %mul3A_43 = arith.constant 16 : i32
      %mul3A_44 = arith.muli %add3A_42, %mul3A_43 : i32
      %swap3A_45 = arith.index_cast %mul3A_44 : i32 to index
      %swap3A_46 = tpu.vector_load %arg5[%swap3A_45] {strides = array<i32>} : memref<4096xf32, #tpu.memory_space<vmem>>, vector<16xf32>,
      tpu.vector_store %arg5[%swap3A_45], %broadcast_in_dim3A_3 {strides = array<i32>} : memref<4096xf32, #tpu.memory_space<vmem>>, vector<16xf32>,
      %mul3A_47 = arith.constant 4 : i32
      %mul3A_48 = arith.muli %scan3A_22, %mul3A_47 : i32
      %add3A_49 = arith.constant 3 : i32
      %add3A_50 = arith.addi %mul3A_48, %add3A_49 : i32
      %mul3A_51 = arith.constant 16 : i32
      %mul3A_52 = arith.muli %add3A_50, %mul3A_51 : i32
      %swap3A_53 = arith.index_cast %mul3A_52 : i32 to index
      %swap3A_54 = tpu.vector_load %arg5[%swap3A_53] {strides = array<i32>} : memref<4096xf32, #tpu.memory_space<vmem>>, vector<16xf32>,
      tpu.vector_store %arg5[%swap3A_53], %broadcast_in_dim3A_3 {strides = array<i32>} : memref<4096xf32, #tpu.memory_space<vmem>>, vector<16xf32>,
      %scan3A_55 = arith.constant 0 : i32
      scf.yield %scan3A_55 : i32
    }
    %scan3A_14 = arith.constant 64 : i32
    %scan3A_15 = arith.constant 0 : i32
    %scan3A_16 = arith.constant 0 : i32
    %scan3A_17 = arith.constant 64 : i32
    %scan3A_18 = arith.addi %scan3A_16, %scan3A_17 : i32
    %scan3A_19 = arith.constant 1 : i32
    %scan3A_20 = scf.for %scan3A_22 = %scan3A_16 to %scan3A_18 step %scan3A_19 iter_args(%scan3A_23 = %scan3A_15) -> (i32)  : i32 {
      %mul3A_24 = arith.constant 4 : i32
      %mul3A_25 = arith.muli %scan3A_22, %mul3A_24 : i32
      %add3A_26 = arith.constant 0 : i32
      %add3A_27 = arith.addi %mul3A_25, %add3A_26 : i32
      %add3A_28 = vector.broadcast %add3A_27 : i32 to vector<16xi32>
      %add3A_29 = arith.addi %mul3A_8, %add3A_28 : vector<16xi32>
      %gather3A = tpu.vector_load_idx %arg4[%add3A_29] : memref<4096xi32, #tpu.memory_space<vmem>>[vector<16xi32>], vector<16xi32>,
      %add3A_30 = arith.addi %mul3A_8, %gather3A : vector<16xi32>
      tpu.vector_store_idx %arg5[%add3A_30], %broadcast_in_dim3A_5 {add = true} : memref<4096xf32, #tpu.memory_space<vmem>>[vector<16xi32>], vector<16xf32>,
      %mul3A_31 = arith.constant 4 : i32
      %mul3A_32 = arith.muli %scan3A_22, %mul3A_31 : i32
      %add3A_33 = arith.constant 1 : i32
      %add3A_34 = arith.addi %mul3A_32, %add3A_33 : i32
      %add3A_35 = vector.broadcast %add3A_34 : i32 to vector<16xi32>
      %add3A_36 = arith.addi %mul3A_8, %add3A_35 : vector<16xi32>
      %gather3A_37 = tpu.vector_load_idx %arg4[%add3A_36] : memref<4096xi32, #tpu.memory_space<vmem>>[vector<16xi32>], vector<16xi32>,
      %add3A_38 = arith.addi %mul3A_8, %gather3A_37 : vector<16xi32>
      tpu.vector_store_idx %arg5[%add3A_38], %broadcast_in_dim3A_5 {add = true} : memref<4096xf32, #tpu.memory_space<vmem>>[vector<16xi32>], vector<16xf32>,
      %mul3A_39 = arith.constant 4 : i32
      %mul3A_40 = arith.muli %scan3A_22, %mul3A_39 : i32
      %add3A_41 = arith.constant 2 : i32
      %add3A_42 = arith.addi %mul3A_40, %add3A_41 : i32
      %add3A_43 = vector.broadcast %add3A_42 : i32 to vector<16xi32>
      %add3A_44 = arith.addi %mul3A_8, %add3A_43 : vector<16xi32>
      %gather3A_45 = tpu.vector_load_idx %arg4[%add3A_44] : memref<4096xi32, #tpu.memory_space<vmem>>[vector<16xi32>], vector<16xi32>,
      %add3A_46 = arith.addi %mul3A_8, %gather3A_45 : vector<16xi32>
      tpu.vector_store_idx %arg5[%add3A_46], %broadcast_in_dim3A_5 {add = true} : memref<4096xf32, #tpu.memory_space<vmem>>[vector<16xi32>], vector<16xf32>,
      %mul3A_47 = arith.constant 4 : i32
      %mul3A_48 = arith.muli %scan3A_22, %mul3A_47 : i32
      %add3A_49 = arith.constant 3 : i32
      %add3A_50 = arith.addi %mul3A_48, %add3A_49 : i32
      %add3A_51 = vector.broadcast %add3A_50 : i32 to vector<16xi32>
      %add3A_52 = arith.addi %mul3A_8, %add3A_51 : vector<16xi32>
      %gather3A_53 = tpu.vector_load_idx %arg4[%add3A_52] : memref<4096xi32, #tpu.memory_space<vmem>>[vector<16xi32>], vector<16xi32>,
      %add3A_54 = arith.addi %mul3A_8, %gather3A_53 : vector<16xi32>
      tpu.vector_store_idx %arg5[%add3A_54], %broadcast_in_dim3A_5 {add = true} : memref<4096xf32, #tpu.memory_space<vmem>>[vector<16xi32>], vector<16xf32>,
      %scan3A_55 = arith.constant 0 : i32
      scf.yield %scan3A_55 : i32
    }
    %scan3A_21 = arith.constant 64 : i32
    "tpu.region"() ({
      %run_scoped3A = tpu.sem_alloc : memref<!tpu.dma_semaphore, #tpu.memory_space<semaphore_mem>>
      %dma_start3A = tpu.memref_slice %arg3[%mul3A_2] : memref<131072xf32, #tpu.memory_space<hbm>> -> memref<4096xf32, #tpu.memory_space<hbm>>
      %dma_start3A_22 = tpu.memref_slice %arg3[%mul3A_2] : memref<131072xf32, #tpu.memory_space<hbm>> -> memref<4096xf32, #tpu.memory_space<hbm>>
      tpu.enqueue_dma source(%arg5 : memref<4096xf32, #tpu.memory_space<vmem>>) target(%dma_start3A_22 : memref<4096xf32, #tpu.memory_space<hbm>>) target_semaphore(%run_scoped3A : memref<!tpu.dma_semaphore, #tpu.memory_space<semaphore_mem>>)
      %dma_wait3A = tpu.memref_slice %arg3[%mul3A_2] : memref<131072xf32, #tpu.memory_space<hbm>> -> memref<4096xf32, #tpu.memory_space<hbm>>
      %dma_wait3A_23 = tpu.memref_slice %arg3[%mul3A_2] : memref<131072xf32, #tpu.memory_space<hbm>> -> memref<4096xf32, #tpu.memory_space<hbm>>
      tpu.wait_dma2 semaphore(%run_scoped3A : memref<!tpu.dma_semaphore, #tpu.memory_space<semaphore_mem>>) src(%arg5 : memref<4096xf32, #tpu.memory_space<vmem>>) dst(%dma_wait3A_23 : memref<4096xf32, #tpu.memory_space<hbm>>)
      tpu.yield
    }) : () -> ()
    return
  }
}

module attributes {stable_mosaic.version = 14 : i64} {
  func.func @_sort_body(%arg0: i32, %arg1: memref<1x256x96xf32, #tpu.memory_space<vmem>>, %arg2: memref<1x128x256xi32, #tpu.memory_space<vmem>>) attributes {dimension_semantics = [#tpu.dimension_semantics<arbitrary>], iteration_bounds = array<i64: 4>, scalar_prefetch = 0 : i64, scratch_operands = 0 : i64, tpu.core_type = #tpu.core_type<tc>, window_params = [{transform_indices = @transform_0, window_bounds = array<i64: 1, 256, 96>}, {transform_indices = @transform_1, window_bounds = array<i64: 1, 128, 256>}]} {
    %get3A = arith.constant 0 : index
    %get3A_0 = arith.constant 0 : index
    %get3A_1 = arith.constant 0 : index
    %get3A_2 = vector.load %arg1[%get3A, %get3A_0, %get3A_1] : memref<1x256x96xf32, #tpu.memory_space<vmem>>, vector<1x256x96xf32>
    %get3A_3 = vector.shape_cast %get3A_2 : vector<1x256x96xf32> to vector<256x96xf32>
    %dot_general3A = arith.constant dense<0.000000e+00> : vector<256x256xf32>
    %dot_general3A_4 = tpu.matmul %get3A_3, %get3A_3, %dot_general3A {dimension_numbers = #tpu.dot_dimension_numbers<[1], [1], [0], [0], [0, 0, 1, 0], [], []>, transpose_lhs_hint = false} : vector<256x96xf32>, vector<256x96xf32>, vector<256x256xf32> -> vector<256x256xf32>
    %mul3A = arith.mulf %get3A_3, %get3A_3 : vector<256x96xf32>
    %reduce_sum3A = arith.constant dense<0.000000e+00> : vector<256xf32>
    %reduce_sum3A_5 = vector.multi_reduction <add>, %mul3A, %reduce_sum3A [1] : vector<256x96xf32> to vector<256xf32>
    %broadcast_in_dim3A = vector.shape_cast %reduce_sum3A_5 : vector<256xf32> to vector<256x1xf32>
    %sqrt3A = math.sqrt %broadcast_in_dim3A : vector<256x1xf32>
    %transpose3A = tpu.transpose %sqrt3A, [1, 0] : vector<256x1xf32> -> vector<1x256xf32>
    %mul3A_6 = vector.broadcast %sqrt3A : vector<256x1xf32> to vector<256x256xf32>
    %mul3A_7 = vector.broadcast %transpose3A : vector<1x256xf32> to vector<256x256xf32>
    %mul3A_8 = arith.mulf %mul3A_6, %mul3A_7 : vector<256x256xf32>
    %max3A = arith.constant 9.99999993E-9 : f32
    %max3A_9 = vector.broadcast %max3A : f32 to vector<256x256xf32>
    %max3A_10 = arith.maximumf %mul3A_8, %max3A_9 : vector<256x256xf32>
    %div3A = arith.divf %dot_general3A_4, %max3A_10 : vector<256x256xf32>
    %slice3A = vector.extract_strided_slice %div3A {offsets = [0, 0], sizes = [256, 128], strides = [1, 1]} : vector<256x256xf32> to vector<256x128xf32>
    %bitcast_convert_type3A = tpu.bitcast %slice3A : vector<256x128xf32> -> vector<256x128xi32>
    %ge3A = arith.constant 0 : i32
    %ge3A_11 = vector.broadcast %ge3A : i32 to vector<256x128xi32>
    %ge3A_12 = arith.cmpi sge, %bitcast_convert_type3A, %ge3A_11 : vector<256x128xi32>
    %xor3A = arith.constant 2147483647 : i32
    %xor3A_13 = vector.broadcast %xor3A : i32 to vector<256x128xi32>
    %xor3A_14 = arith.xori %bitcast_convert_type3A, %xor3A_13 : vector<256x128xi32>
    %select_n3A = arith.select %ge3A_12, %bitcast_convert_type3A, %xor3A_14 : vector<256x128xi1>, vector<256x128xi32>
    %iota3A = tpu.iota {dimensions = array<i32: 0>} : vector<256x128xi32>
    %iota3A_15 = tpu.iota {dimensions = array<i32: 0>} : vector<256x1xi32>
    %and3A = arith.constant 2 : i32
    %and3A_16 = vector.broadcast %and3A : i32 to vector<256x1xi32>
    %and3A_17 = arith.andi %iota3A_15, %and3A_16 : vector<256x1xi32>
    %eq3A = arith.constant 0 : i32
    %eq3A_18 = vector.broadcast %eq3A : i32 to vector<256x1xi32>
    %eq3A_19 = arith.cmpi eq, %and3A_17, %eq3A_18 : vector<256x1xi32>
    %and3A_20 = arith.constant 1 : i32
    %and3A_21 = vector.broadcast %and3A_20 : i32 to vector<256x1xi32>
    %and3A_22 = arith.andi %iota3A_15, %and3A_21 : vector<256x1xi32>
    %ne3A = arith.constant 0 : i32
    %ne3A_23 = vector.broadcast %ne3A : i32 to vector<256x1xi32>
    %ne3A_24 = arith.cmpi ne, %and3A_22, %ne3A_23 : vector<256x1xi32>
    %slice3A_25 = vector.extract_strided_slice %select_n3A {offsets = [1, 0], sizes = [255, 128], strides = [1, 1]} : vector<256x128xi32> to vector<255x128xi32>
    %slice3A_26 = vector.extract_strided_slice %select_n3A {offsets = [0, 0], sizes = [1, 128], strides = [1, 1]} : vector<256x128xi32> to vector<1x128xi32>
    %concatenate3A = tpu.concatenate %slice3A_25, %slice3A_26 in 0 : vector<255x128xi32>, vector<1x128xi32> -> vector<256x128xi32>
    %slice3A_27 = vector.extract_strided_slice %select_n3A {offsets = [255, 0], sizes = [1, 128], strides = [1, 1]} : vector<256x128xi32> to vector<1x128xi32>
    %slice3A_28 = vector.extract_strided_slice %select_n3A {offsets = [0, 0], sizes = [255, 128], strides = [1, 1]} : vector<256x128xi32> to vector<255x128xi32>
    %concatenate3A_29 = tpu.concatenate %slice3A_27, %slice3A_28 in 0 : vector<1x128xi32>, vector<255x128xi32> -> vector<256x128xi32>
    %slice3A_30 = vector.extract_strided_slice %iota3A {offsets = [1, 0], sizes = [255, 128], strides = [1, 1]} : vector<256x128xi32> to vector<255x128xi32>
    %slice3A_31 = vector.extract_strided_slice %iota3A {offsets = [0, 0], sizes = [1, 128], strides = [1, 1]} : vector<256x128xi32> to vector<1x128xi32>
    %concatenate3A_32 = tpu.concatenate %slice3A_30, %slice3A_31 in 0 : vector<255x128xi32>, vector<1x128xi32> -> vector<256x128xi32>
    %slice3A_33 = vector.extract_strided_slice %iota3A {offsets = [255, 0], sizes = [1, 128], strides = [1, 1]} : vector<256x128xi32> to vector<1x128xi32>
    %slice3A_34 = vector.extract_strided_slice %iota3A {offsets = [0, 0], sizes = [255, 128], strides = [1, 1]} : vector<256x128xi32> to vector<255x128xi32>
    %concatenate3A_35 = tpu.concatenate %slice3A_33, %slice3A_34 in 0 : vector<1x128xi32>, vector<255x128xi32> -> vector<256x128xi32>
    %broadcast_in_dim3A_36 = vector.shape_cast %ne3A_24 : vector<256x1xi1> to vector<256x1xi1>
    %broadcast_in_dim3A_37 = vector.broadcast %broadcast_in_dim3A_36 : vector<256x1xi1> to vector<256x128xi1>
    %select_n3A_38 = arith.select %broadcast_in_dim3A_37, %concatenate3A_29, %concatenate3A : vector<256x128xi1>, vector<256x128xi32>
    %broadcast_in_dim3A_39 = vector.shape_cast %ne3A_24 : vector<256x1xi1> to vector<256x1xi1>
    %broadcast_in_dim3A_40 = vector.broadcast %broadcast_in_dim3A_39 : vector<256x1xi1> to vector<256x128xi1>
    %select_n3A_41 = arith.select %broadcast_in_dim3A_40, %concatenate3A_35, %concatenate3A_32 : vector<256x128xi1>, vector<256x128xi32>
    %gt3A = arith.cmpi sgt, %select_n3A, %select_n3A_38 : vector<256x128xi32>
    %eq3A_42 = arith.cmpi eq, %select_n3A, %select_n3A_38 : vector<256x128xi32>
    %lt3A = arith.cmpi slt, %iota3A, %select_n3A_41 : vector<256x128xi32>
    %and3A_43 = arith.andi %eq3A_42, %lt3A : vector<256x128xi1>
    %or3A = arith.ori %gt3A, %and3A_43 : vector<256x128xi1>
    %xor3A_44 = vector.broadcast %ne3A_24 : vector<256x1xi1> to vector<256x128xi1>
    %xor3A_45 = arith.xori %or3A, %xor3A_44 : vector<256x128xi1>
    %not3A = arith.constant dense<true> : vector<256x1xi1>
    %not3A_46 = arith.xori %eq3A_19, %not3A : vector<256x1xi1>
    %xor3A_47 = vector.broadcast %not3A_46 : vector<256x1xi1> to vector<256x128xi1>
    %xor3A_48 = arith.xori %xor3A_45, %xor3A_47 : vector<256x128xi1>
    %select_n3A_49 = arith.select %xor3A_48, %select_n3A, %select_n3A_38 : vector<256x128xi1>, vector<256x128xi32>
    %select_n3A_50 = arith.select %xor3A_48, %iota3A, %select_n3A_41 : vector<256x128xi1>, vector<256x128xi32>
    %and3A_51 = arith.constant 4 : i32
    %and3A_52 = vector.broadcast %and3A_51 : i32 to vector<256x1xi32>
    %and3A_53 = arith.andi %iota3A_15, %and3A_52 : vector<256x1xi32>
    %eq3A_54 = arith.constant 0 : i32
    %eq3A_55 = vector.broadcast %eq3A_54 : i32 to vector<256x1xi32>
    %eq3A_56 = arith.cmpi eq, %and3A_53, %eq3A_55 : vector<256x1xi32>
    %and3A_57 = arith.constant 2 : i32
    %and3A_58 = vector.broadcast %and3A_57 : i32 to vector<256x1xi32>
    %and3A_59 = arith.andi %iota3A_15, %and3A_58 : vector<256x1xi32>
    %ne3A_60 = arith.constant 0 : i32
    %ne3A_61 = vector.broadcast %ne3A_60 : i32 to vector<256x1xi32>
    %ne3A_62 = arith.cmpi ne, %and3A_59, %ne3A_61 : vector<256x1xi32>
    %slice3A_63 = vector.extract_strided_slice %select_n3A_49 {offsets = [2, 0], sizes = [254, 128], strides = [1, 1]} : vector<256x128xi32> to vector<254x128xi32>
    %slice3A_64 = vector.extract_strided_slice %select_n3A_49 {offsets = [0, 0], sizes = [2, 128], strides = [1, 1]} : vector<256x128xi32> to vector<2x128xi32>
    %concatenate3A_65 = tpu.concatenate %slice3A_63, %slice3A_64 in 0 : vector<254x128xi32>, vector<2x128xi32> -> vector<256x128xi32>
    %slice3A_66 = vector.extract_strided_slice %select_n3A_49 {offsets = [254, 0], sizes = [2, 128], strides = [1, 1]} : vector<256x128xi32> to vector<2x128xi32>
    %slice3A_67 = vector.extract_strided_slice %select_n3A_49 {offsets = [0, 0], sizes = [254, 128], strides = [1, 1]} : vector<256x128xi32> to vector<254x128xi32>
    %concatenate3A_68 = tpu.concatenate %slice3A_66, %slice3A_67 in 0 : vector<2x128xi32>, vector<254x128xi32> -> vector<256x128xi32>
    %slice3A_69 = vector.extract_strided_slice %select_n3A_50 {offsets = [2, 0], sizes = [254, 128], strides = [1, 1]} : vector<256x128xi32> to vector<254x128xi32>
    %slice3A_70 = vector.extract_strided_slice %select_n3A_50 {offsets = [0, 0], sizes = [2, 128], strides = [1, 1]} : vector<256x128xi32> to vector<2x128xi32>
    %concatenate3A_71 = tpu.concatenate %slice3A_69, %slice3A_70 in 0 : vector<254x128xi32>, vector<2x128xi32> -> vector<256x128xi32>
    %slice3A_72 = vector.extract_strided_slice %select_n3A_50 {offsets = [254, 0], sizes = [2, 128], strides = [1, 1]} : vector<256x128xi32> to vector<2x128xi32>
    %slice3A_73 = vector.extract_strided_slice %select_n3A_50 {offsets = [0, 0], sizes = [254, 128], strides = [1, 1]} : vector<256x128xi32> to vector<254x128xi32>
    %concatenate3A_74 = tpu.concatenate %slice3A_72, %slice3A_73 in 0 : vector<2x128xi32>, vector<254x128xi32> -> vector<256x128xi32>
    %broadcast_in_dim3A_75 = vector.shape_cast %ne3A_62 : vector<256x1xi1> to vector<256x1xi1>
    %broadcast_in_dim3A_76 = vector.broadcast %broadcast_in_dim3A_75 : vector<256x1xi1> to vector<256x128xi1>
    %select_n3A_77 = arith.select %broadcast_in_dim3A_76, %concatenate3A_68, %concatenate3A_65 : vector<256x128xi1>, vector<256x128xi32>
    %broadcast_in_dim3A_78 = vector.shape_cast %ne3A_62 : vector<256x1xi1> to vector<256x1xi1>
    %broadcast_in_dim3A_79 = vector.broadcast %broadcast_in_dim3A_78 : vector<256x1xi1> to vector<256x128xi1>
    %select_n3A_80 = arith.select %broadcast_in_dim3A_79, %concatenate3A_74, %concatenate3A_71 : vector<256x128xi1>, vector<256x128xi32>
    %gt3A_81 = arith.cmpi sgt, %select_n3A_49, %select_n3A_77 : vector<256x128xi32>
    %eq3A_82 = arith.cmpi eq, %select_n3A_49, %select_n3A_77 : vector<256x128xi32>
    %lt3A_83 = arith.cmpi slt, %select_n3A_50, %select_n3A_80 : vector<256x128xi32>
    %and3A_84 = arith.andi %eq3A_82, %lt3A_83 : vector<256x128xi1>
    %or3A_85 = arith.ori %gt3A_81, %and3A_84 : vector<256x128xi1>
    %xor3A_86 = vector.broadcast %ne3A_62 : vector<256x1xi1> to vector<256x128xi1>
    %xor3A_87 = arith.xori %or3A_85, %xor3A_86 : vector<256x128xi1>
    %not3A_88 = arith.constant dense<true> : vector<256x1xi1>
    %not3A_89 = arith.xori %eq3A_56, %not3A_88 : vector<256x1xi1>
    %xor3A_90 = vector.broadcast %not3A_89 : vector<256x1xi1> to vector<256x128xi1>
    %xor3A_91 = arith.xori %xor3A_87, %xor3A_90 : vector<256x128xi1>
    %select_n3A_92 = arith.select %xor3A_91, %select_n3A_49, %select_n3A_77 : vector<256x128xi1>, vector<256x128xi32>
    %select_n3A_93 = arith.select %xor3A_91, %select_n3A_50, %select_n3A_80 : vector<256x128xi1>, vector<256x128xi32>
    %and3A_94 = arith.constant 1 : i32
    %and3A_95 = vector.broadcast %and3A_94 : i32 to vector<256x1xi32>
    %and3A_96 = arith.andi %iota3A_15, %and3A_95 : vector<256x1xi32>
    %ne3A_97 = arith.constant 0 : i32
    %ne3A_98 = vector.broadcast %ne3A_97 : i32 to vector<256x1xi32>
    %ne3A_99 = arith.cmpi ne, %and3A_96, %ne3A_98 : vector<256x1xi32>
    %slice3A_100 = vector.extract_strided_slice %select_n3A_92 {offsets = [1, 0], sizes = [255, 128], strides = [1, 1]} : vector<256x128xi32> to vector<255x128xi32>
    %slice3A_101 = vector.extract_strided_slice %select_n3A_92 {offsets = [0, 0], sizes = [1, 128], strides = [1, 1]} : vector<256x128xi32> to vector<1x128xi32>
    %concatenate3A_102 = tpu.concatenate %slice3A_100, %slice3A_101 in 0 : vector<255x128xi32>, vector<1x128xi32> -> vector<256x128xi32>
    %slice3A_103 = vector.extract_strided_slice %select_n3A_92 {offsets = [255, 0], sizes = [1, 128], strides = [1, 1]} : vector<256x128xi32> to vector<1x128xi32>
    %slice3A_104 = vector.extract_strided_slice %select_n3A_92 {offsets = [0, 0], sizes = [255, 128], strides = [1, 1]} : vector<256x128xi32> to vector<255x128xi32>
    %concatenate3A_105 = tpu.concatenate %slice3A_103, %slice3A_104 in 0 : vector<1x128xi32>, vector<255x128xi32> -> vector<256x128xi32>
    %slice3A_106 = vector.extract_strided_slice %select_n3A_93 {offsets = [1, 0], sizes = [255, 128], strides = [1, 1]} : vector<256x128xi32> to vector<255x128xi32>
    %slice3A_107 = vector.extract_strided_slice %select_n3A_93 {offsets = [0, 0], sizes = [1, 128], strides = [1, 1]} : vector<256x128xi32> to vector<1x128xi32>
    %concatenate3A_108 = tpu.concatenate %slice3A_106, %slice3A_107 in 0 : vector<255x128xi32>, vector<1x128xi32> -> vector<256x128xi32>
    %slice3A_109 = vector.extract_strided_slice %select_n3A_93 {offsets = [255, 0], sizes = [1, 128], strides = [1, 1]} : vector<256x128xi32> to vector<1x128xi32>
    %slice3A_110 = vector.extract_strided_slice %select_n3A_93 {offsets = [0, 0], sizes = [255, 128], strides = [1, 1]} : vector<256x128xi32> to vector<255x128xi32>
    %concatenate3A_111 = tpu.concatenate %slice3A_109, %slice3A_110 in 0 : vector<1x128xi32>, vector<255x128xi32> -> vector<256x128xi32>
    %broadcast_in_dim3A_112 = vector.shape_cast %ne3A_99 : vector<256x1xi1> to vector<256x1xi1>
    %broadcast_in_dim3A_113 = vector.broadcast %broadcast_in_dim3A_112 : vector<256x1xi1> to vector<256x128xi1>
    %select_n3A_114 = arith.select %broadcast_in_dim3A_113, %concatenate3A_105, %concatenate3A_102 : vector<256x128xi1>, vector<256x128xi32>
    %broadcast_in_dim3A_115 = vector.shape_cast %ne3A_99 : vector<256x1xi1> to vector<256x1xi1>
    %broadcast_in_dim3A_116 = vector.broadcast %broadcast_in_dim3A_115 : vector<256x1xi1> to vector<256x128xi1>
    %select_n3A_117 = arith.select %broadcast_in_dim3A_116, %concatenate3A_111, %concatenate3A_108 : vector<256x128xi1>, vector<256x128xi32>
    %gt3A_118 = arith.cmpi sgt, %select_n3A_92, %select_n3A_114 : vector<256x128xi32>
    %eq3A_119 = arith.cmpi eq, %select_n3A_92, %select_n3A_114 : vector<256x128xi32>
    %lt3A_120 = arith.cmpi slt, %select_n3A_93, %select_n3A_117 : vector<256x128xi32>
    %and3A_121 = arith.andi %eq3A_119, %lt3A_120 : vector<256x128xi1>
    %or3A_122 = arith.ori %gt3A_118, %and3A_121 : vector<256x128xi1>
    %xor3A_123 = vector.broadcast %ne3A_99 : vector<256x1xi1> to vector<256x128xi1>
    %xor3A_124 = arith.xori %or3A_122, %xor3A_123 : vector<256x128xi1>
    %not3A_125 = arith.constant dense<true> : vector<256x1xi1>
    %not3A_126 = arith.xori %eq3A_56, %not3A_125 : vector<256x1xi1>
    %xor3A_127 = vector.broadcast %not3A_126 : vector<256x1xi1> to vector<256x128xi1>
    %xor3A_128 = arith.xori %xor3A_124, %xor3A_127 : vector<256x128xi1>
    %select_n3A_129 = arith.select %xor3A_128, %select_n3A_92, %select_n3A_114 : vector<256x128xi1>, vector<256x128xi32>
    %select_n3A_130 = arith.select %xor3A_128, %select_n3A_93, %select_n3A_117 : vector<256x128xi1>, vector<256x128xi32>
    %and3A_131 = arith.constant 8 : i32
    %and3A_132 = vector.broadcast %and3A_131 : i32 to vector<256x1xi32>
    %and3A_133 = arith.andi %iota3A_15, %and3A_132 : vector<256x1xi32>
    %eq3A_134 = arith.constant 0 : i32
    %eq3A_135 = vector.broadcast %eq3A_134 : i32 to vector<256x1xi32>
    %eq3A_136 = arith.cmpi eq, %and3A_133, %eq3A_135 : vector<256x1xi32>
    %and3A_137 = arith.constant 4 : i32
    %and3A_138 = vector.broadcast %and3A_137 : i32 to vector<256x1xi32>
    %and3A_139 = arith.andi %iota3A_15, %and3A_138 : vector<256x1xi32>
    %ne3A_140 = arith.constant 0 : i32
    %ne3A_141 = vector.broadcast %ne3A_140 : i32 to vector<256x1xi32>
    %ne3A_142 = arith.cmpi ne, %and3A_139, %ne3A_141 : vector<256x1xi32>
    %slice3A_143 = vector.extract_strided_slice %select_n3A_129 {offsets = [4, 0], sizes = [252, 128], strides = [1, 1]} : vector<256x128xi32> to vector<252x128xi32>
    %slice3A_144 = vector.extract_strided_slice %select_n3A_129 {offsets = [0, 0], sizes = [4, 128], strides = [1, 1]} : vector<256x128xi32> to vector<4x128xi32>
    %concatenate3A_145 = tpu.concatenate %slice3A_143, %slice3A_144 in 0 : vector<252x128xi32>, vector<4x128xi32> -> vector<256x128xi32>
    %slice3A_146 = vector.extract_strided_slice %select_n3A_129 {offsets = [252, 0], sizes = [4, 128], strides = [1, 1]} : vector<256x128xi32> to vector<4x128xi32>
    %slice3A_147 = vector.extract_strided_slice %select_n3A_129 {offsets = [0, 0], sizes = [252, 128], strides = [1, 1]} : vector<256x128xi32> to vector<252x128xi32>
    %concatenate3A_148 = tpu.concatenate %slice3A_146, %slice3A_147 in 0 : vector<4x128xi32>, vector<252x128xi32> -> vector<256x128xi32>
    %slice3A_149 = vector.extract_strided_slice %select_n3A_130 {offsets = [4, 0], sizes = [252, 128], strides = [1, 1]} : vector<256x128xi32> to vector<252x128xi32>
    %slice3A_150 = vector.extract_strided_slice %select_n3A_130 {offsets = [0, 0], sizes = [4, 128], strides = [1, 1]} : vector<256x128xi32> to vector<4x128xi32>
    %concatenate3A_151 = tpu.concatenate %slice3A_149, %slice3A_150 in 0 : vector<252x128xi32>, vector<4x128xi32> -> vector<256x128xi32>
    %slice3A_152 = vector.extract_strided_slice %select_n3A_130 {offsets = [252, 0], sizes = [4, 128], strides = [1, 1]} : vector<256x128xi32> to vector<4x128xi32>
    %slice3A_153 = vector.extract_strided_slice %select_n3A_130 {offsets = [0, 0], sizes = [252, 128], strides = [1, 1]} : vector<256x128xi32> to vector<252x128xi32>
    %concatenate3A_154 = tpu.concatenate %slice3A_152, %slice3A_153 in 0 : vector<4x128xi32>, vector<252x128xi32> -> vector<256x128xi32>
    %broadcast_in_dim3A_155 = vector.shape_cast %ne3A_142 : vector<256x1xi1> to vector<256x1xi1>
    %broadcast_in_dim3A_156 = vector.broadcast %broadcast_in_dim3A_155 : vector<256x1xi1> to vector<256x128xi1>
    %select_n3A_157 = arith.select %broadcast_in_dim3A_156, %concatenate3A_148, %concatenate3A_145 : vector<256x128xi1>, vector<256x128xi32>
    %broadcast_in_dim3A_158 = vector.shape_cast %ne3A_142 : vector<256x1xi1> to vector<256x1xi1>
    %broadcast_in_dim3A_159 = vector.broadcast %broadcast_in_dim3A_158 : vector<256x1xi1> to vector<256x128xi1>
    %select_n3A_160 = arith.select %broadcast_in_dim3A_159, %concatenate3A_154, %concatenate3A_151 : vector<256x128xi1>, vector<256x128xi32>
    %gt3A_161 = arith.cmpi sgt, %select_n3A_129, %select_n3A_157 : vector<256x128xi32>
    %eq3A_162 = arith.cmpi eq, %select_n3A_129, %select_n3A_157 : vector<256x128xi32>
    %lt3A_163 = arith.cmpi slt, %select_n3A_130, %select_n3A_160 : vector<256x128xi32>
    %and3A_164 = arith.andi %eq3A_162, %lt3A_163 : vector<256x128xi1>
    %or3A_165 = arith.ori %gt3A_161, %and3A_164 : vector<256x128xi1>
    %xor3A_166 = vector.broadcast %ne3A_142 : vector<256x1xi1> to vector<256x128xi1>
    %xor3A_167 = arith.xori %or3A_165, %xor3A_166 : vector<256x128xi1>
    %not3A_168 = arith.constant dense<true> : vector<256x1xi1>
    %not3A_169 = arith.xori %eq3A_136, %not3A_168 : vector<256x1xi1>
    %xor3A_170 = vector.broadcast %not3A_169 : vector<256x1xi1> to vector<256x128xi1>
    %xor3A_171 = arith.xori %xor3A_167, %xor3A_170 : vector<256x128xi1>
    %select_n3A_172 = arith.select %xor3A_171, %select_n3A_129, %select_n3A_157 : vector<256x128xi1>, vector<256x128xi32>
    %select_n3A_173 = arith.select %xor3A_171, %select_n3A_130, %select_n3A_160 : vector<256x128xi1>, vector<256x128xi32>
    %and3A_174 = arith.constant 2 : i32
    %and3A_175 = vector.broadcast %and3A_174 : i32 to vector<256x1xi32>
    %and3A_176 = arith.andi %iota3A_15, %and3A_175 : vector<256x1xi32>
    %ne3A_177 = arith.constant 0 : i32
    %ne3A_178 = vector.broadcast %ne3A_177 : i32 to vector<256x1xi32>
    %ne3A_179 = arith.cmpi ne, %and3A_176, %ne3A_178 : vector<256x1xi32>
    %slice3A_180 = vector.extract_strided_slice %select_n3A_172 {offsets = [2, 0], sizes = [254, 128], strides = [1, 1]} : vector<256x128xi32> to vector<254x128xi32>
    %slice3A_181 = vector.extract_strided_slice %select_n3A_172 {offsets = [0, 0], sizes = [2, 128], strides = [1, 1]} : vector<256x128xi32> to vector<2x128xi32>
    %concatenate3A_182 = tpu.concatenate %slice3A_180, %slice3A_181 in 0 : vector<254x128xi32>, vector<2x128xi32> -> vector<256x128xi32>
    %slice3A_183 = vector.extract_strided_slice %select_n3A_172 {offsets = [254, 0], sizes = [2, 128], strides = [1, 1]} : vector<256x128xi32> to vector<2x128xi32>
    %slice3A_184 = vector.extract_strided_slice %select_n3A_172 {offsets = [0, 0], sizes = [254, 128], strides = [1, 1]} : vector<256x128xi32> to vector<254x128xi32>
    %concatenate3A_185 = tpu.concatenate %slice3A_183, %slice3A_184 in 0 : vector<2x128xi32>, vector<254x128xi32> -> vector<256x128xi32>
    %slice3A_186 = vector.extract_strided_slice %select_n3A_173 {offsets = [2, 0], sizes = [254, 128], strides = [1, 1]} : vector<256x128xi32> to vector<254x128xi32>
    %slice3A_187 = vector.extract_strided_slice %select_n3A_173 {offsets = [0, 0], sizes = [2, 128], strides = [1, 1]} : vector<256x128xi32> to vector<2x128xi32>
    %concatenate3A_188 = tpu.concatenate %slice3A_186, %slice3A_187 in 0 : vector<254x128xi32>, vector<2x128xi32> -> vector<256x128xi32>
    %slice3A_189 = vector.extract_strided_slice %select_n3A_173 {offsets = [254, 0], sizes = [2, 128], strides = [1, 1]} : vector<256x128xi32> to vector<2x128xi32>
    %slice3A_190 = vector.extract_strided_slice %select_n3A_173 {offsets = [0, 0], sizes = [254, 128], strides = [1, 1]} : vector<256x128xi32> to vector<254x128xi32>
    %concatenate3A_191 = tpu.concatenate %slice3A_189, %slice3A_190 in 0 : vector<2x128xi32>, vector<254x128xi32> -> vector<256x128xi32>
    %broadcast_in_dim3A_192 = vector.shape_cast %ne3A_179 : vector<256x1xi1> to vector<256x1xi1>
    %broadcast_in_dim3A_193 = vector.broadcast %broadcast_in_dim3A_192 : vector<256x1xi1> to vector<256x128xi1>
    %select_n3A_194 = arith.select %broadcast_in_dim3A_193, %concatenate3A_185, %concatenate3A_182 : vector<256x128xi1>, vector<256x128xi32>
    %broadcast_in_dim3A_195 = vector.shape_cast %ne3A_179 : vector<256x1xi1> to vector<256x1xi1>
    %broadcast_in_dim3A_196 = vector.broadcast %broadcast_in_dim3A_195 : vector<256x1xi1> to vector<256x128xi1>
    %select_n3A_197 = arith.select %broadcast_in_dim3A_196, %concatenate3A_191, %concatenate3A_188 : vector<256x128xi1>, vector<256x128xi32>
    %gt3A_198 = arith.cmpi sgt, %select_n3A_172, %select_n3A_194 : vector<256x128xi32>
    %eq3A_199 = arith.cmpi eq, %select_n3A_172, %select_n3A_194 : vector<256x128xi32>
    %lt3A_200 = arith.cmpi slt, %select_n3A_173, %select_n3A_197 : vector<256x128xi32>
    %and3A_201 = arith.andi %eq3A_199, %lt3A_200 : vector<256x128xi1>
    %or3A_202 = arith.ori %gt3A_198, %and3A_201 : vector<256x128xi1>
    %xor3A_203 = vector.broadcast %ne3A_179 : vector<256x1xi1> to vector<256x128xi1>
    %xor3A_204 = arith.xori %or3A_202, %xor3A_203 : vector<256x128xi1>
    %not3A_205 = arith.constant dense<true> : vector<256x1xi1>
    %not3A_206 = arith.xori %eq3A_136, %not3A_205 : vector<256x1xi1>
    %xor3A_207 = vector.broadcast %not3A_206 : vector<256x1xi1> to vector<256x128xi1>
    %xor3A_208 = arith.xori %xor3A_204, %xor3A_207 : vector<256x128xi1>
    %select_n3A_209 = arith.select %xor3A_208, %select_n3A_172, %select_n3A_194 : vector<256x128xi1>, vector<256x128xi32>
    %select_n3A_210 = arith.select %xor3A_208, %select_n3A_173, %select_n3A_197 : vector<256x128xi1>, vector<256x128xi32>
    %and3A_211 = arith.constant 1 : i32
    %and3A_212 = vector.broadcast %and3A_211 : i32 to vector<256x1xi32>
    %and3A_213 = arith.andi %iota3A_15, %and3A_212 : vector<256x1xi32>
    %ne3A_214 = arith.constant 0 : i32
    %ne3A_215 = vector.broadcast %ne3A_214 : i32 to vector<256x1xi32>
    %ne3A_216 = arith.cmpi ne, %and3A_213, %ne3A_215 : vector<256x1xi32>
    %slice3A_217 = vector.extract_strided_slice %select_n3A_209 {offsets = [1, 0], sizes = [255, 128], strides = [1, 1]} : vector<256x128xi32> to vector<255x128xi32>
    %slice3A_218 = vector.extract_strided_slice %select_n3A_209 {offsets = [0, 0], sizes = [1, 128], strides = [1, 1]} : vector<256x128xi32> to vector<1x128xi32>
    %concatenate3A_219 = tpu.concatenate %slice3A_217, %slice3A_218 in 0 : vector<255x128xi32>, vector<1x128xi32> -> vector<256x128xi32>
    %slice3A_220 = vector.extract_strided_slice %select_n3A_209 {offsets = [255, 0], sizes = [1, 128], strides = [1, 1]} : vector<256x128xi32> to vector<1x128xi32>
    %slice3A_221 = vector.extract_strided_slice %select_n3A_209 {offsets = [0, 0], sizes = [255, 128], strides = [1, 1]} : vector<256x128xi32> to vector<255x128xi32>
    %concatenate3A_222 = tpu.concatenate %slice3A_220, %slice3A_221 in 0 : vector<1x128xi32>, vector<255x128xi32> -> vector<256x128xi32>
    %slice3A_223 = vector.extract_strided_slice %select_n3A_210 {offsets = [1, 0], sizes = [255, 128], strides = [1, 1]} : vector<256x128xi32> to vector<255x128xi32>
    %slice3A_224 = vector.extract_strided_slice %select_n3A_210 {offsets = [0, 0], sizes = [1, 128], strides = [1, 1]} : vector<256x128xi32> to vector<1x128xi32>
    %concatenate3A_225 = tpu.concatenate %slice3A_223, %slice3A_224 in 0 : vector<255x128xi32>, vector<1x128xi32> -> vector<256x128xi32>
    %slice3A_226 = vector.extract_strided_slice %select_n3A_210 {offsets = [255, 0], sizes = [1, 128], strides = [1, 1]} : vector<256x128xi32> to vector<1x128xi32>
    %slice3A_227 = vector.extract_strided_slice %select_n3A_210 {offsets = [0, 0], sizes = [255, 128], strides = [1, 1]} : vector<256x128xi32> to vector<255x128xi32>
    %concatenate3A_228 = tpu.concatenate %slice3A_226, %slice3A_227 in 0 : vector<1x128xi32>, vector<255x128xi32> -> vector<256x128xi32>
    %broadcast_in_dim3A_229 = vector.shape_cast %ne3A_216 : vector<256x1xi1> to vector<256x1xi1>
    %broadcast_in_dim3A_230 = vector.broadcast %broadcast_in_dim3A_229 : vector<256x1xi1> to vector<256x128xi1>
    %select_n3A_231 = arith.select %broadcast_in_dim3A_230, %concatenate3A_222, %concatenate3A_219 : vector<256x128xi1>, vector<256x128xi32>
    %broadcast_in_dim3A_232 = vector.shape_cast %ne3A_216 : vector<256x1xi1> to vector<256x1xi1>
    %broadcast_in_dim3A_233 = vector.broadcast %broadcast_in_dim3A_232 : vector<256x1xi1> to vector<256x128xi1>
    %select_n3A_234 = arith.select %broadcast_in_dim3A_233, %concatenate3A_228, %concatenate3A_225 : vector<256x128xi1>, vector<256x128xi32>
    %gt3A_235 = arith.cmpi sgt, %select_n3A_209, %select_n3A_231 : vector<256x128xi32>
    %eq3A_236 = arith.cmpi eq, %select_n3A_209, %select_n3A_231 : vector<256x128xi32>
    %lt3A_237 = arith.cmpi slt, %select_n3A_210, %select_n3A_234 : vector<256x128xi32>
    %and3A_238 = arith.andi %eq3A_236, %lt3A_237 : vector<256x128xi1>
    %or3A_239 = arith.ori %gt3A_235, %and3A_238 : vector<256x128xi1>
    %xor3A_240 = vector.broadcast %ne3A_216 : vector<256x1xi1> to vector<256x128xi1>
    %xor3A_241 = arith.xori %or3A_239, %xor3A_240 : vector<256x128xi1>
    %not3A_242 = arith.constant dense<true> : vector<256x1xi1>
    %not3A_243 = arith.xori %eq3A_136, %not3A_242 : vector<256x1xi1>
    %xor3A_244 = vector.broadcast %not3A_243 : vector<256x1xi1> to vector<256x128xi1>
    %xor3A_245 = arith.xori %xor3A_241, %xor3A_244 : vector<256x128xi1>
    %select_n3A_246 = arith.select %xor3A_245, %select_n3A_209, %select_n3A_231 : vector<256x128xi1>, vector<256x128xi32>
    %select_n3A_247 = arith.select %xor3A_245, %select_n3A_210, %select_n3A_234 : vector<256x128xi1>, vector<256x128xi32>
    %and3A_248 = arith.constant 16 : i32
    %and3A_249 = vector.broadcast %and3A_248 : i32 to vector<256x1xi32>
    %and3A_250 = arith.andi %iota3A_15, %and3A_249 : vector<256x1xi32>
    %eq3A_251 = arith.constant 0 : i32
    %eq3A_252 = vector.broadcast %eq3A_251 : i32 to vector<256x1xi32>
    %eq3A_253 = arith.cmpi eq, %and3A_250, %eq3A_252 : vector<256x1xi32>
    %and3A_254 = arith.constant 8 : i32
    %and3A_255 = vector.broadcast %and3A_254 : i32 to vector<256x1xi32>
    %and3A_256 = arith.andi %iota3A_15, %and3A_255 : vector<256x1xi32>
    %ne3A_257 = arith.constant 0 : i32
    %ne3A_258 = vector.broadcast %ne3A_257 : i32 to vector<256x1xi32>
    %ne3A_259 = arith.cmpi ne, %and3A_256, %ne3A_258 : vector<256x1xi32>
    %slice3A_260 = vector.extract_strided_slice %select_n3A_246 {offsets = [8, 0], sizes = [248, 128], strides = [1, 1]} : vector<256x128xi32> to vector<248x128xi32>
    %slice3A_261 = vector.extract_strided_slice %select_n3A_246 {offsets = [0, 0], sizes = [8, 128], strides = [1, 1]} : vector<256x128xi32> to vector<8x128xi32>
    %concatenate3A_262 = tpu.concatenate %slice3A_260, %slice3A_261 in 0 : vector<248x128xi32>, vector<8x128xi32> -> vector<256x128xi32>
    %slice3A_263 = vector.extract_strided_slice %select_n3A_246 {offsets = [248, 0], sizes = [8, 128], strides = [1, 1]} : vector<256x128xi32> to vector<8x128xi32>
    %slice3A_264 = vector.extract_strided_slice %select_n3A_246 {offsets = [0, 0], sizes = [248, 128], strides = [1, 1]} : vector<256x128xi32> to vector<248x128xi32>
    %concatenate3A_265 = tpu.concatenate %slice3A_263, %slice3A_264 in 0 : vector<8x128xi32>, vector<248x128xi32> -> vector<256x128xi32>
    %slice3A_266 = vector.extract_strided_slice %select_n3A_247 {offsets = [8, 0], sizes = [248, 128], strides = [1, 1]} : vector<256x128xi32> to vector<248x128xi32>
    %slice3A_267 = vector.extract_strided_slice %select_n3A_247 {offsets = [0, 0], sizes = [8, 128], strides = [1, 1]} : vector<256x128xi32> to vector<8x128xi32>
    %concatenate3A_268 = tpu.concatenate %slice3A_266, %slice3A_267 in 0 : vector<248x128xi32>, vector<8x128xi32> -> vector<256x128xi32>
    %slice3A_269 = vector.extract_strided_slice %select_n3A_247 {offsets = [248, 0], sizes = [8, 128], strides = [1, 1]} : vector<256x128xi32> to vector<8x128xi32>
    %slice3A_270 = vector.extract_strided_slice %select_n3A_247 {offsets = [0, 0], sizes = [248, 128], strides = [1, 1]} : vector<256x128xi32> to vector<248x128xi32>
    %concatenate3A_271 = tpu.concatenate %slice3A_269, %slice3A_270 in 0 : vector<8x128xi32>, vector<248x128xi32> -> vector<256x128xi32>
    %broadcast_in_dim3A_272 = vector.shape_cast %ne3A_259 : vector<256x1xi1> to vector<256x1xi1>
    %broadcast_in_dim3A_273 = vector.broadcast %broadcast_in_dim3A_272 : vector<256x1xi1> to vector<256x128xi1>
    %select_n3A_274 = arith.select %broadcast_in_dim3A_273, %concatenate3A_265, %concatenate3A_262 : vector<256x128xi1>, vector<256x128xi32>
    %broadcast_in_dim3A_275 = vector.shape_cast %ne3A_259 : vector<256x1xi1> to vector<256x1xi1>
    %broadcast_in_dim3A_276 = vector.broadcast %broadcast_in_dim3A_275 : vector<256x1xi1> to vector<256x128xi1>
    %select_n3A_277 = arith.select %broadcast_in_dim3A_276, %concatenate3A_271, %concatenate3A_268 : vector<256x128xi1>, vector<256x128xi32>
    %gt3A_278 = arith.cmpi sgt, %select_n3A_246, %select_n3A_274 : vector<256x128xi32>
    %eq3A_279 = arith.cmpi eq, %select_n3A_246, %select_n3A_274 : vector<256x128xi32>
    %lt3A_280 = arith.cmpi slt, %select_n3A_247, %select_n3A_277 : vector<256x128xi32>
    %and3A_281 = arith.andi %eq3A_279, %lt3A_280 : vector<256x128xi1>
    %or3A_282 = arith.ori %gt3A_278, %and3A_281 : vector<256x128xi1>
    %xor3A_283 = vector.broadcast %ne3A_259 : vector<256x1xi1> to vector<256x128xi1>
    %xor3A_284 = arith.xori %or3A_282, %xor3A_283 : vector<256x128xi1>
    %not3A_285 = arith.constant dense<true> : vector<256x1xi1>
    %not3A_286 = arith.xori %eq3A_253, %not3A_285 : vector<256x1xi1>
    %xor3A_287 = vector.broadcast %not3A_286 : vector<256x1xi1> to vector<256x128xi1>
    %xor3A_288 = arith.xori %xor3A_284, %xor3A_287 : vector<256x128xi1>
    %select_n3A_289 = arith.select %xor3A_288, %select_n3A_246, %select_n3A_274 : vector<256x128xi1>, vector<256x128xi32>
    %select_n3A_290 = arith.select %xor3A_288, %select_n3A_247, %select_n3A_277 : vector<256x128xi1>, vector<256x128xi32>
    %and3A_291 = arith.constant 4 : i32
    %and3A_292 = vector.broadcast %and3A_291 : i32 to vector<256x1xi32>
    %and3A_293 = arith.andi %iota3A_15, %and3A_292 : vector<256x1xi32>
    %ne3A_294 = arith.constant 0 : i32
    %ne3A_295 = vector.broadcast %ne3A_294 : i32 to vector<256x1xi32>
    %ne3A_296 = arith.cmpi ne, %and3A_293, %ne3A_295 : vector<256x1xi32>
    %slice3A_297 = vector.extract_strided_slice %select_n3A_289 {offsets = [4, 0], sizes = [252, 128], strides = [1, 1]} : vector<256x128xi32> to vector<252x128xi32>
    %slice3A_298 = vector.extract_strided_slice %select_n3A_289 {offsets = [0, 0], sizes = [4, 128], strides = [1, 1]} : vector<256x128xi32> to vector<4x128xi32>
    %concatenate3A_299 = tpu.concatenate %slice3A_297, %slice3A_298 in 0 : vector<252x128xi32>, vector<4x128xi32> -> vector<256x128xi32>
    %slice3A_300 = vector.extract_strided_slice %select_n3A_289 {offsets = [252, 0], sizes = [4, 128], strides = [1, 1]} : vector<256x128xi32> to vector<4x128xi32>
    %slice3A_301 = vector.extract_strided_slice %select_n3A_289 {offsets = [0, 0], sizes = [252, 128], strides = [1, 1]} : vector<256x128xi32> to vector<252x128xi32>
    %concatenate3A_302 = tpu.concatenate %slice3A_300, %slice3A_301 in 0 : vector<4x128xi32>, vector<252x128xi32> -> vector<256x128xi32>
    %slice3A_303 = vector.extract_strided_slice %select_n3A_290 {offsets = [4, 0], sizes = [252, 128], strides = [1, 1]} : vector<256x128xi32> to vector<252x128xi32>
    %slice3A_304 = vector.extract_strided_slice %select_n3A_290 {offsets = [0, 0], sizes = [4, 128], strides = [1, 1]} : vector<256x128xi32> to vector<4x128xi32>
    %concatenate3A_305 = tpu.concatenate %slice3A_303, %slice3A_304 in 0 : vector<252x128xi32>, vector<4x128xi32> -> vector<256x128xi32>
    %slice3A_306 = vector.extract_strided_slice %select_n3A_290 {offsets = [252, 0], sizes = [4, 128], strides = [1, 1]} : vector<256x128xi32> to vector<4x128xi32>
    %slice3A_307 = vector.extract_strided_slice %select_n3A_290 {offsets = [0, 0], sizes = [252, 128], strides = [1, 1]} : vector<256x128xi32> to vector<252x128xi32>
    %concatenate3A_308 = tpu.concatenate %slice3A_306, %slice3A_307 in 0 : vector<4x128xi32>, vector<252x128xi32> -> vector<256x128xi32>
    %broadcast_in_dim3A_309 = vector.shape_cast %ne3A_296 : vector<256x1xi1> to vector<256x1xi1>
    %broadcast_in_dim3A_310 = vector.broadcast %broadcast_in_dim3A_309 : vector<256x1xi1> to vector<256x128xi1>
    %select_n3A_311 = arith.select %broadcast_in_dim3A_310, %concatenate3A_302, %concatenate3A_299 : vector<256x128xi1>, vector<256x128xi32>
    %broadcast_in_dim3A_312 = vector.shape_cast %ne3A_296 : vector<256x1xi1> to vector<256x1xi1>
    %broadcast_in_dim3A_313 = vector.broadcast %broadcast_in_dim3A_312 : vector<256x1xi1> to vector<256x128xi1>
    %select_n3A_314 = arith.select %broadcast_in_dim3A_313, %concatenate3A_308, %concatenate3A_305 : vector<256x128xi1>, vector<256x128xi32>
    %gt3A_315 = arith.cmpi sgt, %select_n3A_289, %select_n3A_311 : vector<256x128xi32>
    %eq3A_316 = arith.cmpi eq, %select_n3A_289, %select_n3A_311 : vector<256x128xi32>
    %lt3A_317 = arith.cmpi slt, %select_n3A_290, %select_n3A_314 : vector<256x128xi32>
    %and3A_318 = arith.andi %eq3A_316, %lt3A_317 : vector<256x128xi1>
    %or3A_319 = arith.ori %gt3A_315, %and3A_318 : vector<256x128xi1>
    %xor3A_320 = vector.broadcast %ne3A_296 : vector<256x1xi1> to vector<256x128xi1>
    %xor3A_321 = arith.xori %or3A_319, %xor3A_320 : vector<256x128xi1>
    %not3A_322 = arith.constant dense<true> : vector<256x1xi1>
    %not3A_323 = arith.xori %eq3A_253, %not3A_322 : vector<256x1xi1>
    %xor3A_324 = vector.broadcast %not3A_323 : vector<256x1xi1> to vector<256x128xi1>
    %xor3A_325 = arith.xori %xor3A_321, %xor3A_324 : vector<256x128xi1>
    %select_n3A_326 = arith.select %xor3A_325, %select_n3A_289, %select_n3A_311 : vector<256x128xi1>, vector<256x128xi32>
    %select_n3A_327 = arith.select %xor3A_325, %select_n3A_290, %select_n3A_314 : vector<256x128xi1>, vector<256x128xi32>
    %and3A_328 = arith.constant 2 : i32
    %and3A_329 = vector.broadcast %and3A_328 : i32 to vector<256x1xi32>
    %and3A_330 = arith.andi %iota3A_15, %and3A_329 : vector<256x1xi32>
    %ne3A_331 = arith.constant 0 : i32
    %ne3A_332 = vector.broadcast %ne3A_331 : i32 to vector<256x1xi32>
    %ne3A_333 = arith.cmpi ne, %and3A_330, %ne3A_332 : vector<256x1xi32>
    %slice3A_334 = vector.extract_strided_slice %select_n3A_326 {offsets = [2, 0], sizes = [254, 128], strides = [1, 1]} : vector<256x128xi32> to vector<254x128xi32>
    %slice3A_335 = vector.extract_strided_slice %select_n3A_326 {offsets = [0, 0], sizes = [2, 128], strides = [1, 1]} : vector<256x128xi32> to vector<2x128xi32>
    %concatenate3A_336 = tpu.concatenate %slice3A_334, %slice3A_335 in 0 : vector<254x128xi32>, vector<2x128xi32> -> vector<256x128xi32>
    %slice3A_337 = vector.extract_strided_slice %select_n3A_326 {offsets = [254, 0], sizes = [2, 128], strides = [1, 1]} : vector<256x128xi32> to vector<2x128xi32>
    %slice3A_338 = vector.extract_strided_slice %select_n3A_326 {offsets = [0, 0], sizes = [254, 128], strides = [1, 1]} : vector<256x128xi32> to vector<254x128xi32>
    %concatenate3A_339 = tpu.concatenate %slice3A_337, %slice3A_338 in 0 : vector<2x128xi32>, vector<254x128xi32> -> vector<256x128xi32>
    %slice3A_340 = vector.extract_strided_slice %select_n3A_327 {offsets = [2, 0], sizes = [254, 128], strides = [1, 1]} : vector<256x128xi32> to vector<254x128xi32>
    %slice3A_341 = vector.extract_strided_slice %select_n3A_327 {offsets = [0, 0], sizes = [2, 128], strides = [1, 1]} : vector<256x128xi32> to vector<2x128xi32>
    %concatenate3A_342 = tpu.concatenate %slice3A_340, %slice3A_341 in 0 : vector<254x128xi32>, vector<2x128xi32> -> vector<256x128xi32>
    %slice3A_343 = vector.extract_strided_slice %select_n3A_327 {offsets = [254, 0], sizes = [2, 128], strides = [1, 1]} : vector<256x128xi32> to vector<2x128xi32>
    %slice3A_344 = vector.extract_strided_slice %select_n3A_327 {offsets = [0, 0], sizes = [254, 128], strides = [1, 1]} : vector<256x128xi32> to vector<254x128xi32>
    %concatenate3A_345 = tpu.concatenate %slice3A_343, %slice3A_344 in 0 : vector<2x128xi32>, vector<254x128xi32> -> vector<256x128xi32>
    %broadcast_in_dim3A_346 = vector.shape_cast %ne3A_333 : vector<256x1xi1> to vector<256x1xi1>
    %broadcast_in_dim3A_347 = vector.broadcast %broadcast_in_dim3A_346 : vector<256x1xi1> to vector<256x128xi1>
    %select_n3A_348 = arith.select %broadcast_in_dim3A_347, %concatenate3A_339, %concatenate3A_336 : vector<256x128xi1>, vector<256x128xi32>
    %broadcast_in_dim3A_349 = vector.shape_cast %ne3A_333 : vector<256x1xi1> to vector<256x1xi1>
    %broadcast_in_dim3A_350 = vector.broadcast %broadcast_in_dim3A_349 : vector<256x1xi1> to vector<256x128xi1>
    %select_n3A_351 = arith.select %broadcast_in_dim3A_350, %concatenate3A_345, %concatenate3A_342 : vector<256x128xi1>, vector<256x128xi32>
    %gt3A_352 = arith.cmpi sgt, %select_n3A_326, %select_n3A_348 : vector<256x128xi32>
    %eq3A_353 = arith.cmpi eq, %select_n3A_326, %select_n3A_348 : vector<256x128xi32>
    %lt3A_354 = arith.cmpi slt, %select_n3A_327, %select_n3A_351 : vector<256x128xi32>
    %and3A_355 = arith.andi %eq3A_353, %lt3A_354 : vector<256x128xi1>
    %or3A_356 = arith.ori %gt3A_352, %and3A_355 : vector<256x128xi1>
    %xor3A_357 = vector.broadcast %ne3A_333 : vector<256x1xi1> to vector<256x128xi1>
    %xor3A_358 = arith.xori %or3A_356, %xor3A_357 : vector<256x128xi1>
    %not3A_359 = arith.constant dense<true> : vector<256x1xi1>
    %not3A_360 = arith.xori %eq3A_253, %not3A_359 : vector<256x1xi1>
    %xor3A_361 = vector.broadcast %not3A_360 : vector<256x1xi1> to vector<256x128xi1>
    %xor3A_362 = arith.xori %xor3A_358, %xor3A_361 : vector<256x128xi1>
    %select_n3A_363 = arith.select %xor3A_362, %select_n3A_326, %select_n3A_348 : vector<256x128xi1>, vector<256x128xi32>
    %select_n3A_364 = arith.select %xor3A_362, %select_n3A_327, %select_n3A_351 : vector<256x128xi1>, vector<256x128xi32>
    %and3A_365 = arith.constant 1 : i32
    %and3A_366 = vector.broadcast %and3A_365 : i32 to vector<256x1xi32>
    %and3A_367 = arith.andi %iota3A_15, %and3A_366 : vector<256x1xi32>
    %ne3A_368 = arith.constant 0 : i32
    %ne3A_369 = vector.broadcast %ne3A_368 : i32 to vector<256x1xi32>
    %ne3A_370 = arith.cmpi ne, %and3A_367, %ne3A_369 : vector<256x1xi32>
    %slice3A_371 = vector.extract_strided_slice %select_n3A_363 {offsets = [1, 0], sizes = [255, 128], strides = [1, 1]} : vector<256x128xi32> to vector<255x128xi32>
    %slice3A_372 = vector.extract_strided_slice %select_n3A_363 {offsets = [0, 0], sizes = [1, 128], strides = [1, 1]} : vector<256x128xi32> to vector<1x128xi32>
    %concatenate3A_373 = tpu.concatenate %slice3A_371, %slice3A_372 in 0 : vector<255x128xi32>, vector<1x128xi32> -> vector<256x128xi32>
    %slice3A_374 = vector.extract_strided_slice %select_n3A_363 {offsets = [255, 0], sizes = [1, 128], strides = [1, 1]} : vector<256x128xi32> to vector<1x128xi32>
    %slice3A_375 = vector.extract_strided_slice %select_n3A_363 {offsets = [0, 0], sizes = [255, 128], strides = [1, 1]} : vector<256x128xi32> to vector<255x128xi32>
    %concatenate3A_376 = tpu.concatenate %slice3A_374, %slice3A_375 in 0 : vector<1x128xi32>, vector<255x128xi32> -> vector<256x128xi32>
    %slice3A_377 = vector.extract_strided_slice %select_n3A_364 {offsets = [1, 0], sizes = [255, 128], strides = [1, 1]} : vector<256x128xi32> to vector<255x128xi32>
    %slice3A_378 = vector.extract_strided_slice %select_n3A_364 {offsets = [0, 0], sizes = [1, 128], strides = [1, 1]} : vector<256x128xi32> to vector<1x128xi32>
    %concatenate3A_379 = tpu.concatenate %slice3A_377, %slice3A_378 in 0 : vector<255x128xi32>, vector<1x128xi32> -> vector<256x128xi32>
    %slice3A_380 = vector.extract_strided_slice %select_n3A_364 {offsets = [255, 0], sizes = [1, 128], strides = [1, 1]} : vector<256x128xi32> to vector<1x128xi32>
    %slice3A_381 = vector.extract_strided_slice %select_n3A_364 {offsets = [0, 0], sizes = [255, 128], strides = [1, 1]} : vector<256x128xi32> to vector<255x128xi32>
    %concatenate3A_382 = tpu.concatenate %slice3A_380, %slice3A_381 in 0 : vector<1x128xi32>, vector<255x128xi32> -> vector<256x128xi32>
    %broadcast_in_dim3A_383 = vector.shape_cast %ne3A_370 : vector<256x1xi1> to vector<256x1xi1>
    %broadcast_in_dim3A_384 = vector.broadcast %broadcast_in_dim3A_383 : vector<256x1xi1> to vector<256x128xi1>
    %select_n3A_385 = arith.select %broadcast_in_dim3A_384, %concatenate3A_376, %concatenate3A_373 : vector<256x128xi1>, vector<256x128xi32>
    %broadcast_in_dim3A_386 = vector.shape_cast %ne3A_370 : vector<256x1xi1> to vector<256x1xi1>
    %broadcast_in_dim3A_387 = vector.broadcast %broadcast_in_dim3A_386 : vector<256x1xi1> to vector<256x128xi1>
    %select_n3A_388 = arith.select %broadcast_in_dim3A_387, %concatenate3A_382, %concatenate3A_379 : vector<256x128xi1>, vector<256x128xi32>
    %gt3A_389 = arith.cmpi sgt, %select_n3A_363, %select_n3A_385 : vector<256x128xi32>
    %eq3A_390 = arith.cmpi eq, %select_n3A_363, %select_n3A_385 : vector<256x128xi32>
    %lt3A_391 = arith.cmpi slt, %select_n3A_364, %select_n3A_388 : vector<256x128xi32>
    %and3A_392 = arith.andi %eq3A_390, %lt3A_391 : vector<256x128xi1>
    %or3A_393 = arith.ori %gt3A_389, %and3A_392 : vector<256x128xi1>
    %xor3A_394 = vector.broadcast %ne3A_370 : vector<256x1xi1> to vector<256x128xi1>
    %xor3A_395 = arith.xori %or3A_393, %xor3A_394 : vector<256x128xi1>
    %not3A_396 = arith.constant dense<true> : vector<256x1xi1>
    %not3A_397 = arith.xori %eq3A_253, %not3A_396 : vector<256x1xi1>
    %xor3A_398 = vector.broadcast %not3A_397 : vector<256x1xi1> to vector<256x128xi1>
    %xor3A_399 = arith.xori %xor3A_395, %xor3A_398 : vector<256x128xi1>
    %select_n3A_400 = arith.select %xor3A_399, %select_n3A_363, %select_n3A_385 : vector<256x128xi1>, vector<256x128xi32>
    %select_n3A_401 = arith.select %xor3A_399, %select_n3A_364, %select_n3A_388 : vector<256x128xi1>, vector<256x128xi32>
    %and3A_402 = arith.constant 32 : i32
    %and3A_403 = vector.broadcast %and3A_402 : i32 to vector<256x1xi32>
    %and3A_404 = arith.andi %iota3A_15, %and3A_403 : vector<256x1xi32>
    %eq3A_405 = arith.constant 0 : i32
    %eq3A_406 = vector.broadcast %eq3A_405 : i32 to vector<256x1xi32>
    %eq3A_407 = arith.cmpi eq, %and3A_404, %eq3A_406 : vector<256x1xi32>
    %and3A_408 = arith.constant 16 : i32
    %and3A_409 = vector.broadcast %and3A_408 : i32 to vector<256x1xi32>
    %and3A_410 = arith.andi %iota3A_15, %and3A_409 : vector<256x1xi32>
    %ne3A_411 = arith.constant 0 : i32
    %ne3A_412 = vector.broadcast %ne3A_411 : i32 to vector<256x1xi32>
    %ne3A_413 = arith.cmpi ne, %and3A_410, %ne3A_412 : vector<256x1xi32>
    %slice3A_414 = vector.extract_strided_slice %select_n3A_400 {offsets = [16, 0], sizes = [240, 128], strides = [1, 1]} : vector<256x128xi32> to vector<240x128xi32>
    %slice3A_415 = vector.extract_strided_slice %select_n3A_400 {offsets = [0, 0], sizes = [16, 128], strides = [1, 1]} : vector<256x128xi32> to vector<16x128xi32>
    %concatenate3A_416 = tpu.concatenate %slice3A_414, %slice3A_415 in 0 : vector<240x128xi32>, vector<16x128xi32> -> vector<256x128xi32>
    %slice3A_417 = vector.extract_strided_slice %select_n3A_400 {offsets = [240, 0], sizes = [16, 128], strides = [1, 1]} : vector<256x128xi32> to vector<16x128xi32>
    %slice3A_418 = vector.extract_strided_slice %select_n3A_400 {offsets = [0, 0], sizes = [240, 128], strides = [1, 1]} : vector<256x128xi32> to vector<240x128xi32>
    %concatenate3A_419 = tpu.concatenate %slice3A_417, %slice3A_418 in 0 : vector<16x128xi32>, vector<240x128xi32> -> vector<256x128xi32>
    %slice3A_420 = vector.extract_strided_slice %select_n3A_401 {offsets = [16, 0], sizes = [240, 128], strides = [1, 1]} : vector<256x128xi32> to vector<240x128xi32>
    %slice3A_421 = vector.extract_strided_slice %select_n3A_401 {offsets = [0, 0], sizes = [16, 128], strides = [1, 1]} : vector<256x128xi32> to vector<16x128xi32>
    %concatenate3A_422 = tpu.concatenate %slice3A_420, %slice3A_421 in 0 : vector<240x128xi32>, vector<16x128xi32> -> vector<256x128xi32>
    %slice3A_423 = vector.extract_strided_slice %select_n3A_401 {offsets = [240, 0], sizes = [16, 128], strides = [1, 1]} : vector<256x128xi32> to vector<16x128xi32>
    %slice3A_424 = vector.extract_strided_slice %select_n3A_401 {offsets = [0, 0], sizes = [240, 128], strides = [1, 1]} : vector<256x128xi32> to vector<240x128xi32>
    %concatenate3A_425 = tpu.concatenate %slice3A_423, %slice3A_424 in 0 : vector<16x128xi32>, vector<240x128xi32> -> vector<256x128xi32>
    %broadcast_in_dim3A_426 = vector.shape_cast %ne3A_413 : vector<256x1xi1> to vector<256x1xi1>
    %broadcast_in_dim3A_427 = vector.broadcast %broadcast_in_dim3A_426 : vector<256x1xi1> to vector<256x128xi1>
    %select_n3A_428 = arith.select %broadcast_in_dim3A_427, %concatenate3A_419, %concatenate3A_416 : vector<256x128xi1>, vector<256x128xi32>
    %broadcast_in_dim3A_429 = vector.shape_cast %ne3A_413 : vector<256x1xi1> to vector<256x1xi1>
    %broadcast_in_dim3A_430 = vector.broadcast %broadcast_in_dim3A_429 : vector<256x1xi1> to vector<256x128xi1>
    %select_n3A_431 = arith.select %broadcast_in_dim3A_430, %concatenate3A_425, %concatenate3A_422 : vector<256x128xi1>, vector<256x128xi32>
    %gt3A_432 = arith.cmpi sgt, %select_n3A_400, %select_n3A_428 : vector<256x128xi32>
    %eq3A_433 = arith.cmpi eq, %select_n3A_400, %select_n3A_428 : vector<256x128xi32>
    %lt3A_434 = arith.cmpi slt, %select_n3A_401, %select_n3A_431 : vector<256x128xi32>
    %and3A_435 = arith.andi %eq3A_433, %lt3A_434 : vector<256x128xi1>
    %or3A_436 = arith.ori %gt3A_432, %and3A_435 : vector<256x128xi1>
    %xor3A_437 = vector.broadcast %ne3A_413 : vector<256x1xi1> to vector<256x128xi1>
    %xor3A_438 = arith.xori %or3A_436, %xor3A_437 : vector<256x128xi1>
    %not3A_439 = arith.constant dense<true> : vector<256x1xi1>
    %not3A_440 = arith.xori %eq3A_407, %not3A_439 : vector<256x1xi1>
    %xor3A_441 = vector.broadcast %not3A_440 : vector<256x1xi1> to vector<256x128xi1>
    %xor3A_442 = arith.xori %xor3A_438, %xor3A_441 : vector<256x128xi1>
    %select_n3A_443 = arith.select %xor3A_442, %select_n3A_400, %select_n3A_428 : vector<256x128xi1>, vector<256x128xi32>
    %select_n3A_444 = arith.select %xor3A_442, %select_n3A_401, %select_n3A_431 : vector<256x128xi1>, vector<256x128xi32>
    %and3A_445 = arith.constant 8 : i32
    %and3A_446 = vector.broadcast %and3A_445 : i32 to vector<256x1xi32>
    %and3A_447 = arith.andi %iota3A_15, %and3A_446 : vector<256x1xi32>
    %ne3A_448 = arith.constant 0 : i32
    %ne3A_449 = vector.broadcast %ne3A_448 : i32 to vector<256x1xi32>
    %ne3A_450 = arith.cmpi ne, %and3A_447, %ne3A_449 : vector<256x1xi32>
    %slice3A_451 = vector.extract_strided_slice %select_n3A_443 {offsets = [8, 0], sizes = [248, 128], strides = [1, 1]} : vector<256x128xi32> to vector<248x128xi32>
    %slice3A_452 = vector.extract_strided_slice %select_n3A_443 {offsets = [0, 0], sizes = [8, 128], strides = [1, 1]} : vector<256x128xi32> to vector<8x128xi32>
    %concatenate3A_453 = tpu.concatenate %slice3A_451, %slice3A_452 in 0 : vector<248x128xi32>, vector<8x128xi32> -> vector<256x128xi32>
    %slice3A_454 = vector.extract_strided_slice %select_n3A_443 {offsets = [248, 0], sizes = [8, 128], strides = [1, 1]} : vector<256x128xi32> to vector<8x128xi32>
    %slice3A_455 = vector.extract_strided_slice %select_n3A_443 {offsets = [0, 0], sizes = [248, 128], strides = [1, 1]} : vector<256x128xi32> to vector<248x128xi32>
    %concatenate3A_456 = tpu.concatenate %slice3A_454, %slice3A_455 in 0 : vector<8x128xi32>, vector<248x128xi32> -> vector<256x128xi32>
    %slice3A_457 = vector.extract_strided_slice %select_n3A_444 {offsets = [8, 0], sizes = [248, 128], strides = [1, 1]} : vector<256x128xi32> to vector<248x128xi32>
    %slice3A_458 = vector.extract_strided_slice %select_n3A_444 {offsets = [0, 0], sizes = [8, 128], strides = [1, 1]} : vector<256x128xi32> to vector<8x128xi32>
    %concatenate3A_459 = tpu.concatenate %slice3A_457, %slice3A_458 in 0 : vector<248x128xi32>, vector<8x128xi32> -> vector<256x128xi32>
    %slice3A_460 = vector.extract_strided_slice %select_n3A_444 {offsets = [248, 0], sizes = [8, 128], strides = [1, 1]} : vector<256x128xi32> to vector<8x128xi32>
    %slice3A_461 = vector.extract_strided_slice %select_n3A_444 {offsets = [0, 0], sizes = [248, 128], strides = [1, 1]} : vector<256x128xi32> to vector<248x128xi32>
    %concatenate3A_462 = tpu.concatenate %slice3A_460, %slice3A_461 in 0 : vector<8x128xi32>, vector<248x128xi32> -> vector<256x128xi32>
    %broadcast_in_dim3A_463 = vector.shape_cast %ne3A_450 : vector<256x1xi1> to vector<256x1xi1>
    %broadcast_in_dim3A_464 = vector.broadcast %broadcast_in_dim3A_463 : vector<256x1xi1> to vector<256x128xi1>
    %select_n3A_465 = arith.select %broadcast_in_dim3A_464, %concatenate3A_456, %concatenate3A_453 : vector<256x128xi1>, vector<256x128xi32>
    %broadcast_in_dim3A_466 = vector.shape_cast %ne3A_450 : vector<256x1xi1> to vector<256x1xi1>
    %broadcast_in_dim3A_467 = vector.broadcast %broadcast_in_dim3A_466 : vector<256x1xi1> to vector<256x128xi1>
    %select_n3A_468 = arith.select %broadcast_in_dim3A_467, %concatenate3A_462, %concatenate3A_459 : vector<256x128xi1>, vector<256x128xi32>
    %gt3A_469 = arith.cmpi sgt, %select_n3A_443, %select_n3A_465 : vector<256x128xi32>
    %eq3A_470 = arith.cmpi eq, %select_n3A_443, %select_n3A_465 : vector<256x128xi32>
    %lt3A_471 = arith.cmpi slt, %select_n3A_444, %select_n3A_468 : vector<256x128xi32>
    %and3A_472 = arith.andi %eq3A_470, %lt3A_471 : vector<256x128xi1>
    %or3A_473 = arith.ori %gt3A_469, %and3A_472 : vector<256x128xi1>
    %xor3A_474 = vector.broadcast %ne3A_450 : vector<256x1xi1> to vector<256x128xi1>
    %xor3A_475 = arith.xori %or3A_473, %xor3A_474 : vector<256x128xi1>
    %not3A_476 = arith.constant dense<true> : vector<256x1xi1>
    %not3A_477 = arith.xori %eq3A_407, %not3A_476 : vector<256x1xi1>
    %xor3A_478 = vector.broadcast %not3A_477 : vector<256x1xi1> to vector<256x128xi1>
    %xor3A_479 = arith.xori %xor3A_475, %xor3A_478 : vector<256x128xi1>
    %select_n3A_480 = arith.select %xor3A_479, %select_n3A_443, %select_n3A_465 : vector<256x128xi1>, vector<256x128xi32>
    %select_n3A_481 = arith.select %xor3A_479, %select_n3A_444, %select_n3A_468 : vector<256x128xi1>, vector<256x128xi32>
    %and3A_482 = arith.constant 4 : i32
    %and3A_483 = vector.broadcast %and3A_482 : i32 to vector<256x1xi32>
    %and3A_484 = arith.andi %iota3A_15, %and3A_483 : vector<256x1xi32>
    %ne3A_485 = arith.constant 0 : i32
    %ne3A_486 = vector.broadcast %ne3A_485 : i32 to vector<256x1xi32>
    %ne3A_487 = arith.cmpi ne, %and3A_484, %ne3A_486 : vector<256x1xi32>
    %slice3A_488 = vector.extract_strided_slice %select_n3A_480 {offsets = [4, 0], sizes = [252, 128], strides = [1, 1]} : vector<256x128xi32> to vector<252x128xi32>
    %slice3A_489 = vector.extract_strided_slice %select_n3A_480 {offsets = [0, 0], sizes = [4, 128], strides = [1, 1]} : vector<256x128xi32> to vector<4x128xi32>
    %concatenate3A_490 = tpu.concatenate %slice3A_488, %slice3A_489 in 0 : vector<252x128xi32>, vector<4x128xi32> -> vector<256x128xi32>
    %slice3A_491 = vector.extract_strided_slice %select_n3A_480 {offsets = [252, 0], sizes = [4, 128], strides = [1, 1]} : vector<256x128xi32> to vector<4x128xi32>
    %slice3A_492 = vector.extract_strided_slice %select_n3A_480 {offsets = [0, 0], sizes = [252, 128], strides = [1, 1]} : vector<256x128xi32> to vector<252x128xi32>
    %concatenate3A_493 = tpu.concatenate %slice3A_491, %slice3A_492 in 0 : vector<4x128xi32>, vector<252x128xi32> -> vector<256x128xi32>
    %slice3A_494 = vector.extract_strided_slice %select_n3A_481 {offsets = [4, 0], sizes = [252, 128], strides = [1, 1]} : vector<256x128xi32> to vector<252x128xi32>
    %slice3A_495 = vector.extract_strided_slice %select_n3A_481 {offsets = [0, 0], sizes = [4, 128], strides = [1, 1]} : vector<256x128xi32> to vector<4x128xi32>
    %concatenate3A_496 = tpu.concatenate %slice3A_494, %slice3A_495 in 0 : vector<252x128xi32>, vector<4x128xi32> -> vector<256x128xi32>
    %slice3A_497 = vector.extract_strided_slice %select_n3A_481 {offsets = [252, 0], sizes = [4, 128], strides = [1, 1]} : vector<256x128xi32> to vector<4x128xi32>
    %slice3A_498 = vector.extract_strided_slice %select_n3A_481 {offsets = [0, 0], sizes = [252, 128], strides = [1, 1]} : vector<256x128xi32> to vector<252x128xi32>
    %concatenate3A_499 = tpu.concatenate %slice3A_497, %slice3A_498 in 0 : vector<4x128xi32>, vector<252x128xi32> -> vector<256x128xi32>
    %broadcast_in_dim3A_500 = vector.shape_cast %ne3A_487 : vector<256x1xi1> to vector<256x1xi1>
    %broadcast_in_dim3A_501 = vector.broadcast %broadcast_in_dim3A_500 : vector<256x1xi1> to vector<256x128xi1>
    %select_n3A_502 = arith.select %broadcast_in_dim3A_501, %concatenate3A_493, %concatenate3A_490 : vector<256x128xi1>, vector<256x128xi32>
    %broadcast_in_dim3A_503 = vector.shape_cast %ne3A_487 : vector<256x1xi1> to vector<256x1xi1>
    %broadcast_in_dim3A_504 = vector.broadcast %broadcast_in_dim3A_503 : vector<256x1xi1> to vector<256x128xi1>
    %select_n3A_505 = arith.select %broadcast_in_dim3A_504, %concatenate3A_499, %concatenate3A_496 : vector<256x128xi1>, vector<256x128xi32>
    %gt3A_506 = arith.cmpi sgt, %select_n3A_480, %select_n3A_502 : vector<256x128xi32>
    %eq3A_507 = arith.cmpi eq, %select_n3A_480, %select_n3A_502 : vector<256x128xi32>
    %lt3A_508 = arith.cmpi slt, %select_n3A_481, %select_n3A_505 : vector<256x128xi32>
    %and3A_509 = arith.andi %eq3A_507, %lt3A_508 : vector<256x128xi1>
    %or3A_510 = arith.ori %gt3A_506, %and3A_509 : vector<256x128xi1>
    %xor3A_511 = vector.broadcast %ne3A_487 : vector<256x1xi1> to vector<256x128xi1>
    %xor3A_512 = arith.xori %or3A_510, %xor3A_511 : vector<256x128xi1>
    %not3A_513 = arith.constant dense<true> : vector<256x1xi1>
    %not3A_514 = arith.xori %eq3A_407, %not3A_513 : vector<256x1xi1>
    %xor3A_515 = vector.broadcast %not3A_514 : vector<256x1xi1> to vector<256x128xi1>
    %xor3A_516 = arith.xori %xor3A_512, %xor3A_515 : vector<256x128xi1>
    %select_n3A_517 = arith.select %xor3A_516, %select_n3A_480, %select_n3A_502 : vector<256x128xi1>, vector<256x128xi32>
    %select_n3A_518 = arith.select %xor3A_516, %select_n3A_481, %select_n3A_505 : vector<256x128xi1>, vector<256x128xi32>
    %and3A_519 = arith.constant 2 : i32
    %and3A_520 = vector.broadcast %and3A_519 : i32 to vector<256x1xi32>
    %and3A_521 = arith.andi %iota3A_15, %and3A_520 : vector<256x1xi32>
    %ne3A_522 = arith.constant 0 : i32
    %ne3A_523 = vector.broadcast %ne3A_522 : i32 to vector<256x1xi32>
    %ne3A_524 = arith.cmpi ne, %and3A_521, %ne3A_523 : vector<256x1xi32>
    %slice3A_525 = vector.extract_strided_slice %select_n3A_517 {offsets = [2, 0], sizes = [254, 128], strides = [1, 1]} : vector<256x128xi32> to vector<254x128xi32>
    %slice3A_526 = vector.extract_strided_slice %select_n3A_517 {offsets = [0, 0], sizes = [2, 128], strides = [1, 1]} : vector<256x128xi32> to vector<2x128xi32>
    %concatenate3A_527 = tpu.concatenate %slice3A_525, %slice3A_526 in 0 : vector<254x128xi32>, vector<2x128xi32> -> vector<256x128xi32>
    %slice3A_528 = vector.extract_strided_slice %select_n3A_517 {offsets = [254, 0], sizes = [2, 128], strides = [1, 1]} : vector<256x128xi32> to vector<2x128xi32>
    %slice3A_529 = vector.extract_strided_slice %select_n3A_517 {offsets = [0, 0], sizes = [254, 128], strides = [1, 1]} : vector<256x128xi32> to vector<254x128xi32>
    %concatenate3A_530 = tpu.concatenate %slice3A_528, %slice3A_529 in 0 : vector<2x128xi32>, vector<254x128xi32> -> vector<256x128xi32>
    %slice3A_531 = vector.extract_strided_slice %select_n3A_518 {offsets = [2, 0], sizes = [254, 128], strides = [1, 1]} : vector<256x128xi32> to vector<254x128xi32>
    %slice3A_532 = vector.extract_strided_slice %select_n3A_518 {offsets = [0, 0], sizes = [2, 128], strides = [1, 1]} : vector<256x128xi32> to vector<2x128xi32>
    %concatenate3A_533 = tpu.concatenate %slice3A_531, %slice3A_532 in 0 : vector<254x128xi32>, vector<2x128xi32> -> vector<256x128xi32>
    %slice3A_534 = vector.extract_strided_slice %select_n3A_518 {offsets = [254, 0], sizes = [2, 128], strides = [1, 1]} : vector<256x128xi32> to vector<2x128xi32>
    %slice3A_535 = vector.extract_strided_slice %select_n3A_518 {offsets = [0, 0], sizes = [254, 128], strides = [1, 1]} : vector<256x128xi32> to vector<254x128xi32>
    %concatenate3A_536 = tpu.concatenate %slice3A_534, %slice3A_535 in 0 : vector<2x128xi32>, vector<254x128xi32> -> vector<256x128xi32>
    %broadcast_in_dim3A_537 = vector.shape_cast %ne3A_524 : vector<256x1xi1> to vector<256x1xi1>
    %broadcast_in_dim3A_538 = vector.broadcast %broadcast_in_dim3A_537 : vector<256x1xi1> to vector<256x128xi1>
    %select_n3A_539 = arith.select %broadcast_in_dim3A_538, %concatenate3A_530, %concatenate3A_527 : vector<256x128xi1>, vector<256x128xi32>
    %broadcast_in_dim3A_540 = vector.shape_cast %ne3A_524 : vector<256x1xi1> to vector<256x1xi1>
    %broadcast_in_dim3A_541 = vector.broadcast %broadcast_in_dim3A_540 : vector<256x1xi1> to vector<256x128xi1>
    %select_n3A_542 = arith.select %broadcast_in_dim3A_541, %concatenate3A_536, %concatenate3A_533 : vector<256x128xi1>, vector<256x128xi32>
    %gt3A_543 = arith.cmpi sgt, %select_n3A_517, %select_n3A_539 : vector<256x128xi32>
    %eq3A_544 = arith.cmpi eq, %select_n3A_517, %select_n3A_539 : vector<256x128xi32>
    %lt3A_545 = arith.cmpi slt, %select_n3A_518, %select_n3A_542 : vector<256x128xi32>
    %and3A_546 = arith.andi %eq3A_544, %lt3A_545 : vector<256x128xi1>
    %or3A_547 = arith.ori %gt3A_543, %and3A_546 : vector<256x128xi1>
    %xor3A_548 = vector.broadcast %ne3A_524 : vector<256x1xi1> to vector<256x128xi1>
    %xor3A_549 = arith.xori %or3A_547, %xor3A_548 : vector<256x128xi1>
    %not3A_550 = arith.constant dense<true> : vector<256x1xi1>
    %not3A_551 = arith.xori %eq3A_407, %not3A_550 : vector<256x1xi1>
    %xor3A_552 = vector.broadcast %not3A_551 : vector<256x1xi1> to vector<256x128xi1>
    %xor3A_553 = arith.xori %xor3A_549, %xor3A_552 : vector<256x128xi1>
    %select_n3A_554 = arith.select %xor3A_553, %select_n3A_517, %select_n3A_539 : vector<256x128xi1>, vector<256x128xi32>
    %select_n3A_555 = arith.select %xor3A_553, %select_n3A_518, %select_n3A_542 : vector<256x128xi1>, vector<256x128xi32>
    %and3A_556 = arith.constant 1 : i32
    %and3A_557 = vector.broadcast %and3A_556 : i32 to vector<256x1xi32>
    %and3A_558 = arith.andi %iota3A_15, %and3A_557 : vector<256x1xi32>
    %ne3A_559 = arith.constant 0 : i32
    %ne3A_560 = vector.broadcast %ne3A_559 : i32 to vector<256x1xi32>
    %ne3A_561 = arith.cmpi ne, %and3A_558, %ne3A_560 : vector<256x1xi32>
    %slice3A_562 = vector.extract_strided_slice %select_n3A_554 {offsets = [1, 0], sizes = [255, 128], strides = [1, 1]} : vector<256x128xi32> to vector<255x128xi32>
    %slice3A_563 = vector.extract_strided_slice %select_n3A_554 {offsets = [0, 0], sizes = [1, 128], strides = [1, 1]} : vector<256x128xi32> to vector<1x128xi32>
    %concatenate3A_564 = tpu.concatenate %slice3A_562, %slice3A_563 in 0 : vector<255x128xi32>, vector<1x128xi32> -> vector<256x128xi32>
    %slice3A_565 = vector.extract_strided_slice %select_n3A_554 {offsets = [255, 0], sizes = [1, 128], strides = [1, 1]} : vector<256x128xi32> to vector<1x128xi32>
    %slice3A_566 = vector.extract_strided_slice %select_n3A_554 {offsets = [0, 0], sizes = [255, 128], strides = [1, 1]} : vector<256x128xi32> to vector<255x128xi32>
    %concatenate3A_567 = tpu.concatenate %slice3A_565, %slice3A_566 in 0 : vector<1x128xi32>, vector<255x128xi32> -> vector<256x128xi32>
    %slice3A_568 = vector.extract_strided_slice %select_n3A_555 {offsets = [1, 0], sizes = [255, 128], strides = [1, 1]} : vector<256x128xi32> to vector<255x128xi32>
    %slice3A_569 = vector.extract_strided_slice %select_n3A_555 {offsets = [0, 0], sizes = [1, 128], strides = [1, 1]} : vector<256x128xi32> to vector<1x128xi32>
    %concatenate3A_570 = tpu.concatenate %slice3A_568, %slice3A_569 in 0 : vector<255x128xi32>, vector<1x128xi32> -> vector<256x128xi32>
    %slice3A_571 = vector.extract_strided_slice %select_n3A_555 {offsets = [255, 0], sizes = [1, 128], strides = [1, 1]} : vector<256x128xi32> to vector<1x128xi32>
    %slice3A_572 = vector.extract_strided_slice %select_n3A_555 {offsets = [0, 0], sizes = [255, 128], strides = [1, 1]} : vector<256x128xi32> to vector<255x128xi32>
    %concatenate3A_573 = tpu.concatenate %slice3A_571, %slice3A_572 in 0 : vector<1x128xi32>, vector<255x128xi32> -> vector<256x128xi32>
    %broadcast_in_dim3A_574 = vector.shape_cast %ne3A_561 : vector<256x1xi1> to vector<256x1xi1>
    %broadcast_in_dim3A_575 = vector.broadcast %broadcast_in_dim3A_574 : vector<256x1xi1> to vector<256x128xi1>
    %select_n3A_576 = arith.select %broadcast_in_dim3A_575, %concatenate3A_567, %concatenate3A_564 : vector<256x128xi1>, vector<256x128xi32>
    %broadcast_in_dim3A_577 = vector.shape_cast %ne3A_561 : vector<256x1xi1> to vector<256x1xi1>
    %broadcast_in_dim3A_578 = vector.broadcast %broadcast_in_dim3A_577 : vector<256x1xi1> to vector<256x128xi1>
    %select_n3A_579 = arith.select %broadcast_in_dim3A_578, %concatenate3A_573, %concatenate3A_570 : vector<256x128xi1>, vector<256x128xi32>
    %gt3A_580 = arith.cmpi sgt, %select_n3A_554, %select_n3A_576 : vector<256x128xi32>
    %eq3A_581 = arith.cmpi eq, %select_n3A_554, %select_n3A_576 : vector<256x128xi32>
    %lt3A_582 = arith.cmpi slt, %select_n3A_555, %select_n3A_579 : vector<256x128xi32>
    %and3A_583 = arith.andi %eq3A_581, %lt3A_582 : vector<256x128xi1>
    %or3A_584 = arith.ori %gt3A_580, %and3A_583 : vector<256x128xi1>
    %xor3A_585 = vector.broadcast %ne3A_561 : vector<256x1xi1> to vector<256x128xi1>
    %xor3A_586 = arith.xori %or3A_584, %xor3A_585 : vector<256x128xi1>
    %not3A_587 = arith.constant dense<true> : vector<256x1xi1>
    %not3A_588 = arith.xori %eq3A_407, %not3A_587 : vector<256x1xi1>
    %xor3A_589 = vector.broadcast %not3A_588 : vector<256x1xi1> to vector<256x128xi1>
    %xor3A_590 = arith.xori %xor3A_586, %xor3A_589 : vector<256x128xi1>
    %select_n3A_591 = arith.select %xor3A_590, %select_n3A_554, %select_n3A_576 : vector<256x128xi1>, vector<256x128xi32>
    %select_n3A_592 = arith.select %xor3A_590, %select_n3A_555, %select_n3A_579 : vector<256x128xi1>, vector<256x128xi32>
    %and3A_593 = arith.constant 64 : i32
    %and3A_594 = vector.broadcast %and3A_593 : i32 to vector<256x1xi32>
    %and3A_595 = arith.andi %iota3A_15, %and3A_594 : vector<256x1xi32>
    %eq3A_596 = arith.constant 0 : i32
    %eq3A_597 = vector.broadcast %eq3A_596 : i32 to vector<256x1xi32>
    %eq3A_598 = arith.cmpi eq, %and3A_595, %eq3A_597 : vector<256x1xi32>
    %and3A_599 = arith.constant 32 : i32
    %and3A_600 = vector.broadcast %and3A_599 : i32 to vector<256x1xi32>
    %and3A_601 = arith.andi %iota3A_15, %and3A_600 : vector<256x1xi32>
    %ne3A_602 = arith.constant 0 : i32
    %ne3A_603 = vector.broadcast %ne3A_602 : i32 to vector<256x1xi32>
    %ne3A_604 = arith.cmpi ne, %and3A_601, %ne3A_603 : vector<256x1xi32>
    %slice3A_605 = vector.extract_strided_slice %select_n3A_591 {offsets = [32, 0], sizes = [224, 128], strides = [1, 1]} : vector<256x128xi32> to vector<224x128xi32>
    %slice3A_606 = vector.extract_strided_slice %select_n3A_591 {offsets = [0, 0], sizes = [32, 128], strides = [1, 1]} : vector<256x128xi32> to vector<32x128xi32>
    %concatenate3A_607 = tpu.concatenate %slice3A_605, %slice3A_606 in 0 : vector<224x128xi32>, vector<32x128xi32> -> vector<256x128xi32>
    %slice3A_608 = vector.extract_strided_slice %select_n3A_591 {offsets = [224, 0], sizes = [32, 128], strides = [1, 1]} : vector<256x128xi32> to vector<32x128xi32>
    %slice3A_609 = vector.extract_strided_slice %select_n3A_591 {offsets = [0, 0], sizes = [224, 128], strides = [1, 1]} : vector<256x128xi32> to vector<224x128xi32>
    %concatenate3A_610 = tpu.concatenate %slice3A_608, %slice3A_609 in 0 : vector<32x128xi32>, vector<224x128xi32> -> vector<256x128xi32>
    %slice3A_611 = vector.extract_strided_slice %select_n3A_592 {offsets = [32, 0], sizes = [224, 128], strides = [1, 1]} : vector<256x128xi32> to vector<224x128xi32>
    %slice3A_612 = vector.extract_strided_slice %select_n3A_592 {offsets = [0, 0], sizes = [32, 128], strides = [1, 1]} : vector<256x128xi32> to vector<32x128xi32>
    %concatenate3A_613 = tpu.concatenate %slice3A_611, %slice3A_612 in 0 : vector<224x128xi32>, vector<32x128xi32> -> vector<256x128xi32>
    %slice3A_614 = vector.extract_strided_slice %select_n3A_592 {offsets = [224, 0], sizes = [32, 128], strides = [1, 1]} : vector<256x128xi32> to vector<32x128xi32>
    %slice3A_615 = vector.extract_strided_slice %select_n3A_592 {offsets = [0, 0], sizes = [224, 128], strides = [1, 1]} : vector<256x128xi32> to vector<224x128xi32>
    %concatenate3A_616 = tpu.concatenate %slice3A_614, %slice3A_615 in 0 : vector<32x128xi32>, vector<224x128xi32> -> vector<256x128xi32>
    %broadcast_in_dim3A_617 = vector.shape_cast %ne3A_604 : vector<256x1xi1> to vector<256x1xi1>
    %broadcast_in_dim3A_618 = vector.broadcast %broadcast_in_dim3A_617 : vector<256x1xi1> to vector<256x128xi1>
    %select_n3A_619 = arith.select %broadcast_in_dim3A_618, %concatenate3A_610, %concatenate3A_607 : vector<256x128xi1>, vector<256x128xi32>
    %broadcast_in_dim3A_620 = vector.shape_cast %ne3A_604 : vector<256x1xi1> to vector<256x1xi1>
    %broadcast_in_dim3A_621 = vector.broadcast %broadcast_in_dim3A_620 : vector<256x1xi1> to vector<256x128xi1>
    %select_n3A_622 = arith.select %broadcast_in_dim3A_621, %concatenate3A_616, %concatenate3A_613 : vector<256x128xi1>, vector<256x128xi32>
    %gt3A_623 = arith.cmpi sgt, %select_n3A_591, %select_n3A_619 : vector<256x128xi32>
    %eq3A_624 = arith.cmpi eq, %select_n3A_591, %select_n3A_619 : vector<256x128xi32>
    %lt3A_625 = arith.cmpi slt, %select_n3A_592, %select_n3A_622 : vector<256x128xi32>
    %and3A_626 = arith.andi %eq3A_624, %lt3A_625 : vector<256x128xi1>
    %or3A_627 = arith.ori %gt3A_623, %and3A_626 : vector<256x128xi1>
    %xor3A_628 = vector.broadcast %ne3A_604 : vector<256x1xi1> to vector<256x128xi1>
    %xor3A_629 = arith.xori %or3A_627, %xor3A_628 : vector<256x128xi1>
    %not3A_630 = arith.constant dense<true> : vector<256x1xi1>
    %not3A_631 = arith.xori %eq3A_598, %not3A_630 : vector<256x1xi1>
    %xor3A_632 = vector.broadcast %not3A_631 : vector<256x1xi1> to vector<256x128xi1>
    %xor3A_633 = arith.xori %xor3A_629, %xor3A_632 : vector<256x128xi1>
    %select_n3A_634 = arith.select %xor3A_633, %select_n3A_591, %select_n3A_619 : vector<256x128xi1>, vector<256x128xi32>
    %select_n3A_635 = arith.select %xor3A_633, %select_n3A_592, %select_n3A_622 : vector<256x128xi1>, vector<256x128xi32>
    %and3A_636 = arith.constant 16 : i32
    %and3A_637 = vector.broadcast %and3A_636 : i32 to vector<256x1xi32>
    %and3A_638 = arith.andi %iota3A_15, %and3A_637 : vector<256x1xi32>
    %ne3A_639 = arith.constant 0 : i32
    %ne3A_640 = vector.broadcast %ne3A_639 : i32 to vector<256x1xi32>
    %ne3A_641 = arith.cmpi ne, %and3A_638, %ne3A_640 : vector<256x1xi32>
    %slice3A_642 = vector.extract_strided_slice %select_n3A_634 {offsets = [16, 0], sizes = [240, 128], strides = [1, 1]} : vector<256x128xi32> to vector<240x128xi32>
    %slice3A_643 = vector.extract_strided_slice %select_n3A_634 {offsets = [0, 0], sizes = [16, 128], strides = [1, 1]} : vector<256x128xi32> to vector<16x128xi32>
    %concatenate3A_644 = tpu.concatenate %slice3A_642, %slice3A_643 in 0 : vector<240x128xi32>, vector<16x128xi32> -> vector<256x128xi32>
    %slice3A_645 = vector.extract_strided_slice %select_n3A_634 {offsets = [240, 0], sizes = [16, 128], strides = [1, 1]} : vector<256x128xi32> to vector<16x128xi32>
    %slice3A_646 = vector.extract_strided_slice %select_n3A_634 {offsets = [0, 0], sizes = [240, 128], strides = [1, 1]} : vector<256x128xi32> to vector<240x128xi32>
    %concatenate3A_647 = tpu.concatenate %slice3A_645, %slice3A_646 in 0 : vector<16x128xi32>, vector<240x128xi32> -> vector<256x128xi32>
    %slice3A_648 = vector.extract_strided_slice %select_n3A_635 {offsets = [16, 0], sizes = [240, 128], strides = [1, 1]} : vector<256x128xi32> to vector<240x128xi32>
    %slice3A_649 = vector.extract_strided_slice %select_n3A_635 {offsets = [0, 0], sizes = [16, 128], strides = [1, 1]} : vector<256x128xi32> to vector<16x128xi32>
    %concatenate3A_650 = tpu.concatenate %slice3A_648, %slice3A_649 in 0 : vector<240x128xi32>, vector<16x128xi32> -> vector<256x128xi32>
    %slice3A_651 = vector.extract_strided_slice %select_n3A_635 {offsets = [240, 0], sizes = [16, 128], strides = [1, 1]} : vector<256x128xi32> to vector<16x128xi32>
    %slice3A_652 = vector.extract_strided_slice %select_n3A_635 {offsets = [0, 0], sizes = [240, 128], strides = [1, 1]} : vector<256x128xi32> to vector<240x128xi32>
    %concatenate3A_653 = tpu.concatenate %slice3A_651, %slice3A_652 in 0 : vector<16x128xi32>, vector<240x128xi32> -> vector<256x128xi32>
    %broadcast_in_dim3A_654 = vector.shape_cast %ne3A_641 : vector<256x1xi1> to vector<256x1xi1>
    %broadcast_in_dim3A_655 = vector.broadcast %broadcast_in_dim3A_654 : vector<256x1xi1> to vector<256x128xi1>
    %select_n3A_656 = arith.select %broadcast_in_dim3A_655, %concatenate3A_647, %concatenate3A_644 : vector<256x128xi1>, vector<256x128xi32>
    %broadcast_in_dim3A_657 = vector.shape_cast %ne3A_641 : vector<256x1xi1> to vector<256x1xi1>
    %broadcast_in_dim3A_658 = vector.broadcast %broadcast_in_dim3A_657 : vector<256x1xi1> to vector<256x128xi1>
    %select_n3A_659 = arith.select %broadcast_in_dim3A_658, %concatenate3A_653, %concatenate3A_650 : vector<256x128xi1>, vector<256x128xi32>
    %gt3A_660 = arith.cmpi sgt, %select_n3A_634, %select_n3A_656 : vector<256x128xi32>
    %eq3A_661 = arith.cmpi eq, %select_n3A_634, %select_n3A_656 : vector<256x128xi32>
    %lt3A_662 = arith.cmpi slt, %select_n3A_635, %select_n3A_659 : vector<256x128xi32>
    %and3A_663 = arith.andi %eq3A_661, %lt3A_662 : vector<256x128xi1>
    %or3A_664 = arith.ori %gt3A_660, %and3A_663 : vector<256x128xi1>
    %xor3A_665 = vector.broadcast %ne3A_641 : vector<256x1xi1> to vector<256x128xi1>
    %xor3A_666 = arith.xori %or3A_664, %xor3A_665 : vector<256x128xi1>
    %not3A_667 = arith.constant dense<true> : vector<256x1xi1>
    %not3A_668 = arith.xori %eq3A_598, %not3A_667 : vector<256x1xi1>
    %xor3A_669 = vector.broadcast %not3A_668 : vector<256x1xi1> to vector<256x128xi1>
    %xor3A_670 = arith.xori %xor3A_666, %xor3A_669 : vector<256x128xi1>
    %select_n3A_671 = arith.select %xor3A_670, %select_n3A_634, %select_n3A_656 : vector<256x128xi1>, vector<256x128xi32>
    %select_n3A_672 = arith.select %xor3A_670, %select_n3A_635, %select_n3A_659 : vector<256x128xi1>, vector<256x128xi32>
    %and3A_673 = arith.constant 8 : i32
    %and3A_674 = vector.broadcast %and3A_673 : i32 to vector<256x1xi32>
    %and3A_675 = arith.andi %iota3A_15, %and3A_674 : vector<256x1xi32>
    %ne3A_676 = arith.constant 0 : i32
    %ne3A_677 = vector.broadcast %ne3A_676 : i32 to vector<256x1xi32>
    %ne3A_678 = arith.cmpi ne, %and3A_675, %ne3A_677 : vector<256x1xi32>
    %slice3A_679 = vector.extract_strided_slice %select_n3A_671 {offsets = [8, 0], sizes = [248, 128], strides = [1, 1]} : vector<256x128xi32> to vector<248x128xi32>
    %slice3A_680 = vector.extract_strided_slice %select_n3A_671 {offsets = [0, 0], sizes = [8, 128], strides = [1, 1]} : vector<256x128xi32> to vector<8x128xi32>
    %concatenate3A_681 = tpu.concatenate %slice3A_679, %slice3A_680 in 0 : vector<248x128xi32>, vector<8x128xi32> -> vector<256x128xi32>
    %slice3A_682 = vector.extract_strided_slice %select_n3A_671 {offsets = [248, 0], sizes = [8, 128], strides = [1, 1]} : vector<256x128xi32> to vector<8x128xi32>
    %slice3A_683 = vector.extract_strided_slice %select_n3A_671 {offsets = [0, 0], sizes = [248, 128], strides = [1, 1]} : vector<256x128xi32> to vector<248x128xi32>
    %concatenate3A_684 = tpu.concatenate %slice3A_682, %slice3A_683 in 0 : vector<8x128xi32>, vector<248x128xi32> -> vector<256x128xi32>
    %slice3A_685 = vector.extract_strided_slice %select_n3A_672 {offsets = [8, 0], sizes = [248, 128], strides = [1, 1]} : vector<256x128xi32> to vector<248x128xi32>
    %slice3A_686 = vector.extract_strided_slice %select_n3A_672 {offsets = [0, 0], sizes = [8, 128], strides = [1, 1]} : vector<256x128xi32> to vector<8x128xi32>
    %concatenate3A_687 = tpu.concatenate %slice3A_685, %slice3A_686 in 0 : vector<248x128xi32>, vector<8x128xi32> -> vector<256x128xi32>
    %slice3A_688 = vector.extract_strided_slice %select_n3A_672 {offsets = [248, 0], sizes = [8, 128], strides = [1, 1]} : vector<256x128xi32> to vector<8x128xi32>
    %slice3A_689 = vector.extract_strided_slice %select_n3A_672 {offsets = [0, 0], sizes = [248, 128], strides = [1, 1]} : vector<256x128xi32> to vector<248x128xi32>
    %concatenate3A_690 = tpu.concatenate %slice3A_688, %slice3A_689 in 0 : vector<8x128xi32>, vector<248x128xi32> -> vector<256x128xi32>
    %broadcast_in_dim3A_691 = vector.shape_cast %ne3A_678 : vector<256x1xi1> to vector<256x1xi1>
    %broadcast_in_dim3A_692 = vector.broadcast %broadcast_in_dim3A_691 : vector<256x1xi1> to vector<256x128xi1>
    %select_n3A_693 = arith.select %broadcast_in_dim3A_692, %concatenate3A_684, %concatenate3A_681 : vector<256x128xi1>, vector<256x128xi32>
    %broadcast_in_dim3A_694 = vector.shape_cast %ne3A_678 : vector<256x1xi1> to vector<256x1xi1>
    %broadcast_in_dim3A_695 = vector.broadcast %broadcast_in_dim3A_694 : vector<256x1xi1> to vector<256x128xi1>
    %select_n3A_696 = arith.select %broadcast_in_dim3A_695, %concatenate3A_690, %concatenate3A_687 : vector<256x128xi1>, vector<256x128xi32>
    %gt3A_697 = arith.cmpi sgt, %select_n3A_671, %select_n3A_693 : vector<256x128xi32>
    %eq3A_698 = arith.cmpi eq, %select_n3A_671, %select_n3A_693 : vector<256x128xi32>
    %lt3A_699 = arith.cmpi slt, %select_n3A_672, %select_n3A_696 : vector<256x128xi32>
    %and3A_700 = arith.andi %eq3A_698, %lt3A_699 : vector<256x128xi1>
    %or3A_701 = arith.ori %gt3A_697, %and3A_700 : vector<256x128xi1>
    %xor3A_702 = vector.broadcast %ne3A_678 : vector<256x1xi1> to vector<256x128xi1>
    %xor3A_703 = arith.xori %or3A_701, %xor3A_702 : vector<256x128xi1>
    %not3A_704 = arith.constant dense<true> : vector<256x1xi1>
    %not3A_705 = arith.xori %eq3A_598, %not3A_704 : vector<256x1xi1>
    %xor3A_706 = vector.broadcast %not3A_705 : vector<256x1xi1> to vector<256x128xi1>
    %xor3A_707 = arith.xori %xor3A_703, %xor3A_706 : vector<256x128xi1>
    %select_n3A_708 = arith.select %xor3A_707, %select_n3A_671, %select_n3A_693 : vector<256x128xi1>, vector<256x128xi32>
    %select_n3A_709 = arith.select %xor3A_707, %select_n3A_672, %select_n3A_696 : vector<256x128xi1>, vector<256x128xi32>
    %and3A_710 = arith.constant 4 : i32
    %and3A_711 = vector.broadcast %and3A_710 : i32 to vector<256x1xi32>
    %and3A_712 = arith.andi %iota3A_15, %and3A_711 : vector<256x1xi32>
    %ne3A_713 = arith.constant 0 : i32
    %ne3A_714 = vector.broadcast %ne3A_713 : i32 to vector<256x1xi32>
    %ne3A_715 = arith.cmpi ne, %and3A_712, %ne3A_714 : vector<256x1xi32>
    %slice3A_716 = vector.extract_strided_slice %select_n3A_708 {offsets = [4, 0], sizes = [252, 128], strides = [1, 1]} : vector<256x128xi32> to vector<252x128xi32>
    %slice3A_717 = vector.extract_strided_slice %select_n3A_708 {offsets = [0, 0], sizes = [4, 128], strides = [1, 1]} : vector<256x128xi32> to vector<4x128xi32>
    %concatenate3A_718 = tpu.concatenate %slice3A_716, %slice3A_717 in 0 : vector<252x128xi32>, vector<4x128xi32> -> vector<256x128xi32>
    %slice3A_719 = vector.extract_strided_slice %select_n3A_708 {offsets = [252, 0], sizes = [4, 128], strides = [1, 1]} : vector<256x128xi32> to vector<4x128xi32>
    %slice3A_720 = vector.extract_strided_slice %select_n3A_708 {offsets = [0, 0], sizes = [252, 128], strides = [1, 1]} : vector<256x128xi32> to vector<252x128xi32>
    %concatenate3A_721 = tpu.concatenate %slice3A_719, %slice3A_720 in 0 : vector<4x128xi32>, vector<252x128xi32> -> vector<256x128xi32>
    %slice3A_722 = vector.extract_strided_slice %select_n3A_709 {offsets = [4, 0], sizes = [252, 128], strides = [1, 1]} : vector<256x128xi32> to vector<252x128xi32>
    %slice3A_723 = vector.extract_strided_slice %select_n3A_709 {offsets = [0, 0], sizes = [4, 128], strides = [1, 1]} : vector<256x128xi32> to vector<4x128xi32>
    %concatenate3A_724 = tpu.concatenate %slice3A_722, %slice3A_723 in 0 : vector<252x128xi32>, vector<4x128xi32> -> vector<256x128xi32>
    %slice3A_725 = vector.extract_strided_slice %select_n3A_709 {offsets = [252, 0], sizes = [4, 128], strides = [1, 1]} : vector<256x128xi32> to vector<4x128xi32>
    %slice3A_726 = vector.extract_strided_slice %select_n3A_709 {offsets = [0, 0], sizes = [252, 128], strides = [1, 1]} : vector<256x128xi32> to vector<252x128xi32>
    %concatenate3A_727 = tpu.concatenate %slice3A_725, %slice3A_726 in 0 : vector<4x128xi32>, vector<252x128xi32> -> vector<256x128xi32>
    %broadcast_in_dim3A_728 = vector.shape_cast %ne3A_715 : vector<256x1xi1> to vector<256x1xi1>
    %broadcast_in_dim3A_729 = vector.broadcast %broadcast_in_dim3A_728 : vector<256x1xi1> to vector<256x128xi1>
    %select_n3A_730 = arith.select %broadcast_in_dim3A_729, %concatenate3A_721, %concatenate3A_718 : vector<256x128xi1>, vector<256x128xi32>
    %broadcast_in_dim3A_731 = vector.shape_cast %ne3A_715 : vector<256x1xi1> to vector<256x1xi1>
    %broadcast_in_dim3A_732 = vector.broadcast %broadcast_in_dim3A_731 : vector<256x1xi1> to vector<256x128xi1>
    %select_n3A_733 = arith.select %broadcast_in_dim3A_732, %concatenate3A_727, %concatenate3A_724 : vector<256x128xi1>, vector<256x128xi32>
    %gt3A_734 = arith.cmpi sgt, %select_n3A_708, %select_n3A_730 : vector<256x128xi32>
    %eq3A_735 = arith.cmpi eq, %select_n3A_708, %select_n3A_730 : vector<256x128xi32>
    %lt3A_736 = arith.cmpi slt, %select_n3A_709, %select_n3A_733 : vector<256x128xi32>
    %and3A_737 = arith.andi %eq3A_735, %lt3A_736 : vector<256x128xi1>
    %or3A_738 = arith.ori %gt3A_734, %and3A_737 : vector<256x128xi1>
    %xor3A_739 = vector.broadcast %ne3A_715 : vector<256x1xi1> to vector<256x128xi1>
    %xor3A_740 = arith.xori %or3A_738, %xor3A_739 : vector<256x128xi1>
    %not3A_741 = arith.constant dense<true> : vector<256x1xi1>
    %not3A_742 = arith.xori %eq3A_598, %not3A_741 : vector<256x1xi1>
    %xor3A_743 = vector.broadcast %not3A_742 : vector<256x1xi1> to vector<256x128xi1>
    %xor3A_744 = arith.xori %xor3A_740, %xor3A_743 : vector<256x128xi1>
    %select_n3A_745 = arith.select %xor3A_744, %select_n3A_708, %select_n3A_730 : vector<256x128xi1>, vector<256x128xi32>
    %select_n3A_746 = arith.select %xor3A_744, %select_n3A_709, %select_n3A_733 : vector<256x128xi1>, vector<256x128xi32>
    %and3A_747 = arith.constant 2 : i32
    %and3A_748 = vector.broadcast %and3A_747 : i32 to vector<256x1xi32>
    %and3A_749 = arith.andi %iota3A_15, %and3A_748 : vector<256x1xi32>
    %ne3A_750 = arith.constant 0 : i32
    %ne3A_751 = vector.broadcast %ne3A_750 : i32 to vector<256x1xi32>
    %ne3A_752 = arith.cmpi ne, %and3A_749, %ne3A_751 : vector<256x1xi32>
    %slice3A_753 = vector.extract_strided_slice %select_n3A_745 {offsets = [2, 0], sizes = [254, 128], strides = [1, 1]} : vector<256x128xi32> to vector<254x128xi32>
    %slice3A_754 = vector.extract_strided_slice %select_n3A_745 {offsets = [0, 0], sizes = [2, 128], strides = [1, 1]} : vector<256x128xi32> to vector<2x128xi32>
    %concatenate3A_755 = tpu.concatenate %slice3A_753, %slice3A_754 in 0 : vector<254x128xi32>, vector<2x128xi32> -> vector<256x128xi32>
    %slice3A_756 = vector.extract_strided_slice %select_n3A_745 {offsets = [254, 0], sizes = [2, 128], strides = [1, 1]} : vector<256x128xi32> to vector<2x128xi32>
    %slice3A_757 = vector.extract_strided_slice %select_n3A_745 {offsets = [0, 0], sizes = [254, 128], strides = [1, 1]} : vector<256x128xi32> to vector<254x128xi32>
    %concatenate3A_758 = tpu.concatenate %slice3A_756, %slice3A_757 in 0 : vector<2x128xi32>, vector<254x128xi32> -> vector<256x128xi32>
    %slice3A_759 = vector.extract_strided_slice %select_n3A_746 {offsets = [2, 0], sizes = [254, 128], strides = [1, 1]} : vector<256x128xi32> to vector<254x128xi32>
    %slice3A_760 = vector.extract_strided_slice %select_n3A_746 {offsets = [0, 0], sizes = [2, 128], strides = [1, 1]} : vector<256x128xi32> to vector<2x128xi32>
    %concatenate3A_761 = tpu.concatenate %slice3A_759, %slice3A_760 in 0 : vector<254x128xi32>, vector<2x128xi32> -> vector<256x128xi32>
    %slice3A_762 = vector.extract_strided_slice %select_n3A_746 {offsets = [254, 0], sizes = [2, 128], strides = [1, 1]} : vector<256x128xi32> to vector<2x128xi32>
    %slice3A_763 = vector.extract_strided_slice %select_n3A_746 {offsets = [0, 0], sizes = [254, 128], strides = [1, 1]} : vector<256x128xi32> to vector<254x128xi32>
    %concatenate3A_764 = tpu.concatenate %slice3A_762, %slice3A_763 in 0 : vector<2x128xi32>, vector<254x128xi32> -> vector<256x128xi32>
    %broadcast_in_dim3A_765 = vector.shape_cast %ne3A_752 : vector<256x1xi1> to vector<256x1xi1>
    %broadcast_in_dim3A_766 = vector.broadcast %broadcast_in_dim3A_765 : vector<256x1xi1> to vector<256x128xi1>
    %select_n3A_767 = arith.select %broadcast_in_dim3A_766, %concatenate3A_758, %concatenate3A_755 : vector<256x128xi1>, vector<256x128xi32>
    %broadcast_in_dim3A_768 = vector.shape_cast %ne3A_752 : vector<256x1xi1> to vector<256x1xi1>
    %broadcast_in_dim3A_769 = vector.broadcast %broadcast_in_dim3A_768 : vector<256x1xi1> to vector<256x128xi1>
    %select_n3A_770 = arith.select %broadcast_in_dim3A_769, %concatenate3A_764, %concatenate3A_761 : vector<256x128xi1>, vector<256x128xi32>
    %gt3A_771 = arith.cmpi sgt, %select_n3A_745, %select_n3A_767 : vector<256x128xi32>
    %eq3A_772 = arith.cmpi eq, %select_n3A_745, %select_n3A_767 : vector<256x128xi32>
    %lt3A_773 = arith.cmpi slt, %select_n3A_746, %select_n3A_770 : vector<256x128xi32>
    %and3A_774 = arith.andi %eq3A_772, %lt3A_773 : vector<256x128xi1>
    %or3A_775 = arith.ori %gt3A_771, %and3A_774 : vector<256x128xi1>
    %xor3A_776 = vector.broadcast %ne3A_752 : vector<256x1xi1> to vector<256x128xi1>
    %xor3A_777 = arith.xori %or3A_775, %xor3A_776 : vector<256x128xi1>
    %not3A_778 = arith.constant dense<true> : vector<256x1xi1>
    %not3A_779 = arith.xori %eq3A_598, %not3A_778 : vector<256x1xi1>
    %xor3A_780 = vector.broadcast %not3A_779 : vector<256x1xi1> to vector<256x128xi1>
    %xor3A_781 = arith.xori %xor3A_777, %xor3A_780 : vector<256x128xi1>
    %select_n3A_782 = arith.select %xor3A_781, %select_n3A_745, %select_n3A_767 : vector<256x128xi1>, vector<256x128xi32>
    %select_n3A_783 = arith.select %xor3A_781, %select_n3A_746, %select_n3A_770 : vector<256x128xi1>, vector<256x128xi32>
    %and3A_784 = arith.constant 1 : i32
    %and3A_785 = vector.broadcast %and3A_784 : i32 to vector<256x1xi32>
    %and3A_786 = arith.andi %iota3A_15, %and3A_785 : vector<256x1xi32>
    %ne3A_787 = arith.constant 0 : i32
    %ne3A_788 = vector.broadcast %ne3A_787 : i32 to vector<256x1xi32>
    %ne3A_789 = arith.cmpi ne, %and3A_786, %ne3A_788 : vector<256x1xi32>
    %slice3A_790 = vector.extract_strided_slice %select_n3A_782 {offsets = [1, 0], sizes = [255, 128], strides = [1, 1]} : vector<256x128xi32> to vector<255x128xi32>
    %slice3A_791 = vector.extract_strided_slice %select_n3A_782 {offsets = [0, 0], sizes = [1, 128], strides = [1, 1]} : vector<256x128xi32> to vector<1x128xi32>
    %concatenate3A_792 = tpu.concatenate %slice3A_790, %slice3A_791 in 0 : vector<255x128xi32>, vector<1x128xi32> -> vector<256x128xi32>
    %slice3A_793 = vector.extract_strided_slice %select_n3A_782 {offsets = [255, 0], sizes = [1, 128], strides = [1, 1]} : vector<256x128xi32> to vector<1x128xi32>
    %slice3A_794 = vector.extract_strided_slice %select_n3A_782 {offsets = [0, 0], sizes = [255, 128], strides = [1, 1]} : vector<256x128xi32> to vector<255x128xi32>
    %concatenate3A_795 = tpu.concatenate %slice3A_793, %slice3A_794 in 0 : vector<1x128xi32>, vector<255x128xi32> -> vector<256x128xi32>
    %slice3A_796 = vector.extract_strided_slice %select_n3A_783 {offsets = [1, 0], sizes = [255, 128], strides = [1, 1]} : vector<256x128xi32> to vector<255x128xi32>
    %slice3A_797 = vector.extract_strided_slice %select_n3A_783 {offsets = [0, 0], sizes = [1, 128], strides = [1, 1]} : vector<256x128xi32> to vector<1x128xi32>
    %concatenate3A_798 = tpu.concatenate %slice3A_796, %slice3A_797 in 0 : vector<255x128xi32>, vector<1x128xi32> -> vector<256x128xi32>
    %slice3A_799 = vector.extract_strided_slice %select_n3A_783 {offsets = [255, 0], sizes = [1, 128], strides = [1, 1]} : vector<256x128xi32> to vector<1x128xi32>
    %slice3A_800 = vector.extract_strided_slice %select_n3A_783 {offsets = [0, 0], sizes = [255, 128], strides = [1, 1]} : vector<256x128xi32> to vector<255x128xi32>
    %concatenate3A_801 = tpu.concatenate %slice3A_799, %slice3A_800 in 0 : vector<1x128xi32>, vector<255x128xi32> -> vector<256x128xi32>
    %broadcast_in_dim3A_802 = vector.shape_cast %ne3A_789 : vector<256x1xi1> to vector<256x1xi1>
    %broadcast_in_dim3A_803 = vector.broadcast %broadcast_in_dim3A_802 : vector<256x1xi1> to vector<256x128xi1>
    %select_n3A_804 = arith.select %broadcast_in_dim3A_803, %concatenate3A_795, %concatenate3A_792 : vector<256x128xi1>, vector<256x128xi32>
    %broadcast_in_dim3A_805 = vector.shape_cast %ne3A_789 : vector<256x1xi1> to vector<256x1xi1>
    %broadcast_in_dim3A_806 = vector.broadcast %broadcast_in_dim3A_805 : vector<256x1xi1> to vector<256x128xi1>
    %select_n3A_807 = arith.select %broadcast_in_dim3A_806, %concatenate3A_801, %concatenate3A_798 : vector<256x128xi1>, vector<256x128xi32>
    %gt3A_808 = arith.cmpi sgt, %select_n3A_782, %select_n3A_804 : vector<256x128xi32>
    %eq3A_809 = arith.cmpi eq, %select_n3A_782, %select_n3A_804 : vector<256x128xi32>
    %lt3A_810 = arith.cmpi slt, %select_n3A_783, %select_n3A_807 : vector<256x128xi32>
    %and3A_811 = arith.andi %eq3A_809, %lt3A_810 : vector<256x128xi1>
    %or3A_812 = arith.ori %gt3A_808, %and3A_811 : vector<256x128xi1>
    %xor3A_813 = vector.broadcast %ne3A_789 : vector<256x1xi1> to vector<256x128xi1>
    %xor3A_814 = arith.xori %or3A_812, %xor3A_813 : vector<256x128xi1>
    %not3A_815 = arith.constant dense<true> : vector<256x1xi1>
    %not3A_816 = arith.xori %eq3A_598, %not3A_815 : vector<256x1xi1>
    %xor3A_817 = vector.broadcast %not3A_816 : vector<256x1xi1> to vector<256x128xi1>
    %xor3A_818 = arith.xori %xor3A_814, %xor3A_817 : vector<256x128xi1>
    %select_n3A_819 = arith.select %xor3A_818, %select_n3A_782, %select_n3A_804 : vector<256x128xi1>, vector<256x128xi32>
    %select_n3A_820 = arith.select %xor3A_818, %select_n3A_783, %select_n3A_807 : vector<256x128xi1>, vector<256x128xi32>
    %and3A_821 = arith.constant 128 : i32
    %and3A_822 = vector.broadcast %and3A_821 : i32 to vector<256x1xi32>
    %and3A_823 = arith.andi %iota3A_15, %and3A_822 : vector<256x1xi32>
    %eq3A_824 = arith.constant 0 : i32
    %eq3A_825 = vector.broadcast %eq3A_824 : i32 to vector<256x1xi32>
    %eq3A_826 = arith.cmpi eq, %and3A_823, %eq3A_825 : vector<256x1xi32>
    %and3A_827 = arith.constant 64 : i32
    %and3A_828 = vector.broadcast %and3A_827 : i32 to vector<256x1xi32>
    %and3A_829 = arith.andi %iota3A_15, %and3A_828 : vector<256x1xi32>
    %ne3A_830 = arith.constant 0 : i32
    %ne3A_831 = vector.broadcast %ne3A_830 : i32 to vector<256x1xi32>
    %ne3A_832 = arith.cmpi ne, %and3A_829, %ne3A_831 : vector<256x1xi32>
    %slice3A_833 = vector.extract_strided_slice %select_n3A_819 {offsets = [64, 0], sizes = [192, 128], strides = [1, 1]} : vector<256x128xi32> to vector<192x128xi32>
    %slice3A_834 = vector.extract_strided_slice %select_n3A_819 {offsets = [0, 0], sizes = [64, 128], strides = [1, 1]} : vector<256x128xi32> to vector<64x128xi32>
    %concatenate3A_835 = tpu.concatenate %slice3A_833, %slice3A_834 in 0 : vector<192x128xi32>, vector<64x128xi32> -> vector<256x128xi32>
    %slice3A_836 = vector.extract_strided_slice %select_n3A_819 {offsets = [192, 0], sizes = [64, 128], strides = [1, 1]} : vector<256x128xi32> to vector<64x128xi32>
    %slice3A_837 = vector.extract_strided_slice %select_n3A_819 {offsets = [0, 0], sizes = [192, 128], strides = [1, 1]} : vector<256x128xi32> to vector<192x128xi32>
    %concatenate3A_838 = tpu.concatenate %slice3A_836, %slice3A_837 in 0 : vector<64x128xi32>, vector<192x128xi32> -> vector<256x128xi32>
    %slice3A_839 = vector.extract_strided_slice %select_n3A_820 {offsets = [64, 0], sizes = [192, 128], strides = [1, 1]} : vector<256x128xi32> to vector<192x128xi32>
    %slice3A_840 = vector.extract_strided_slice %select_n3A_820 {offsets = [0, 0], sizes = [64, 128], strides = [1, 1]} : vector<256x128xi32> to vector<64x128xi32>
    %concatenate3A_841 = tpu.concatenate %slice3A_839, %slice3A_840 in 0 : vector<192x128xi32>, vector<64x128xi32> -> vector<256x128xi32>
    %slice3A_842 = vector.extract_strided_slice %select_n3A_820 {offsets = [192, 0], sizes = [64, 128], strides = [1, 1]} : vector<256x128xi32> to vector<64x128xi32>
    %slice3A_843 = vector.extract_strided_slice %select_n3A_820 {offsets = [0, 0], sizes = [192, 128], strides = [1, 1]} : vector<256x128xi32> to vector<192x128xi32>
    %concatenate3A_844 = tpu.concatenate %slice3A_842, %slice3A_843 in 0 : vector<64x128xi32>, vector<192x128xi32> -> vector<256x128xi32>
    %broadcast_in_dim3A_845 = vector.shape_cast %ne3A_832 : vector<256x1xi1> to vector<256x1xi1>
    %broadcast_in_dim3A_846 = vector.broadcast %broadcast_in_dim3A_845 : vector<256x1xi1> to vector<256x128xi1>
    %select_n3A_847 = arith.select %broadcast_in_dim3A_846, %concatenate3A_838, %concatenate3A_835 : vector<256x128xi1>, vector<256x128xi32>
    %broadcast_in_dim3A_848 = vector.shape_cast %ne3A_832 : vector<256x1xi1> to vector<256x1xi1>
    %broadcast_in_dim3A_849 = vector.broadcast %broadcast_in_dim3A_848 : vector<256x1xi1> to vector<256x128xi1>
    %select_n3A_850 = arith.select %broadcast_in_dim3A_849, %concatenate3A_844, %concatenate3A_841 : vector<256x128xi1>, vector<256x128xi32>
    %gt3A_851 = arith.cmpi sgt, %select_n3A_819, %select_n3A_847 : vector<256x128xi32>
    %eq3A_852 = arith.cmpi eq, %select_n3A_819, %select_n3A_847 : vector<256x128xi32>
    %lt3A_853 = arith.cmpi slt, %select_n3A_820, %select_n3A_850 : vector<256x128xi32>
    %and3A_854 = arith.andi %eq3A_852, %lt3A_853 : vector<256x128xi1>
    %or3A_855 = arith.ori %gt3A_851, %and3A_854 : vector<256x128xi1>
    %xor3A_856 = vector.broadcast %ne3A_832 : vector<256x1xi1> to vector<256x128xi1>
    %xor3A_857 = arith.xori %or3A_855, %xor3A_856 : vector<256x128xi1>
    %not3A_858 = arith.constant dense<true> : vector<256x1xi1>
    %not3A_859 = arith.xori %eq3A_826, %not3A_858 : vector<256x1xi1>
    %xor3A_860 = vector.broadcast %not3A_859 : vector<256x1xi1> to vector<256x128xi1>
    %xor3A_861 = arith.xori %xor3A_857, %xor3A_860 : vector<256x128xi1>
    %select_n3A_862 = arith.select %xor3A_861, %select_n3A_819, %select_n3A_847 : vector<256x128xi1>, vector<256x128xi32>
    %select_n3A_863 = arith.select %xor3A_861, %select_n3A_820, %select_n3A_850 : vector<256x128xi1>, vector<256x128xi32>
    %and3A_864 = arith.constant 32 : i32
    %and3A_865 = vector.broadcast %and3A_864 : i32 to vector<256x1xi32>
    %and3A_866 = arith.andi %iota3A_15, %and3A_865 : vector<256x1xi32>
    %ne3A_867 = arith.constant 0 : i32
    %ne3A_868 = vector.broadcast %ne3A_867 : i32 to vector<256x1xi32>
    %ne3A_869 = arith.cmpi ne, %and3A_866, %ne3A_868 : vector<256x1xi32>
    %slice3A_870 = vector.extract_strided_slice %select_n3A_862 {offsets = [32, 0], sizes = [224, 128], strides = [1, 1]} : vector<256x128xi32> to vector<224x128xi32>
    %slice3A_871 = vector.extract_strided_slice %select_n3A_862 {offsets = [0, 0], sizes = [32, 128], strides = [1, 1]} : vector<256x128xi32> to vector<32x128xi32>
    %concatenate3A_872 = tpu.concatenate %slice3A_870, %slice3A_871 in 0 : vector<224x128xi32>, vector<32x128xi32> -> vector<256x128xi32>
    %slice3A_873 = vector.extract_strided_slice %select_n3A_862 {offsets = [224, 0], sizes = [32, 128], strides = [1, 1]} : vector<256x128xi32> to vector<32x128xi32>
    %slice3A_874 = vector.extract_strided_slice %select_n3A_862 {offsets = [0, 0], sizes = [224, 128], strides = [1, 1]} : vector<256x128xi32> to vector<224x128xi32>
    %concatenate3A_875 = tpu.concatenate %slice3A_873, %slice3A_874 in 0 : vector<32x128xi32>, vector<224x128xi32> -> vector<256x128xi32>
    %slice3A_876 = vector.extract_strided_slice %select_n3A_863 {offsets = [32, 0], sizes = [224, 128], strides = [1, 1]} : vector<256x128xi32> to vector<224x128xi32>
    %slice3A_877 = vector.extract_strided_slice %select_n3A_863 {offsets = [0, 0], sizes = [32, 128], strides = [1, 1]} : vector<256x128xi32> to vector<32x128xi32>
    %concatenate3A_878 = tpu.concatenate %slice3A_876, %slice3A_877 in 0 : vector<224x128xi32>, vector<32x128xi32> -> vector<256x128xi32>
    %slice3A_879 = vector.extract_strided_slice %select_n3A_863 {offsets = [224, 0], sizes = [32, 128], strides = [1, 1]} : vector<256x128xi32> to vector<32x128xi32>
    %slice3A_880 = vector.extract_strided_slice %select_n3A_863 {offsets = [0, 0], sizes = [224, 128], strides = [1, 1]} : vector<256x128xi32> to vector<224x128xi32>
    %concatenate3A_881 = tpu.concatenate %slice3A_879, %slice3A_880 in 0 : vector<32x128xi32>, vector<224x128xi32> -> vector<256x128xi32>
    %broadcast_in_dim3A_882 = vector.shape_cast %ne3A_869 : vector<256x1xi1> to vector<256x1xi1>
    %broadcast_in_dim3A_883 = vector.broadcast %broadcast_in_dim3A_882 : vector<256x1xi1> to vector<256x128xi1>
    %select_n3A_884 = arith.select %broadcast_in_dim3A_883, %concatenate3A_875, %concatenate3A_872 : vector<256x128xi1>, vector<256x128xi32>
    %broadcast_in_dim3A_885 = vector.shape_cast %ne3A_869 : vector<256x1xi1> to vector<256x1xi1>
    %broadcast_in_dim3A_886 = vector.broadcast %broadcast_in_dim3A_885 : vector<256x1xi1> to vector<256x128xi1>
    %select_n3A_887 = arith.select %broadcast_in_dim3A_886, %concatenate3A_881, %concatenate3A_878 : vector<256x128xi1>, vector<256x128xi32>
    %gt3A_888 = arith.cmpi sgt, %select_n3A_862, %select_n3A_884 : vector<256x128xi32>
    %eq3A_889 = arith.cmpi eq, %select_n3A_862, %select_n3A_884 : vector<256x128xi32>
    %lt3A_890 = arith.cmpi slt, %select_n3A_863, %select_n3A_887 : vector<256x128xi32>
    %and3A_891 = arith.andi %eq3A_889, %lt3A_890 : vector<256x128xi1>
    %or3A_892 = arith.ori %gt3A_888, %and3A_891 : vector<256x128xi1>
    %xor3A_893 = vector.broadcast %ne3A_869 : vector<256x1xi1> to vector<256x128xi1>
    %xor3A_894 = arith.xori %or3A_892, %xor3A_893 : vector<256x128xi1>
    %not3A_895 = arith.constant dense<true> : vector<256x1xi1>
    %not3A_896 = arith.xori %eq3A_826, %not3A_895 : vector<256x1xi1>
    %xor3A_897 = vector.broadcast %not3A_896 : vector<256x1xi1> to vector<256x128xi1>
    %xor3A_898 = arith.xori %xor3A_894, %xor3A_897 : vector<256x128xi1>
    %select_n3A_899 = arith.select %xor3A_898, %select_n3A_862, %select_n3A_884 : vector<256x128xi1>, vector<256x128xi32>
    %select_n3A_900 = arith.select %xor3A_898, %select_n3A_863, %select_n3A_887 : vector<256x128xi1>, vector<256x128xi32>
    %and3A_901 = arith.constant 16 : i32
    %and3A_902 = vector.broadcast %and3A_901 : i32 to vector<256x1xi32>
    %and3A_903 = arith.andi %iota3A_15, %and3A_902 : vector<256x1xi32>
    %ne3A_904 = arith.constant 0 : i32
    %ne3A_905 = vector.broadcast %ne3A_904 : i32 to vector<256x1xi32>
    %ne3A_906 = arith.cmpi ne, %and3A_903, %ne3A_905 : vector<256x1xi32>
    %slice3A_907 = vector.extract_strided_slice %select_n3A_899 {offsets = [16, 0], sizes = [240, 128], strides = [1, 1]} : vector<256x128xi32> to vector<240x128xi32>
    %slice3A_908 = vector.extract_strided_slice %select_n3A_899 {offsets = [0, 0], sizes = [16, 128], strides = [1, 1]} : vector<256x128xi32> to vector<16x128xi32>
    %concatenate3A_909 = tpu.concatenate %slice3A_907, %slice3A_908 in 0 : vector<240x128xi32>, vector<16x128xi32> -> vector<256x128xi32>
    %slice3A_910 = vector.extract_strided_slice %select_n3A_899 {offsets = [240, 0], sizes = [16, 128], strides = [1, 1]} : vector<256x128xi32> to vector<16x128xi32>
    %slice3A_911 = vector.extract_strided_slice %select_n3A_899 {offsets = [0, 0], sizes = [240, 128], strides = [1, 1]} : vector<256x128xi32> to vector<240x128xi32>
    %concatenate3A_912 = tpu.concatenate %slice3A_910, %slice3A_911 in 0 : vector<16x128xi32>, vector<240x128xi32> -> vector<256x128xi32>
    %slice3A_913 = vector.extract_strided_slice %select_n3A_900 {offsets = [16, 0], sizes = [240, 128], strides = [1, 1]} : vector<256x128xi32> to vector<240x128xi32>
    %slice3A_914 = vector.extract_strided_slice %select_n3A_900 {offsets = [0, 0], sizes = [16, 128], strides = [1, 1]} : vector<256x128xi32> to vector<16x128xi32>
    %concatenate3A_915 = tpu.concatenate %slice3A_913, %slice3A_914 in 0 : vector<240x128xi32>, vector<16x128xi32> -> vector<256x128xi32>
    %slice3A_916 = vector.extract_strided_slice %select_n3A_900 {offsets = [240, 0], sizes = [16, 128], strides = [1, 1]} : vector<256x128xi32> to vector<16x128xi32>
    %slice3A_917 = vector.extract_strided_slice %select_n3A_900 {offsets = [0, 0], sizes = [240, 128], strides = [1, 1]} : vector<256x128xi32> to vector<240x128xi32>
    %concatenate3A_918 = tpu.concatenate %slice3A_916, %slice3A_917 in 0 : vector<16x128xi32>, vector<240x128xi32> -> vector<256x128xi32>
    %broadcast_in_dim3A_919 = vector.shape_cast %ne3A_906 : vector<256x1xi1> to vector<256x1xi1>
    %broadcast_in_dim3A_920 = vector.broadcast %broadcast_in_dim3A_919 : vector<256x1xi1> to vector<256x128xi1>
    %select_n3A_921 = arith.select %broadcast_in_dim3A_920, %concatenate3A_912, %concatenate3A_909 : vector<256x128xi1>, vector<256x128xi32>
    %broadcast_in_dim3A_922 = vector.shape_cast %ne3A_906 : vector<256x1xi1> to vector<256x1xi1>
    %broadcast_in_dim3A_923 = vector.broadcast %broadcast_in_dim3A_922 : vector<256x1xi1> to vector<256x128xi1>
    %select_n3A_924 = arith.select %broadcast_in_dim3A_923, %concatenate3A_918, %concatenate3A_915 : vector<256x128xi1>, vector<256x128xi32>
    %gt3A_925 = arith.cmpi sgt, %select_n3A_899, %select_n3A_921 : vector<256x128xi32>
    %eq3A_926 = arith.cmpi eq, %select_n3A_899, %select_n3A_921 : vector<256x128xi32>
    %lt3A_927 = arith.cmpi slt, %select_n3A_900, %select_n3A_924 : vector<256x128xi32>
    %and3A_928 = arith.andi %eq3A_926, %lt3A_927 : vector<256x128xi1>
    %or3A_929 = arith.ori %gt3A_925, %and3A_928 : vector<256x128xi1>
    %xor3A_930 = vector.broadcast %ne3A_906 : vector<256x1xi1> to vector<256x128xi1>
    %xor3A_931 = arith.xori %or3A_929, %xor3A_930 : vector<256x128xi1>
    %not3A_932 = arith.constant dense<true> : vector<256x1xi1>
    %not3A_933 = arith.xori %eq3A_826, %not3A_932 : vector<256x1xi1>
    %xor3A_934 = vector.broadcast %not3A_933 : vector<256x1xi1> to vector<256x128xi1>
    %xor3A_935 = arith.xori %xor3A_931, %xor3A_934 : vector<256x128xi1>
    %select_n3A_936 = arith.select %xor3A_935, %select_n3A_899, %select_n3A_921 : vector<256x128xi1>, vector<256x128xi32>
    %select_n3A_937 = arith.select %xor3A_935, %select_n3A_900, %select_n3A_924 : vector<256x128xi1>, vector<256x128xi32>
    %and3A_938 = arith.constant 8 : i32
    %and3A_939 = vector.broadcast %and3A_938 : i32 to vector<256x1xi32>
    %and3A_940 = arith.andi %iota3A_15, %and3A_939 : vector<256x1xi32>
    %ne3A_941 = arith.constant 0 : i32
    %ne3A_942 = vector.broadcast %ne3A_941 : i32 to vector<256x1xi32>
    %ne3A_943 = arith.cmpi ne, %and3A_940, %ne3A_942 : vector<256x1xi32>
    %slice3A_944 = vector.extract_strided_slice %select_n3A_936 {offsets = [8, 0], sizes = [248, 128], strides = [1, 1]} : vector<256x128xi32> to vector<248x128xi32>
    %slice3A_945 = vector.extract_strided_slice %select_n3A_936 {offsets = [0, 0], sizes = [8, 128], strides = [1, 1]} : vector<256x128xi32> to vector<8x128xi32>
    %concatenate3A_946 = tpu.concatenate %slice3A_944, %slice3A_945 in 0 : vector<248x128xi32>, vector<8x128xi32> -> vector<256x128xi32>
    %slice3A_947 = vector.extract_strided_slice %select_n3A_936 {offsets = [248, 0], sizes = [8, 128], strides = [1, 1]} : vector<256x128xi32> to vector<8x128xi32>
    %slice3A_948 = vector.extract_strided_slice %select_n3A_936 {offsets = [0, 0], sizes = [248, 128], strides = [1, 1]} : vector<256x128xi32> to vector<248x128xi32>
    %concatenate3A_949 = tpu.concatenate %slice3A_947, %slice3A_948 in 0 : vector<8x128xi32>, vector<248x128xi32> -> vector<256x128xi32>
    %slice3A_950 = vector.extract_strided_slice %select_n3A_937 {offsets = [8, 0], sizes = [248, 128], strides = [1, 1]} : vector<256x128xi32> to vector<248x128xi32>
    %slice3A_951 = vector.extract_strided_slice %select_n3A_937 {offsets = [0, 0], sizes = [8, 128], strides = [1, 1]} : vector<256x128xi32> to vector<8x128xi32>
    %concatenate3A_952 = tpu.concatenate %slice3A_950, %slice3A_951 in 0 : vector<248x128xi32>, vector<8x128xi32> -> vector<256x128xi32>
    %slice3A_953 = vector.extract_strided_slice %select_n3A_937 {offsets = [248, 0], sizes = [8, 128], strides = [1, 1]} : vector<256x128xi32> to vector<8x128xi32>
    %slice3A_954 = vector.extract_strided_slice %select_n3A_937 {offsets = [0, 0], sizes = [248, 128], strides = [1, 1]} : vector<256x128xi32> to vector<248x128xi32>
    %concatenate3A_955 = tpu.concatenate %slice3A_953, %slice3A_954 in 0 : vector<8x128xi32>, vector<248x128xi32> -> vector<256x128xi32>
    %broadcast_in_dim3A_956 = vector.shape_cast %ne3A_943 : vector<256x1xi1> to vector<256x1xi1>
    %broadcast_in_dim3A_957 = vector.broadcast %broadcast_in_dim3A_956 : vector<256x1xi1> to vector<256x128xi1>
    %select_n3A_958 = arith.select %broadcast_in_dim3A_957, %concatenate3A_949, %concatenate3A_946 : vector<256x128xi1>, vector<256x128xi32>
    %broadcast_in_dim3A_959 = vector.shape_cast %ne3A_943 : vector<256x1xi1> to vector<256x1xi1>
    %broadcast_in_dim3A_960 = vector.broadcast %broadcast_in_dim3A_959 : vector<256x1xi1> to vector<256x128xi1>
    %select_n3A_961 = arith.select %broadcast_in_dim3A_960, %concatenate3A_955, %concatenate3A_952 : vector<256x128xi1>, vector<256x128xi32>
    %gt3A_962 = arith.cmpi sgt, %select_n3A_936, %select_n3A_958 : vector<256x128xi32>
    %eq3A_963 = arith.cmpi eq, %select_n3A_936, %select_n3A_958 : vector<256x128xi32>
    %lt3A_964 = arith.cmpi slt, %select_n3A_937, %select_n3A_961 : vector<256x128xi32>
    %and3A_965 = arith.andi %eq3A_963, %lt3A_964 : vector<256x128xi1>
    %or3A_966 = arith.ori %gt3A_962, %and3A_965 : vector<256x128xi1>
    %xor3A_967 = vector.broadcast %ne3A_943 : vector<256x1xi1> to vector<256x128xi1>
    %xor3A_968 = arith.xori %or3A_966, %xor3A_967 : vector<256x128xi1>
    %not3A_969 = arith.constant dense<true> : vector<256x1xi1>
    %not3A_970 = arith.xori %eq3A_826, %not3A_969 : vector<256x1xi1>
    %xor3A_971 = vector.broadcast %not3A_970 : vector<256x1xi1> to vector<256x128xi1>
    %xor3A_972 = arith.xori %xor3A_968, %xor3A_971 : vector<256x128xi1>
    %select_n3A_973 = arith.select %xor3A_972, %select_n3A_936, %select_n3A_958 : vector<256x128xi1>, vector<256x128xi32>
    %select_n3A_974 = arith.select %xor3A_972, %select_n3A_937, %select_n3A_961 : vector<256x128xi1>, vector<256x128xi32>
    %and3A_975 = arith.constant 4 : i32
    %and3A_976 = vector.broadcast %and3A_975 : i32 to vector<256x1xi32>
    %and3A_977 = arith.andi %iota3A_15, %and3A_976 : vector<256x1xi32>
    %ne3A_978 = arith.constant 0 : i32
    %ne3A_979 = vector.broadcast %ne3A_978 : i32 to vector<256x1xi32>
    %ne3A_980 = arith.cmpi ne, %and3A_977, %ne3A_979 : vector<256x1xi32>
    %slice3A_981 = vector.extract_strided_slice %select_n3A_973 {offsets = [4, 0], sizes = [252, 128], strides = [1, 1]} : vector<256x128xi32> to vector<252x128xi32>
    %slice3A_982 = vector.extract_strided_slice %select_n3A_973 {offsets = [0, 0], sizes = [4, 128], strides = [1, 1]} : vector<256x128xi32> to vector<4x128xi32>
    %concatenate3A_983 = tpu.concatenate %slice3A_981, %slice3A_982 in 0 : vector<252x128xi32>, vector<4x128xi32> -> vector<256x128xi32>
    %slice3A_984 = vector.extract_strided_slice %select_n3A_973 {offsets = [252, 0], sizes = [4, 128], strides = [1, 1]} : vector<256x128xi32> to vector<4x128xi32>
    %slice3A_985 = vector.extract_strided_slice %select_n3A_973 {offsets = [0, 0], sizes = [252, 128], strides = [1, 1]} : vector<256x128xi32> to vector<252x128xi32>
    %concatenate3A_986 = tpu.concatenate %slice3A_984, %slice3A_985 in 0 : vector<4x128xi32>, vector<252x128xi32> -> vector<256x128xi32>
    %slice3A_987 = vector.extract_strided_slice %select_n3A_974 {offsets = [4, 0], sizes = [252, 128], strides = [1, 1]} : vector<256x128xi32> to vector<252x128xi32>
    %slice3A_988 = vector.extract_strided_slice %select_n3A_974 {offsets = [0, 0], sizes = [4, 128], strides = [1, 1]} : vector<256x128xi32> to vector<4x128xi32>
    %concatenate3A_989 = tpu.concatenate %slice3A_987, %slice3A_988 in 0 : vector<252x128xi32>, vector<4x128xi32> -> vector<256x128xi32>
    %slice3A_990 = vector.extract_strided_slice %select_n3A_974 {offsets = [252, 0], sizes = [4, 128], strides = [1, 1]} : vector<256x128xi32> to vector<4x128xi32>
    %slice3A_991 = vector.extract_strided_slice %select_n3A_974 {offsets = [0, 0], sizes = [252, 128], strides = [1, 1]} : vector<256x128xi32> to vector<252x128xi32>
    %concatenate3A_992 = tpu.concatenate %slice3A_990, %slice3A_991 in 0 : vector<4x128xi32>, vector<252x128xi32> -> vector<256x128xi32>
    %broadcast_in_dim3A_993 = vector.shape_cast %ne3A_980 : vector<256x1xi1> to vector<256x1xi1>
    %broadcast_in_dim3A_994 = vector.broadcast %broadcast_in_dim3A_993 : vector<256x1xi1> to vector<256x128xi1>
    %select_n3A_995 = arith.select %broadcast_in_dim3A_994, %concatenate3A_986, %concatenate3A_983 : vector<256x128xi1>, vector<256x128xi32>
    %broadcast_in_dim3A_996 = vector.shape_cast %ne3A_980 : vector<256x1xi1> to vector<256x1xi1>
    %broadcast_in_dim3A_997 = vector.broadcast %broadcast_in_dim3A_996 : vector<256x1xi1> to vector<256x128xi1>
    %select_n3A_998 = arith.select %broadcast_in_dim3A_997, %concatenate3A_992, %concatenate3A_989 : vector<256x128xi1>, vector<256x128xi32>
    %gt3A_999 = arith.cmpi sgt, %select_n3A_973, %select_n3A_995 : vector<256x128xi32>
    %eq3A_1000 = arith.cmpi eq, %select_n3A_973, %select_n3A_995 : vector<256x128xi32>
    %lt3A_1001 = arith.cmpi slt, %select_n3A_974, %select_n3A_998 : vector<256x128xi32>
    %and3A_1002 = arith.andi %eq3A_1000, %lt3A_1001 : vector<256x128xi1>
    %or3A_1003 = arith.ori %gt3A_999, %and3A_1002 : vector<256x128xi1>
    %xor3A_1004 = vector.broadcast %ne3A_980 : vector<256x1xi1> to vector<256x128xi1>
    %xor3A_1005 = arith.xori %or3A_1003, %xor3A_1004 : vector<256x128xi1>
    %not3A_1006 = arith.constant dense<true> : vector<256x1xi1>
    %not3A_1007 = arith.xori %eq3A_826, %not3A_1006 : vector<256x1xi1>
    %xor3A_1008 = vector.broadcast %not3A_1007 : vector<256x1xi1> to vector<256x128xi1>
    %xor3A_1009 = arith.xori %xor3A_1005, %xor3A_1008 : vector<256x128xi1>
    %select_n3A_1010 = arith.select %xor3A_1009, %select_n3A_973, %select_n3A_995 : vector<256x128xi1>, vector<256x128xi32>
    %select_n3A_1011 = arith.select %xor3A_1009, %select_n3A_974, %select_n3A_998 : vector<256x128xi1>, vector<256x128xi32>
    %and3A_1012 = arith.constant 2 : i32
    %and3A_1013 = vector.broadcast %and3A_1012 : i32 to vector<256x1xi32>
    %and3A_1014 = arith.andi %iota3A_15, %and3A_1013 : vector<256x1xi32>
    %ne3A_1015 = arith.constant 0 : i32
    %ne3A_1016 = vector.broadcast %ne3A_1015 : i32 to vector<256x1xi32>
    %ne3A_1017 = arith.cmpi ne, %and3A_1014, %ne3A_1016 : vector<256x1xi32>
    %slice3A_1018 = vector.extract_strided_slice %select_n3A_1010 {offsets = [2, 0], sizes = [254, 128], strides = [1, 1]} : vector<256x128xi32> to vector<254x128xi32>
    %slice3A_1019 = vector.extract_strided_slice %select_n3A_1010 {offsets = [0, 0], sizes = [2, 128], strides = [1, 1]} : vector<256x128xi32> to vector<2x128xi32>
    %concatenate3A_1020 = tpu.concatenate %slice3A_1018, %slice3A_1019 in 0 : vector<254x128xi32>, vector<2x128xi32> -> vector<256x128xi32>
    %slice3A_1021 = vector.extract_strided_slice %select_n3A_1010 {offsets = [254, 0], sizes = [2, 128], strides = [1, 1]} : vector<256x128xi32> to vector<2x128xi32>
    %slice3A_1022 = vector.extract_strided_slice %select_n3A_1010 {offsets = [0, 0], sizes = [254, 128], strides = [1, 1]} : vector<256x128xi32> to vector<254x128xi32>
    %concatenate3A_1023 = tpu.concatenate %slice3A_1021, %slice3A_1022 in 0 : vector<2x128xi32>, vector<254x128xi32> -> vector<256x128xi32>
    %slice3A_1024 = vector.extract_strided_slice %select_n3A_1011 {offsets = [2, 0], sizes = [254, 128], strides = [1, 1]} : vector<256x128xi32> to vector<254x128xi32>
    %slice3A_1025 = vector.extract_strided_slice %select_n3A_1011 {offsets = [0, 0], sizes = [2, 128], strides = [1, 1]} : vector<256x128xi32> to vector<2x128xi32>
    %concatenate3A_1026 = tpu.concatenate %slice3A_1024, %slice3A_1025 in 0 : vector<254x128xi32>, vector<2x128xi32> -> vector<256x128xi32>
    %slice3A_1027 = vector.extract_strided_slice %select_n3A_1011 {offsets = [254, 0], sizes = [2, 128], strides = [1, 1]} : vector<256x128xi32> to vector<2x128xi32>
    %slice3A_1028 = vector.extract_strided_slice %select_n3A_1011 {offsets = [0, 0], sizes = [254, 128], strides = [1, 1]} : vector<256x128xi32> to vector<254x128xi32>
    %concatenate3A_1029 = tpu.concatenate %slice3A_1027, %slice3A_1028 in 0 : vector<2x128xi32>, vector<254x128xi32> -> vector<256x128xi32>
    %broadcast_in_dim3A_1030 = vector.shape_cast %ne3A_1017 : vector<256x1xi1> to vector<256x1xi1>
    %broadcast_in_dim3A_1031 = vector.broadcast %broadcast_in_dim3A_1030 : vector<256x1xi1> to vector<256x128xi1>
    %select_n3A_1032 = arith.select %broadcast_in_dim3A_1031, %concatenate3A_1023, %concatenate3A_1020 : vector<256x128xi1>, vector<256x128xi32>
    %broadcast_in_dim3A_1033 = vector.shape_cast %ne3A_1017 : vector<256x1xi1> to vector<256x1xi1>
    %broadcast_in_dim3A_1034 = vector.broadcast %broadcast_in_dim3A_1033 : vector<256x1xi1> to vector<256x128xi1>
    %select_n3A_1035 = arith.select %broadcast_in_dim3A_1034, %concatenate3A_1029, %concatenate3A_1026 : vector<256x128xi1>, vector<256x128xi32>
    %gt3A_1036 = arith.cmpi sgt, %select_n3A_1010, %select_n3A_1032 : vector<256x128xi32>
    %eq3A_1037 = arith.cmpi eq, %select_n3A_1010, %select_n3A_1032 : vector<256x128xi32>
    %lt3A_1038 = arith.cmpi slt, %select_n3A_1011, %select_n3A_1035 : vector<256x128xi32>
    %and3A_1039 = arith.andi %eq3A_1037, %lt3A_1038 : vector<256x128xi1>
    %or3A_1040 = arith.ori %gt3A_1036, %and3A_1039 : vector<256x128xi1>
    %xor3A_1041 = vector.broadcast %ne3A_1017 : vector<256x1xi1> to vector<256x128xi1>
    %xor3A_1042 = arith.xori %or3A_1040, %xor3A_1041 : vector<256x128xi1>
    %not3A_1043 = arith.constant dense<true> : vector<256x1xi1>
    %not3A_1044 = arith.xori %eq3A_826, %not3A_1043 : vector<256x1xi1>
    %xor3A_1045 = vector.broadcast %not3A_1044 : vector<256x1xi1> to vector<256x128xi1>
    %xor3A_1046 = arith.xori %xor3A_1042, %xor3A_1045 : vector<256x128xi1>
    %select_n3A_1047 = arith.select %xor3A_1046, %select_n3A_1010, %select_n3A_1032 : vector<256x128xi1>, vector<256x128xi32>
    %select_n3A_1048 = arith.select %xor3A_1046, %select_n3A_1011, %select_n3A_1035 : vector<256x128xi1>, vector<256x128xi32>
    %and3A_1049 = arith.constant 1 : i32
    %and3A_1050 = vector.broadcast %and3A_1049 : i32 to vector<256x1xi32>
    %and3A_1051 = arith.andi %iota3A_15, %and3A_1050 : vector<256x1xi32>
    %ne3A_1052 = arith.constant 0 : i32
    %ne3A_1053 = vector.broadcast %ne3A_1052 : i32 to vector<256x1xi32>
    %ne3A_1054 = arith.cmpi ne, %and3A_1051, %ne3A_1053 : vector<256x1xi32>
    %slice3A_1055 = vector.extract_strided_slice %select_n3A_1047 {offsets = [1, 0], sizes = [255, 128], strides = [1, 1]} : vector<256x128xi32> to vector<255x128xi32>
    %slice3A_1056 = vector.extract_strided_slice %select_n3A_1047 {offsets = [0, 0], sizes = [1, 128], strides = [1, 1]} : vector<256x128xi32> to vector<1x128xi32>
    %concatenate3A_1057 = tpu.concatenate %slice3A_1055, %slice3A_1056 in 0 : vector<255x128xi32>, vector<1x128xi32> -> vector<256x128xi32>
    %slice3A_1058 = vector.extract_strided_slice %select_n3A_1047 {offsets = [255, 0], sizes = [1, 128], strides = [1, 1]} : vector<256x128xi32> to vector<1x128xi32>
    %slice3A_1059 = vector.extract_strided_slice %select_n3A_1047 {offsets = [0, 0], sizes = [255, 128], strides = [1, 1]} : vector<256x128xi32> to vector<255x128xi32>
    %concatenate3A_1060 = tpu.concatenate %slice3A_1058, %slice3A_1059 in 0 : vector<1x128xi32>, vector<255x128xi32> -> vector<256x128xi32>
    %slice3A_1061 = vector.extract_strided_slice %select_n3A_1048 {offsets = [1, 0], sizes = [255, 128], strides = [1, 1]} : vector<256x128xi32> to vector<255x128xi32>
    %slice3A_1062 = vector.extract_strided_slice %select_n3A_1048 {offsets = [0, 0], sizes = [1, 128], strides = [1, 1]} : vector<256x128xi32> to vector<1x128xi32>
    %concatenate3A_1063 = tpu.concatenate %slice3A_1061, %slice3A_1062 in 0 : vector<255x128xi32>, vector<1x128xi32> -> vector<256x128xi32>
    %slice3A_1064 = vector.extract_strided_slice %select_n3A_1048 {offsets = [255, 0], sizes = [1, 128], strides = [1, 1]} : vector<256x128xi32> to vector<1x128xi32>
    %slice3A_1065 = vector.extract_strided_slice %select_n3A_1048 {offsets = [0, 0], sizes = [255, 128], strides = [1, 1]} : vector<256x128xi32> to vector<255x128xi32>
    %concatenate3A_1066 = tpu.concatenate %slice3A_1064, %slice3A_1065 in 0 : vector<1x128xi32>, vector<255x128xi32> -> vector<256x128xi32>
    %broadcast_in_dim3A_1067 = vector.shape_cast %ne3A_1054 : vector<256x1xi1> to vector<256x1xi1>
    %broadcast_in_dim3A_1068 = vector.broadcast %broadcast_in_dim3A_1067 : vector<256x1xi1> to vector<256x128xi1>
    %select_n3A_1069 = arith.select %broadcast_in_dim3A_1068, %concatenate3A_1060, %concatenate3A_1057 : vector<256x128xi1>, vector<256x128xi32>
    %broadcast_in_dim3A_1070 = vector.shape_cast %ne3A_1054 : vector<256x1xi1> to vector<256x1xi1>
    %broadcast_in_dim3A_1071 = vector.broadcast %broadcast_in_dim3A_1070 : vector<256x1xi1> to vector<256x128xi1>
    %select_n3A_1072 = arith.select %broadcast_in_dim3A_1071, %concatenate3A_1066, %concatenate3A_1063 : vector<256x128xi1>, vector<256x128xi32>
    %gt3A_1073 = arith.cmpi sgt, %select_n3A_1047, %select_n3A_1069 : vector<256x128xi32>
    %eq3A_1074 = arith.cmpi eq, %select_n3A_1047, %select_n3A_1069 : vector<256x128xi32>
    %lt3A_1075 = arith.cmpi slt, %select_n3A_1048, %select_n3A_1072 : vector<256x128xi32>
    %and3A_1076 = arith.andi %eq3A_1074, %lt3A_1075 : vector<256x128xi1>
    %or3A_1077 = arith.ori %gt3A_1073, %and3A_1076 : vector<256x128xi1>
    %xor3A_1078 = vector.broadcast %ne3A_1054 : vector<256x1xi1> to vector<256x128xi1>
    %xor3A_1079 = arith.xori %or3A_1077, %xor3A_1078 : vector<256x128xi1>
    %not3A_1080 = arith.constant dense<true> : vector<256x1xi1>
    %not3A_1081 = arith.xori %eq3A_826, %not3A_1080 : vector<256x1xi1>
    %xor3A_1082 = vector.broadcast %not3A_1081 : vector<256x1xi1> to vector<256x128xi1>
    %xor3A_1083 = arith.xori %xor3A_1079, %xor3A_1082 : vector<256x128xi1>
    %select_n3A_1084 = arith.select %xor3A_1083, %select_n3A_1047, %select_n3A_1069 : vector<256x128xi1>, vector<256x128xi32>
    %select_n3A_1085 = arith.select %xor3A_1083, %select_n3A_1048, %select_n3A_1072 : vector<256x128xi1>, vector<256x128xi32>
    %and3A_1086 = arith.constant 256 : i32
    %and3A_1087 = vector.broadcast %and3A_1086 : i32 to vector<256x1xi32>
    %and3A_1088 = arith.andi %iota3A_15, %and3A_1087 : vector<256x1xi32>
    %eq3A_1089 = arith.constant 0 : i32
    %eq3A_1090 = vector.broadcast %eq3A_1089 : i32 to vector<256x1xi32>
    %eq3A_1091 = arith.cmpi eq, %and3A_1088, %eq3A_1090 : vector<256x1xi32>
    %and3A_1092 = arith.constant 128 : i32
    %and3A_1093 = vector.broadcast %and3A_1092 : i32 to vector<256x1xi32>
    %and3A_1094 = arith.andi %iota3A_15, %and3A_1093 : vector<256x1xi32>
    %ne3A_1095 = arith.constant 0 : i32
    %ne3A_1096 = vector.broadcast %ne3A_1095 : i32 to vector<256x1xi32>
    %ne3A_1097 = arith.cmpi ne, %and3A_1094, %ne3A_1096 : vector<256x1xi32>
    %slice3A_1098 = vector.extract_strided_slice %select_n3A_1084 {offsets = [128, 0], sizes = [128, 128], strides = [1, 1]} : vector<256x128xi32> to vector<128x128xi32>
    %slice3A_1099 = vector.extract_strided_slice %select_n3A_1084 {offsets = [0, 0], sizes = [128, 128], strides = [1, 1]} : vector<256x128xi32> to vector<128x128xi32>
    %concatenate3A_1100 = tpu.concatenate %slice3A_1098, %slice3A_1099 in 0 : vector<128x128xi32>, vector<128x128xi32> -> vector<256x128xi32>
    %slice3A_1101 = vector.extract_strided_slice %select_n3A_1084 {offsets = [128, 0], sizes = [128, 128], strides = [1, 1]} : vector<256x128xi32> to vector<128x128xi32>
    %slice3A_1102 = vector.extract_strided_slice %select_n3A_1084 {offsets = [0, 0], sizes = [128, 128], strides = [1, 1]} : vector<256x128xi32> to vector<128x128xi32>
    %concatenate3A_1103 = tpu.concatenate %slice3A_1101, %slice3A_1102 in 0 : vector<128x128xi32>, vector<128x128xi32> -> vector<256x128xi32>
    %slice3A_1104 = vector.extract_strided_slice %select_n3A_1085 {offsets = [128, 0], sizes = [128, 128], strides = [1, 1]} : vector<256x128xi32> to vector<128x128xi32>
    %slice3A_1105 = vector.extract_strided_slice %select_n3A_1085 {offsets = [0, 0], sizes = [128, 128], strides = [1, 1]} : vector<256x128xi32> to vector<128x128xi32>
    %concatenate3A_1106 = tpu.concatenate %slice3A_1104, %slice3A_1105 in 0 : vector<128x128xi32>, vector<128x128xi32> -> vector<256x128xi32>
    %slice3A_1107 = vector.extract_strided_slice %select_n3A_1085 {offsets = [128, 0], sizes = [128, 128], strides = [1, 1]} : vector<256x128xi32> to vector<128x128xi32>
    %slice3A_1108 = vector.extract_strided_slice %select_n3A_1085 {offsets = [0, 0], sizes = [128, 128], strides = [1, 1]} : vector<256x128xi32> to vector<128x128xi32>
    %concatenate3A_1109 = tpu.concatenate %slice3A_1107, %slice3A_1108 in 0 : vector<128x128xi32>, vector<128x128xi32> -> vector<256x128xi32>
    %broadcast_in_dim3A_1110 = vector.shape_cast %ne3A_1097 : vector<256x1xi1> to vector<256x1xi1>
    %broadcast_in_dim3A_1111 = vector.broadcast %broadcast_in_dim3A_1110 : vector<256x1xi1> to vector<256x128xi1>
    %select_n3A_1112 = arith.select %broadcast_in_dim3A_1111, %concatenate3A_1103, %concatenate3A_1100 : vector<256x128xi1>, vector<256x128xi32>
    %broadcast_in_dim3A_1113 = vector.shape_cast %ne3A_1097 : vector<256x1xi1> to vector<256x1xi1>
    %broadcast_in_dim3A_1114 = vector.broadcast %broadcast_in_dim3A_1113 : vector<256x1xi1> to vector<256x128xi1>
    %select_n3A_1115 = arith.select %broadcast_in_dim3A_1114, %concatenate3A_1109, %concatenate3A_1106 : vector<256x128xi1>, vector<256x128xi32>
    %gt3A_1116 = arith.cmpi sgt, %select_n3A_1084, %select_n3A_1112 : vector<256x128xi32>
    %eq3A_1117 = arith.cmpi eq, %select_n3A_1084, %select_n3A_1112 : vector<256x128xi32>
    %lt3A_1118 = arith.cmpi slt, %select_n3A_1085, %select_n3A_1115 : vector<256x128xi32>
    %and3A_1119 = arith.andi %eq3A_1117, %lt3A_1118 : vector<256x128xi1>
    %or3A_1120 = arith.ori %gt3A_1116, %and3A_1119 : vector<256x128xi1>
    %xor3A_1121 = vector.broadcast %ne3A_1097 : vector<256x1xi1> to vector<256x128xi1>
    %xor3A_1122 = arith.xori %or3A_1120, %xor3A_1121 : vector<256x128xi1>
    %not3A_1123 = arith.constant dense<true> : vector<256x1xi1>
    %not3A_1124 = arith.xori %eq3A_1091, %not3A_1123 : vector<256x1xi1>
    %xor3A_1125 = vector.broadcast %not3A_1124 : vector<256x1xi1> to vector<256x128xi1>
    %xor3A_1126 = arith.xori %xor3A_1122, %xor3A_1125 : vector<256x128xi1>
    %select_n3A_1127 = arith.select %xor3A_1126, %select_n3A_1084, %select_n3A_1112 : vector<256x128xi1>, vector<256x128xi32>
    %select_n3A_1128 = arith.select %xor3A_1126, %select_n3A_1085, %select_n3A_1115 : vector<256x128xi1>, vector<256x128xi32>
    %and3A_1129 = arith.constant 64 : i32
    %and3A_1130 = vector.broadcast %and3A_1129 : i32 to vector<256x1xi32>
    %and3A_1131 = arith.andi %iota3A_15, %and3A_1130 : vector<256x1xi32>
    %ne3A_1132 = arith.constant 0 : i32
    %ne3A_1133 = vector.broadcast %ne3A_1132 : i32 to vector<256x1xi32>
    %ne3A_1134 = arith.cmpi ne, %and3A_1131, %ne3A_1133 : vector<256x1xi32>
    %slice3A_1135 = vector.extract_strided_slice %select_n3A_1127 {offsets = [64, 0], sizes = [192, 128], strides = [1, 1]} : vector<256x128xi32> to vector<192x128xi32>
    %slice3A_1136 = vector.extract_strided_slice %select_n3A_1127 {offsets = [0, 0], sizes = [64, 128], strides = [1, 1]} : vector<256x128xi32> to vector<64x128xi32>
    %concatenate3A_1137 = tpu.concatenate %slice3A_1135, %slice3A_1136 in 0 : vector<192x128xi32>, vector<64x128xi32> -> vector<256x128xi32>
    %slice3A_1138 = vector.extract_strided_slice %select_n3A_1127 {offsets = [192, 0], sizes = [64, 128], strides = [1, 1]} : vector<256x128xi32> to vector<64x128xi32>
    %slice3A_1139 = vector.extract_strided_slice %select_n3A_1127 {offsets = [0, 0], sizes = [192, 128], strides = [1, 1]} : vector<256x128xi32> to vector<192x128xi32>
    %concatenate3A_1140 = tpu.concatenate %slice3A_1138, %slice3A_1139 in 0 : vector<64x128xi32>, vector<192x128xi32> -> vector<256x128xi32>
    %slice3A_1141 = vector.extract_strided_slice %select_n3A_1128 {offsets = [64, 0], sizes = [192, 128], strides = [1, 1]} : vector<256x128xi32> to vector<192x128xi32>
    %slice3A_1142 = vector.extract_strided_slice %select_n3A_1128 {offsets = [0, 0], sizes = [64, 128], strides = [1, 1]} : vector<256x128xi32> to vector<64x128xi32>
    %concatenate3A_1143 = tpu.concatenate %slice3A_1141, %slice3A_1142 in 0 : vector<192x128xi32>, vector<64x128xi32> -> vector<256x128xi32>
    %slice3A_1144 = vector.extract_strided_slice %select_n3A_1128 {offsets = [192, 0], sizes = [64, 128], strides = [1, 1]} : vector<256x128xi32> to vector<64x128xi32>
    %slice3A_1145 = vector.extract_strided_slice %select_n3A_1128 {offsets = [0, 0], sizes = [192, 128], strides = [1, 1]} : vector<256x128xi32> to vector<192x128xi32>
    %concatenate3A_1146 = tpu.concatenate %slice3A_1144, %slice3A_1145 in 0 : vector<64x128xi32>, vector<192x128xi32> -> vector<256x128xi32>
    %broadcast_in_dim3A_1147 = vector.shape_cast %ne3A_1134 : vector<256x1xi1> to vector<256x1xi1>
    %broadcast_in_dim3A_1148 = vector.broadcast %broadcast_in_dim3A_1147 : vector<256x1xi1> to vector<256x128xi1>
    %select_n3A_1149 = arith.select %broadcast_in_dim3A_1148, %concatenate3A_1140, %concatenate3A_1137 : vector<256x128xi1>, vector<256x128xi32>
    %broadcast_in_dim3A_1150 = vector.shape_cast %ne3A_1134 : vector<256x1xi1> to vector<256x1xi1>
    %broadcast_in_dim3A_1151 = vector.broadcast %broadcast_in_dim3A_1150 : vector<256x1xi1> to vector<256x128xi1>
    %select_n3A_1152 = arith.select %broadcast_in_dim3A_1151, %concatenate3A_1146, %concatenate3A_1143 : vector<256x128xi1>, vector<256x128xi32>
    %gt3A_1153 = arith.cmpi sgt, %select_n3A_1127, %select_n3A_1149 : vector<256x128xi32>
    %eq3A_1154 = arith.cmpi eq, %select_n3A_1127, %select_n3A_1149 : vector<256x128xi32>
    %lt3A_1155 = arith.cmpi slt, %select_n3A_1128, %select_n3A_1152 : vector<256x128xi32>
    %and3A_1156 = arith.andi %eq3A_1154, %lt3A_1155 : vector<256x128xi1>
    %or3A_1157 = arith.ori %gt3A_1153, %and3A_1156 : vector<256x128xi1>
    %xor3A_1158 = vector.broadcast %ne3A_1134 : vector<256x1xi1> to vector<256x128xi1>
    %xor3A_1159 = arith.xori %or3A_1157, %xor3A_1158 : vector<256x128xi1>
    %not3A_1160 = arith.constant dense<true> : vector<256x1xi1>
    %not3A_1161 = arith.xori %eq3A_1091, %not3A_1160 : vector<256x1xi1>
    %xor3A_1162 = vector.broadcast %not3A_1161 : vector<256x1xi1> to vector<256x128xi1>
    %xor3A_1163 = arith.xori %xor3A_1159, %xor3A_1162 : vector<256x128xi1>
    %select_n3A_1164 = arith.select %xor3A_1163, %select_n3A_1127, %select_n3A_1149 : vector<256x128xi1>, vector<256x128xi32>
    %select_n3A_1165 = arith.select %xor3A_1163, %select_n3A_1128, %select_n3A_1152 : vector<256x128xi1>, vector<256x128xi32>
    %and3A_1166 = arith.constant 32 : i32
    %and3A_1167 = vector.broadcast %and3A_1166 : i32 to vector<256x1xi32>
    %and3A_1168 = arith.andi %iota3A_15, %and3A_1167 : vector<256x1xi32>
    %ne3A_1169 = arith.constant 0 : i32
    %ne3A_1170 = vector.broadcast %ne3A_1169 : i32 to vector<256x1xi32>
    %ne3A_1171 = arith.cmpi ne, %and3A_1168, %ne3A_1170 : vector<256x1xi32>
    %slice3A_1172 = vector.extract_strided_slice %select_n3A_1164 {offsets = [32, 0], sizes = [224, 128], strides = [1, 1]} : vector<256x128xi32> to vector<224x128xi32>
    %slice3A_1173 = vector.extract_strided_slice %select_n3A_1164 {offsets = [0, 0], sizes = [32, 128], strides = [1, 1]} : vector<256x128xi32> to vector<32x128xi32>
    %concatenate3A_1174 = tpu.concatenate %slice3A_1172, %slice3A_1173 in 0 : vector<224x128xi32>, vector<32x128xi32> -> vector<256x128xi32>
    %slice3A_1175 = vector.extract_strided_slice %select_n3A_1164 {offsets = [224, 0], sizes = [32, 128], strides = [1, 1]} : vector<256x128xi32> to vector<32x128xi32>
    %slice3A_1176 = vector.extract_strided_slice %select_n3A_1164 {offsets = [0, 0], sizes = [224, 128], strides = [1, 1]} : vector<256x128xi32> to vector<224x128xi32>
    %concatenate3A_1177 = tpu.concatenate %slice3A_1175, %slice3A_1176 in 0 : vector<32x128xi32>, vector<224x128xi32> -> vector<256x128xi32>
    %slice3A_1178 = vector.extract_strided_slice %select_n3A_1165 {offsets = [32, 0], sizes = [224, 128], strides = [1, 1]} : vector<256x128xi32> to vector<224x128xi32>
    %slice3A_1179 = vector.extract_strided_slice %select_n3A_1165 {offsets = [0, 0], sizes = [32, 128], strides = [1, 1]} : vector<256x128xi32> to vector<32x128xi32>
    %concatenate3A_1180 = tpu.concatenate %slice3A_1178, %slice3A_1179 in 0 : vector<224x128xi32>, vector<32x128xi32> -> vector<256x128xi32>
    %slice3A_1181 = vector.extract_strided_slice %select_n3A_1165 {offsets = [224, 0], sizes = [32, 128], strides = [1, 1]} : vector<256x128xi32> to vector<32x128xi32>
    %slice3A_1182 = vector.extract_strided_slice %select_n3A_1165 {offsets = [0, 0], sizes = [224, 128], strides = [1, 1]} : vector<256x128xi32> to vector<224x128xi32>
    %concatenate3A_1183 = tpu.concatenate %slice3A_1181, %slice3A_1182 in 0 : vector<32x128xi32>, vector<224x128xi32> -> vector<256x128xi32>
    %broadcast_in_dim3A_1184 = vector.shape_cast %ne3A_1171 : vector<256x1xi1> to vector<256x1xi1>
    %broadcast_in_dim3A_1185 = vector.broadcast %broadcast_in_dim3A_1184 : vector<256x1xi1> to vector<256x128xi1>
    %select_n3A_1186 = arith.select %broadcast_in_dim3A_1185, %concatenate3A_1177, %concatenate3A_1174 : vector<256x128xi1>, vector<256x128xi32>
    %broadcast_in_dim3A_1187 = vector.shape_cast %ne3A_1171 : vector<256x1xi1> to vector<256x1xi1>
    %broadcast_in_dim3A_1188 = vector.broadcast %broadcast_in_dim3A_1187 : vector<256x1xi1> to vector<256x128xi1>
    %select_n3A_1189 = arith.select %broadcast_in_dim3A_1188, %concatenate3A_1183, %concatenate3A_1180 : vector<256x128xi1>, vector<256x128xi32>
    %gt3A_1190 = arith.cmpi sgt, %select_n3A_1164, %select_n3A_1186 : vector<256x128xi32>
    %eq3A_1191 = arith.cmpi eq, %select_n3A_1164, %select_n3A_1186 : vector<256x128xi32>
    %lt3A_1192 = arith.cmpi slt, %select_n3A_1165, %select_n3A_1189 : vector<256x128xi32>
    %and3A_1193 = arith.andi %eq3A_1191, %lt3A_1192 : vector<256x128xi1>
    %or3A_1194 = arith.ori %gt3A_1190, %and3A_1193 : vector<256x128xi1>
    %xor3A_1195 = vector.broadcast %ne3A_1171 : vector<256x1xi1> to vector<256x128xi1>
    %xor3A_1196 = arith.xori %or3A_1194, %xor3A_1195 : vector<256x128xi1>
    %not3A_1197 = arith.constant dense<true> : vector<256x1xi1>
    %not3A_1198 = arith.xori %eq3A_1091, %not3A_1197 : vector<256x1xi1>
    %xor3A_1199 = vector.broadcast %not3A_1198 : vector<256x1xi1> to vector<256x128xi1>
    %xor3A_1200 = arith.xori %xor3A_1196, %xor3A_1199 : vector<256x128xi1>
    %select_n3A_1201 = arith.select %xor3A_1200, %select_n3A_1164, %select_n3A_1186 : vector<256x128xi1>, vector<256x128xi32>
    %select_n3A_1202 = arith.select %xor3A_1200, %select_n3A_1165, %select_n3A_1189 : vector<256x128xi1>, vector<256x128xi32>
    %and3A_1203 = arith.constant 16 : i32
    %and3A_1204 = vector.broadcast %and3A_1203 : i32 to vector<256x1xi32>
    %and3A_1205 = arith.andi %iota3A_15, %and3A_1204 : vector<256x1xi32>
    %ne3A_1206 = arith.constant 0 : i32
    %ne3A_1207 = vector.broadcast %ne3A_1206 : i32 to vector<256x1xi32>
    %ne3A_1208 = arith.cmpi ne, %and3A_1205, %ne3A_1207 : vector<256x1xi32>
    %slice3A_1209 = vector.extract_strided_slice %select_n3A_1201 {offsets = [16, 0], sizes = [240, 128], strides = [1, 1]} : vector<256x128xi32> to vector<240x128xi32>
    %slice3A_1210 = vector.extract_strided_slice %select_n3A_1201 {offsets = [0, 0], sizes = [16, 128], strides = [1, 1]} : vector<256x128xi32> to vector<16x128xi32>
    %concatenate3A_1211 = tpu.concatenate %slice3A_1209, %slice3A_1210 in 0 : vector<240x128xi32>, vector<16x128xi32> -> vector<256x128xi32>
    %slice3A_1212 = vector.extract_strided_slice %select_n3A_1201 {offsets = [240, 0], sizes = [16, 128], strides = [1, 1]} : vector<256x128xi32> to vector<16x128xi32>
    %slice3A_1213 = vector.extract_strided_slice %select_n3A_1201 {offsets = [0, 0], sizes = [240, 128], strides = [1, 1]} : vector<256x128xi32> to vector<240x128xi32>
    %concatenate3A_1214 = tpu.concatenate %slice3A_1212, %slice3A_1213 in 0 : vector<16x128xi32>, vector<240x128xi32> -> vector<256x128xi32>
    %slice3A_1215 = vector.extract_strided_slice %select_n3A_1202 {offsets = [16, 0], sizes = [240, 128], strides = [1, 1]} : vector<256x128xi32> to vector<240x128xi32>
    %slice3A_1216 = vector.extract_strided_slice %select_n3A_1202 {offsets = [0, 0], sizes = [16, 128], strides = [1, 1]} : vector<256x128xi32> to vector<16x128xi32>
    %concatenate3A_1217 = tpu.concatenate %slice3A_1215, %slice3A_1216 in 0 : vector<240x128xi32>, vector<16x128xi32> -> vector<256x128xi32>
    %slice3A_1218 = vector.extract_strided_slice %select_n3A_1202 {offsets = [240, 0], sizes = [16, 128], strides = [1, 1]} : vector<256x128xi32> to vector<16x128xi32>
    %slice3A_1219 = vector.extract_strided_slice %select_n3A_1202 {offsets = [0, 0], sizes = [240, 128], strides = [1, 1]} : vector<256x128xi32> to vector<240x128xi32>
    %concatenate3A_1220 = tpu.concatenate %slice3A_1218, %slice3A_1219 in 0 : vector<16x128xi32>, vector<240x128xi32> -> vector<256x128xi32>
    %broadcast_in_dim3A_1221 = vector.shape_cast %ne3A_1208 : vector<256x1xi1> to vector<256x1xi1>
    %broadcast_in_dim3A_1222 = vector.broadcast %broadcast_in_dim3A_1221 : vector<256x1xi1> to vector<256x128xi1>
    %select_n3A_1223 = arith.select %broadcast_in_dim3A_1222, %concatenate3A_1214, %concatenate3A_1211 : vector<256x128xi1>, vector<256x128xi32>
    %broadcast_in_dim3A_1224 = vector.shape_cast %ne3A_1208 : vector<256x1xi1> to vector<256x1xi1>
    %broadcast_in_dim3A_1225 = vector.broadcast %broadcast_in_dim3A_1224 : vector<256x1xi1> to vector<256x128xi1>
    %select_n3A_1226 = arith.select %broadcast_in_dim3A_1225, %concatenate3A_1220, %concatenate3A_1217 : vector<256x128xi1>, vector<256x128xi32>
    %gt3A_1227 = arith.cmpi sgt, %select_n3A_1201, %select_n3A_1223 : vector<256x128xi32>
    %eq3A_1228 = arith.cmpi eq, %select_n3A_1201, %select_n3A_1223 : vector<256x128xi32>
    %lt3A_1229 = arith.cmpi slt, %select_n3A_1202, %select_n3A_1226 : vector<256x128xi32>
    %and3A_1230 = arith.andi %eq3A_1228, %lt3A_1229 : vector<256x128xi1>
    %or3A_1231 = arith.ori %gt3A_1227, %and3A_1230 : vector<256x128xi1>
    %xor3A_1232 = vector.broadcast %ne3A_1208 : vector<256x1xi1> to vector<256x128xi1>
    %xor3A_1233 = arith.xori %or3A_1231, %xor3A_1232 : vector<256x128xi1>
    %not3A_1234 = arith.constant dense<true> : vector<256x1xi1>
    %not3A_1235 = arith.xori %eq3A_1091, %not3A_1234 : vector<256x1xi1>
    %xor3A_1236 = vector.broadcast %not3A_1235 : vector<256x1xi1> to vector<256x128xi1>
    %xor3A_1237 = arith.xori %xor3A_1233, %xor3A_1236 : vector<256x128xi1>
    %select_n3A_1238 = arith.select %xor3A_1237, %select_n3A_1201, %select_n3A_1223 : vector<256x128xi1>, vector<256x128xi32>
    %select_n3A_1239 = arith.select %xor3A_1237, %select_n3A_1202, %select_n3A_1226 : vector<256x128xi1>, vector<256x128xi32>
    %and3A_1240 = arith.constant 8 : i32
    %and3A_1241 = vector.broadcast %and3A_1240 : i32 to vector<256x1xi32>
    %and3A_1242 = arith.andi %iota3A_15, %and3A_1241 : vector<256x1xi32>
    %ne3A_1243 = arith.constant 0 : i32
    %ne3A_1244 = vector.broadcast %ne3A_1243 : i32 to vector<256x1xi32>
    %ne3A_1245 = arith.cmpi ne, %and3A_1242, %ne3A_1244 : vector<256x1xi32>
    %slice3A_1246 = vector.extract_strided_slice %select_n3A_1238 {offsets = [8, 0], sizes = [248, 128], strides = [1, 1]} : vector<256x128xi32> to vector<248x128xi32>
    %slice3A_1247 = vector.extract_strided_slice %select_n3A_1238 {offsets = [0, 0], sizes = [8, 128], strides = [1, 1]} : vector<256x128xi32> to vector<8x128xi32>
    %concatenate3A_1248 = tpu.concatenate %slice3A_1246, %slice3A_1247 in 0 : vector<248x128xi32>, vector<8x128xi32> -> vector<256x128xi32>
    %slice3A_1249 = vector.extract_strided_slice %select_n3A_1238 {offsets = [248, 0], sizes = [8, 128], strides = [1, 1]} : vector<256x128xi32> to vector<8x128xi32>
    %slice3A_1250 = vector.extract_strided_slice %select_n3A_1238 {offsets = [0, 0], sizes = [248, 128], strides = [1, 1]} : vector<256x128xi32> to vector<248x128xi32>
    %concatenate3A_1251 = tpu.concatenate %slice3A_1249, %slice3A_1250 in 0 : vector<8x128xi32>, vector<248x128xi32> -> vector<256x128xi32>
    %slice3A_1252 = vector.extract_strided_slice %select_n3A_1239 {offsets = [8, 0], sizes = [248, 128], strides = [1, 1]} : vector<256x128xi32> to vector<248x128xi32>
    %slice3A_1253 = vector.extract_strided_slice %select_n3A_1239 {offsets = [0, 0], sizes = [8, 128], strides = [1, 1]} : vector<256x128xi32> to vector<8x128xi32>
    %concatenate3A_1254 = tpu.concatenate %slice3A_1252, %slice3A_1253 in 0 : vector<248x128xi32>, vector<8x128xi32> -> vector<256x128xi32>
    %slice3A_1255 = vector.extract_strided_slice %select_n3A_1239 {offsets = [248, 0], sizes = [8, 128], strides = [1, 1]} : vector<256x128xi32> to vector<8x128xi32>
    %slice3A_1256 = vector.extract_strided_slice %select_n3A_1239 {offsets = [0, 0], sizes = [248, 128], strides = [1, 1]} : vector<256x128xi32> to vector<248x128xi32>
    %concatenate3A_1257 = tpu.concatenate %slice3A_1255, %slice3A_1256 in 0 : vector<8x128xi32>, vector<248x128xi32> -> vector<256x128xi32>
    %broadcast_in_dim3A_1258 = vector.shape_cast %ne3A_1245 : vector<256x1xi1> to vector<256x1xi1>
    %broadcast_in_dim3A_1259 = vector.broadcast %broadcast_in_dim3A_1258 : vector<256x1xi1> to vector<256x128xi1>
    %select_n3A_1260 = arith.select %broadcast_in_dim3A_1259, %concatenate3A_1251, %concatenate3A_1248 : vector<256x128xi1>, vector<256x128xi32>
    %broadcast_in_dim3A_1261 = vector.shape_cast %ne3A_1245 : vector<256x1xi1> to vector<256x1xi1>
    %broadcast_in_dim3A_1262 = vector.broadcast %broadcast_in_dim3A_1261 : vector<256x1xi1> to vector<256x128xi1>
    %select_n3A_1263 = arith.select %broadcast_in_dim3A_1262, %concatenate3A_1257, %concatenate3A_1254 : vector<256x128xi1>, vector<256x128xi32>
    %gt3A_1264 = arith.cmpi sgt, %select_n3A_1238, %select_n3A_1260 : vector<256x128xi32>
    %eq3A_1265 = arith.cmpi eq, %select_n3A_1238, %select_n3A_1260 : vector<256x128xi32>
    %lt3A_1266 = arith.cmpi slt, %select_n3A_1239, %select_n3A_1263 : vector<256x128xi32>
    %and3A_1267 = arith.andi %eq3A_1265, %lt3A_1266 : vector<256x128xi1>
    %or3A_1268 = arith.ori %gt3A_1264, %and3A_1267 : vector<256x128xi1>
    %xor3A_1269 = vector.broadcast %ne3A_1245 : vector<256x1xi1> to vector<256x128xi1>
    %xor3A_1270 = arith.xori %or3A_1268, %xor3A_1269 : vector<256x128xi1>
    %not3A_1271 = arith.constant dense<true> : vector<256x1xi1>
    %not3A_1272 = arith.xori %eq3A_1091, %not3A_1271 : vector<256x1xi1>
    %xor3A_1273 = vector.broadcast %not3A_1272 : vector<256x1xi1> to vector<256x128xi1>
    %xor3A_1274 = arith.xori %xor3A_1270, %xor3A_1273 : vector<256x128xi1>
    %select_n3A_1275 = arith.select %xor3A_1274, %select_n3A_1238, %select_n3A_1260 : vector<256x128xi1>, vector<256x128xi32>
    %select_n3A_1276 = arith.select %xor3A_1274, %select_n3A_1239, %select_n3A_1263 : vector<256x128xi1>, vector<256x128xi32>
    %and3A_1277 = arith.constant 4 : i32
    %and3A_1278 = vector.broadcast %and3A_1277 : i32 to vector<256x1xi32>
    %and3A_1279 = arith.andi %iota3A_15, %and3A_1278 : vector<256x1xi32>
    %ne3A_1280 = arith.constant 0 : i32
    %ne3A_1281 = vector.broadcast %ne3A_1280 : i32 to vector<256x1xi32>
    %ne3A_1282 = arith.cmpi ne, %and3A_1279, %ne3A_1281 : vector<256x1xi32>
    %slice3A_1283 = vector.extract_strided_slice %select_n3A_1275 {offsets = [4, 0], sizes = [252, 128], strides = [1, 1]} : vector<256x128xi32> to vector<252x128xi32>
    %slice3A_1284 = vector.extract_strided_slice %select_n3A_1275 {offsets = [0, 0], sizes = [4, 128], strides = [1, 1]} : vector<256x128xi32> to vector<4x128xi32>
    %concatenate3A_1285 = tpu.concatenate %slice3A_1283, %slice3A_1284 in 0 : vector<252x128xi32>, vector<4x128xi32> -> vector<256x128xi32>
    %slice3A_1286 = vector.extract_strided_slice %select_n3A_1275 {offsets = [252, 0], sizes = [4, 128], strides = [1, 1]} : vector<256x128xi32> to vector<4x128xi32>
    %slice3A_1287 = vector.extract_strided_slice %select_n3A_1275 {offsets = [0, 0], sizes = [252, 128], strides = [1, 1]} : vector<256x128xi32> to vector<252x128xi32>
    %concatenate3A_1288 = tpu.concatenate %slice3A_1286, %slice3A_1287 in 0 : vector<4x128xi32>, vector<252x128xi32> -> vector<256x128xi32>
    %slice3A_1289 = vector.extract_strided_slice %select_n3A_1276 {offsets = [4, 0], sizes = [252, 128], strides = [1, 1]} : vector<256x128xi32> to vector<252x128xi32>
    %slice3A_1290 = vector.extract_strided_slice %select_n3A_1276 {offsets = [0, 0], sizes = [4, 128], strides = [1, 1]} : vector<256x128xi32> to vector<4x128xi32>
    %concatenate3A_1291 = tpu.concatenate %slice3A_1289, %slice3A_1290 in 0 : vector<252x128xi32>, vector<4x128xi32> -> vector<256x128xi32>
    %slice3A_1292 = vector.extract_strided_slice %select_n3A_1276 {offsets = [252, 0], sizes = [4, 128], strides = [1, 1]} : vector<256x128xi32> to vector<4x128xi32>
    %slice3A_1293 = vector.extract_strided_slice %select_n3A_1276 {offsets = [0, 0], sizes = [252, 128], strides = [1, 1]} : vector<256x128xi32> to vector<252x128xi32>
    %concatenate3A_1294 = tpu.concatenate %slice3A_1292, %slice3A_1293 in 0 : vector<4x128xi32>, vector<252x128xi32> -> vector<256x128xi32>
    %broadcast_in_dim3A_1295 = vector.shape_cast %ne3A_1282 : vector<256x1xi1> to vector<256x1xi1>
    %broadcast_in_dim3A_1296 = vector.broadcast %broadcast_in_dim3A_1295 : vector<256x1xi1> to vector<256x128xi1>
    %select_n3A_1297 = arith.select %broadcast_in_dim3A_1296, %concatenate3A_1288, %concatenate3A_1285 : vector<256x128xi1>, vector<256x128xi32>
    %broadcast_in_dim3A_1298 = vector.shape_cast %ne3A_1282 : vector<256x1xi1> to vector<256x1xi1>
    %broadcast_in_dim3A_1299 = vector.broadcast %broadcast_in_dim3A_1298 : vector<256x1xi1> to vector<256x128xi1>
    %select_n3A_1300 = arith.select %broadcast_in_dim3A_1299, %concatenate3A_1294, %concatenate3A_1291 : vector<256x128xi1>, vector<256x128xi32>
    %gt3A_1301 = arith.cmpi sgt, %select_n3A_1275, %select_n3A_1297 : vector<256x128xi32>
    %eq3A_1302 = arith.cmpi eq, %select_n3A_1275, %select_n3A_1297 : vector<256x128xi32>
    %lt3A_1303 = arith.cmpi slt, %select_n3A_1276, %select_n3A_1300 : vector<256x128xi32>
    %and3A_1304 = arith.andi %eq3A_1302, %lt3A_1303 : vector<256x128xi1>
    %or3A_1305 = arith.ori %gt3A_1301, %and3A_1304 : vector<256x128xi1>
    %xor3A_1306 = vector.broadcast %ne3A_1282 : vector<256x1xi1> to vector<256x128xi1>
    %xor3A_1307 = arith.xori %or3A_1305, %xor3A_1306 : vector<256x128xi1>
    %not3A_1308 = arith.constant dense<true> : vector<256x1xi1>
    %not3A_1309 = arith.xori %eq3A_1091, %not3A_1308 : vector<256x1xi1>
    %xor3A_1310 = vector.broadcast %not3A_1309 : vector<256x1xi1> to vector<256x128xi1>
    %xor3A_1311 = arith.xori %xor3A_1307, %xor3A_1310 : vector<256x128xi1>
    %select_n3A_1312 = arith.select %xor3A_1311, %select_n3A_1275, %select_n3A_1297 : vector<256x128xi1>, vector<256x128xi32>
    %select_n3A_1313 = arith.select %xor3A_1311, %select_n3A_1276, %select_n3A_1300 : vector<256x128xi1>, vector<256x128xi32>
    %and3A_1314 = arith.constant 2 : i32
    %and3A_1315 = vector.broadcast %and3A_1314 : i32 to vector<256x1xi32>
    %and3A_1316 = arith.andi %iota3A_15, %and3A_1315 : vector<256x1xi32>
    %ne3A_1317 = arith.constant 0 : i32
    %ne3A_1318 = vector.broadcast %ne3A_1317 : i32 to vector<256x1xi32>
    %ne3A_1319 = arith.cmpi ne, %and3A_1316, %ne3A_1318 : vector<256x1xi32>
    %slice3A_1320 = vector.extract_strided_slice %select_n3A_1312 {offsets = [2, 0], sizes = [254, 128], strides = [1, 1]} : vector<256x128xi32> to vector<254x128xi32>
    %slice3A_1321 = vector.extract_strided_slice %select_n3A_1312 {offsets = [0, 0], sizes = [2, 128], strides = [1, 1]} : vector<256x128xi32> to vector<2x128xi32>
    %concatenate3A_1322 = tpu.concatenate %slice3A_1320, %slice3A_1321 in 0 : vector<254x128xi32>, vector<2x128xi32> -> vector<256x128xi32>
    %slice3A_1323 = vector.extract_strided_slice %select_n3A_1312 {offsets = [254, 0], sizes = [2, 128], strides = [1, 1]} : vector<256x128xi32> to vector<2x128xi32>
    %slice3A_1324 = vector.extract_strided_slice %select_n3A_1312 {offsets = [0, 0], sizes = [254, 128], strides = [1, 1]} : vector<256x128xi32> to vector<254x128xi32>
    %concatenate3A_1325 = tpu.concatenate %slice3A_1323, %slice3A_1324 in 0 : vector<2x128xi32>, vector<254x128xi32> -> vector<256x128xi32>
    %slice3A_1326 = vector.extract_strided_slice %select_n3A_1313 {offsets = [2, 0], sizes = [254, 128], strides = [1, 1]} : vector<256x128xi32> to vector<254x128xi32>
    %slice3A_1327 = vector.extract_strided_slice %select_n3A_1313 {offsets = [0, 0], sizes = [2, 128], strides = [1, 1]} : vector<256x128xi32> to vector<2x128xi32>
    %concatenate3A_1328 = tpu.concatenate %slice3A_1326, %slice3A_1327 in 0 : vector<254x128xi32>, vector<2x128xi32> -> vector<256x128xi32>
    %slice3A_1329 = vector.extract_strided_slice %select_n3A_1313 {offsets = [254, 0], sizes = [2, 128], strides = [1, 1]} : vector<256x128xi32> to vector<2x128xi32>
    %slice3A_1330 = vector.extract_strided_slice %select_n3A_1313 {offsets = [0, 0], sizes = [254, 128], strides = [1, 1]} : vector<256x128xi32> to vector<254x128xi32>
    %concatenate3A_1331 = tpu.concatenate %slice3A_1329, %slice3A_1330 in 0 : vector<2x128xi32>, vector<254x128xi32> -> vector<256x128xi32>
    %broadcast_in_dim3A_1332 = vector.shape_cast %ne3A_1319 : vector<256x1xi1> to vector<256x1xi1>
    %broadcast_in_dim3A_1333 = vector.broadcast %broadcast_in_dim3A_1332 : vector<256x1xi1> to vector<256x128xi1>
    %select_n3A_1334 = arith.select %broadcast_in_dim3A_1333, %concatenate3A_1325, %concatenate3A_1322 : vector<256x128xi1>, vector<256x128xi32>
    %broadcast_in_dim3A_1335 = vector.shape_cast %ne3A_1319 : vector<256x1xi1> to vector<256x1xi1>
    %broadcast_in_dim3A_1336 = vector.broadcast %broadcast_in_dim3A_1335 : vector<256x1xi1> to vector<256x128xi1>
    %select_n3A_1337 = arith.select %broadcast_in_dim3A_1336, %concatenate3A_1331, %concatenate3A_1328 : vector<256x128xi1>, vector<256x128xi32>
    %gt3A_1338 = arith.cmpi sgt, %select_n3A_1312, %select_n3A_1334 : vector<256x128xi32>
    %eq3A_1339 = arith.cmpi eq, %select_n3A_1312, %select_n3A_1334 : vector<256x128xi32>
    %lt3A_1340 = arith.cmpi slt, %select_n3A_1313, %select_n3A_1337 : vector<256x128xi32>
    %and3A_1341 = arith.andi %eq3A_1339, %lt3A_1340 : vector<256x128xi1>
    %or3A_1342 = arith.ori %gt3A_1338, %and3A_1341 : vector<256x128xi1>
    %xor3A_1343 = vector.broadcast %ne3A_1319 : vector<256x1xi1> to vector<256x128xi1>
    %xor3A_1344 = arith.xori %or3A_1342, %xor3A_1343 : vector<256x128xi1>
    %not3A_1345 = arith.constant dense<true> : vector<256x1xi1>
    %not3A_1346 = arith.xori %eq3A_1091, %not3A_1345 : vector<256x1xi1>
    %xor3A_1347 = vector.broadcast %not3A_1346 : vector<256x1xi1> to vector<256x128xi1>
    %xor3A_1348 = arith.xori %xor3A_1344, %xor3A_1347 : vector<256x128xi1>
    %select_n3A_1349 = arith.select %xor3A_1348, %select_n3A_1312, %select_n3A_1334 : vector<256x128xi1>, vector<256x128xi32>
    %select_n3A_1350 = arith.select %xor3A_1348, %select_n3A_1313, %select_n3A_1337 : vector<256x128xi1>, vector<256x128xi32>
    %and3A_1351 = arith.constant 1 : i32
    %and3A_1352 = vector.broadcast %and3A_1351 : i32 to vector<256x1xi32>
    %and3A_1353 = arith.andi %iota3A_15, %and3A_1352 : vector<256x1xi32>
    %ne3A_1354 = arith.constant 0 : i32
    %ne3A_1355 = vector.broadcast %ne3A_1354 : i32 to vector<256x1xi32>
    %ne3A_1356 = arith.cmpi ne, %and3A_1353, %ne3A_1355 : vector<256x1xi32>
    %slice3A_1357 = vector.extract_strided_slice %select_n3A_1349 {offsets = [1, 0], sizes = [255, 128], strides = [1, 1]} : vector<256x128xi32> to vector<255x128xi32>
    %slice3A_1358 = vector.extract_strided_slice %select_n3A_1349 {offsets = [0, 0], sizes = [1, 128], strides = [1, 1]} : vector<256x128xi32> to vector<1x128xi32>
    %concatenate3A_1359 = tpu.concatenate %slice3A_1357, %slice3A_1358 in 0 : vector<255x128xi32>, vector<1x128xi32> -> vector<256x128xi32>
    %slice3A_1360 = vector.extract_strided_slice %select_n3A_1349 {offsets = [255, 0], sizes = [1, 128], strides = [1, 1]} : vector<256x128xi32> to vector<1x128xi32>
    %slice3A_1361 = vector.extract_strided_slice %select_n3A_1349 {offsets = [0, 0], sizes = [255, 128], strides = [1, 1]} : vector<256x128xi32> to vector<255x128xi32>
    %concatenate3A_1362 = tpu.concatenate %slice3A_1360, %slice3A_1361 in 0 : vector<1x128xi32>, vector<255x128xi32> -> vector<256x128xi32>
    %slice3A_1363 = vector.extract_strided_slice %select_n3A_1350 {offsets = [1, 0], sizes = [255, 128], strides = [1, 1]} : vector<256x128xi32> to vector<255x128xi32>
    %slice3A_1364 = vector.extract_strided_slice %select_n3A_1350 {offsets = [0, 0], sizes = [1, 128], strides = [1, 1]} : vector<256x128xi32> to vector<1x128xi32>
    %concatenate3A_1365 = tpu.concatenate %slice3A_1363, %slice3A_1364 in 0 : vector<255x128xi32>, vector<1x128xi32> -> vector<256x128xi32>
    %slice3A_1366 = vector.extract_strided_slice %select_n3A_1350 {offsets = [255, 0], sizes = [1, 128], strides = [1, 1]} : vector<256x128xi32> to vector<1x128xi32>
    %slice3A_1367 = vector.extract_strided_slice %select_n3A_1350 {offsets = [0, 0], sizes = [255, 128], strides = [1, 1]} : vector<256x128xi32> to vector<255x128xi32>
    %concatenate3A_1368 = tpu.concatenate %slice3A_1366, %slice3A_1367 in 0 : vector<1x128xi32>, vector<255x128xi32> -> vector<256x128xi32>
    %broadcast_in_dim3A_1369 = vector.shape_cast %ne3A_1356 : vector<256x1xi1> to vector<256x1xi1>
    %broadcast_in_dim3A_1370 = vector.broadcast %broadcast_in_dim3A_1369 : vector<256x1xi1> to vector<256x128xi1>
    %select_n3A_1371 = arith.select %broadcast_in_dim3A_1370, %concatenate3A_1362, %concatenate3A_1359 : vector<256x128xi1>, vector<256x128xi32>
    %broadcast_in_dim3A_1372 = vector.shape_cast %ne3A_1356 : vector<256x1xi1> to vector<256x1xi1>
    %broadcast_in_dim3A_1373 = vector.broadcast %broadcast_in_dim3A_1372 : vector<256x1xi1> to vector<256x128xi1>
    %select_n3A_1374 = arith.select %broadcast_in_dim3A_1373, %concatenate3A_1368, %concatenate3A_1365 : vector<256x128xi1>, vector<256x128xi32>
    %gt3A_1375 = arith.cmpi sgt, %select_n3A_1349, %select_n3A_1371 : vector<256x128xi32>
    %eq3A_1376 = arith.cmpi eq, %select_n3A_1349, %select_n3A_1371 : vector<256x128xi32>
    %lt3A_1377 = arith.cmpi slt, %select_n3A_1350, %select_n3A_1374 : vector<256x128xi32>
    %and3A_1378 = arith.andi %eq3A_1376, %lt3A_1377 : vector<256x128xi1>
    %or3A_1379 = arith.ori %gt3A_1375, %and3A_1378 : vector<256x128xi1>
    %xor3A_1380 = vector.broadcast %ne3A_1356 : vector<256x1xi1> to vector<256x128xi1>
    %xor3A_1381 = arith.xori %or3A_1379, %xor3A_1380 : vector<256x128xi1>
    %not3A_1382 = arith.constant dense<true> : vector<256x1xi1>
    %not3A_1383 = arith.xori %eq3A_1091, %not3A_1382 : vector<256x1xi1>
    %xor3A_1384 = vector.broadcast %not3A_1383 : vector<256x1xi1> to vector<256x128xi1>
    %xor3A_1385 = arith.xori %xor3A_1381, %xor3A_1384 : vector<256x128xi1>
    %select_n3A_1386 = arith.select %xor3A_1385, %select_n3A_1350, %select_n3A_1374 : vector<256x128xi1>, vector<256x128xi32>
    %slice3A_1387 = vector.extract_strided_slice %select_n3A_1386 {offsets = [0, 0], sizes = [128, 128], strides = [1, 1]} : vector<256x128xi32> to vector<128x128xi32>
    %swap3A = arith.constant 0 : index
    %swap3A_1388 = arith.constant 0 : index
    %swap3A_1389 = arith.constant 0 : index
    %swap3A_1390 = vector.load %arg2[%swap3A, %swap3A_1388, %swap3A_1389] : memref<1x128x256xi32, #tpu.memory_space<vmem>>, vector<1x128x128xi32>
    %swap3A_1391 = vector.shape_cast %swap3A_1390 : vector<1x128x128xi32> to vector<128x128xi32>
    %swap3A_1392 = vector.shape_cast %slice3A_1387 : vector<128x128xi32> to vector<1x128x128xi32>
    tpu.vector_store %arg2[%swap3A, %swap3A_1388, %swap3A_1389], %swap3A_1392 {strides = array<i32>} : memref<1x128x256xi32, #tpu.memory_space<vmem>>, vector<1x128x128xi32>,
    %slice3A_1393 = vector.extract_strided_slice %div3A {offsets = [0, 128], sizes = [256, 128], strides = [1, 1]} : vector<256x256xf32> to vector<256x128xf32>
    %bitcast_convert_type3A_1394 = tpu.bitcast %slice3A_1393 : vector<256x128xf32> -> vector<256x128xi32>
    %ge3A_1395 = arith.constant 0 : i32
    %ge3A_1396 = vector.broadcast %ge3A_1395 : i32 to vector<256x128xi32>
    %ge3A_1397 = arith.cmpi sge, %bitcast_convert_type3A_1394, %ge3A_1396 : vector<256x128xi32>
    %xor3A_1398 = arith.constant 2147483647 : i32
    %xor3A_1399 = vector.broadcast %xor3A_1398 : i32 to vector<256x128xi32>
    %xor3A_1400 = arith.xori %bitcast_convert_type3A_1394, %xor3A_1399 : vector<256x128xi32>
    %select_n3A_1401 = arith.select %ge3A_1397, %bitcast_convert_type3A_1394, %xor3A_1400 : vector<256x128xi1>, vector<256x128xi32>
    %iota3A_1402 = tpu.iota {dimensions = array<i32: 0>} : vector<256x128xi32>
    %iota3A_1403 = tpu.iota {dimensions = array<i32: 0>} : vector<256x1xi32>
    %and3A_1404 = arith.constant 2 : i32
    %and3A_1405 = vector.broadcast %and3A_1404 : i32 to vector<256x1xi32>
    %and3A_1406 = arith.andi %iota3A_1403, %and3A_1405 : vector<256x1xi32>
    %eq3A_1407 = arith.constant 0 : i32
    %eq3A_1408 = vector.broadcast %eq3A_1407 : i32 to vector<256x1xi32>
    %eq3A_1409 = arith.cmpi eq, %and3A_1406, %eq3A_1408 : vector<256x1xi32>
    %and3A_1410 = arith.constant 1 : i32
    %and3A_1411 = vector.broadcast %and3A_1410 : i32 to vector<256x1xi32>
    %and3A_1412 = arith.andi %iota3A_1403, %and3A_1411 : vector<256x1xi32>
    %ne3A_1413 = arith.constant 0 : i32
    %ne3A_1414 = vector.broadcast %ne3A_1413 : i32 to vector<256x1xi32>
    %ne3A_1415 = arith.cmpi ne, %and3A_1412, %ne3A_1414 : vector<256x1xi32>
    %slice3A_1416 = vector.extract_strided_slice %select_n3A_1401 {offsets = [1, 0], sizes = [255, 128], strides = [1, 1]} : vector<256x128xi32> to vector<255x128xi32>
    %slice3A_1417 = vector.extract_strided_slice %select_n3A_1401 {offsets = [0, 0], sizes = [1, 128], strides = [1, 1]} : vector<256x128xi32> to vector<1x128xi32>
    %concatenate3A_1418 = tpu.concatenate %slice3A_1416, %slice3A_1417 in 0 : vector<255x128xi32>, vector<1x128xi32> -> vector<256x128xi32>
    %slice3A_1419 = vector.extract_strided_slice %select_n3A_1401 {offsets = [255, 0], sizes = [1, 128], strides = [1, 1]} : vector<256x128xi32> to vector<1x128xi32>
    %slice3A_1420 = vector.extract_strided_slice %select_n3A_1401 {offsets = [0, 0], sizes = [255, 128], strides = [1, 1]} : vector<256x128xi32> to vector<255x128xi32>
    %concatenate3A_1421 = tpu.concatenate %slice3A_1419, %slice3A_1420 in 0 : vector<1x128xi32>, vector<255x128xi32> -> vector<256x128xi32>
    %slice3A_1422 = vector.extract_strided_slice %iota3A_1402 {offsets = [1, 0], sizes = [255, 128], strides = [1, 1]} : vector<256x128xi32> to vector<255x128xi32>
    %slice3A_1423 = vector.extract_strided_slice %iota3A_1402 {offsets = [0, 0], sizes = [1, 128], strides = [1, 1]} : vector<256x128xi32> to vector<1x128xi32>
    %concatenate3A_1424 = tpu.concatenate %slice3A_1422, %slice3A_1423 in 0 : vector<255x128xi32>, vector<1x128xi32> -> vector<256x128xi32>
    %slice3A_1425 = vector.extract_strided_slice %iota3A_1402 {offsets = [255, 0], sizes = [1, 128], strides = [1, 1]} : vector<256x128xi32> to vector<1x128xi32>
    %slice3A_1426 = vector.extract_strided_slice %iota3A_1402 {offsets = [0, 0], sizes = [255, 128], strides = [1, 1]} : vector<256x128xi32> to vector<255x128xi32>
    %concatenate3A_1427 = tpu.concatenate %slice3A_1425, %slice3A_1426 in 0 : vector<1x128xi32>, vector<255x128xi32> -> vector<256x128xi32>
    %broadcast_in_dim3A_1428 = vector.shape_cast %ne3A_1415 : vector<256x1xi1> to vector<256x1xi1>
    %broadcast_in_dim3A_1429 = vector.broadcast %broadcast_in_dim3A_1428 : vector<256x1xi1> to vector<256x128xi1>
    %select_n3A_1430 = arith.select %broadcast_in_dim3A_1429, %concatenate3A_1421, %concatenate3A_1418 : vector<256x128xi1>, vector<256x128xi32>
    %broadcast_in_dim3A_1431 = vector.shape_cast %ne3A_1415 : vector<256x1xi1> to vector<256x1xi1>
    %broadcast_in_dim3A_1432 = vector.broadcast %broadcast_in_dim3A_1431 : vector<256x1xi1> to vector<256x128xi1>
    %select_n3A_1433 = arith.select %broadcast_in_dim3A_1432, %concatenate3A_1427, %concatenate3A_1424 : vector<256x128xi1>, vector<256x128xi32>
    %gt3A_1434 = arith.cmpi sgt, %select_n3A_1401, %select_n3A_1430 : vector<256x128xi32>
    %eq3A_1435 = arith.cmpi eq, %select_n3A_1401, %select_n3A_1430 : vector<256x128xi32>
    %lt3A_1436 = arith.cmpi slt, %iota3A_1402, %select_n3A_1433 : vector<256x128xi32>
    %and3A_1437 = arith.andi %eq3A_1435, %lt3A_1436 : vector<256x128xi1>
    %or3A_1438 = arith.ori %gt3A_1434, %and3A_1437 : vector<256x128xi1>
    %xor3A_1439 = vector.broadcast %ne3A_1415 : vector<256x1xi1> to vector<256x128xi1>
    %xor3A_1440 = arith.xori %or3A_1438, %xor3A_1439 : vector<256x128xi1>
    %not3A_1441 = arith.constant dense<true> : vector<256x1xi1>
    %not3A_1442 = arith.xori %eq3A_1409, %not3A_1441 : vector<256x1xi1>
    %xor3A_1443 = vector.broadcast %not3A_1442 : vector<256x1xi1> to vector<256x128xi1>
    %xor3A_1444 = arith.xori %xor3A_1440, %xor3A_1443 : vector<256x128xi1>
    %select_n3A_1445 = arith.select %xor3A_1444, %select_n3A_1401, %select_n3A_1430 : vector<256x128xi1>, vector<256x128xi32>
    %select_n3A_1446 = arith.select %xor3A_1444, %iota3A_1402, %select_n3A_1433 : vector<256x128xi1>, vector<256x128xi32>
    %and3A_1447 = arith.constant 4 : i32
    %and3A_1448 = vector.broadcast %and3A_1447 : i32 to vector<256x1xi32>
    %and3A_1449 = arith.andi %iota3A_1403, %and3A_1448 : vector<256x1xi32>
    %eq3A_1450 = arith.constant 0 : i32
    %eq3A_1451 = vector.broadcast %eq3A_1450 : i32 to vector<256x1xi32>
    %eq3A_1452 = arith.cmpi eq, %and3A_1449, %eq3A_1451 : vector<256x1xi32>
    %and3A_1453 = arith.constant 2 : i32
    %and3A_1454 = vector.broadcast %and3A_1453 : i32 to vector<256x1xi32>
    %and3A_1455 = arith.andi %iota3A_1403, %and3A_1454 : vector<256x1xi32>
    %ne3A_1456 = arith.constant 0 : i32
    %ne3A_1457 = vector.broadcast %ne3A_1456 : i32 to vector<256x1xi32>
    %ne3A_1458 = arith.cmpi ne, %and3A_1455, %ne3A_1457 : vector<256x1xi32>
    %slice3A_1459 = vector.extract_strided_slice %select_n3A_1445 {offsets = [2, 0], sizes = [254, 128], strides = [1, 1]} : vector<256x128xi32> to vector<254x128xi32>
    %slice3A_1460 = vector.extract_strided_slice %select_n3A_1445 {offsets = [0, 0], sizes = [2, 128], strides = [1, 1]} : vector<256x128xi32> to vector<2x128xi32>
    %concatenate3A_1461 = tpu.concatenate %slice3A_1459, %slice3A_1460 in 0 : vector<254x128xi32>, vector<2x128xi32> -> vector<256x128xi32>
    %slice3A_1462 = vector.extract_strided_slice %select_n3A_1445 {offsets = [254, 0], sizes = [2, 128], strides = [1, 1]} : vector<256x128xi32> to vector<2x128xi32>
    %slice3A_1463 = vector.extract_strided_slice %select_n3A_1445 {offsets = [0, 0], sizes = [254, 128], strides = [1, 1]} : vector<256x128xi32> to vector<254x128xi32>
    %concatenate3A_1464 = tpu.concatenate %slice3A_1462, %slice3A_1463 in 0 : vector<2x128xi32>, vector<254x128xi32> -> vector<256x128xi32>
    %slice3A_1465 = vector.extract_strided_slice %select_n3A_1446 {offsets = [2, 0], sizes = [254, 128], strides = [1, 1]} : vector<256x128xi32> to vector<254x128xi32>
    %slice3A_1466 = vector.extract_strided_slice %select_n3A_1446 {offsets = [0, 0], sizes = [2, 128], strides = [1, 1]} : vector<256x128xi32> to vector<2x128xi32>
    %concatenate3A_1467 = tpu.concatenate %slice3A_1465, %slice3A_1466 in 0 : vector<254x128xi32>, vector<2x128xi32> -> vector<256x128xi32>
    %slice3A_1468 = vector.extract_strided_slice %select_n3A_1446 {offsets = [254, 0], sizes = [2, 128], strides = [1, 1]} : vector<256x128xi32> to vector<2x128xi32>
    %slice3A_1469 = vector.extract_strided_slice %select_n3A_1446 {offsets = [0, 0], sizes = [254, 128], strides = [1, 1]} : vector<256x128xi32> to vector<254x128xi32>
    %concatenate3A_1470 = tpu.concatenate %slice3A_1468, %slice3A_1469 in 0 : vector<2x128xi32>, vector<254x128xi32> -> vector<256x128xi32>
    %broadcast_in_dim3A_1471 = vector.shape_cast %ne3A_1458 : vector<256x1xi1> to vector<256x1xi1>
    %broadcast_in_dim3A_1472 = vector.broadcast %broadcast_in_dim3A_1471 : vector<256x1xi1> to vector<256x128xi1>
    %select_n3A_1473 = arith.select %broadcast_in_dim3A_1472, %concatenate3A_1464, %concatenate3A_1461 : vector<256x128xi1>, vector<256x128xi32>
    %broadcast_in_dim3A_1474 = vector.shape_cast %ne3A_1458 : vector<256x1xi1> to vector<256x1xi1>
    %broadcast_in_dim3A_1475 = vector.broadcast %broadcast_in_dim3A_1474 : vector<256x1xi1> to vector<256x128xi1>
    %select_n3A_1476 = arith.select %broadcast_in_dim3A_1475, %concatenate3A_1470, %concatenate3A_1467 : vector<256x128xi1>, vector<256x128xi32>
    %gt3A_1477 = arith.cmpi sgt, %select_n3A_1445, %select_n3A_1473 : vector<256x128xi32>
    %eq3A_1478 = arith.cmpi eq, %select_n3A_1445, %select_n3A_1473 : vector<256x128xi32>
    %lt3A_1479 = arith.cmpi slt, %select_n3A_1446, %select_n3A_1476 : vector<256x128xi32>
    %and3A_1480 = arith.andi %eq3A_1478, %lt3A_1479 : vector<256x128xi1>
    %or3A_1481 = arith.ori %gt3A_1477, %and3A_1480 : vector<256x128xi1>
    %xor3A_1482 = vector.broadcast %ne3A_1458 : vector<256x1xi1> to vector<256x128xi1>
    %xor3A_1483 = arith.xori %or3A_1481, %xor3A_1482 : vector<256x128xi1>
    %not3A_1484 = arith.constant dense<true> : vector<256x1xi1>
    %not3A_1485 = arith.xori %eq3A_1452, %not3A_1484 : vector<256x1xi1>
    %xor3A_1486 = vector.broadcast %not3A_1485 : vector<256x1xi1> to vector<256x128xi1>
    %xor3A_1487 = arith.xori %xor3A_1483, %xor3A_1486 : vector<256x128xi1>
    %select_n3A_1488 = arith.select %xor3A_1487, %select_n3A_1445, %select_n3A_1473 : vector<256x128xi1>, vector<256x128xi32>
    %select_n3A_1489 = arith.select %xor3A_1487, %select_n3A_1446, %select_n3A_1476 : vector<256x128xi1>, vector<256x128xi32>
    %and3A_1490 = arith.constant 1 : i32
    %and3A_1491 = vector.broadcast %and3A_1490 : i32 to vector<256x1xi32>
    %and3A_1492 = arith.andi %iota3A_1403, %and3A_1491 : vector<256x1xi32>
    %ne3A_1493 = arith.constant 0 : i32
    %ne3A_1494 = vector.broadcast %ne3A_1493 : i32 to vector<256x1xi32>
    %ne3A_1495 = arith.cmpi ne, %and3A_1492, %ne3A_1494 : vector<256x1xi32>
    %slice3A_1496 = vector.extract_strided_slice %select_n3A_1488 {offsets = [1, 0], sizes = [255, 128], strides = [1, 1]} : vector<256x128xi32> to vector<255x128xi32>
    %slice3A_1497 = vector.extract_strided_slice %select_n3A_1488 {offsets = [0, 0], sizes = [1, 128], strides = [1, 1]} : vector<256x128xi32> to vector<1x128xi32>
    %concatenate3A_1498 = tpu.concatenate %slice3A_1496, %slice3A_1497 in 0 : vector<255x128xi32>, vector<1x128xi32> -> vector<256x128xi32>
    %slice3A_1499 = vector.extract_strided_slice %select_n3A_1488 {offsets = [255, 0], sizes = [1, 128], strides = [1, 1]} : vector<256x128xi32> to vector<1x128xi32>
    %slice3A_1500 = vector.extract_strided_slice %select_n3A_1488 {offsets = [0, 0], sizes = [255, 128], strides = [1, 1]} : vector<256x128xi32> to vector<255x128xi32>
    %concatenate3A_1501 = tpu.concatenate %slice3A_1499, %slice3A_1500 in 0 : vector<1x128xi32>, vector<255x128xi32> -> vector<256x128xi32>
    %slice3A_1502 = vector.extract_strided_slice %select_n3A_1489 {offsets = [1, 0], sizes = [255, 128], strides = [1, 1]} : vector<256x128xi32> to vector<255x128xi32>
    %slice3A_1503 = vector.extract_strided_slice %select_n3A_1489 {offsets = [0, 0], sizes = [1, 128], strides = [1, 1]} : vector<256x128xi32> to vector<1x128xi32>
    %concatenate3A_1504 = tpu.concatenate %slice3A_1502, %slice3A_1503 in 0 : vector<255x128xi32>, vector<1x128xi32> -> vector<256x128xi32>
    %slice3A_1505 = vector.extract_strided_slice %select_n3A_1489 {offsets = [255, 0], sizes = [1, 128], strides = [1, 1]} : vector<256x128xi32> to vector<1x128xi32>
    %slice3A_1506 = vector.extract_strided_slice %select_n3A_1489 {offsets = [0, 0], sizes = [255, 128], strides = [1, 1]} : vector<256x128xi32> to vector<255x128xi32>
    %concatenate3A_1507 = tpu.concatenate %slice3A_1505, %slice3A_1506 in 0 : vector<1x128xi32>, vector<255x128xi32> -> vector<256x128xi32>
    %broadcast_in_dim3A_1508 = vector.shape_cast %ne3A_1495 : vector<256x1xi1> to vector<256x1xi1>
    %broadcast_in_dim3A_1509 = vector.broadcast %broadcast_in_dim3A_1508 : vector<256x1xi1> to vector<256x128xi1>
    %select_n3A_1510 = arith.select %broadcast_in_dim3A_1509, %concatenate3A_1501, %concatenate3A_1498 : vector<256x128xi1>, vector<256x128xi32>
    %broadcast_in_dim3A_1511 = vector.shape_cast %ne3A_1495 : vector<256x1xi1> to vector<256x1xi1>
    %broadcast_in_dim3A_1512 = vector.broadcast %broadcast_in_dim3A_1511 : vector<256x1xi1> to vector<256x128xi1>
    %select_n3A_1513 = arith.select %broadcast_in_dim3A_1512, %concatenate3A_1507, %concatenate3A_1504 : vector<256x128xi1>, vector<256x128xi32>
    %gt3A_1514 = arith.cmpi sgt, %select_n3A_1488, %select_n3A_1510 : vector<256x128xi32>
    %eq3A_1515 = arith.cmpi eq, %select_n3A_1488, %select_n3A_1510 : vector<256x128xi32>
    %lt3A_1516 = arith.cmpi slt, %select_n3A_1489, %select_n3A_1513 : vector<256x128xi32>
    %and3A_1517 = arith.andi %eq3A_1515, %lt3A_1516 : vector<256x128xi1>
    %or3A_1518 = arith.ori %gt3A_1514, %and3A_1517 : vector<256x128xi1>
    %xor3A_1519 = vector.broadcast %ne3A_1495 : vector<256x1xi1> to vector<256x128xi1>
    %xor3A_1520 = arith.xori %or3A_1518, %xor3A_1519 : vector<256x128xi1>
    %not3A_1521 = arith.constant dense<true> : vector<256x1xi1>
    %not3A_1522 = arith.xori %eq3A_1452, %not3A_1521 : vector<256x1xi1>
    %xor3A_1523 = vector.broadcast %not3A_1522 : vector<256x1xi1> to vector<256x128xi1>
    %xor3A_1524 = arith.xori %xor3A_1520, %xor3A_1523 : vector<256x128xi1>
    %select_n3A_1525 = arith.select %xor3A_1524, %select_n3A_1488, %select_n3A_1510 : vector<256x128xi1>, vector<256x128xi32>
    %select_n3A_1526 = arith.select %xor3A_1524, %select_n3A_1489, %select_n3A_1513 : vector<256x128xi1>, vector<256x128xi32>
    %and3A_1527 = arith.constant 8 : i32
    %and3A_1528 = vector.broadcast %and3A_1527 : i32 to vector<256x1xi32>
    %and3A_1529 = arith.andi %iota3A_1403, %and3A_1528 : vector<256x1xi32>
    %eq3A_1530 = arith.constant 0 : i32
    %eq3A_1531 = vector.broadcast %eq3A_1530 : i32 to vector<256x1xi32>
    %eq3A_1532 = arith.cmpi eq, %and3A_1529, %eq3A_1531 : vector<256x1xi32>
    %and3A_1533 = arith.constant 4 : i32
    %and3A_1534 = vector.broadcast %and3A_1533 : i32 to vector<256x1xi32>
    %and3A_1535 = arith.andi %iota3A_1403, %and3A_1534 : vector<256x1xi32>
    %ne3A_1536 = arith.constant 0 : i32
    %ne3A_1537 = vector.broadcast %ne3A_1536 : i32 to vector<256x1xi32>
    %ne3A_1538 = arith.cmpi ne, %and3A_1535, %ne3A_1537 : vector<256x1xi32>
    %slice3A_1539 = vector.extract_strided_slice %select_n3A_1525 {offsets = [4, 0], sizes = [252, 128], strides = [1, 1]} : vector<256x128xi32> to vector<252x128xi32>
    %slice3A_1540 = vector.extract_strided_slice %select_n3A_1525 {offsets = [0, 0], sizes = [4, 128], strides = [1, 1]} : vector<256x128xi32> to vector<4x128xi32>
    %concatenate3A_1541 = tpu.concatenate %slice3A_1539, %slice3A_1540 in 0 : vector<252x128xi32>, vector<4x128xi32> -> vector<256x128xi32>
    %slice3A_1542 = vector.extract_strided_slice %select_n3A_1525 {offsets = [252, 0], sizes = [4, 128], strides = [1, 1]} : vector<256x128xi32> to vector<4x128xi32>
    %slice3A_1543 = vector.extract_strided_slice %select_n3A_1525 {offsets = [0, 0], sizes = [252, 128], strides = [1, 1]} : vector<256x128xi32> to vector<252x128xi32>
    %concatenate3A_1544 = tpu.concatenate %slice3A_1542, %slice3A_1543 in 0 : vector<4x128xi32>, vector<252x128xi32> -> vector<256x128xi32>
    %slice3A_1545 = vector.extract_strided_slice %select_n3A_1526 {offsets = [4, 0], sizes = [252, 128], strides = [1, 1]} : vector<256x128xi32> to vector<252x128xi32>
    %slice3A_1546 = vector.extract_strided_slice %select_n3A_1526 {offsets = [0, 0], sizes = [4, 128], strides = [1, 1]} : vector<256x128xi32> to vector<4x128xi32>
    %concatenate3A_1547 = tpu.concatenate %slice3A_1545, %slice3A_1546 in 0 : vector<252x128xi32>, vector<4x128xi32> -> vector<256x128xi32>
    %slice3A_1548 = vector.extract_strided_slice %select_n3A_1526 {offsets = [252, 0], sizes = [4, 128], strides = [1, 1]} : vector<256x128xi32> to vector<4x128xi32>
    %slice3A_1549 = vector.extract_strided_slice %select_n3A_1526 {offsets = [0, 0], sizes = [252, 128], strides = [1, 1]} : vector<256x128xi32> to vector<252x128xi32>
    %concatenate3A_1550 = tpu.concatenate %slice3A_1548, %slice3A_1549 in 0 : vector<4x128xi32>, vector<252x128xi32> -> vector<256x128xi32>
    %broadcast_in_dim3A_1551 = vector.shape_cast %ne3A_1538 : vector<256x1xi1> to vector<256x1xi1>
    %broadcast_in_dim3A_1552 = vector.broadcast %broadcast_in_dim3A_1551 : vector<256x1xi1> to vector<256x128xi1>
    %select_n3A_1553 = arith.select %broadcast_in_dim3A_1552, %concatenate3A_1544, %concatenate3A_1541 : vector<256x128xi1>, vector<256x128xi32>
    %broadcast_in_dim3A_1554 = vector.shape_cast %ne3A_1538 : vector<256x1xi1> to vector<256x1xi1>
    %broadcast_in_dim3A_1555 = vector.broadcast %broadcast_in_dim3A_1554 : vector<256x1xi1> to vector<256x128xi1>
    %select_n3A_1556 = arith.select %broadcast_in_dim3A_1555, %concatenate3A_1550, %concatenate3A_1547 : vector<256x128xi1>, vector<256x128xi32>
    %gt3A_1557 = arith.cmpi sgt, %select_n3A_1525, %select_n3A_1553 : vector<256x128xi32>
    %eq3A_1558 = arith.cmpi eq, %select_n3A_1525, %select_n3A_1553 : vector<256x128xi32>
    %lt3A_1559 = arith.cmpi slt, %select_n3A_1526, %select_n3A_1556 : vector<256x128xi32>
    %and3A_1560 = arith.andi %eq3A_1558, %lt3A_1559 : vector<256x128xi1>
    %or3A_1561 = arith.ori %gt3A_1557, %and3A_1560 : vector<256x128xi1>
    %xor3A_1562 = vector.broadcast %ne3A_1538 : vector<256x1xi1> to vector<256x128xi1>
    %xor3A_1563 = arith.xori %or3A_1561, %xor3A_1562 : vector<256x128xi1>
    %not3A_1564 = arith.constant dense<true> : vector<256x1xi1>
    %not3A_1565 = arith.xori %eq3A_1532, %not3A_1564 : vector<256x1xi1>
    %xor3A_1566 = vector.broadcast %not3A_1565 : vector<256x1xi1> to vector<256x128xi1>
    %xor3A_1567 = arith.xori %xor3A_1563, %xor3A_1566 : vector<256x128xi1>
    %select_n3A_1568 = arith.select %xor3A_1567, %select_n3A_1525, %select_n3A_1553 : vector<256x128xi1>, vector<256x128xi32>
    %select_n3A_1569 = arith.select %xor3A_1567, %select_n3A_1526, %select_n3A_1556 : vector<256x128xi1>, vector<256x128xi32>
    %and3A_1570 = arith.constant 2 : i32
    %and3A_1571 = vector.broadcast %and3A_1570 : i32 to vector<256x1xi32>
    %and3A_1572 = arith.andi %iota3A_1403, %and3A_1571 : vector<256x1xi32>
    %ne3A_1573 = arith.constant 0 : i32
    %ne3A_1574 = vector.broadcast %ne3A_1573 : i32 to vector<256x1xi32>
    %ne3A_1575 = arith.cmpi ne, %and3A_1572, %ne3A_1574 : vector<256x1xi32>
    %slice3A_1576 = vector.extract_strided_slice %select_n3A_1568 {offsets = [2, 0], sizes = [254, 128], strides = [1, 1]} : vector<256x128xi32> to vector<254x128xi32>
    %slice3A_1577 = vector.extract_strided_slice %select_n3A_1568 {offsets = [0, 0], sizes = [2, 128], strides = [1, 1]} : vector<256x128xi32> to vector<2x128xi32>
    %concatenate3A_1578 = tpu.concatenate %slice3A_1576, %slice3A_1577 in 0 : vector<254x128xi32>, vector<2x128xi32> -> vector<256x128xi32>
    %slice3A_1579 = vector.extract_strided_slice %select_n3A_1568 {offsets = [254, 0], sizes = [2, 128], strides = [1, 1]} : vector<256x128xi32> to vector<2x128xi32>
    %slice3A_1580 = vector.extract_strided_slice %select_n3A_1568 {offsets = [0, 0], sizes = [254, 128], strides = [1, 1]} : vector<256x128xi32> to vector<254x128xi32>
    %concatenate3A_1581 = tpu.concatenate %slice3A_1579, %slice3A_1580 in 0 : vector<2x128xi32>, vector<254x128xi32> -> vector<256x128xi32>
    %slice3A_1582 = vector.extract_strided_slice %select_n3A_1569 {offsets = [2, 0], sizes = [254, 128], strides = [1, 1]} : vector<256x128xi32> to vector<254x128xi32>
    %slice3A_1583 = vector.extract_strided_slice %select_n3A_1569 {offsets = [0, 0], sizes = [2, 128], strides = [1, 1]} : vector<256x128xi32> to vector<2x128xi32>
    %concatenate3A_1584 = tpu.concatenate %slice3A_1582, %slice3A_1583 in 0 : vector<254x128xi32>, vector<2x128xi32> -> vector<256x128xi32>
    %slice3A_1585 = vector.extract_strided_slice %select_n3A_1569 {offsets = [254, 0], sizes = [2, 128], strides = [1, 1]} : vector<256x128xi32> to vector<2x128xi32>
    %slice3A_1586 = vector.extract_strided_slice %select_n3A_1569 {offsets = [0, 0], sizes = [254, 128], strides = [1, 1]} : vector<256x128xi32> to vector<254x128xi32>
    %concatenate3A_1587 = tpu.concatenate %slice3A_1585, %slice3A_1586 in 0 : vector<2x128xi32>, vector<254x128xi32> -> vector<256x128xi32>
    %broadcast_in_dim3A_1588 = vector.shape_cast %ne3A_1575 : vector<256x1xi1> to vector<256x1xi1>
    %broadcast_in_dim3A_1589 = vector.broadcast %broadcast_in_dim3A_1588 : vector<256x1xi1> to vector<256x128xi1>
    %select_n3A_1590 = arith.select %broadcast_in_dim3A_1589, %concatenate3A_1581, %concatenate3A_1578 : vector<256x128xi1>, vector<256x128xi32>
    %broadcast_in_dim3A_1591 = vector.shape_cast %ne3A_1575 : vector<256x1xi1> to vector<256x1xi1>
    %broadcast_in_dim3A_1592 = vector.broadcast %broadcast_in_dim3A_1591 : vector<256x1xi1> to vector<256x128xi1>
    %select_n3A_1593 = arith.select %broadcast_in_dim3A_1592, %concatenate3A_1587, %concatenate3A_1584 : vector<256x128xi1>, vector<256x128xi32>
    %gt3A_1594 = arith.cmpi sgt, %select_n3A_1568, %select_n3A_1590 : vector<256x128xi32>
    %eq3A_1595 = arith.cmpi eq, %select_n3A_1568, %select_n3A_1590 : vector<256x128xi32>
    %lt3A_1596 = arith.cmpi slt, %select_n3A_1569, %select_n3A_1593 : vector<256x128xi32>
    %and3A_1597 = arith.andi %eq3A_1595, %lt3A_1596 : vector<256x128xi1>
    %or3A_1598 = arith.ori %gt3A_1594, %and3A_1597 : vector<256x128xi1>
    %xor3A_1599 = vector.broadcast %ne3A_1575 : vector<256x1xi1> to vector<256x128xi1>
    %xor3A_1600 = arith.xori %or3A_1598, %xor3A_1599 : vector<256x128xi1>
    %not3A_1601 = arith.constant dense<true> : vector<256x1xi1>
    %not3A_1602 = arith.xori %eq3A_1532, %not3A_1601 : vector<256x1xi1>
    %xor3A_1603 = vector.broadcast %not3A_1602 : vector<256x1xi1> to vector<256x128xi1>
    %xor3A_1604 = arith.xori %xor3A_1600, %xor3A_1603 : vector<256x128xi1>
    %select_n3A_1605 = arith.select %xor3A_1604, %select_n3A_1568, %select_n3A_1590 : vector<256x128xi1>, vector<256x128xi32>
    %select_n3A_1606 = arith.select %xor3A_1604, %select_n3A_1569, %select_n3A_1593 : vector<256x128xi1>, vector<256x128xi32>
    %and3A_1607 = arith.constant 1 : i32
    %and3A_1608 = vector.broadcast %and3A_1607 : i32 to vector<256x1xi32>
    %and3A_1609 = arith.andi %iota3A_1403, %and3A_1608 : vector<256x1xi32>
    %ne3A_1610 = arith.constant 0 : i32
    %ne3A_1611 = vector.broadcast %ne3A_1610 : i32 to vector<256x1xi32>
    %ne3A_1612 = arith.cmpi ne, %and3A_1609, %ne3A_1611 : vector<256x1xi32>
    %slice3A_1613 = vector.extract_strided_slice %select_n3A_1605 {offsets = [1, 0], sizes = [255, 128], strides = [1, 1]} : vector<256x128xi32> to vector<255x128xi32>
    %slice3A_1614 = vector.extract_strided_slice %select_n3A_1605 {offsets = [0, 0], sizes = [1, 128], strides = [1, 1]} : vector<256x128xi32> to vector<1x128xi32>
    %concatenate3A_1615 = tpu.concatenate %slice3A_1613, %slice3A_1614 in 0 : vector<255x128xi32>, vector<1x128xi32> -> vector<256x128xi32>
    %slice3A_1616 = vector.extract_strided_slice %select_n3A_1605 {offsets = [255, 0], sizes = [1, 128], strides = [1, 1]} : vector<256x128xi32> to vector<1x128xi32>
    %slice3A_1617 = vector.extract_strided_slice %select_n3A_1605 {offsets = [0, 0], sizes = [255, 128], strides = [1, 1]} : vector<256x128xi32> to vector<255x128xi32>
    %concatenate3A_1618 = tpu.concatenate %slice3A_1616, %slice3A_1617 in 0 : vector<1x128xi32>, vector<255x128xi32> -> vector<256x128xi32>
    %slice3A_1619 = vector.extract_strided_slice %select_n3A_1606 {offsets = [1, 0], sizes = [255, 128], strides = [1, 1]} : vector<256x128xi32> to vector<255x128xi32>
    %slice3A_1620 = vector.extract_strided_slice %select_n3A_1606 {offsets = [0, 0], sizes = [1, 128], strides = [1, 1]} : vector<256x128xi32> to vector<1x128xi32>
    %concatenate3A_1621 = tpu.concatenate %slice3A_1619, %slice3A_1620 in 0 : vector<255x128xi32>, vector<1x128xi32> -> vector<256x128xi32>
    %slice3A_1622 = vector.extract_strided_slice %select_n3A_1606 {offsets = [255, 0], sizes = [1, 128], strides = [1, 1]} : vector<256x128xi32> to vector<1x128xi32>
    %slice3A_1623 = vector.extract_strided_slice %select_n3A_1606 {offsets = [0, 0], sizes = [255, 128], strides = [1, 1]} : vector<256x128xi32> to vector<255x128xi32>
    %concatenate3A_1624 = tpu.concatenate %slice3A_1622, %slice3A_1623 in 0 : vector<1x128xi32>, vector<255x128xi32> -> vector<256x128xi32>
    %broadcast_in_dim3A_1625 = vector.shape_cast %ne3A_1612 : vector<256x1xi1> to vector<256x1xi1>
    %broadcast_in_dim3A_1626 = vector.broadcast %broadcast_in_dim3A_1625 : vector<256x1xi1> to vector<256x128xi1>
    %select_n3A_1627 = arith.select %broadcast_in_dim3A_1626, %concatenate3A_1618, %concatenate3A_1615 : vector<256x128xi1>, vector<256x128xi32>
    %broadcast_in_dim3A_1628 = vector.shape_cast %ne3A_1612 : vector<256x1xi1> to vector<256x1xi1>
    %broadcast_in_dim3A_1629 = vector.broadcast %broadcast_in_dim3A_1628 : vector<256x1xi1> to vector<256x128xi1>
    %select_n3A_1630 = arith.select %broadcast_in_dim3A_1629, %concatenate3A_1624, %concatenate3A_1621 : vector<256x128xi1>, vector<256x128xi32>
    %gt3A_1631 = arith.cmpi sgt, %select_n3A_1605, %select_n3A_1627 : vector<256x128xi32>
    %eq3A_1632 = arith.cmpi eq, %select_n3A_1605, %select_n3A_1627 : vector<256x128xi32>
    %lt3A_1633 = arith.cmpi slt, %select_n3A_1606, %select_n3A_1630 : vector<256x128xi32>
    %and3A_1634 = arith.andi %eq3A_1632, %lt3A_1633 : vector<256x128xi1>
    %or3A_1635 = arith.ori %gt3A_1631, %and3A_1634 : vector<256x128xi1>
    %xor3A_1636 = vector.broadcast %ne3A_1612 : vector<256x1xi1> to vector<256x128xi1>
    %xor3A_1637 = arith.xori %or3A_1635, %xor3A_1636 : vector<256x128xi1>
    %not3A_1638 = arith.constant dense<true> : vector<256x1xi1>
    %not3A_1639 = arith.xori %eq3A_1532, %not3A_1638 : vector<256x1xi1>
    %xor3A_1640 = vector.broadcast %not3A_1639 : vector<256x1xi1> to vector<256x128xi1>
    %xor3A_1641 = arith.xori %xor3A_1637, %xor3A_1640 : vector<256x128xi1>
    %select_n3A_1642 = arith.select %xor3A_1641, %select_n3A_1605, %select_n3A_1627 : vector<256x128xi1>, vector<256x128xi32>
    %select_n3A_1643 = arith.select %xor3A_1641, %select_n3A_1606, %select_n3A_1630 : vector<256x128xi1>, vector<256x128xi32>
    %and3A_1644 = arith.constant 16 : i32
    %and3A_1645 = vector.broadcast %and3A_1644 : i32 to vector<256x1xi32>
    %and3A_1646 = arith.andi %iota3A_1403, %and3A_1645 : vector<256x1xi32>
    %eq3A_1647 = arith.constant 0 : i32
    %eq3A_1648 = vector.broadcast %eq3A_1647 : i32 to vector<256x1xi32>
    %eq3A_1649 = arith.cmpi eq, %and3A_1646, %eq3A_1648 : vector<256x1xi32>
    %and3A_1650 = arith.constant 8 : i32
    %and3A_1651 = vector.broadcast %and3A_1650 : i32 to vector<256x1xi32>
    %and3A_1652 = arith.andi %iota3A_1403, %and3A_1651 : vector<256x1xi32>
    %ne3A_1653 = arith.constant 0 : i32
    %ne3A_1654 = vector.broadcast %ne3A_1653 : i32 to vector<256x1xi32>
    %ne3A_1655 = arith.cmpi ne, %and3A_1652, %ne3A_1654 : vector<256x1xi32>
    %slice3A_1656 = vector.extract_strided_slice %select_n3A_1642 {offsets = [8, 0], sizes = [248, 128], strides = [1, 1]} : vector<256x128xi32> to vector<248x128xi32>
    %slice3A_1657 = vector.extract_strided_slice %select_n3A_1642 {offsets = [0, 0], sizes = [8, 128], strides = [1, 1]} : vector<256x128xi32> to vector<8x128xi32>
    %concatenate3A_1658 = tpu.concatenate %slice3A_1656, %slice3A_1657 in 0 : vector<248x128xi32>, vector<8x128xi32> -> vector<256x128xi32>
    %slice3A_1659 = vector.extract_strided_slice %select_n3A_1642 {offsets = [248, 0], sizes = [8, 128], strides = [1, 1]} : vector<256x128xi32> to vector<8x128xi32>
    %slice3A_1660 = vector.extract_strided_slice %select_n3A_1642 {offsets = [0, 0], sizes = [248, 128], strides = [1, 1]} : vector<256x128xi32> to vector<248x128xi32>
    %concatenate3A_1661 = tpu.concatenate %slice3A_1659, %slice3A_1660 in 0 : vector<8x128xi32>, vector<248x128xi32> -> vector<256x128xi32>
    %slice3A_1662 = vector.extract_strided_slice %select_n3A_1643 {offsets = [8, 0], sizes = [248, 128], strides = [1, 1]} : vector<256x128xi32> to vector<248x128xi32>
    %slice3A_1663 = vector.extract_strided_slice %select_n3A_1643 {offsets = [0, 0], sizes = [8, 128], strides = [1, 1]} : vector<256x128xi32> to vector<8x128xi32>
    %concatenate3A_1664 = tpu.concatenate %slice3A_1662, %slice3A_1663 in 0 : vector<248x128xi32>, vector<8x128xi32> -> vector<256x128xi32>
    %slice3A_1665 = vector.extract_strided_slice %select_n3A_1643 {offsets = [248, 0], sizes = [8, 128], strides = [1, 1]} : vector<256x128xi32> to vector<8x128xi32>
    %slice3A_1666 = vector.extract_strided_slice %select_n3A_1643 {offsets = [0, 0], sizes = [248, 128], strides = [1, 1]} : vector<256x128xi32> to vector<248x128xi32>
    %concatenate3A_1667 = tpu.concatenate %slice3A_1665, %slice3A_1666 in 0 : vector<8x128xi32>, vector<248x128xi32> -> vector<256x128xi32>
    %broadcast_in_dim3A_1668 = vector.shape_cast %ne3A_1655 : vector<256x1xi1> to vector<256x1xi1>
    %broadcast_in_dim3A_1669 = vector.broadcast %broadcast_in_dim3A_1668 : vector<256x1xi1> to vector<256x128xi1>
    %select_n3A_1670 = arith.select %broadcast_in_dim3A_1669, %concatenate3A_1661, %concatenate3A_1658 : vector<256x128xi1>, vector<256x128xi32>
    %broadcast_in_dim3A_1671 = vector.shape_cast %ne3A_1655 : vector<256x1xi1> to vector<256x1xi1>
    %broadcast_in_dim3A_1672 = vector.broadcast %broadcast_in_dim3A_1671 : vector<256x1xi1> to vector<256x128xi1>
    %select_n3A_1673 = arith.select %broadcast_in_dim3A_1672, %concatenate3A_1667, %concatenate3A_1664 : vector<256x128xi1>, vector<256x128xi32>
    %gt3A_1674 = arith.cmpi sgt, %select_n3A_1642, %select_n3A_1670 : vector<256x128xi32>
    %eq3A_1675 = arith.cmpi eq, %select_n3A_1642, %select_n3A_1670 : vector<256x128xi32>
    %lt3A_1676 = arith.cmpi slt, %select_n3A_1643, %select_n3A_1673 : vector<256x128xi32>
    %and3A_1677 = arith.andi %eq3A_1675, %lt3A_1676 : vector<256x128xi1>
    %or3A_1678 = arith.ori %gt3A_1674, %and3A_1677 : vector<256x128xi1>
    %xor3A_1679 = vector.broadcast %ne3A_1655 : vector<256x1xi1> to vector<256x128xi1>
    %xor3A_1680 = arith.xori %or3A_1678, %xor3A_1679 : vector<256x128xi1>
    %not3A_1681 = arith.constant dense<true> : vector<256x1xi1>
    %not3A_1682 = arith.xori %eq3A_1649, %not3A_1681 : vector<256x1xi1>
    %xor3A_1683 = vector.broadcast %not3A_1682 : vector<256x1xi1> to vector<256x128xi1>
    %xor3A_1684 = arith.xori %xor3A_1680, %xor3A_1683 : vector<256x128xi1>
    %select_n3A_1685 = arith.select %xor3A_1684, %select_n3A_1642, %select_n3A_1670 : vector<256x128xi1>, vector<256x128xi32>
    %select_n3A_1686 = arith.select %xor3A_1684, %select_n3A_1643, %select_n3A_1673 : vector<256x128xi1>, vector<256x128xi32>
    %and3A_1687 = arith.constant 4 : i32
    %and3A_1688 = vector.broadcast %and3A_1687 : i32 to vector<256x1xi32>
    %and3A_1689 = arith.andi %iota3A_1403, %and3A_1688 : vector<256x1xi32>
    %ne3A_1690 = arith.constant 0 : i32
    %ne3A_1691 = vector.broadcast %ne3A_1690 : i32 to vector<256x1xi32>
    %ne3A_1692 = arith.cmpi ne, %and3A_1689, %ne3A_1691 : vector<256x1xi32>
    %slice3A_1693 = vector.extract_strided_slice %select_n3A_1685 {offsets = [4, 0], sizes = [252, 128], strides = [1, 1]} : vector<256x128xi32> to vector<252x128xi32>
    %slice3A_1694 = vector.extract_strided_slice %select_n3A_1685 {offsets = [0, 0], sizes = [4, 128], strides = [1, 1]} : vector<256x128xi32> to vector<4x128xi32>
    %concatenate3A_1695 = tpu.concatenate %slice3A_1693, %slice3A_1694 in 0 : vector<252x128xi32>, vector<4x128xi32> -> vector<256x128xi32>
    %slice3A_1696 = vector.extract_strided_slice %select_n3A_1685 {offsets = [252, 0], sizes = [4, 128], strides = [1, 1]} : vector<256x128xi32> to vector<4x128xi32>
    %slice3A_1697 = vector.extract_strided_slice %select_n3A_1685 {offsets = [0, 0], sizes = [252, 128], strides = [1, 1]} : vector<256x128xi32> to vector<252x128xi32>
    %concatenate3A_1698 = tpu.concatenate %slice3A_1696, %slice3A_1697 in 0 : vector<4x128xi32>, vector<252x128xi32> -> vector<256x128xi32>
    %slice3A_1699 = vector.extract_strided_slice %select_n3A_1686 {offsets = [4, 0], sizes = [252, 128], strides = [1, 1]} : vector<256x128xi32> to vector<252x128xi32>
    %slice3A_1700 = vector.extract_strided_slice %select_n3A_1686 {offsets = [0, 0], sizes = [4, 128], strides = [1, 1]} : vector<256x128xi32> to vector<4x128xi32>
    %concatenate3A_1701 = tpu.concatenate %slice3A_1699, %slice3A_1700 in 0 : vector<252x128xi32>, vector<4x128xi32> -> vector<256x128xi32>
    %slice3A_1702 = vector.extract_strided_slice %select_n3A_1686 {offsets = [252, 0], sizes = [4, 128], strides = [1, 1]} : vector<256x128xi32> to vector<4x128xi32>
    %slice3A_1703 = vector.extract_strided_slice %select_n3A_1686 {offsets = [0, 0], sizes = [252, 128], strides = [1, 1]} : vector<256x128xi32> to vector<252x128xi32>
    %concatenate3A_1704 = tpu.concatenate %slice3A_1702, %slice3A_1703 in 0 : vector<4x128xi32>, vector<252x128xi32> -> vector<256x128xi32>
    %broadcast_in_dim3A_1705 = vector.shape_cast %ne3A_1692 : vector<256x1xi1> to vector<256x1xi1>
    %broadcast_in_dim3A_1706 = vector.broadcast %broadcast_in_dim3A_1705 : vector<256x1xi1> to vector<256x128xi1>
    %select_n3A_1707 = arith.select %broadcast_in_dim3A_1706, %concatenate3A_1698, %concatenate3A_1695 : vector<256x128xi1>, vector<256x128xi32>
    %broadcast_in_dim3A_1708 = vector.shape_cast %ne3A_1692 : vector<256x1xi1> to vector<256x1xi1>
    %broadcast_in_dim3A_1709 = vector.broadcast %broadcast_in_dim3A_1708 : vector<256x1xi1> to vector<256x128xi1>
    %select_n3A_1710 = arith.select %broadcast_in_dim3A_1709, %concatenate3A_1704, %concatenate3A_1701 : vector<256x128xi1>, vector<256x128xi32>
    %gt3A_1711 = arith.cmpi sgt, %select_n3A_1685, %select_n3A_1707 : vector<256x128xi32>
    %eq3A_1712 = arith.cmpi eq, %select_n3A_1685, %select_n3A_1707 : vector<256x128xi32>
    %lt3A_1713 = arith.cmpi slt, %select_n3A_1686, %select_n3A_1710 : vector<256x128xi32>
    %and3A_1714 = arith.andi %eq3A_1712, %lt3A_1713 : vector<256x128xi1>
    %or3A_1715 = arith.ori %gt3A_1711, %and3A_1714 : vector<256x128xi1>
    %xor3A_1716 = vector.broadcast %ne3A_1692 : vector<256x1xi1> to vector<256x128xi1>
    %xor3A_1717 = arith.xori %or3A_1715, %xor3A_1716 : vector<256x128xi1>
    %not3A_1718 = arith.constant dense<true> : vector<256x1xi1>
    %not3A_1719 = arith.xori %eq3A_1649, %not3A_1718 : vector<256x1xi1>
    %xor3A_1720 = vector.broadcast %not3A_1719 : vector<256x1xi1> to vector<256x128xi1>
    %xor3A_1721 = arith.xori %xor3A_1717, %xor3A_1720 : vector<256x128xi1>
    %select_n3A_1722 = arith.select %xor3A_1721, %select_n3A_1685, %select_n3A_1707 : vector<256x128xi1>, vector<256x128xi32>
    %select_n3A_1723 = arith.select %xor3A_1721, %select_n3A_1686, %select_n3A_1710 : vector<256x128xi1>, vector<256x128xi32>
    %and3A_1724 = arith.constant 2 : i32
    %and3A_1725 = vector.broadcast %and3A_1724 : i32 to vector<256x1xi32>
    %and3A_1726 = arith.andi %iota3A_1403, %and3A_1725 : vector<256x1xi32>
    %ne3A_1727 = arith.constant 0 : i32
    %ne3A_1728 = vector.broadcast %ne3A_1727 : i32 to vector<256x1xi32>
    %ne3A_1729 = arith.cmpi ne, %and3A_1726, %ne3A_1728 : vector<256x1xi32>
    %slice3A_1730 = vector.extract_strided_slice %select_n3A_1722 {offsets = [2, 0], sizes = [254, 128], strides = [1, 1]} : vector<256x128xi32> to vector<254x128xi32>
    %slice3A_1731 = vector.extract_strided_slice %select_n3A_1722 {offsets = [0, 0], sizes = [2, 128], strides = [1, 1]} : vector<256x128xi32> to vector<2x128xi32>
    %concatenate3A_1732 = tpu.concatenate %slice3A_1730, %slice3A_1731 in 0 : vector<254x128xi32>, vector<2x128xi32> -> vector<256x128xi32>
    %slice3A_1733 = vector.extract_strided_slice %select_n3A_1722 {offsets = [254, 0], sizes = [2, 128], strides = [1, 1]} : vector<256x128xi32> to vector<2x128xi32>
    %slice3A_1734 = vector.extract_strided_slice %select_n3A_1722 {offsets = [0, 0], sizes = [254, 128], strides = [1, 1]} : vector<256x128xi32> to vector<254x128xi32>
    %concatenate3A_1735 = tpu.concatenate %slice3A_1733, %slice3A_1734 in 0 : vector<2x128xi32>, vector<254x128xi32> -> vector<256x128xi32>
    %slice3A_1736 = vector.extract_strided_slice %select_n3A_1723 {offsets = [2, 0], sizes = [254, 128], strides = [1, 1]} : vector<256x128xi32> to vector<254x128xi32>
    %slice3A_1737 = vector.extract_strided_slice %select_n3A_1723 {offsets = [0, 0], sizes = [2, 128], strides = [1, 1]} : vector<256x128xi32> to vector<2x128xi32>
    %concatenate3A_1738 = tpu.concatenate %slice3A_1736, %slice3A_1737 in 0 : vector<254x128xi32>, vector<2x128xi32> -> vector<256x128xi32>
    %slice3A_1739 = vector.extract_strided_slice %select_n3A_1723 {offsets = [254, 0], sizes = [2, 128], strides = [1, 1]} : vector<256x128xi32> to vector<2x128xi32>
    %slice3A_1740 = vector.extract_strided_slice %select_n3A_1723 {offsets = [0, 0], sizes = [254, 128], strides = [1, 1]} : vector<256x128xi32> to vector<254x128xi32>
    %concatenate3A_1741 = tpu.concatenate %slice3A_1739, %slice3A_1740 in 0 : vector<2x128xi32>, vector<254x128xi32> -> vector<256x128xi32>
    %broadcast_in_dim3A_1742 = vector.shape_cast %ne3A_1729 : vector<256x1xi1> to vector<256x1xi1>
    %broadcast_in_dim3A_1743 = vector.broadcast %broadcast_in_dim3A_1742 : vector<256x1xi1> to vector<256x128xi1>
    %select_n3A_1744 = arith.select %broadcast_in_dim3A_1743, %concatenate3A_1735, %concatenate3A_1732 : vector<256x128xi1>, vector<256x128xi32>
    %broadcast_in_dim3A_1745 = vector.shape_cast %ne3A_1729 : vector<256x1xi1> to vector<256x1xi1>
    %broadcast_in_dim3A_1746 = vector.broadcast %broadcast_in_dim3A_1745 : vector<256x1xi1> to vector<256x128xi1>
    %select_n3A_1747 = arith.select %broadcast_in_dim3A_1746, %concatenate3A_1741, %concatenate3A_1738 : vector<256x128xi1>, vector<256x128xi32>
    %gt3A_1748 = arith.cmpi sgt, %select_n3A_1722, %select_n3A_1744 : vector<256x128xi32>
    %eq3A_1749 = arith.cmpi eq, %select_n3A_1722, %select_n3A_1744 : vector<256x128xi32>
    %lt3A_1750 = arith.cmpi slt, %select_n3A_1723, %select_n3A_1747 : vector<256x128xi32>
    %and3A_1751 = arith.andi %eq3A_1749, %lt3A_1750 : vector<256x128xi1>
    %or3A_1752 = arith.ori %gt3A_1748, %and3A_1751 : vector<256x128xi1>
    %xor3A_1753 = vector.broadcast %ne3A_1729 : vector<256x1xi1> to vector<256x128xi1>
    %xor3A_1754 = arith.xori %or3A_1752, %xor3A_1753 : vector<256x128xi1>
    %not3A_1755 = arith.constant dense<true> : vector<256x1xi1>
    %not3A_1756 = arith.xori %eq3A_1649, %not3A_1755 : vector<256x1xi1>
    %xor3A_1757 = vector.broadcast %not3A_1756 : vector<256x1xi1> to vector<256x128xi1>
    %xor3A_1758 = arith.xori %xor3A_1754, %xor3A_1757 : vector<256x128xi1>
    %select_n3A_1759 = arith.select %xor3A_1758, %select_n3A_1722, %select_n3A_1744 : vector<256x128xi1>, vector<256x128xi32>
    %select_n3A_1760 = arith.select %xor3A_1758, %select_n3A_1723, %select_n3A_1747 : vector<256x128xi1>, vector<256x128xi32>
    %and3A_1761 = arith.constant 1 : i32
    %and3A_1762 = vector.broadcast %and3A_1761 : i32 to vector<256x1xi32>
    %and3A_1763 = arith.andi %iota3A_1403, %and3A_1762 : vector<256x1xi32>
    %ne3A_1764 = arith.constant 0 : i32
    %ne3A_1765 = vector.broadcast %ne3A_1764 : i32 to vector<256x1xi32>
    %ne3A_1766 = arith.cmpi ne, %and3A_1763, %ne3A_1765 : vector<256x1xi32>
    %slice3A_1767 = vector.extract_strided_slice %select_n3A_1759 {offsets = [1, 0], sizes = [255, 128], strides = [1, 1]} : vector<256x128xi32> to vector<255x128xi32>
    %slice3A_1768 = vector.extract_strided_slice %select_n3A_1759 {offsets = [0, 0], sizes = [1, 128], strides = [1, 1]} : vector<256x128xi32> to vector<1x128xi32>
    %concatenate3A_1769 = tpu.concatenate %slice3A_1767, %slice3A_1768 in 0 : vector<255x128xi32>, vector<1x128xi32> -> vector<256x128xi32>
    %slice3A_1770 = vector.extract_strided_slice %select_n3A_1759 {offsets = [255, 0], sizes = [1, 128], strides = [1, 1]} : vector<256x128xi32> to vector<1x128xi32>
    %slice3A_1771 = vector.extract_strided_slice %select_n3A_1759 {offsets = [0, 0], sizes = [255, 128], strides = [1, 1]} : vector<256x128xi32> to vector<255x128xi32>
    %concatenate3A_1772 = tpu.concatenate %slice3A_1770, %slice3A_1771 in 0 : vector<1x128xi32>, vector<255x128xi32> -> vector<256x128xi32>
    %slice3A_1773 = vector.extract_strided_slice %select_n3A_1760 {offsets = [1, 0], sizes = [255, 128], strides = [1, 1]} : vector<256x128xi32> to vector<255x128xi32>
    %slice3A_1774 = vector.extract_strided_slice %select_n3A_1760 {offsets = [0, 0], sizes = [1, 128], strides = [1, 1]} : vector<256x128xi32> to vector<1x128xi32>
    %concatenate3A_1775 = tpu.concatenate %slice3A_1773, %slice3A_1774 in 0 : vector<255x128xi32>, vector<1x128xi32> -> vector<256x128xi32>
    %slice3A_1776 = vector.extract_strided_slice %select_n3A_1760 {offsets = [255, 0], sizes = [1, 128], strides = [1, 1]} : vector<256x128xi32> to vector<1x128xi32>
    %slice3A_1777 = vector.extract_strided_slice %select_n3A_1760 {offsets = [0, 0], sizes = [255, 128], strides = [1, 1]} : vector<256x128xi32> to vector<255x128xi32>
    %concatenate3A_1778 = tpu.concatenate %slice3A_1776, %slice3A_1777 in 0 : vector<1x128xi32>, vector<255x128xi32> -> vector<256x128xi32>
    %broadcast_in_dim3A_1779 = vector.shape_cast %ne3A_1766 : vector<256x1xi1> to vector<256x1xi1>
    %broadcast_in_dim3A_1780 = vector.broadcast %broadcast_in_dim3A_1779 : vector<256x1xi1> to vector<256x128xi1>
    %select_n3A_1781 = arith.select %broadcast_in_dim3A_1780, %concatenate3A_1772, %concatenate3A_1769 : vector<256x128xi1>, vector<256x128xi32>
    %broadcast_in_dim3A_1782 = vector.shape_cast %ne3A_1766 : vector<256x1xi1> to vector<256x1xi1>
    %broadcast_in_dim3A_1783 = vector.broadcast %broadcast_in_dim3A_1782 : vector<256x1xi1> to vector<256x128xi1>
    %select_n3A_1784 = arith.select %broadcast_in_dim3A_1783, %concatenate3A_1778, %concatenate3A_1775 : vector<256x128xi1>, vector<256x128xi32>
    %gt3A_1785 = arith.cmpi sgt, %select_n3A_1759, %select_n3A_1781 : vector<256x128xi32>
    %eq3A_1786 = arith.cmpi eq, %select_n3A_1759, %select_n3A_1781 : vector<256x128xi32>
    %lt3A_1787 = arith.cmpi slt, %select_n3A_1760, %select_n3A_1784 : vector<256x128xi32>
    %and3A_1788 = arith.andi %eq3A_1786, %lt3A_1787 : vector<256x128xi1>
    %or3A_1789 = arith.ori %gt3A_1785, %and3A_1788 : vector<256x128xi1>
    %xor3A_1790 = vector.broadcast %ne3A_1766 : vector<256x1xi1> to vector<256x128xi1>
    %xor3A_1791 = arith.xori %or3A_1789, %xor3A_1790 : vector<256x128xi1>
    %not3A_1792 = arith.constant dense<true> : vector<256x1xi1>
    %not3A_1793 = arith.xori %eq3A_1649, %not3A_1792 : vector<256x1xi1>
    %xor3A_1794 = vector.broadcast %not3A_1793 : vector<256x1xi1> to vector<256x128xi1>
    %xor3A_1795 = arith.xori %xor3A_1791, %xor3A_1794 : vector<256x128xi1>
    %select_n3A_1796 = arith.select %xor3A_1795, %select_n3A_1759, %select_n3A_1781 : vector<256x128xi1>, vector<256x128xi32>
    %select_n3A_1797 = arith.select %xor3A_1795, %select_n3A_1760, %select_n3A_1784 : vector<256x128xi1>, vector<256x128xi32>
    %and3A_1798 = arith.constant 32 : i32
    %and3A_1799 = vector.broadcast %and3A_1798 : i32 to vector<256x1xi32>
    %and3A_1800 = arith.andi %iota3A_1403, %and3A_1799 : vector<256x1xi32>
    %eq3A_1801 = arith.constant 0 : i32
    %eq3A_1802 = vector.broadcast %eq3A_1801 : i32 to vector<256x1xi32>
    %eq3A_1803 = arith.cmpi eq, %and3A_1800, %eq3A_1802 : vector<256x1xi32>
    %and3A_1804 = arith.constant 16 : i32
    %and3A_1805 = vector.broadcast %and3A_1804 : i32 to vector<256x1xi32>
    %and3A_1806 = arith.andi %iota3A_1403, %and3A_1805 : vector<256x1xi32>
    %ne3A_1807 = arith.constant 0 : i32
    %ne3A_1808 = vector.broadcast %ne3A_1807 : i32 to vector<256x1xi32>
    %ne3A_1809 = arith.cmpi ne, %and3A_1806, %ne3A_1808 : vector<256x1xi32>
    %slice3A_1810 = vector.extract_strided_slice %select_n3A_1796 {offsets = [16, 0], sizes = [240, 128], strides = [1, 1]} : vector<256x128xi32> to vector<240x128xi32>
    %slice3A_1811 = vector.extract_strided_slice %select_n3A_1796 {offsets = [0, 0], sizes = [16, 128], strides = [1, 1]} : vector<256x128xi32> to vector<16x128xi32>
    %concatenate3A_1812 = tpu.concatenate %slice3A_1810, %slice3A_1811 in 0 : vector<240x128xi32>, vector<16x128xi32> -> vector<256x128xi32>
    %slice3A_1813 = vector.extract_strided_slice %select_n3A_1796 {offsets = [240, 0], sizes = [16, 128], strides = [1, 1]} : vector<256x128xi32> to vector<16x128xi32>
    %slice3A_1814 = vector.extract_strided_slice %select_n3A_1796 {offsets = [0, 0], sizes = [240, 128], strides = [1, 1]} : vector<256x128xi32> to vector<240x128xi32>
    %concatenate3A_1815 = tpu.concatenate %slice3A_1813, %slice3A_1814 in 0 : vector<16x128xi32>, vector<240x128xi32> -> vector<256x128xi32>
    %slice3A_1816 = vector.extract_strided_slice %select_n3A_1797 {offsets = [16, 0], sizes = [240, 128], strides = [1, 1]} : vector<256x128xi32> to vector<240x128xi32>
    %slice3A_1817 = vector.extract_strided_slice %select_n3A_1797 {offsets = [0, 0], sizes = [16, 128], strides = [1, 1]} : vector<256x128xi32> to vector<16x128xi32>
    %concatenate3A_1818 = tpu.concatenate %slice3A_1816, %slice3A_1817 in 0 : vector<240x128xi32>, vector<16x128xi32> -> vector<256x128xi32>
    %slice3A_1819 = vector.extract_strided_slice %select_n3A_1797 {offsets = [240, 0], sizes = [16, 128], strides = [1, 1]} : vector<256x128xi32> to vector<16x128xi32>
    %slice3A_1820 = vector.extract_strided_slice %select_n3A_1797 {offsets = [0, 0], sizes = [240, 128], strides = [1, 1]} : vector<256x128xi32> to vector<240x128xi32>
    %concatenate3A_1821 = tpu.concatenate %slice3A_1819, %slice3A_1820 in 0 : vector<16x128xi32>, vector<240x128xi32> -> vector<256x128xi32>
    %broadcast_in_dim3A_1822 = vector.shape_cast %ne3A_1809 : vector<256x1xi1> to vector<256x1xi1>
    %broadcast_in_dim3A_1823 = vector.broadcast %broadcast_in_dim3A_1822 : vector<256x1xi1> to vector<256x128xi1>
    %select_n3A_1824 = arith.select %broadcast_in_dim3A_1823, %concatenate3A_1815, %concatenate3A_1812 : vector<256x128xi1>, vector<256x128xi32>
    %broadcast_in_dim3A_1825 = vector.shape_cast %ne3A_1809 : vector<256x1xi1> to vector<256x1xi1>
    %broadcast_in_dim3A_1826 = vector.broadcast %broadcast_in_dim3A_1825 : vector<256x1xi1> to vector<256x128xi1>
    %select_n3A_1827 = arith.select %broadcast_in_dim3A_1826, %concatenate3A_1821, %concatenate3A_1818 : vector<256x128xi1>, vector<256x128xi32>
    %gt3A_1828 = arith.cmpi sgt, %select_n3A_1796, %select_n3A_1824 : vector<256x128xi32>
    %eq3A_1829 = arith.cmpi eq, %select_n3A_1796, %select_n3A_1824 : vector<256x128xi32>
    %lt3A_1830 = arith.cmpi slt, %select_n3A_1797, %select_n3A_1827 : vector<256x128xi32>
    %and3A_1831 = arith.andi %eq3A_1829, %lt3A_1830 : vector<256x128xi1>
    %or3A_1832 = arith.ori %gt3A_1828, %and3A_1831 : vector<256x128xi1>
    %xor3A_1833 = vector.broadcast %ne3A_1809 : vector<256x1xi1> to vector<256x128xi1>
    %xor3A_1834 = arith.xori %or3A_1832, %xor3A_1833 : vector<256x128xi1>
    %not3A_1835 = arith.constant dense<true> : vector<256x1xi1>
    %not3A_1836 = arith.xori %eq3A_1803, %not3A_1835 : vector<256x1xi1>
    %xor3A_1837 = vector.broadcast %not3A_1836 : vector<256x1xi1> to vector<256x128xi1>
    %xor3A_1838 = arith.xori %xor3A_1834, %xor3A_1837 : vector<256x128xi1>
    %select_n3A_1839 = arith.select %xor3A_1838, %select_n3A_1796, %select_n3A_1824 : vector<256x128xi1>, vector<256x128xi32>
    %select_n3A_1840 = arith.select %xor3A_1838, %select_n3A_1797, %select_n3A_1827 : vector<256x128xi1>, vector<256x128xi32>
    %and3A_1841 = arith.constant 8 : i32
    %and3A_1842 = vector.broadcast %and3A_1841 : i32 to vector<256x1xi32>
    %and3A_1843 = arith.andi %iota3A_1403, %and3A_1842 : vector<256x1xi32>
    %ne3A_1844 = arith.constant 0 : i32
    %ne3A_1845 = vector.broadcast %ne3A_1844 : i32 to vector<256x1xi32>
    %ne3A_1846 = arith.cmpi ne, %and3A_1843, %ne3A_1845 : vector<256x1xi32>
    %slice3A_1847 = vector.extract_strided_slice %select_n3A_1839 {offsets = [8, 0], sizes = [248, 128], strides = [1, 1]} : vector<256x128xi32> to vector<248x128xi32>
    %slice3A_1848 = vector.extract_strided_slice %select_n3A_1839 {offsets = [0, 0], sizes = [8, 128], strides = [1, 1]} : vector<256x128xi32> to vector<8x128xi32>
    %concatenate3A_1849 = tpu.concatenate %slice3A_1847, %slice3A_1848 in 0 : vector<248x128xi32>, vector<8x128xi32> -> vector<256x128xi32>
    %slice3A_1850 = vector.extract_strided_slice %select_n3A_1839 {offsets = [248, 0], sizes = [8, 128], strides = [1, 1]} : vector<256x128xi32> to vector<8x128xi32>
    %slice3A_1851 = vector.extract_strided_slice %select_n3A_1839 {offsets = [0, 0], sizes = [248, 128], strides = [1, 1]} : vector<256x128xi32> to vector<248x128xi32>
    %concatenate3A_1852 = tpu.concatenate %slice3A_1850, %slice3A_1851 in 0 : vector<8x128xi32>, vector<248x128xi32> -> vector<256x128xi32>
    %slice3A_1853 = vector.extract_strided_slice %select_n3A_1840 {offsets = [8, 0], sizes = [248, 128], strides = [1, 1]} : vector<256x128xi32> to vector<248x128xi32>
    %slice3A_1854 = vector.extract_strided_slice %select_n3A_1840 {offsets = [0, 0], sizes = [8, 128], strides = [1, 1]} : vector<256x128xi32> to vector<8x128xi32>
    %concatenate3A_1855 = tpu.concatenate %slice3A_1853, %slice3A_1854 in 0 : vector<248x128xi32>, vector<8x128xi32> -> vector<256x128xi32>
    %slice3A_1856 = vector.extract_strided_slice %select_n3A_1840 {offsets = [248, 0], sizes = [8, 128], strides = [1, 1]} : vector<256x128xi32> to vector<8x128xi32>
    %slice3A_1857 = vector.extract_strided_slice %select_n3A_1840 {offsets = [0, 0], sizes = [248, 128], strides = [1, 1]} : vector<256x128xi32> to vector<248x128xi32>
    %concatenate3A_1858 = tpu.concatenate %slice3A_1856, %slice3A_1857 in 0 : vector<8x128xi32>, vector<248x128xi32> -> vector<256x128xi32>
    %broadcast_in_dim3A_1859 = vector.shape_cast %ne3A_1846 : vector<256x1xi1> to vector<256x1xi1>
    %broadcast_in_dim3A_1860 = vector.broadcast %broadcast_in_dim3A_1859 : vector<256x1xi1> to vector<256x128xi1>
    %select_n3A_1861 = arith.select %broadcast_in_dim3A_1860, %concatenate3A_1852, %concatenate3A_1849 : vector<256x128xi1>, vector<256x128xi32>
    %broadcast_in_dim3A_1862 = vector.shape_cast %ne3A_1846 : vector<256x1xi1> to vector<256x1xi1>
    %broadcast_in_dim3A_1863 = vector.broadcast %broadcast_in_dim3A_1862 : vector<256x1xi1> to vector<256x128xi1>
    %select_n3A_1864 = arith.select %broadcast_in_dim3A_1863, %concatenate3A_1858, %concatenate3A_1855 : vector<256x128xi1>, vector<256x128xi32>
    %gt3A_1865 = arith.cmpi sgt, %select_n3A_1839, %select_n3A_1861 : vector<256x128xi32>
    %eq3A_1866 = arith.cmpi eq, %select_n3A_1839, %select_n3A_1861 : vector<256x128xi32>
    %lt3A_1867 = arith.cmpi slt, %select_n3A_1840, %select_n3A_1864 : vector<256x128xi32>
    %and3A_1868 = arith.andi %eq3A_1866, %lt3A_1867 : vector<256x128xi1>
    %or3A_1869 = arith.ori %gt3A_1865, %and3A_1868 : vector<256x128xi1>
    %xor3A_1870 = vector.broadcast %ne3A_1846 : vector<256x1xi1> to vector<256x128xi1>
    %xor3A_1871 = arith.xori %or3A_1869, %xor3A_1870 : vector<256x128xi1>
    %not3A_1872 = arith.constant dense<true> : vector<256x1xi1>
    %not3A_1873 = arith.xori %eq3A_1803, %not3A_1872 : vector<256x1xi1>
    %xor3A_1874 = vector.broadcast %not3A_1873 : vector<256x1xi1> to vector<256x128xi1>
    %xor3A_1875 = arith.xori %xor3A_1871, %xor3A_1874 : vector<256x128xi1>
    %select_n3A_1876 = arith.select %xor3A_1875, %select_n3A_1839, %select_n3A_1861 : vector<256x128xi1>, vector<256x128xi32>
    %select_n3A_1877 = arith.select %xor3A_1875, %select_n3A_1840, %select_n3A_1864 : vector<256x128xi1>, vector<256x128xi32>
    %and3A_1878 = arith.constant 4 : i32
    %and3A_1879 = vector.broadcast %and3A_1878 : i32 to vector<256x1xi32>
    %and3A_1880 = arith.andi %iota3A_1403, %and3A_1879 : vector<256x1xi32>
    %ne3A_1881 = arith.constant 0 : i32
    %ne3A_1882 = vector.broadcast %ne3A_1881 : i32 to vector<256x1xi32>
    %ne3A_1883 = arith.cmpi ne, %and3A_1880, %ne3A_1882 : vector<256x1xi32>
    %slice3A_1884 = vector.extract_strided_slice %select_n3A_1876 {offsets = [4, 0], sizes = [252, 128], strides = [1, 1]} : vector<256x128xi32> to vector<252x128xi32>
    %slice3A_1885 = vector.extract_strided_slice %select_n3A_1876 {offsets = [0, 0], sizes = [4, 128], strides = [1, 1]} : vector<256x128xi32> to vector<4x128xi32>
    %concatenate3A_1886 = tpu.concatenate %slice3A_1884, %slice3A_1885 in 0 : vector<252x128xi32>, vector<4x128xi32> -> vector<256x128xi32>
    %slice3A_1887 = vector.extract_strided_slice %select_n3A_1876 {offsets = [252, 0], sizes = [4, 128], strides = [1, 1]} : vector<256x128xi32> to vector<4x128xi32>
    %slice3A_1888 = vector.extract_strided_slice %select_n3A_1876 {offsets = [0, 0], sizes = [252, 128], strides = [1, 1]} : vector<256x128xi32> to vector<252x128xi32>
    %concatenate3A_1889 = tpu.concatenate %slice3A_1887, %slice3A_1888 in 0 : vector<4x128xi32>, vector<252x128xi32> -> vector<256x128xi32>
    %slice3A_1890 = vector.extract_strided_slice %select_n3A_1877 {offsets = [4, 0], sizes = [252, 128], strides = [1, 1]} : vector<256x128xi32> to vector<252x128xi32>
    %slice3A_1891 = vector.extract_strided_slice %select_n3A_1877 {offsets = [0, 0], sizes = [4, 128], strides = [1, 1]} : vector<256x128xi32> to vector<4x128xi32>
    %concatenate3A_1892 = tpu.concatenate %slice3A_1890, %slice3A_1891 in 0 : vector<252x128xi32>, vector<4x128xi32> -> vector<256x128xi32>
    %slice3A_1893 = vector.extract_strided_slice %select_n3A_1877 {offsets = [252, 0], sizes = [4, 128], strides = [1, 1]} : vector<256x128xi32> to vector<4x128xi32>
    %slice3A_1894 = vector.extract_strided_slice %select_n3A_1877 {offsets = [0, 0], sizes = [252, 128], strides = [1, 1]} : vector<256x128xi32> to vector<252x128xi32>
    %concatenate3A_1895 = tpu.concatenate %slice3A_1893, %slice3A_1894 in 0 : vector<4x128xi32>, vector<252x128xi32> -> vector<256x128xi32>
    %broadcast_in_dim3A_1896 = vector.shape_cast %ne3A_1883 : vector<256x1xi1> to vector<256x1xi1>
    %broadcast_in_dim3A_1897 = vector.broadcast %broadcast_in_dim3A_1896 : vector<256x1xi1> to vector<256x128xi1>
    %select_n3A_1898 = arith.select %broadcast_in_dim3A_1897, %concatenate3A_1889, %concatenate3A_1886 : vector<256x128xi1>, vector<256x128xi32>
    %broadcast_in_dim3A_1899 = vector.shape_cast %ne3A_1883 : vector<256x1xi1> to vector<256x1xi1>
    %broadcast_in_dim3A_1900 = vector.broadcast %broadcast_in_dim3A_1899 : vector<256x1xi1> to vector<256x128xi1>
    %select_n3A_1901 = arith.select %broadcast_in_dim3A_1900, %concatenate3A_1895, %concatenate3A_1892 : vector<256x128xi1>, vector<256x128xi32>
    %gt3A_1902 = arith.cmpi sgt, %select_n3A_1876, %select_n3A_1898 : vector<256x128xi32>
    %eq3A_1903 = arith.cmpi eq, %select_n3A_1876, %select_n3A_1898 : vector<256x128xi32>
    %lt3A_1904 = arith.cmpi slt, %select_n3A_1877, %select_n3A_1901 : vector<256x128xi32>
    %and3A_1905 = arith.andi %eq3A_1903, %lt3A_1904 : vector<256x128xi1>
    %or3A_1906 = arith.ori %gt3A_1902, %and3A_1905 : vector<256x128xi1>
    %xor3A_1907 = vector.broadcast %ne3A_1883 : vector<256x1xi1> to vector<256x128xi1>
    %xor3A_1908 = arith.xori %or3A_1906, %xor3A_1907 : vector<256x128xi1>
    %not3A_1909 = arith.constant dense<true> : vector<256x1xi1>
    %not3A_1910 = arith.xori %eq3A_1803, %not3A_1909 : vector<256x1xi1>
    %xor3A_1911 = vector.broadcast %not3A_1910 : vector<256x1xi1> to vector<256x128xi1>
    %xor3A_1912 = arith.xori %xor3A_1908, %xor3A_1911 : vector<256x128xi1>
    %select_n3A_1913 = arith.select %xor3A_1912, %select_n3A_1876, %select_n3A_1898 : vector<256x128xi1>, vector<256x128xi32>
    %select_n3A_1914 = arith.select %xor3A_1912, %select_n3A_1877, %select_n3A_1901 : vector<256x128xi1>, vector<256x128xi32>
    %and3A_1915 = arith.constant 2 : i32
    %and3A_1916 = vector.broadcast %and3A_1915 : i32 to vector<256x1xi32>
    %and3A_1917 = arith.andi %iota3A_1403, %and3A_1916 : vector<256x1xi32>
    %ne3A_1918 = arith.constant 0 : i32
    %ne3A_1919 = vector.broadcast %ne3A_1918 : i32 to vector<256x1xi32>
    %ne3A_1920 = arith.cmpi ne, %and3A_1917, %ne3A_1919 : vector<256x1xi32>
    %slice3A_1921 = vector.extract_strided_slice %select_n3A_1913 {offsets = [2, 0], sizes = [254, 128], strides = [1, 1]} : vector<256x128xi32> to vector<254x128xi32>
    %slice3A_1922 = vector.extract_strided_slice %select_n3A_1913 {offsets = [0, 0], sizes = [2, 128], strides = [1, 1]} : vector<256x128xi32> to vector<2x128xi32>
    %concatenate3A_1923 = tpu.concatenate %slice3A_1921, %slice3A_1922 in 0 : vector<254x128xi32>, vector<2x128xi32> -> vector<256x128xi32>
    %slice3A_1924 = vector.extract_strided_slice %select_n3A_1913 {offsets = [254, 0], sizes = [2, 128], strides = [1, 1]} : vector<256x128xi32> to vector<2x128xi32>
    %slice3A_1925 = vector.extract_strided_slice %select_n3A_1913 {offsets = [0, 0], sizes = [254, 128], strides = [1, 1]} : vector<256x128xi32> to vector<254x128xi32>
    %concatenate3A_1926 = tpu.concatenate %slice3A_1924, %slice3A_1925 in 0 : vector<2x128xi32>, vector<254x128xi32> -> vector<256x128xi32>
    %slice3A_1927 = vector.extract_strided_slice %select_n3A_1914 {offsets = [2, 0], sizes = [254, 128], strides = [1, 1]} : vector<256x128xi32> to vector<254x128xi32>
    %slice3A_1928 = vector.extract_strided_slice %select_n3A_1914 {offsets = [0, 0], sizes = [2, 128], strides = [1, 1]} : vector<256x128xi32> to vector<2x128xi32>
    %concatenate3A_1929 = tpu.concatenate %slice3A_1927, %slice3A_1928 in 0 : vector<254x128xi32>, vector<2x128xi32> -> vector<256x128xi32>
    %slice3A_1930 = vector.extract_strided_slice %select_n3A_1914 {offsets = [254, 0], sizes = [2, 128], strides = [1, 1]} : vector<256x128xi32> to vector<2x128xi32>
    %slice3A_1931 = vector.extract_strided_slice %select_n3A_1914 {offsets = [0, 0], sizes = [254, 128], strides = [1, 1]} : vector<256x128xi32> to vector<254x128xi32>
    %concatenate3A_1932 = tpu.concatenate %slice3A_1930, %slice3A_1931 in 0 : vector<2x128xi32>, vector<254x128xi32> -> vector<256x128xi32>
    %broadcast_in_dim3A_1933 = vector.shape_cast %ne3A_1920 : vector<256x1xi1> to vector<256x1xi1>
    %broadcast_in_dim3A_1934 = vector.broadcast %broadcast_in_dim3A_1933 : vector<256x1xi1> to vector<256x128xi1>
    %select_n3A_1935 = arith.select %broadcast_in_dim3A_1934, %concatenate3A_1926, %concatenate3A_1923 : vector<256x128xi1>, vector<256x128xi32>
    %broadcast_in_dim3A_1936 = vector.shape_cast %ne3A_1920 : vector<256x1xi1> to vector<256x1xi1>
    %broadcast_in_dim3A_1937 = vector.broadcast %broadcast_in_dim3A_1936 : vector<256x1xi1> to vector<256x128xi1>
    %select_n3A_1938 = arith.select %broadcast_in_dim3A_1937, %concatenate3A_1932, %concatenate3A_1929 : vector<256x128xi1>, vector<256x128xi32>
    %gt3A_1939 = arith.cmpi sgt, %select_n3A_1913, %select_n3A_1935 : vector<256x128xi32>
    %eq3A_1940 = arith.cmpi eq, %select_n3A_1913, %select_n3A_1935 : vector<256x128xi32>
    %lt3A_1941 = arith.cmpi slt, %select_n3A_1914, %select_n3A_1938 : vector<256x128xi32>
    %and3A_1942 = arith.andi %eq3A_1940, %lt3A_1941 : vector<256x128xi1>
    %or3A_1943 = arith.ori %gt3A_1939, %and3A_1942 : vector<256x128xi1>
    %xor3A_1944 = vector.broadcast %ne3A_1920 : vector<256x1xi1> to vector<256x128xi1>
    %xor3A_1945 = arith.xori %or3A_1943, %xor3A_1944 : vector<256x128xi1>
    %not3A_1946 = arith.constant dense<true> : vector<256x1xi1>
    %not3A_1947 = arith.xori %eq3A_1803, %not3A_1946 : vector<256x1xi1>
    %xor3A_1948 = vector.broadcast %not3A_1947 : vector<256x1xi1> to vector<256x128xi1>
    %xor3A_1949 = arith.xori %xor3A_1945, %xor3A_1948 : vector<256x128xi1>
    %select_n3A_1950 = arith.select %xor3A_1949, %select_n3A_1913, %select_n3A_1935 : vector<256x128xi1>, vector<256x128xi32>
    %select_n3A_1951 = arith.select %xor3A_1949, %select_n3A_1914, %select_n3A_1938 : vector<256x128xi1>, vector<256x128xi32>
    %and3A_1952 = arith.constant 1 : i32
    %and3A_1953 = vector.broadcast %and3A_1952 : i32 to vector<256x1xi32>
    %and3A_1954 = arith.andi %iota3A_1403, %and3A_1953 : vector<256x1xi32>
    %ne3A_1955 = arith.constant 0 : i32
    %ne3A_1956 = vector.broadcast %ne3A_1955 : i32 to vector<256x1xi32>
    %ne3A_1957 = arith.cmpi ne, %and3A_1954, %ne3A_1956 : vector<256x1xi32>
    %slice3A_1958 = vector.extract_strided_slice %select_n3A_1950 {offsets = [1, 0], sizes = [255, 128], strides = [1, 1]} : vector<256x128xi32> to vector<255x128xi32>
    %slice3A_1959 = vector.extract_strided_slice %select_n3A_1950 {offsets = [0, 0], sizes = [1, 128], strides = [1, 1]} : vector<256x128xi32> to vector<1x128xi32>
    %concatenate3A_1960 = tpu.concatenate %slice3A_1958, %slice3A_1959 in 0 : vector<255x128xi32>, vector<1x128xi32> -> vector<256x128xi32>
    %slice3A_1961 = vector.extract_strided_slice %select_n3A_1950 {offsets = [255, 0], sizes = [1, 128], strides = [1, 1]} : vector<256x128xi32> to vector<1x128xi32>
    %slice3A_1962 = vector.extract_strided_slice %select_n3A_1950 {offsets = [0, 0], sizes = [255, 128], strides = [1, 1]} : vector<256x128xi32> to vector<255x128xi32>
    %concatenate3A_1963 = tpu.concatenate %slice3A_1961, %slice3A_1962 in 0 : vector<1x128xi32>, vector<255x128xi32> -> vector<256x128xi32>
    %slice3A_1964 = vector.extract_strided_slice %select_n3A_1951 {offsets = [1, 0], sizes = [255, 128], strides = [1, 1]} : vector<256x128xi32> to vector<255x128xi32>
    %slice3A_1965 = vector.extract_strided_slice %select_n3A_1951 {offsets = [0, 0], sizes = [1, 128], strides = [1, 1]} : vector<256x128xi32> to vector<1x128xi32>
    %concatenate3A_1966 = tpu.concatenate %slice3A_1964, %slice3A_1965 in 0 : vector<255x128xi32>, vector<1x128xi32> -> vector<256x128xi32>
    %slice3A_1967 = vector.extract_strided_slice %select_n3A_1951 {offsets = [255, 0], sizes = [1, 128], strides = [1, 1]} : vector<256x128xi32> to vector<1x128xi32>
    %slice3A_1968 = vector.extract_strided_slice %select_n3A_1951 {offsets = [0, 0], sizes = [255, 128], strides = [1, 1]} : vector<256x128xi32> to vector<255x128xi32>
    %concatenate3A_1969 = tpu.concatenate %slice3A_1967, %slice3A_1968 in 0 : vector<1x128xi32>, vector<255x128xi32> -> vector<256x128xi32>
    %broadcast_in_dim3A_1970 = vector.shape_cast %ne3A_1957 : vector<256x1xi1> to vector<256x1xi1>
    %broadcast_in_dim3A_1971 = vector.broadcast %broadcast_in_dim3A_1970 : vector<256x1xi1> to vector<256x128xi1>
    %select_n3A_1972 = arith.select %broadcast_in_dim3A_1971, %concatenate3A_1963, %concatenate3A_1960 : vector<256x128xi1>, vector<256x128xi32>
    %broadcast_in_dim3A_1973 = vector.shape_cast %ne3A_1957 : vector<256x1xi1> to vector<256x1xi1>
    %broadcast_in_dim3A_1974 = vector.broadcast %broadcast_in_dim3A_1973 : vector<256x1xi1> to vector<256x128xi1>
    %select_n3A_1975 = arith.select %broadcast_in_dim3A_1974, %concatenate3A_1969, %concatenate3A_1966 : vector<256x128xi1>, vector<256x128xi32>
    %gt3A_1976 = arith.cmpi sgt, %select_n3A_1950, %select_n3A_1972 : vector<256x128xi32>
    %eq3A_1977 = arith.cmpi eq, %select_n3A_1950, %select_n3A_1972 : vector<256x128xi32>
    %lt3A_1978 = arith.cmpi slt, %select_n3A_1951, %select_n3A_1975 : vector<256x128xi32>
    %and3A_1979 = arith.andi %eq3A_1977, %lt3A_1978 : vector<256x128xi1>
    %or3A_1980 = arith.ori %gt3A_1976, %and3A_1979 : vector<256x128xi1>
    %xor3A_1981 = vector.broadcast %ne3A_1957 : vector<256x1xi1> to vector<256x128xi1>
    %xor3A_1982 = arith.xori %or3A_1980, %xor3A_1981 : vector<256x128xi1>
    %not3A_1983 = arith.constant dense<true> : vector<256x1xi1>
    %not3A_1984 = arith.xori %eq3A_1803, %not3A_1983 : vector<256x1xi1>
    %xor3A_1985 = vector.broadcast %not3A_1984 : vector<256x1xi1> to vector<256x128xi1>
    %xor3A_1986 = arith.xori %xor3A_1982, %xor3A_1985 : vector<256x128xi1>
    %select_n3A_1987 = arith.select %xor3A_1986, %select_n3A_1950, %select_n3A_1972 : vector<256x128xi1>, vector<256x128xi32>
    %select_n3A_1988 = arith.select %xor3A_1986, %select_n3A_1951, %select_n3A_1975 : vector<256x128xi1>, vector<256x128xi32>
    %and3A_1989 = arith.constant 64 : i32
    %and3A_1990 = vector.broadcast %and3A_1989 : i32 to vector<256x1xi32>
    %and3A_1991 = arith.andi %iota3A_1403, %and3A_1990 : vector<256x1xi32>
    %eq3A_1992 = arith.constant 0 : i32
    %eq3A_1993 = vector.broadcast %eq3A_1992 : i32 to vector<256x1xi32>
    %eq3A_1994 = arith.cmpi eq, %and3A_1991, %eq3A_1993 : vector<256x1xi32>
    %and3A_1995 = arith.constant 32 : i32
    %and3A_1996 = vector.broadcast %and3A_1995 : i32 to vector<256x1xi32>
    %and3A_1997 = arith.andi %iota3A_1403, %and3A_1996 : vector<256x1xi32>
    %ne3A_1998 = arith.constant 0 : i32
    %ne3A_1999 = vector.broadcast %ne3A_1998 : i32 to vector<256x1xi32>
    %ne3A_2000 = arith.cmpi ne, %and3A_1997, %ne3A_1999 : vector<256x1xi32>
    %slice3A_2001 = vector.extract_strided_slice %select_n3A_1987 {offsets = [32, 0], sizes = [224, 128], strides = [1, 1]} : vector<256x128xi32> to vector<224x128xi32>
    %slice3A_2002 = vector.extract_strided_slice %select_n3A_1987 {offsets = [0, 0], sizes = [32, 128], strides = [1, 1]} : vector<256x128xi32> to vector<32x128xi32>
    %concatenate3A_2003 = tpu.concatenate %slice3A_2001, %slice3A_2002 in 0 : vector<224x128xi32>, vector<32x128xi32> -> vector<256x128xi32>
    %slice3A_2004 = vector.extract_strided_slice %select_n3A_1987 {offsets = [224, 0], sizes = [32, 128], strides = [1, 1]} : vector<256x128xi32> to vector<32x128xi32>
    %slice3A_2005 = vector.extract_strided_slice %select_n3A_1987 {offsets = [0, 0], sizes = [224, 128], strides = [1, 1]} : vector<256x128xi32> to vector<224x128xi32>
    %concatenate3A_2006 = tpu.concatenate %slice3A_2004, %slice3A_2005 in 0 : vector<32x128xi32>, vector<224x128xi32> -> vector<256x128xi32>
    %slice3A_2007 = vector.extract_strided_slice %select_n3A_1988 {offsets = [32, 0], sizes = [224, 128], strides = [1, 1]} : vector<256x128xi32> to vector<224x128xi32>
    %slice3A_2008 = vector.extract_strided_slice %select_n3A_1988 {offsets = [0, 0], sizes = [32, 128], strides = [1, 1]} : vector<256x128xi32> to vector<32x128xi32>
    %concatenate3A_2009 = tpu.concatenate %slice3A_2007, %slice3A_2008 in 0 : vector<224x128xi32>, vector<32x128xi32> -> vector<256x128xi32>
    %slice3A_2010 = vector.extract_strided_slice %select_n3A_1988 {offsets = [224, 0], sizes = [32, 128], strides = [1, 1]} : vector<256x128xi32> to vector<32x128xi32>
    %slice3A_2011 = vector.extract_strided_slice %select_n3A_1988 {offsets = [0, 0], sizes = [224, 128], strides = [1, 1]} : vector<256x128xi32> to vector<224x128xi32>
    %concatenate3A_2012 = tpu.concatenate %slice3A_2010, %slice3A_2011 in 0 : vector<32x128xi32>, vector<224x128xi32> -> vector<256x128xi32>
    %broadcast_in_dim3A_2013 = vector.shape_cast %ne3A_2000 : vector<256x1xi1> to vector<256x1xi1>
    %broadcast_in_dim3A_2014 = vector.broadcast %broadcast_in_dim3A_2013 : vector<256x1xi1> to vector<256x128xi1>
    %select_n3A_2015 = arith.select %broadcast_in_dim3A_2014, %concatenate3A_2006, %concatenate3A_2003 : vector<256x128xi1>, vector<256x128xi32>
    %broadcast_in_dim3A_2016 = vector.shape_cast %ne3A_2000 : vector<256x1xi1> to vector<256x1xi1>
    %broadcast_in_dim3A_2017 = vector.broadcast %broadcast_in_dim3A_2016 : vector<256x1xi1> to vector<256x128xi1>
    %select_n3A_2018 = arith.select %broadcast_in_dim3A_2017, %concatenate3A_2012, %concatenate3A_2009 : vector<256x128xi1>, vector<256x128xi32>
    %gt3A_2019 = arith.cmpi sgt, %select_n3A_1987, %select_n3A_2015 : vector<256x128xi32>
    %eq3A_2020 = arith.cmpi eq, %select_n3A_1987, %select_n3A_2015 : vector<256x128xi32>
    %lt3A_2021 = arith.cmpi slt, %select_n3A_1988, %select_n3A_2018 : vector<256x128xi32>
    %and3A_2022 = arith.andi %eq3A_2020, %lt3A_2021 : vector<256x128xi1>
    %or3A_2023 = arith.ori %gt3A_2019, %and3A_2022 : vector<256x128xi1>
    %xor3A_2024 = vector.broadcast %ne3A_2000 : vector<256x1xi1> to vector<256x128xi1>
    %xor3A_2025 = arith.xori %or3A_2023, %xor3A_2024 : vector<256x128xi1>
    %not3A_2026 = arith.constant dense<true> : vector<256x1xi1>
    %not3A_2027 = arith.xori %eq3A_1994, %not3A_2026 : vector<256x1xi1>
    %xor3A_2028 = vector.broadcast %not3A_2027 : vector<256x1xi1> to vector<256x128xi1>
    %xor3A_2029 = arith.xori %xor3A_2025, %xor3A_2028 : vector<256x128xi1>
    %select_n3A_2030 = arith.select %xor3A_2029, %select_n3A_1987, %select_n3A_2015 : vector<256x128xi1>, vector<256x128xi32>
    %select_n3A_2031 = arith.select %xor3A_2029, %select_n3A_1988, %select_n3A_2018 : vector<256x128xi1>, vector<256x128xi32>
    %and3A_2032 = arith.constant 16 : i32
    %and3A_2033 = vector.broadcast %and3A_2032 : i32 to vector<256x1xi32>
    %and3A_2034 = arith.andi %iota3A_1403, %and3A_2033 : vector<256x1xi32>
    %ne3A_2035 = arith.constant 0 : i32
    %ne3A_2036 = vector.broadcast %ne3A_2035 : i32 to vector<256x1xi32>
    %ne3A_2037 = arith.cmpi ne, %and3A_2034, %ne3A_2036 : vector<256x1xi32>
    %slice3A_2038 = vector.extract_strided_slice %select_n3A_2030 {offsets = [16, 0], sizes = [240, 128], strides = [1, 1]} : vector<256x128xi32> to vector<240x128xi32>
    %slice3A_2039 = vector.extract_strided_slice %select_n3A_2030 {offsets = [0, 0], sizes = [16, 128], strides = [1, 1]} : vector<256x128xi32> to vector<16x128xi32>
    %concatenate3A_2040 = tpu.concatenate %slice3A_2038, %slice3A_2039 in 0 : vector<240x128xi32>, vector<16x128xi32> -> vector<256x128xi32>
    %slice3A_2041 = vector.extract_strided_slice %select_n3A_2030 {offsets = [240, 0], sizes = [16, 128], strides = [1, 1]} : vector<256x128xi32> to vector<16x128xi32>
    %slice3A_2042 = vector.extract_strided_slice %select_n3A_2030 {offsets = [0, 0], sizes = [240, 128], strides = [1, 1]} : vector<256x128xi32> to vector<240x128xi32>
    %concatenate3A_2043 = tpu.concatenate %slice3A_2041, %slice3A_2042 in 0 : vector<16x128xi32>, vector<240x128xi32> -> vector<256x128xi32>
    %slice3A_2044 = vector.extract_strided_slice %select_n3A_2031 {offsets = [16, 0], sizes = [240, 128], strides = [1, 1]} : vector<256x128xi32> to vector<240x128xi32>
    %slice3A_2045 = vector.extract_strided_slice %select_n3A_2031 {offsets = [0, 0], sizes = [16, 128], strides = [1, 1]} : vector<256x128xi32> to vector<16x128xi32>
    %concatenate3A_2046 = tpu.concatenate %slice3A_2044, %slice3A_2045 in 0 : vector<240x128xi32>, vector<16x128xi32> -> vector<256x128xi32>
    %slice3A_2047 = vector.extract_strided_slice %select_n3A_2031 {offsets = [240, 0], sizes = [16, 128], strides = [1, 1]} : vector<256x128xi32> to vector<16x128xi32>
    %slice3A_2048 = vector.extract_strided_slice %select_n3A_2031 {offsets = [0, 0], sizes = [240, 128], strides = [1, 1]} : vector<256x128xi32> to vector<240x128xi32>
    %concatenate3A_2049 = tpu.concatenate %slice3A_2047, %slice3A_2048 in 0 : vector<16x128xi32>, vector<240x128xi32> -> vector<256x128xi32>
    %broadcast_in_dim3A_2050 = vector.shape_cast %ne3A_2037 : vector<256x1xi1> to vector<256x1xi1>
    %broadcast_in_dim3A_2051 = vector.broadcast %broadcast_in_dim3A_2050 : vector<256x1xi1> to vector<256x128xi1>
    %select_n3A_2052 = arith.select %broadcast_in_dim3A_2051, %concatenate3A_2043, %concatenate3A_2040 : vector<256x128xi1>, vector<256x128xi32>
    %broadcast_in_dim3A_2053 = vector.shape_cast %ne3A_2037 : vector<256x1xi1> to vector<256x1xi1>
    %broadcast_in_dim3A_2054 = vector.broadcast %broadcast_in_dim3A_2053 : vector<256x1xi1> to vector<256x128xi1>
    %select_n3A_2055 = arith.select %broadcast_in_dim3A_2054, %concatenate3A_2049, %concatenate3A_2046 : vector<256x128xi1>, vector<256x128xi32>
    %gt3A_2056 = arith.cmpi sgt, %select_n3A_2030, %select_n3A_2052 : vector<256x128xi32>
    %eq3A_2057 = arith.cmpi eq, %select_n3A_2030, %select_n3A_2052 : vector<256x128xi32>
    %lt3A_2058 = arith.cmpi slt, %select_n3A_2031, %select_n3A_2055 : vector<256x128xi32>
    %and3A_2059 = arith.andi %eq3A_2057, %lt3A_2058 : vector<256x128xi1>
    %or3A_2060 = arith.ori %gt3A_2056, %and3A_2059 : vector<256x128xi1>
    %xor3A_2061 = vector.broadcast %ne3A_2037 : vector<256x1xi1> to vector<256x128xi1>
    %xor3A_2062 = arith.xori %or3A_2060, %xor3A_2061 : vector<256x128xi1>
    %not3A_2063 = arith.constant dense<true> : vector<256x1xi1>
    %not3A_2064 = arith.xori %eq3A_1994, %not3A_2063 : vector<256x1xi1>
    %xor3A_2065 = vector.broadcast %not3A_2064 : vector<256x1xi1> to vector<256x128xi1>
    %xor3A_2066 = arith.xori %xor3A_2062, %xor3A_2065 : vector<256x128xi1>
    %select_n3A_2067 = arith.select %xor3A_2066, %select_n3A_2030, %select_n3A_2052 : vector<256x128xi1>, vector<256x128xi32>
    %select_n3A_2068 = arith.select %xor3A_2066, %select_n3A_2031, %select_n3A_2055 : vector<256x128xi1>, vector<256x128xi32>
    %and3A_2069 = arith.constant 8 : i32
    %and3A_2070 = vector.broadcast %and3A_2069 : i32 to vector<256x1xi32>
    %and3A_2071 = arith.andi %iota3A_1403, %and3A_2070 : vector<256x1xi32>
    %ne3A_2072 = arith.constant 0 : i32
    %ne3A_2073 = vector.broadcast %ne3A_2072 : i32 to vector<256x1xi32>
    %ne3A_2074 = arith.cmpi ne, %and3A_2071, %ne3A_2073 : vector<256x1xi32>
    %slice3A_2075 = vector.extract_strided_slice %select_n3A_2067 {offsets = [8, 0], sizes = [248, 128], strides = [1, 1]} : vector<256x128xi32> to vector<248x128xi32>
    %slice3A_2076 = vector.extract_strided_slice %select_n3A_2067 {offsets = [0, 0], sizes = [8, 128], strides = [1, 1]} : vector<256x128xi32> to vector<8x128xi32>
    %concatenate3A_2077 = tpu.concatenate %slice3A_2075, %slice3A_2076 in 0 : vector<248x128xi32>, vector<8x128xi32> -> vector<256x128xi32>
    %slice3A_2078 = vector.extract_strided_slice %select_n3A_2067 {offsets = [248, 0], sizes = [8, 128], strides = [1, 1]} : vector<256x128xi32> to vector<8x128xi32>
    %slice3A_2079 = vector.extract_strided_slice %select_n3A_2067 {offsets = [0, 0], sizes = [248, 128], strides = [1, 1]} : vector<256x128xi32> to vector<248x128xi32>
    %concatenate3A_2080 = tpu.concatenate %slice3A_2078, %slice3A_2079 in 0 : vector<8x128xi32>, vector<248x128xi32> -> vector<256x128xi32>
    %slice3A_2081 = vector.extract_strided_slice %select_n3A_2068 {offsets = [8, 0], sizes = [248, 128], strides = [1, 1]} : vector<256x128xi32> to vector<248x128xi32>
    %slice3A_2082 = vector.extract_strided_slice %select_n3A_2068 {offsets = [0, 0], sizes = [8, 128], strides = [1, 1]} : vector<256x128xi32> to vector<8x128xi32>
    %concatenate3A_2083 = tpu.concatenate %slice3A_2081, %slice3A_2082 in 0 : vector<248x128xi32>, vector<8x128xi32> -> vector<256x128xi32>
    %slice3A_2084 = vector.extract_strided_slice %select_n3A_2068 {offsets = [248, 0], sizes = [8, 128], strides = [1, 1]} : vector<256x128xi32> to vector<8x128xi32>
    %slice3A_2085 = vector.extract_strided_slice %select_n3A_2068 {offsets = [0, 0], sizes = [248, 128], strides = [1, 1]} : vector<256x128xi32> to vector<248x128xi32>
    %concatenate3A_2086 = tpu.concatenate %slice3A_2084, %slice3A_2085 in 0 : vector<8x128xi32>, vector<248x128xi32> -> vector<256x128xi32>
    %broadcast_in_dim3A_2087 = vector.shape_cast %ne3A_2074 : vector<256x1xi1> to vector<256x1xi1>
    %broadcast_in_dim3A_2088 = vector.broadcast %broadcast_in_dim3A_2087 : vector<256x1xi1> to vector<256x128xi1>
    %select_n3A_2089 = arith.select %broadcast_in_dim3A_2088, %concatenate3A_2080, %concatenate3A_2077 : vector<256x128xi1>, vector<256x128xi32>
    %broadcast_in_dim3A_2090 = vector.shape_cast %ne3A_2074 : vector<256x1xi1> to vector<256x1xi1>
    %broadcast_in_dim3A_2091 = vector.broadcast %broadcast_in_dim3A_2090 : vector<256x1xi1> to vector<256x128xi1>
    %select_n3A_2092 = arith.select %broadcast_in_dim3A_2091, %concatenate3A_2086, %concatenate3A_2083 : vector<256x128xi1>, vector<256x128xi32>
    %gt3A_2093 = arith.cmpi sgt, %select_n3A_2067, %select_n3A_2089 : vector<256x128xi32>
    %eq3A_2094 = arith.cmpi eq, %select_n3A_2067, %select_n3A_2089 : vector<256x128xi32>
    %lt3A_2095 = arith.cmpi slt, %select_n3A_2068, %select_n3A_2092 : vector<256x128xi32>
    %and3A_2096 = arith.andi %eq3A_2094, %lt3A_2095 : vector<256x128xi1>
    %or3A_2097 = arith.ori %gt3A_2093, %and3A_2096 : vector<256x128xi1>
    %xor3A_2098 = vector.broadcast %ne3A_2074 : vector<256x1xi1> to vector<256x128xi1>
    %xor3A_2099 = arith.xori %or3A_2097, %xor3A_2098 : vector<256x128xi1>
    %not3A_2100 = arith.constant dense<true> : vector<256x1xi1>
    %not3A_2101 = arith.xori %eq3A_1994, %not3A_2100 : vector<256x1xi1>
    %xor3A_2102 = vector.broadcast %not3A_2101 : vector<256x1xi1> to vector<256x128xi1>
    %xor3A_2103 = arith.xori %xor3A_2099, %xor3A_2102 : vector<256x128xi1>
    %select_n3A_2104 = arith.select %xor3A_2103, %select_n3A_2067, %select_n3A_2089 : vector<256x128xi1>, vector<256x128xi32>
    %select_n3A_2105 = arith.select %xor3A_2103, %select_n3A_2068, %select_n3A_2092 : vector<256x128xi1>, vector<256x128xi32>
    %and3A_2106 = arith.constant 4 : i32
    %and3A_2107 = vector.broadcast %and3A_2106 : i32 to vector<256x1xi32>
    %and3A_2108 = arith.andi %iota3A_1403, %and3A_2107 : vector<256x1xi32>
    %ne3A_2109 = arith.constant 0 : i32
    %ne3A_2110 = vector.broadcast %ne3A_2109 : i32 to vector<256x1xi32>
    %ne3A_2111 = arith.cmpi ne, %and3A_2108, %ne3A_2110 : vector<256x1xi32>
    %slice3A_2112 = vector.extract_strided_slice %select_n3A_2104 {offsets = [4, 0], sizes = [252, 128], strides = [1, 1]} : vector<256x128xi32> to vector<252x128xi32>
    %slice3A_2113 = vector.extract_strided_slice %select_n3A_2104 {offsets = [0, 0], sizes = [4, 128], strides = [1, 1]} : vector<256x128xi32> to vector<4x128xi32>
    %concatenate3A_2114 = tpu.concatenate %slice3A_2112, %slice3A_2113 in 0 : vector<252x128xi32>, vector<4x128xi32> -> vector<256x128xi32>
    %slice3A_2115 = vector.extract_strided_slice %select_n3A_2104 {offsets = [252, 0], sizes = [4, 128], strides = [1, 1]} : vector<256x128xi32> to vector<4x128xi32>
    %slice3A_2116 = vector.extract_strided_slice %select_n3A_2104 {offsets = [0, 0], sizes = [252, 128], strides = [1, 1]} : vector<256x128xi32> to vector<252x128xi32>
    %concatenate3A_2117 = tpu.concatenate %slice3A_2115, %slice3A_2116 in 0 : vector<4x128xi32>, vector<252x128xi32> -> vector<256x128xi32>
    %slice3A_2118 = vector.extract_strided_slice %select_n3A_2105 {offsets = [4, 0], sizes = [252, 128], strides = [1, 1]} : vector<256x128xi32> to vector<252x128xi32>
    %slice3A_2119 = vector.extract_strided_slice %select_n3A_2105 {offsets = [0, 0], sizes = [4, 128], strides = [1, 1]} : vector<256x128xi32> to vector<4x128xi32>
    %concatenate3A_2120 = tpu.concatenate %slice3A_2118, %slice3A_2119 in 0 : vector<252x128xi32>, vector<4x128xi32> -> vector<256x128xi32>
    %slice3A_2121 = vector.extract_strided_slice %select_n3A_2105 {offsets = [252, 0], sizes = [4, 128], strides = [1, 1]} : vector<256x128xi32> to vector<4x128xi32>
    %slice3A_2122 = vector.extract_strided_slice %select_n3A_2105 {offsets = [0, 0], sizes = [252, 128], strides = [1, 1]} : vector<256x128xi32> to vector<252x128xi32>
    %concatenate3A_2123 = tpu.concatenate %slice3A_2121, %slice3A_2122 in 0 : vector<4x128xi32>, vector<252x128xi32> -> vector<256x128xi32>
    %broadcast_in_dim3A_2124 = vector.shape_cast %ne3A_2111 : vector<256x1xi1> to vector<256x1xi1>
    %broadcast_in_dim3A_2125 = vector.broadcast %broadcast_in_dim3A_2124 : vector<256x1xi1> to vector<256x128xi1>
    %select_n3A_2126 = arith.select %broadcast_in_dim3A_2125, %concatenate3A_2117, %concatenate3A_2114 : vector<256x128xi1>, vector<256x128xi32>
    %broadcast_in_dim3A_2127 = vector.shape_cast %ne3A_2111 : vector<256x1xi1> to vector<256x1xi1>
    %broadcast_in_dim3A_2128 = vector.broadcast %broadcast_in_dim3A_2127 : vector<256x1xi1> to vector<256x128xi1>
    %select_n3A_2129 = arith.select %broadcast_in_dim3A_2128, %concatenate3A_2123, %concatenate3A_2120 : vector<256x128xi1>, vector<256x128xi32>
    %gt3A_2130 = arith.cmpi sgt, %select_n3A_2104, %select_n3A_2126 : vector<256x128xi32>
    %eq3A_2131 = arith.cmpi eq, %select_n3A_2104, %select_n3A_2126 : vector<256x128xi32>
    %lt3A_2132 = arith.cmpi slt, %select_n3A_2105, %select_n3A_2129 : vector<256x128xi32>
    %and3A_2133 = arith.andi %eq3A_2131, %lt3A_2132 : vector<256x128xi1>
    %or3A_2134 = arith.ori %gt3A_2130, %and3A_2133 : vector<256x128xi1>
    %xor3A_2135 = vector.broadcast %ne3A_2111 : vector<256x1xi1> to vector<256x128xi1>
    %xor3A_2136 = arith.xori %or3A_2134, %xor3A_2135 : vector<256x128xi1>
    %not3A_2137 = arith.constant dense<true> : vector<256x1xi1>
    %not3A_2138 = arith.xori %eq3A_1994, %not3A_2137 : vector<256x1xi1>
    %xor3A_2139 = vector.broadcast %not3A_2138 : vector<256x1xi1> to vector<256x128xi1>
    %xor3A_2140 = arith.xori %xor3A_2136, %xor3A_2139 : vector<256x128xi1>
    %select_n3A_2141 = arith.select %xor3A_2140, %select_n3A_2104, %select_n3A_2126 : vector<256x128xi1>, vector<256x128xi32>
    %select_n3A_2142 = arith.select %xor3A_2140, %select_n3A_2105, %select_n3A_2129 : vector<256x128xi1>, vector<256x128xi32>
    %and3A_2143 = arith.constant 2 : i32
    %and3A_2144 = vector.broadcast %and3A_2143 : i32 to vector<256x1xi32>
    %and3A_2145 = arith.andi %iota3A_1403, %and3A_2144 : vector<256x1xi32>
    %ne3A_2146 = arith.constant 0 : i32
    %ne3A_2147 = vector.broadcast %ne3A_2146 : i32 to vector<256x1xi32>
    %ne3A_2148 = arith.cmpi ne, %and3A_2145, %ne3A_2147 : vector<256x1xi32>
    %slice3A_2149 = vector.extract_strided_slice %select_n3A_2141 {offsets = [2, 0], sizes = [254, 128], strides = [1, 1]} : vector<256x128xi32> to vector<254x128xi32>
    %slice3A_2150 = vector.extract_strided_slice %select_n3A_2141 {offsets = [0, 0], sizes = [2, 128], strides = [1, 1]} : vector<256x128xi32> to vector<2x128xi32>
    %concatenate3A_2151 = tpu.concatenate %slice3A_2149, %slice3A_2150 in 0 : vector<254x128xi32>, vector<2x128xi32> -> vector<256x128xi32>
    %slice3A_2152 = vector.extract_strided_slice %select_n3A_2141 {offsets = [254, 0], sizes = [2, 128], strides = [1, 1]} : vector<256x128xi32> to vector<2x128xi32>
    %slice3A_2153 = vector.extract_strided_slice %select_n3A_2141 {offsets = [0, 0], sizes = [254, 128], strides = [1, 1]} : vector<256x128xi32> to vector<254x128xi32>
    %concatenate3A_2154 = tpu.concatenate %slice3A_2152, %slice3A_2153 in 0 : vector<2x128xi32>, vector<254x128xi32> -> vector<256x128xi32>
    %slice3A_2155 = vector.extract_strided_slice %select_n3A_2142 {offsets = [2, 0], sizes = [254, 128], strides = [1, 1]} : vector<256x128xi32> to vector<254x128xi32>
    %slice3A_2156 = vector.extract_strided_slice %select_n3A_2142 {offsets = [0, 0], sizes = [2, 128], strides = [1, 1]} : vector<256x128xi32> to vector<2x128xi32>
    %concatenate3A_2157 = tpu.concatenate %slice3A_2155, %slice3A_2156 in 0 : vector<254x128xi32>, vector<2x128xi32> -> vector<256x128xi32>
    %slice3A_2158 = vector.extract_strided_slice %select_n3A_2142 {offsets = [254, 0], sizes = [2, 128], strides = [1, 1]} : vector<256x128xi32> to vector<2x128xi32>
    %slice3A_2159 = vector.extract_strided_slice %select_n3A_2142 {offsets = [0, 0], sizes = [254, 128], strides = [1, 1]} : vector<256x128xi32> to vector<254x128xi32>
    %concatenate3A_2160 = tpu.concatenate %slice3A_2158, %slice3A_2159 in 0 : vector<2x128xi32>, vector<254x128xi32> -> vector<256x128xi32>
    %broadcast_in_dim3A_2161 = vector.shape_cast %ne3A_2148 : vector<256x1xi1> to vector<256x1xi1>
    %broadcast_in_dim3A_2162 = vector.broadcast %broadcast_in_dim3A_2161 : vector<256x1xi1> to vector<256x128xi1>
    %select_n3A_2163 = arith.select %broadcast_in_dim3A_2162, %concatenate3A_2154, %concatenate3A_2151 : vector<256x128xi1>, vector<256x128xi32>
    %broadcast_in_dim3A_2164 = vector.shape_cast %ne3A_2148 : vector<256x1xi1> to vector<256x1xi1>
    %broadcast_in_dim3A_2165 = vector.broadcast %broadcast_in_dim3A_2164 : vector<256x1xi1> to vector<256x128xi1>
    %select_n3A_2166 = arith.select %broadcast_in_dim3A_2165, %concatenate3A_2160, %concatenate3A_2157 : vector<256x128xi1>, vector<256x128xi32>
    %gt3A_2167 = arith.cmpi sgt, %select_n3A_2141, %select_n3A_2163 : vector<256x128xi32>
    %eq3A_2168 = arith.cmpi eq, %select_n3A_2141, %select_n3A_2163 : vector<256x128xi32>
    %lt3A_2169 = arith.cmpi slt, %select_n3A_2142, %select_n3A_2166 : vector<256x128xi32>
    %and3A_2170 = arith.andi %eq3A_2168, %lt3A_2169 : vector<256x128xi1>
    %or3A_2171 = arith.ori %gt3A_2167, %and3A_2170 : vector<256x128xi1>
    %xor3A_2172 = vector.broadcast %ne3A_2148 : vector<256x1xi1> to vector<256x128xi1>
    %xor3A_2173 = arith.xori %or3A_2171, %xor3A_2172 : vector<256x128xi1>
    %not3A_2174 = arith.constant dense<true> : vector<256x1xi1>
    %not3A_2175 = arith.xori %eq3A_1994, %not3A_2174 : vector<256x1xi1>
    %xor3A_2176 = vector.broadcast %not3A_2175 : vector<256x1xi1> to vector<256x128xi1>
    %xor3A_2177 = arith.xori %xor3A_2173, %xor3A_2176 : vector<256x128xi1>
    %select_n3A_2178 = arith.select %xor3A_2177, %select_n3A_2141, %select_n3A_2163 : vector<256x128xi1>, vector<256x128xi32>
    %select_n3A_2179 = arith.select %xor3A_2177, %select_n3A_2142, %select_n3A_2166 : vector<256x128xi1>, vector<256x128xi32>
    %and3A_2180 = arith.constant 1 : i32
    %and3A_2181 = vector.broadcast %and3A_2180 : i32 to vector<256x1xi32>
    %and3A_2182 = arith.andi %iota3A_1403, %and3A_2181 : vector<256x1xi32>
    %ne3A_2183 = arith.constant 0 : i32
    %ne3A_2184 = vector.broadcast %ne3A_2183 : i32 to vector<256x1xi32>
    %ne3A_2185 = arith.cmpi ne, %and3A_2182, %ne3A_2184 : vector<256x1xi32>
    %slice3A_2186 = vector.extract_strided_slice %select_n3A_2178 {offsets = [1, 0], sizes = [255, 128], strides = [1, 1]} : vector<256x128xi32> to vector<255x128xi32>
    %slice3A_2187 = vector.extract_strided_slice %select_n3A_2178 {offsets = [0, 0], sizes = [1, 128], strides = [1, 1]} : vector<256x128xi32> to vector<1x128xi32>
    %concatenate3A_2188 = tpu.concatenate %slice3A_2186, %slice3A_2187 in 0 : vector<255x128xi32>, vector<1x128xi32> -> vector<256x128xi32>
    %slice3A_2189 = vector.extract_strided_slice %select_n3A_2178 {offsets = [255, 0], sizes = [1, 128], strides = [1, 1]} : vector<256x128xi32> to vector<1x128xi32>
    %slice3A_2190 = vector.extract_strided_slice %select_n3A_2178 {offsets = [0, 0], sizes = [255, 128], strides = [1, 1]} : vector<256x128xi32> to vector<255x128xi32>
    %concatenate3A_2191 = tpu.concatenate %slice3A_2189, %slice3A_2190 in 0 : vector<1x128xi32>, vector<255x128xi32> -> vector<256x128xi32>
    %slice3A_2192 = vector.extract_strided_slice %select_n3A_2179 {offsets = [1, 0], sizes = [255, 128], strides = [1, 1]} : vector<256x128xi32> to vector<255x128xi32>
    %slice3A_2193 = vector.extract_strided_slice %select_n3A_2179 {offsets = [0, 0], sizes = [1, 128], strides = [1, 1]} : vector<256x128xi32> to vector<1x128xi32>
    %concatenate3A_2194 = tpu.concatenate %slice3A_2192, %slice3A_2193 in 0 : vector<255x128xi32>, vector<1x128xi32> -> vector<256x128xi32>
    %slice3A_2195 = vector.extract_strided_slice %select_n3A_2179 {offsets = [255, 0], sizes = [1, 128], strides = [1, 1]} : vector<256x128xi32> to vector<1x128xi32>
    %slice3A_2196 = vector.extract_strided_slice %select_n3A_2179 {offsets = [0, 0], sizes = [255, 128], strides = [1, 1]} : vector<256x128xi32> to vector<255x128xi32>
    %concatenate3A_2197 = tpu.concatenate %slice3A_2195, %slice3A_2196 in 0 : vector<1x128xi32>, vector<255x128xi32> -> vector<256x128xi32>
    %broadcast_in_dim3A_2198 = vector.shape_cast %ne3A_2185 : vector<256x1xi1> to vector<256x1xi1>
    %broadcast_in_dim3A_2199 = vector.broadcast %broadcast_in_dim3A_2198 : vector<256x1xi1> to vector<256x128xi1>
    %select_n3A_2200 = arith.select %broadcast_in_dim3A_2199, %concatenate3A_2191, %concatenate3A_2188 : vector<256x128xi1>, vector<256x128xi32>
    %broadcast_in_dim3A_2201 = vector.shape_cast %ne3A_2185 : vector<256x1xi1> to vector<256x1xi1>
    %broadcast_in_dim3A_2202 = vector.broadcast %broadcast_in_dim3A_2201 : vector<256x1xi1> to vector<256x128xi1>
    %select_n3A_2203 = arith.select %broadcast_in_dim3A_2202, %concatenate3A_2197, %concatenate3A_2194 : vector<256x128xi1>, vector<256x128xi32>
    %gt3A_2204 = arith.cmpi sgt, %select_n3A_2178, %select_n3A_2200 : vector<256x128xi32>
    %eq3A_2205 = arith.cmpi eq, %select_n3A_2178, %select_n3A_2200 : vector<256x128xi32>
    %lt3A_2206 = arith.cmpi slt, %select_n3A_2179, %select_n3A_2203 : vector<256x128xi32>
    %and3A_2207 = arith.andi %eq3A_2205, %lt3A_2206 : vector<256x128xi1>
    %or3A_2208 = arith.ori %gt3A_2204, %and3A_2207 : vector<256x128xi1>
    %xor3A_2209 = vector.broadcast %ne3A_2185 : vector<256x1xi1> to vector<256x128xi1>
    %xor3A_2210 = arith.xori %or3A_2208, %xor3A_2209 : vector<256x128xi1>
    %not3A_2211 = arith.constant dense<true> : vector<256x1xi1>
    %not3A_2212 = arith.xori %eq3A_1994, %not3A_2211 : vector<256x1xi1>
    %xor3A_2213 = vector.broadcast %not3A_2212 : vector<256x1xi1> to vector<256x128xi1>
    %xor3A_2214 = arith.xori %xor3A_2210, %xor3A_2213 : vector<256x128xi1>
    %select_n3A_2215 = arith.select %xor3A_2214, %select_n3A_2178, %select_n3A_2200 : vector<256x128xi1>, vector<256x128xi32>
    %select_n3A_2216 = arith.select %xor3A_2214, %select_n3A_2179, %select_n3A_2203 : vector<256x128xi1>, vector<256x128xi32>
    %and3A_2217 = arith.constant 128 : i32
    %and3A_2218 = vector.broadcast %and3A_2217 : i32 to vector<256x1xi32>
    %and3A_2219 = arith.andi %iota3A_1403, %and3A_2218 : vector<256x1xi32>
    %eq3A_2220 = arith.constant 0 : i32
    %eq3A_2221 = vector.broadcast %eq3A_2220 : i32 to vector<256x1xi32>
    %eq3A_2222 = arith.cmpi eq, %and3A_2219, %eq3A_2221 : vector<256x1xi32>
    %and3A_2223 = arith.constant 64 : i32
    %and3A_2224 = vector.broadcast %and3A_2223 : i32 to vector<256x1xi32>
    %and3A_2225 = arith.andi %iota3A_1403, %and3A_2224 : vector<256x1xi32>
    %ne3A_2226 = arith.constant 0 : i32
    %ne3A_2227 = vector.broadcast %ne3A_2226 : i32 to vector<256x1xi32>
    %ne3A_2228 = arith.cmpi ne, %and3A_2225, %ne3A_2227 : vector<256x1xi32>
    %slice3A_2229 = vector.extract_strided_slice %select_n3A_2215 {offsets = [64, 0], sizes = [192, 128], strides = [1, 1]} : vector<256x128xi32> to vector<192x128xi32>
    %slice3A_2230 = vector.extract_strided_slice %select_n3A_2215 {offsets = [0, 0], sizes = [64, 128], strides = [1, 1]} : vector<256x128xi32> to vector<64x128xi32>
    %concatenate3A_2231 = tpu.concatenate %slice3A_2229, %slice3A_2230 in 0 : vector<192x128xi32>, vector<64x128xi32> -> vector<256x128xi32>
    %slice3A_2232 = vector.extract_strided_slice %select_n3A_2215 {offsets = [192, 0], sizes = [64, 128], strides = [1, 1]} : vector<256x128xi32> to vector<64x128xi32>
    %slice3A_2233 = vector.extract_strided_slice %select_n3A_2215 {offsets = [0, 0], sizes = [192, 128], strides = [1, 1]} : vector<256x128xi32> to vector<192x128xi32>
    %concatenate3A_2234 = tpu.concatenate %slice3A_2232, %slice3A_2233 in 0 : vector<64x128xi32>, vector<192x128xi32> -> vector<256x128xi32>
    %slice3A_2235 = vector.extract_strided_slice %select_n3A_2216 {offsets = [64, 0], sizes = [192, 128], strides = [1, 1]} : vector<256x128xi32> to vector<192x128xi32>
    %slice3A_2236 = vector.extract_strided_slice %select_n3A_2216 {offsets = [0, 0], sizes = [64, 128], strides = [1, 1]} : vector<256x128xi32> to vector<64x128xi32>
    %concatenate3A_2237 = tpu.concatenate %slice3A_2235, %slice3A_2236 in 0 : vector<192x128xi32>, vector<64x128xi32> -> vector<256x128xi32>
    %slice3A_2238 = vector.extract_strided_slice %select_n3A_2216 {offsets = [192, 0], sizes = [64, 128], strides = [1, 1]} : vector<256x128xi32> to vector<64x128xi32>
    %slice3A_2239 = vector.extract_strided_slice %select_n3A_2216 {offsets = [0, 0], sizes = [192, 128], strides = [1, 1]} : vector<256x128xi32> to vector<192x128xi32>
    %concatenate3A_2240 = tpu.concatenate %slice3A_2238, %slice3A_2239 in 0 : vector<64x128xi32>, vector<192x128xi32> -> vector<256x128xi32>
    %broadcast_in_dim3A_2241 = vector.shape_cast %ne3A_2228 : vector<256x1xi1> to vector<256x1xi1>
    %broadcast_in_dim3A_2242 = vector.broadcast %broadcast_in_dim3A_2241 : vector<256x1xi1> to vector<256x128xi1>
    %select_n3A_2243 = arith.select %broadcast_in_dim3A_2242, %concatenate3A_2234, %concatenate3A_2231 : vector<256x128xi1>, vector<256x128xi32>
    %broadcast_in_dim3A_2244 = vector.shape_cast %ne3A_2228 : vector<256x1xi1> to vector<256x1xi1>
    %broadcast_in_dim3A_2245 = vector.broadcast %broadcast_in_dim3A_2244 : vector<256x1xi1> to vector<256x128xi1>
    %select_n3A_2246 = arith.select %broadcast_in_dim3A_2245, %concatenate3A_2240, %concatenate3A_2237 : vector<256x128xi1>, vector<256x128xi32>
    %gt3A_2247 = arith.cmpi sgt, %select_n3A_2215, %select_n3A_2243 : vector<256x128xi32>
    %eq3A_2248 = arith.cmpi eq, %select_n3A_2215, %select_n3A_2243 : vector<256x128xi32>
    %lt3A_2249 = arith.cmpi slt, %select_n3A_2216, %select_n3A_2246 : vector<256x128xi32>
    %and3A_2250 = arith.andi %eq3A_2248, %lt3A_2249 : vector<256x128xi1>
    %or3A_2251 = arith.ori %gt3A_2247, %and3A_2250 : vector<256x128xi1>
    %xor3A_2252 = vector.broadcast %ne3A_2228 : vector<256x1xi1> to vector<256x128xi1>
    %xor3A_2253 = arith.xori %or3A_2251, %xor3A_2252 : vector<256x128xi1>
    %not3A_2254 = arith.constant dense<true> : vector<256x1xi1>
    %not3A_2255 = arith.xori %eq3A_2222, %not3A_2254 : vector<256x1xi1>
    %xor3A_2256 = vector.broadcast %not3A_2255 : vector<256x1xi1> to vector<256x128xi1>
    %xor3A_2257 = arith.xori %xor3A_2253, %xor3A_2256 : vector<256x128xi1>
    %select_n3A_2258 = arith.select %xor3A_2257, %select_n3A_2215, %select_n3A_2243 : vector<256x128xi1>, vector<256x128xi32>
    %select_n3A_2259 = arith.select %xor3A_2257, %select_n3A_2216, %select_n3A_2246 : vector<256x128xi1>, vector<256x128xi32>
    %and3A_2260 = arith.constant 32 : i32
    %and3A_2261 = vector.broadcast %and3A_2260 : i32 to vector<256x1xi32>
    %and3A_2262 = arith.andi %iota3A_1403, %and3A_2261 : vector<256x1xi32>
    %ne3A_2263 = arith.constant 0 : i32
    %ne3A_2264 = vector.broadcast %ne3A_2263 : i32 to vector<256x1xi32>
    %ne3A_2265 = arith.cmpi ne, %and3A_2262, %ne3A_2264 : vector<256x1xi32>
    %slice3A_2266 = vector.extract_strided_slice %select_n3A_2258 {offsets = [32, 0], sizes = [224, 128], strides = [1, 1]} : vector<256x128xi32> to vector<224x128xi32>
    %slice3A_2267 = vector.extract_strided_slice %select_n3A_2258 {offsets = [0, 0], sizes = [32, 128], strides = [1, 1]} : vector<256x128xi32> to vector<32x128xi32>
    %concatenate3A_2268 = tpu.concatenate %slice3A_2266, %slice3A_2267 in 0 : vector<224x128xi32>, vector<32x128xi32> -> vector<256x128xi32>
    %slice3A_2269 = vector.extract_strided_slice %select_n3A_2258 {offsets = [224, 0], sizes = [32, 128], strides = [1, 1]} : vector<256x128xi32> to vector<32x128xi32>
    %slice3A_2270 = vector.extract_strided_slice %select_n3A_2258 {offsets = [0, 0], sizes = [224, 128], strides = [1, 1]} : vector<256x128xi32> to vector<224x128xi32>
    %concatenate3A_2271 = tpu.concatenate %slice3A_2269, %slice3A_2270 in 0 : vector<32x128xi32>, vector<224x128xi32> -> vector<256x128xi32>
    %slice3A_2272 = vector.extract_strided_slice %select_n3A_2259 {offsets = [32, 0], sizes = [224, 128], strides = [1, 1]} : vector<256x128xi32> to vector<224x128xi32>
    %slice3A_2273 = vector.extract_strided_slice %select_n3A_2259 {offsets = [0, 0], sizes = [32, 128], strides = [1, 1]} : vector<256x128xi32> to vector<32x128xi32>
    %concatenate3A_2274 = tpu.concatenate %slice3A_2272, %slice3A_2273 in 0 : vector<224x128xi32>, vector<32x128xi32> -> vector<256x128xi32>
    %slice3A_2275 = vector.extract_strided_slice %select_n3A_2259 {offsets = [224, 0], sizes = [32, 128], strides = [1, 1]} : vector<256x128xi32> to vector<32x128xi32>
    %slice3A_2276 = vector.extract_strided_slice %select_n3A_2259 {offsets = [0, 0], sizes = [224, 128], strides = [1, 1]} : vector<256x128xi32> to vector<224x128xi32>
    %concatenate3A_2277 = tpu.concatenate %slice3A_2275, %slice3A_2276 in 0 : vector<32x128xi32>, vector<224x128xi32> -> vector<256x128xi32>
    %broadcast_in_dim3A_2278 = vector.shape_cast %ne3A_2265 : vector<256x1xi1> to vector<256x1xi1>
    %broadcast_in_dim3A_2279 = vector.broadcast %broadcast_in_dim3A_2278 : vector<256x1xi1> to vector<256x128xi1>
    %select_n3A_2280 = arith.select %broadcast_in_dim3A_2279, %concatenate3A_2271, %concatenate3A_2268 : vector<256x128xi1>, vector<256x128xi32>
    %broadcast_in_dim3A_2281 = vector.shape_cast %ne3A_2265 : vector<256x1xi1> to vector<256x1xi1>
    %broadcast_in_dim3A_2282 = vector.broadcast %broadcast_in_dim3A_2281 : vector<256x1xi1> to vector<256x128xi1>
    %select_n3A_2283 = arith.select %broadcast_in_dim3A_2282, %concatenate3A_2277, %concatenate3A_2274 : vector<256x128xi1>, vector<256x128xi32>
    %gt3A_2284 = arith.cmpi sgt, %select_n3A_2258, %select_n3A_2280 : vector<256x128xi32>
    %eq3A_2285 = arith.cmpi eq, %select_n3A_2258, %select_n3A_2280 : vector<256x128xi32>
    %lt3A_2286 = arith.cmpi slt, %select_n3A_2259, %select_n3A_2283 : vector<256x128xi32>
    %and3A_2287 = arith.andi %eq3A_2285, %lt3A_2286 : vector<256x128xi1>
    %or3A_2288 = arith.ori %gt3A_2284, %and3A_2287 : vector<256x128xi1>
    %xor3A_2289 = vector.broadcast %ne3A_2265 : vector<256x1xi1> to vector<256x128xi1>
    %xor3A_2290 = arith.xori %or3A_2288, %xor3A_2289 : vector<256x128xi1>
    %not3A_2291 = arith.constant dense<true> : vector<256x1xi1>
    %not3A_2292 = arith.xori %eq3A_2222, %not3A_2291 : vector<256x1xi1>
    %xor3A_2293 = vector.broadcast %not3A_2292 : vector<256x1xi1> to vector<256x128xi1>
    %xor3A_2294 = arith.xori %xor3A_2290, %xor3A_2293 : vector<256x128xi1>
    %select_n3A_2295 = arith.select %xor3A_2294, %select_n3A_2258, %select_n3A_2280 : vector<256x128xi1>, vector<256x128xi32>
    %select_n3A_2296 = arith.select %xor3A_2294, %select_n3A_2259, %select_n3A_2283 : vector<256x128xi1>, vector<256x128xi32>
    %and3A_2297 = arith.constant 16 : i32
    %and3A_2298 = vector.broadcast %and3A_2297 : i32 to vector<256x1xi32>
    %and3A_2299 = arith.andi %iota3A_1403, %and3A_2298 : vector<256x1xi32>
    %ne3A_2300 = arith.constant 0 : i32
    %ne3A_2301 = vector.broadcast %ne3A_2300 : i32 to vector<256x1xi32>
    %ne3A_2302 = arith.cmpi ne, %and3A_2299, %ne3A_2301 : vector<256x1xi32>
    %slice3A_2303 = vector.extract_strided_slice %select_n3A_2295 {offsets = [16, 0], sizes = [240, 128], strides = [1, 1]} : vector<256x128xi32> to vector<240x128xi32>
    %slice3A_2304 = vector.extract_strided_slice %select_n3A_2295 {offsets = [0, 0], sizes = [16, 128], strides = [1, 1]} : vector<256x128xi32> to vector<16x128xi32>
    %concatenate3A_2305 = tpu.concatenate %slice3A_2303, %slice3A_2304 in 0 : vector<240x128xi32>, vector<16x128xi32> -> vector<256x128xi32>
    %slice3A_2306 = vector.extract_strided_slice %select_n3A_2295 {offsets = [240, 0], sizes = [16, 128], strides = [1, 1]} : vector<256x128xi32> to vector<16x128xi32>
    %slice3A_2307 = vector.extract_strided_slice %select_n3A_2295 {offsets = [0, 0], sizes = [240, 128], strides = [1, 1]} : vector<256x128xi32> to vector<240x128xi32>
    %concatenate3A_2308 = tpu.concatenate %slice3A_2306, %slice3A_2307 in 0 : vector<16x128xi32>, vector<240x128xi32> -> vector<256x128xi32>
    %slice3A_2309 = vector.extract_strided_slice %select_n3A_2296 {offsets = [16, 0], sizes = [240, 128], strides = [1, 1]} : vector<256x128xi32> to vector<240x128xi32>
    %slice3A_2310 = vector.extract_strided_slice %select_n3A_2296 {offsets = [0, 0], sizes = [16, 128], strides = [1, 1]} : vector<256x128xi32> to vector<16x128xi32>
    %concatenate3A_2311 = tpu.concatenate %slice3A_2309, %slice3A_2310 in 0 : vector<240x128xi32>, vector<16x128xi32> -> vector<256x128xi32>
    %slice3A_2312 = vector.extract_strided_slice %select_n3A_2296 {offsets = [240, 0], sizes = [16, 128], strides = [1, 1]} : vector<256x128xi32> to vector<16x128xi32>
    %slice3A_2313 = vector.extract_strided_slice %select_n3A_2296 {offsets = [0, 0], sizes = [240, 128], strides = [1, 1]} : vector<256x128xi32> to vector<240x128xi32>
    %concatenate3A_2314 = tpu.concatenate %slice3A_2312, %slice3A_2313 in 0 : vector<16x128xi32>, vector<240x128xi32> -> vector<256x128xi32>
    %broadcast_in_dim3A_2315 = vector.shape_cast %ne3A_2302 : vector<256x1xi1> to vector<256x1xi1>
    %broadcast_in_dim3A_2316 = vector.broadcast %broadcast_in_dim3A_2315 : vector<256x1xi1> to vector<256x128xi1>
    %select_n3A_2317 = arith.select %broadcast_in_dim3A_2316, %concatenate3A_2308, %concatenate3A_2305 : vector<256x128xi1>, vector<256x128xi32>
    %broadcast_in_dim3A_2318 = vector.shape_cast %ne3A_2302 : vector<256x1xi1> to vector<256x1xi1>
    %broadcast_in_dim3A_2319 = vector.broadcast %broadcast_in_dim3A_2318 : vector<256x1xi1> to vector<256x128xi1>
    %select_n3A_2320 = arith.select %broadcast_in_dim3A_2319, %concatenate3A_2314, %concatenate3A_2311 : vector<256x128xi1>, vector<256x128xi32>
    %gt3A_2321 = arith.cmpi sgt, %select_n3A_2295, %select_n3A_2317 : vector<256x128xi32>
    %eq3A_2322 = arith.cmpi eq, %select_n3A_2295, %select_n3A_2317 : vector<256x128xi32>
    %lt3A_2323 = arith.cmpi slt, %select_n3A_2296, %select_n3A_2320 : vector<256x128xi32>
    %and3A_2324 = arith.andi %eq3A_2322, %lt3A_2323 : vector<256x128xi1>
    %or3A_2325 = arith.ori %gt3A_2321, %and3A_2324 : vector<256x128xi1>
    %xor3A_2326 = vector.broadcast %ne3A_2302 : vector<256x1xi1> to vector<256x128xi1>
    %xor3A_2327 = arith.xori %or3A_2325, %xor3A_2326 : vector<256x128xi1>
    %not3A_2328 = arith.constant dense<true> : vector<256x1xi1>
    %not3A_2329 = arith.xori %eq3A_2222, %not3A_2328 : vector<256x1xi1>
    %xor3A_2330 = vector.broadcast %not3A_2329 : vector<256x1xi1> to vector<256x128xi1>
    %xor3A_2331 = arith.xori %xor3A_2327, %xor3A_2330 : vector<256x128xi1>
    %select_n3A_2332 = arith.select %xor3A_2331, %select_n3A_2295, %select_n3A_2317 : vector<256x128xi1>, vector<256x128xi32>
    %select_n3A_2333 = arith.select %xor3A_2331, %select_n3A_2296, %select_n3A_2320 : vector<256x128xi1>, vector<256x128xi32>
    %and3A_2334 = arith.constant 8 : i32
    %and3A_2335 = vector.broadcast %and3A_2334 : i32 to vector<256x1xi32>
    %and3A_2336 = arith.andi %iota3A_1403, %and3A_2335 : vector<256x1xi32>
    %ne3A_2337 = arith.constant 0 : i32
    %ne3A_2338 = vector.broadcast %ne3A_2337 : i32 to vector<256x1xi32>
    %ne3A_2339 = arith.cmpi ne, %and3A_2336, %ne3A_2338 : vector<256x1xi32>
    %slice3A_2340 = vector.extract_strided_slice %select_n3A_2332 {offsets = [8, 0], sizes = [248, 128], strides = [1, 1]} : vector<256x128xi32> to vector<248x128xi32>
    %slice3A_2341 = vector.extract_strided_slice %select_n3A_2332 {offsets = [0, 0], sizes = [8, 128], strides = [1, 1]} : vector<256x128xi32> to vector<8x128xi32>
    %concatenate3A_2342 = tpu.concatenate %slice3A_2340, %slice3A_2341 in 0 : vector<248x128xi32>, vector<8x128xi32> -> vector<256x128xi32>
    %slice3A_2343 = vector.extract_strided_slice %select_n3A_2332 {offsets = [248, 0], sizes = [8, 128], strides = [1, 1]} : vector<256x128xi32> to vector<8x128xi32>
    %slice3A_2344 = vector.extract_strided_slice %select_n3A_2332 {offsets = [0, 0], sizes = [248, 128], strides = [1, 1]} : vector<256x128xi32> to vector<248x128xi32>
    %concatenate3A_2345 = tpu.concatenate %slice3A_2343, %slice3A_2344 in 0 : vector<8x128xi32>, vector<248x128xi32> -> vector<256x128xi32>
    %slice3A_2346 = vector.extract_strided_slice %select_n3A_2333 {offsets = [8, 0], sizes = [248, 128], strides = [1, 1]} : vector<256x128xi32> to vector<248x128xi32>
    %slice3A_2347 = vector.extract_strided_slice %select_n3A_2333 {offsets = [0, 0], sizes = [8, 128], strides = [1, 1]} : vector<256x128xi32> to vector<8x128xi32>
    %concatenate3A_2348 = tpu.concatenate %slice3A_2346, %slice3A_2347 in 0 : vector<248x128xi32>, vector<8x128xi32> -> vector<256x128xi32>
    %slice3A_2349 = vector.extract_strided_slice %select_n3A_2333 {offsets = [248, 0], sizes = [8, 128], strides = [1, 1]} : vector<256x128xi32> to vector<8x128xi32>
    %slice3A_2350 = vector.extract_strided_slice %select_n3A_2333 {offsets = [0, 0], sizes = [248, 128], strides = [1, 1]} : vector<256x128xi32> to vector<248x128xi32>
    %concatenate3A_2351 = tpu.concatenate %slice3A_2349, %slice3A_2350 in 0 : vector<8x128xi32>, vector<248x128xi32> -> vector<256x128xi32>
    %broadcast_in_dim3A_2352 = vector.shape_cast %ne3A_2339 : vector<256x1xi1> to vector<256x1xi1>
    %broadcast_in_dim3A_2353 = vector.broadcast %broadcast_in_dim3A_2352 : vector<256x1xi1> to vector<256x128xi1>
    %select_n3A_2354 = arith.select %broadcast_in_dim3A_2353, %concatenate3A_2345, %concatenate3A_2342 : vector<256x128xi1>, vector<256x128xi32>
    %broadcast_in_dim3A_2355 = vector.shape_cast %ne3A_2339 : vector<256x1xi1> to vector<256x1xi1>
    %broadcast_in_dim3A_2356 = vector.broadcast %broadcast_in_dim3A_2355 : vector<256x1xi1> to vector<256x128xi1>
    %select_n3A_2357 = arith.select %broadcast_in_dim3A_2356, %concatenate3A_2351, %concatenate3A_2348 : vector<256x128xi1>, vector<256x128xi32>
    %gt3A_2358 = arith.cmpi sgt, %select_n3A_2332, %select_n3A_2354 : vector<256x128xi32>
    %eq3A_2359 = arith.cmpi eq, %select_n3A_2332, %select_n3A_2354 : vector<256x128xi32>
    %lt3A_2360 = arith.cmpi slt, %select_n3A_2333, %select_n3A_2357 : vector<256x128xi32>
    %and3A_2361 = arith.andi %eq3A_2359, %lt3A_2360 : vector<256x128xi1>
    %or3A_2362 = arith.ori %gt3A_2358, %and3A_2361 : vector<256x128xi1>
    %xor3A_2363 = vector.broadcast %ne3A_2339 : vector<256x1xi1> to vector<256x128xi1>
    %xor3A_2364 = arith.xori %or3A_2362, %xor3A_2363 : vector<256x128xi1>
    %not3A_2365 = arith.constant dense<true> : vector<256x1xi1>
    %not3A_2366 = arith.xori %eq3A_2222, %not3A_2365 : vector<256x1xi1>
    %xor3A_2367 = vector.broadcast %not3A_2366 : vector<256x1xi1> to vector<256x128xi1>
    %xor3A_2368 = arith.xori %xor3A_2364, %xor3A_2367 : vector<256x128xi1>
    %select_n3A_2369 = arith.select %xor3A_2368, %select_n3A_2332, %select_n3A_2354 : vector<256x128xi1>, vector<256x128xi32>
    %select_n3A_2370 = arith.select %xor3A_2368, %select_n3A_2333, %select_n3A_2357 : vector<256x128xi1>, vector<256x128xi32>
    %and3A_2371 = arith.constant 4 : i32
    %and3A_2372 = vector.broadcast %and3A_2371 : i32 to vector<256x1xi32>
    %and3A_2373 = arith.andi %iota3A_1403, %and3A_2372 : vector<256x1xi32>
    %ne3A_2374 = arith.constant 0 : i32
    %ne3A_2375 = vector.broadcast %ne3A_2374 : i32 to vector<256x1xi32>
    %ne3A_2376 = arith.cmpi ne, %and3A_2373, %ne3A_2375 : vector<256x1xi32>
    %slice3A_2377 = vector.extract_strided_slice %select_n3A_2369 {offsets = [4, 0], sizes = [252, 128], strides = [1, 1]} : vector<256x128xi32> to vector<252x128xi32>
    %slice3A_2378 = vector.extract_strided_slice %select_n3A_2369 {offsets = [0, 0], sizes = [4, 128], strides = [1, 1]} : vector<256x128xi32> to vector<4x128xi32>
    %concatenate3A_2379 = tpu.concatenate %slice3A_2377, %slice3A_2378 in 0 : vector<252x128xi32>, vector<4x128xi32> -> vector<256x128xi32>
    %slice3A_2380 = vector.extract_strided_slice %select_n3A_2369 {offsets = [252, 0], sizes = [4, 128], strides = [1, 1]} : vector<256x128xi32> to vector<4x128xi32>
    %slice3A_2381 = vector.extract_strided_slice %select_n3A_2369 {offsets = [0, 0], sizes = [252, 128], strides = [1, 1]} : vector<256x128xi32> to vector<252x128xi32>
    %concatenate3A_2382 = tpu.concatenate %slice3A_2380, %slice3A_2381 in 0 : vector<4x128xi32>, vector<252x128xi32> -> vector<256x128xi32>
    %slice3A_2383 = vector.extract_strided_slice %select_n3A_2370 {offsets = [4, 0], sizes = [252, 128], strides = [1, 1]} : vector<256x128xi32> to vector<252x128xi32>
    %slice3A_2384 = vector.extract_strided_slice %select_n3A_2370 {offsets = [0, 0], sizes = [4, 128], strides = [1, 1]} : vector<256x128xi32> to vector<4x128xi32>
    %concatenate3A_2385 = tpu.concatenate %slice3A_2383, %slice3A_2384 in 0 : vector<252x128xi32>, vector<4x128xi32> -> vector<256x128xi32>
    %slice3A_2386 = vector.extract_strided_slice %select_n3A_2370 {offsets = [252, 0], sizes = [4, 128], strides = [1, 1]} : vector<256x128xi32> to vector<4x128xi32>
    %slice3A_2387 = vector.extract_strided_slice %select_n3A_2370 {offsets = [0, 0], sizes = [252, 128], strides = [1, 1]} : vector<256x128xi32> to vector<252x128xi32>
    %concatenate3A_2388 = tpu.concatenate %slice3A_2386, %slice3A_2387 in 0 : vector<4x128xi32>, vector<252x128xi32> -> vector<256x128xi32>
    %broadcast_in_dim3A_2389 = vector.shape_cast %ne3A_2376 : vector<256x1xi1> to vector<256x1xi1>
    %broadcast_in_dim3A_2390 = vector.broadcast %broadcast_in_dim3A_2389 : vector<256x1xi1> to vector<256x128xi1>
    %select_n3A_2391 = arith.select %broadcast_in_dim3A_2390, %concatenate3A_2382, %concatenate3A_2379 : vector<256x128xi1>, vector<256x128xi32>
    %broadcast_in_dim3A_2392 = vector.shape_cast %ne3A_2376 : vector<256x1xi1> to vector<256x1xi1>
    %broadcast_in_dim3A_2393 = vector.broadcast %broadcast_in_dim3A_2392 : vector<256x1xi1> to vector<256x128xi1>
    %select_n3A_2394 = arith.select %broadcast_in_dim3A_2393, %concatenate3A_2388, %concatenate3A_2385 : vector<256x128xi1>, vector<256x128xi32>
    %gt3A_2395 = arith.cmpi sgt, %select_n3A_2369, %select_n3A_2391 : vector<256x128xi32>
    %eq3A_2396 = arith.cmpi eq, %select_n3A_2369, %select_n3A_2391 : vector<256x128xi32>
    %lt3A_2397 = arith.cmpi slt, %select_n3A_2370, %select_n3A_2394 : vector<256x128xi32>
    %and3A_2398 = arith.andi %eq3A_2396, %lt3A_2397 : vector<256x128xi1>
    %or3A_2399 = arith.ori %gt3A_2395, %and3A_2398 : vector<256x128xi1>
    %xor3A_2400 = vector.broadcast %ne3A_2376 : vector<256x1xi1> to vector<256x128xi1>
    %xor3A_2401 = arith.xori %or3A_2399, %xor3A_2400 : vector<256x128xi1>
    %not3A_2402 = arith.constant dense<true> : vector<256x1xi1>
    %not3A_2403 = arith.xori %eq3A_2222, %not3A_2402 : vector<256x1xi1>
    %xor3A_2404 = vector.broadcast %not3A_2403 : vector<256x1xi1> to vector<256x128xi1>
    %xor3A_2405 = arith.xori %xor3A_2401, %xor3A_2404 : vector<256x128xi1>
    %select_n3A_2406 = arith.select %xor3A_2405, %select_n3A_2369, %select_n3A_2391 : vector<256x128xi1>, vector<256x128xi32>
    %select_n3A_2407 = arith.select %xor3A_2405, %select_n3A_2370, %select_n3A_2394 : vector<256x128xi1>, vector<256x128xi32>
    %and3A_2408 = arith.constant 2 : i32
    %and3A_2409 = vector.broadcast %and3A_2408 : i32 to vector<256x1xi32>
    %and3A_2410 = arith.andi %iota3A_1403, %and3A_2409 : vector<256x1xi32>
    %ne3A_2411 = arith.constant 0 : i32
    %ne3A_2412 = vector.broadcast %ne3A_2411 : i32 to vector<256x1xi32>
    %ne3A_2413 = arith.cmpi ne, %and3A_2410, %ne3A_2412 : vector<256x1xi32>
    %slice3A_2414 = vector.extract_strided_slice %select_n3A_2406 {offsets = [2, 0], sizes = [254, 128], strides = [1, 1]} : vector<256x128xi32> to vector<254x128xi32>
    %slice3A_2415 = vector.extract_strided_slice %select_n3A_2406 {offsets = [0, 0], sizes = [2, 128], strides = [1, 1]} : vector<256x128xi32> to vector<2x128xi32>
    %concatenate3A_2416 = tpu.concatenate %slice3A_2414, %slice3A_2415 in 0 : vector<254x128xi32>, vector<2x128xi32> -> vector<256x128xi32>
    %slice3A_2417 = vector.extract_strided_slice %select_n3A_2406 {offsets = [254, 0], sizes = [2, 128], strides = [1, 1]} : vector<256x128xi32> to vector<2x128xi32>
    %slice3A_2418 = vector.extract_strided_slice %select_n3A_2406 {offsets = [0, 0], sizes = [254, 128], strides = [1, 1]} : vector<256x128xi32> to vector<254x128xi32>
    %concatenate3A_2419 = tpu.concatenate %slice3A_2417, %slice3A_2418 in 0 : vector<2x128xi32>, vector<254x128xi32> -> vector<256x128xi32>
    %slice3A_2420 = vector.extract_strided_slice %select_n3A_2407 {offsets = [2, 0], sizes = [254, 128], strides = [1, 1]} : vector<256x128xi32> to vector<254x128xi32>
    %slice3A_2421 = vector.extract_strided_slice %select_n3A_2407 {offsets = [0, 0], sizes = [2, 128], strides = [1, 1]} : vector<256x128xi32> to vector<2x128xi32>
    %concatenate3A_2422 = tpu.concatenate %slice3A_2420, %slice3A_2421 in 0 : vector<254x128xi32>, vector<2x128xi32> -> vector<256x128xi32>
    %slice3A_2423 = vector.extract_strided_slice %select_n3A_2407 {offsets = [254, 0], sizes = [2, 128], strides = [1, 1]} : vector<256x128xi32> to vector<2x128xi32>
    %slice3A_2424 = vector.extract_strided_slice %select_n3A_2407 {offsets = [0, 0], sizes = [254, 128], strides = [1, 1]} : vector<256x128xi32> to vector<254x128xi32>
    %concatenate3A_2425 = tpu.concatenate %slice3A_2423, %slice3A_2424 in 0 : vector<2x128xi32>, vector<254x128xi32> -> vector<256x128xi32>
    %broadcast_in_dim3A_2426 = vector.shape_cast %ne3A_2413 : vector<256x1xi1> to vector<256x1xi1>
    %broadcast_in_dim3A_2427 = vector.broadcast %broadcast_in_dim3A_2426 : vector<256x1xi1> to vector<256x128xi1>
    %select_n3A_2428 = arith.select %broadcast_in_dim3A_2427, %concatenate3A_2419, %concatenate3A_2416 : vector<256x128xi1>, vector<256x128xi32>
    %broadcast_in_dim3A_2429 = vector.shape_cast %ne3A_2413 : vector<256x1xi1> to vector<256x1xi1>
    %broadcast_in_dim3A_2430 = vector.broadcast %broadcast_in_dim3A_2429 : vector<256x1xi1> to vector<256x128xi1>
    %select_n3A_2431 = arith.select %broadcast_in_dim3A_2430, %concatenate3A_2425, %concatenate3A_2422 : vector<256x128xi1>, vector<256x128xi32>
    %gt3A_2432 = arith.cmpi sgt, %select_n3A_2406, %select_n3A_2428 : vector<256x128xi32>
    %eq3A_2433 = arith.cmpi eq, %select_n3A_2406, %select_n3A_2428 : vector<256x128xi32>
    %lt3A_2434 = arith.cmpi slt, %select_n3A_2407, %select_n3A_2431 : vector<256x128xi32>
    %and3A_2435 = arith.andi %eq3A_2433, %lt3A_2434 : vector<256x128xi1>
    %or3A_2436 = arith.ori %gt3A_2432, %and3A_2435 : vector<256x128xi1>
    %xor3A_2437 = vector.broadcast %ne3A_2413 : vector<256x1xi1> to vector<256x128xi1>
    %xor3A_2438 = arith.xori %or3A_2436, %xor3A_2437 : vector<256x128xi1>
    %not3A_2439 = arith.constant dense<true> : vector<256x1xi1>
    %not3A_2440 = arith.xori %eq3A_2222, %not3A_2439 : vector<256x1xi1>
    %xor3A_2441 = vector.broadcast %not3A_2440 : vector<256x1xi1> to vector<256x128xi1>
    %xor3A_2442 = arith.xori %xor3A_2438, %xor3A_2441 : vector<256x128xi1>
    %select_n3A_2443 = arith.select %xor3A_2442, %select_n3A_2406, %select_n3A_2428 : vector<256x128xi1>, vector<256x128xi32>
    %select_n3A_2444 = arith.select %xor3A_2442, %select_n3A_2407, %select_n3A_2431 : vector<256x128xi1>, vector<256x128xi32>
    %and3A_2445 = arith.constant 1 : i32
    %and3A_2446 = vector.broadcast %and3A_2445 : i32 to vector<256x1xi32>
    %and3A_2447 = arith.andi %iota3A_1403, %and3A_2446 : vector<256x1xi32>
    %ne3A_2448 = arith.constant 0 : i32
    %ne3A_2449 = vector.broadcast %ne3A_2448 : i32 to vector<256x1xi32>
    %ne3A_2450 = arith.cmpi ne, %and3A_2447, %ne3A_2449 : vector<256x1xi32>
    %slice3A_2451 = vector.extract_strided_slice %select_n3A_2443 {offsets = [1, 0], sizes = [255, 128], strides = [1, 1]} : vector<256x128xi32> to vector<255x128xi32>
    %slice3A_2452 = vector.extract_strided_slice %select_n3A_2443 {offsets = [0, 0], sizes = [1, 128], strides = [1, 1]} : vector<256x128xi32> to vector<1x128xi32>
    %concatenate3A_2453 = tpu.concatenate %slice3A_2451, %slice3A_2452 in 0 : vector<255x128xi32>, vector<1x128xi32> -> vector<256x128xi32>
    %slice3A_2454 = vector.extract_strided_slice %select_n3A_2443 {offsets = [255, 0], sizes = [1, 128], strides = [1, 1]} : vector<256x128xi32> to vector<1x128xi32>
    %slice3A_2455 = vector.extract_strided_slice %select_n3A_2443 {offsets = [0, 0], sizes = [255, 128], strides = [1, 1]} : vector<256x128xi32> to vector<255x128xi32>
    %concatenate3A_2456 = tpu.concatenate %slice3A_2454, %slice3A_2455 in 0 : vector<1x128xi32>, vector<255x128xi32> -> vector<256x128xi32>
    %slice3A_2457 = vector.extract_strided_slice %select_n3A_2444 {offsets = [1, 0], sizes = [255, 128], strides = [1, 1]} : vector<256x128xi32> to vector<255x128xi32>
    %slice3A_2458 = vector.extract_strided_slice %select_n3A_2444 {offsets = [0, 0], sizes = [1, 128], strides = [1, 1]} : vector<256x128xi32> to vector<1x128xi32>
    %concatenate3A_2459 = tpu.concatenate %slice3A_2457, %slice3A_2458 in 0 : vector<255x128xi32>, vector<1x128xi32> -> vector<256x128xi32>
    %slice3A_2460 = vector.extract_strided_slice %select_n3A_2444 {offsets = [255, 0], sizes = [1, 128], strides = [1, 1]} : vector<256x128xi32> to vector<1x128xi32>
    %slice3A_2461 = vector.extract_strided_slice %select_n3A_2444 {offsets = [0, 0], sizes = [255, 128], strides = [1, 1]} : vector<256x128xi32> to vector<255x128xi32>
    %concatenate3A_2462 = tpu.concatenate %slice3A_2460, %slice3A_2461 in 0 : vector<1x128xi32>, vector<255x128xi32> -> vector<256x128xi32>
    %broadcast_in_dim3A_2463 = vector.shape_cast %ne3A_2450 : vector<256x1xi1> to vector<256x1xi1>
    %broadcast_in_dim3A_2464 = vector.broadcast %broadcast_in_dim3A_2463 : vector<256x1xi1> to vector<256x128xi1>
    %select_n3A_2465 = arith.select %broadcast_in_dim3A_2464, %concatenate3A_2456, %concatenate3A_2453 : vector<256x128xi1>, vector<256x128xi32>
    %broadcast_in_dim3A_2466 = vector.shape_cast %ne3A_2450 : vector<256x1xi1> to vector<256x1xi1>
    %broadcast_in_dim3A_2467 = vector.broadcast %broadcast_in_dim3A_2466 : vector<256x1xi1> to vector<256x128xi1>
    %select_n3A_2468 = arith.select %broadcast_in_dim3A_2467, %concatenate3A_2462, %concatenate3A_2459 : vector<256x128xi1>, vector<256x128xi32>
    %gt3A_2469 = arith.cmpi sgt, %select_n3A_2443, %select_n3A_2465 : vector<256x128xi32>
    %eq3A_2470 = arith.cmpi eq, %select_n3A_2443, %select_n3A_2465 : vector<256x128xi32>
    %lt3A_2471 = arith.cmpi slt, %select_n3A_2444, %select_n3A_2468 : vector<256x128xi32>
    %and3A_2472 = arith.andi %eq3A_2470, %lt3A_2471 : vector<256x128xi1>
    %or3A_2473 = arith.ori %gt3A_2469, %and3A_2472 : vector<256x128xi1>
    %xor3A_2474 = vector.broadcast %ne3A_2450 : vector<256x1xi1> to vector<256x128xi1>
    %xor3A_2475 = arith.xori %or3A_2473, %xor3A_2474 : vector<256x128xi1>
    %not3A_2476 = arith.constant dense<true> : vector<256x1xi1>
    %not3A_2477 = arith.xori %eq3A_2222, %not3A_2476 : vector<256x1xi1>
    %xor3A_2478 = vector.broadcast %not3A_2477 : vector<256x1xi1> to vector<256x128xi1>
    %xor3A_2479 = arith.xori %xor3A_2475, %xor3A_2478 : vector<256x128xi1>
    %select_n3A_2480 = arith.select %xor3A_2479, %select_n3A_2443, %select_n3A_2465 : vector<256x128xi1>, vector<256x128xi32>
    %select_n3A_2481 = arith.select %xor3A_2479, %select_n3A_2444, %select_n3A_2468 : vector<256x128xi1>, vector<256x128xi32>
    %and3A_2482 = arith.constant 256 : i32
    %and3A_2483 = vector.broadcast %and3A_2482 : i32 to vector<256x1xi32>
    %and3A_2484 = arith.andi %iota3A_1403, %and3A_2483 : vector<256x1xi32>
    %eq3A_2485 = arith.constant 0 : i32
    %eq3A_2486 = vector.broadcast %eq3A_2485 : i32 to vector<256x1xi32>
    %eq3A_2487 = arith.cmpi eq, %and3A_2484, %eq3A_2486 : vector<256x1xi32>
    %and3A_2488 = arith.constant 128 : i32
    %and3A_2489 = vector.broadcast %and3A_2488 : i32 to vector<256x1xi32>
    %and3A_2490 = arith.andi %iota3A_1403, %and3A_2489 : vector<256x1xi32>
    %ne3A_2491 = arith.constant 0 : i32
    %ne3A_2492 = vector.broadcast %ne3A_2491 : i32 to vector<256x1xi32>
    %ne3A_2493 = arith.cmpi ne, %and3A_2490, %ne3A_2492 : vector<256x1xi32>
    %slice3A_2494 = vector.extract_strided_slice %select_n3A_2480 {offsets = [128, 0], sizes = [128, 128], strides = [1, 1]} : vector<256x128xi32> to vector<128x128xi32>
    %slice3A_2495 = vector.extract_strided_slice %select_n3A_2480 {offsets = [0, 0], sizes = [128, 128], strides = [1, 1]} : vector<256x128xi32> to vector<128x128xi32>
    %concatenate3A_2496 = tpu.concatenate %slice3A_2494, %slice3A_2495 in 0 : vector<128x128xi32>, vector<128x128xi32> -> vector<256x128xi32>
    %slice3A_2497 = vector.extract_strided_slice %select_n3A_2480 {offsets = [128, 0], sizes = [128, 128], strides = [1, 1]} : vector<256x128xi32> to vector<128x128xi32>
    %slice3A_2498 = vector.extract_strided_slice %select_n3A_2480 {offsets = [0, 0], sizes = [128, 128], strides = [1, 1]} : vector<256x128xi32> to vector<128x128xi32>
    %concatenate3A_2499 = tpu.concatenate %slice3A_2497, %slice3A_2498 in 0 : vector<128x128xi32>, vector<128x128xi32> -> vector<256x128xi32>
    %slice3A_2500 = vector.extract_strided_slice %select_n3A_2481 {offsets = [128, 0], sizes = [128, 128], strides = [1, 1]} : vector<256x128xi32> to vector<128x128xi32>
    %slice3A_2501 = vector.extract_strided_slice %select_n3A_2481 {offsets = [0, 0], sizes = [128, 128], strides = [1, 1]} : vector<256x128xi32> to vector<128x128xi32>
    %concatenate3A_2502 = tpu.concatenate %slice3A_2500, %slice3A_2501 in 0 : vector<128x128xi32>, vector<128x128xi32> -> vector<256x128xi32>
    %slice3A_2503 = vector.extract_strided_slice %select_n3A_2481 {offsets = [128, 0], sizes = [128, 128], strides = [1, 1]} : vector<256x128xi32> to vector<128x128xi32>
    %slice3A_2504 = vector.extract_strided_slice %select_n3A_2481 {offsets = [0, 0], sizes = [128, 128], strides = [1, 1]} : vector<256x128xi32> to vector<128x128xi32>
    %concatenate3A_2505 = tpu.concatenate %slice3A_2503, %slice3A_2504 in 0 : vector<128x128xi32>, vector<128x128xi32> -> vector<256x128xi32>
    %broadcast_in_dim3A_2506 = vector.shape_cast %ne3A_2493 : vector<256x1xi1> to vector<256x1xi1>
    %broadcast_in_dim3A_2507 = vector.broadcast %broadcast_in_dim3A_2506 : vector<256x1xi1> to vector<256x128xi1>
    %select_n3A_2508 = arith.select %broadcast_in_dim3A_2507, %concatenate3A_2499, %concatenate3A_2496 : vector<256x128xi1>, vector<256x128xi32>
    %broadcast_in_dim3A_2509 = vector.shape_cast %ne3A_2493 : vector<256x1xi1> to vector<256x1xi1>
    %broadcast_in_dim3A_2510 = vector.broadcast %broadcast_in_dim3A_2509 : vector<256x1xi1> to vector<256x128xi1>
    %select_n3A_2511 = arith.select %broadcast_in_dim3A_2510, %concatenate3A_2505, %concatenate3A_2502 : vector<256x128xi1>, vector<256x128xi32>
    %gt3A_2512 = arith.cmpi sgt, %select_n3A_2480, %select_n3A_2508 : vector<256x128xi32>
    %eq3A_2513 = arith.cmpi eq, %select_n3A_2480, %select_n3A_2508 : vector<256x128xi32>
    %lt3A_2514 = arith.cmpi slt, %select_n3A_2481, %select_n3A_2511 : vector<256x128xi32>
    %and3A_2515 = arith.andi %eq3A_2513, %lt3A_2514 : vector<256x128xi1>
    %or3A_2516 = arith.ori %gt3A_2512, %and3A_2515 : vector<256x128xi1>
    %xor3A_2517 = vector.broadcast %ne3A_2493 : vector<256x1xi1> to vector<256x128xi1>
    %xor3A_2518 = arith.xori %or3A_2516, %xor3A_2517 : vector<256x128xi1>
    %not3A_2519 = arith.constant dense<true> : vector<256x1xi1>
    %not3A_2520 = arith.xori %eq3A_2487, %not3A_2519 : vector<256x1xi1>
    %xor3A_2521 = vector.broadcast %not3A_2520 : vector<256x1xi1> to vector<256x128xi1>
    %xor3A_2522 = arith.xori %xor3A_2518, %xor3A_2521 : vector<256x128xi1>
    %select_n3A_2523 = arith.select %xor3A_2522, %select_n3A_2480, %select_n3A_2508 : vector<256x128xi1>, vector<256x128xi32>
    %select_n3A_2524 = arith.select %xor3A_2522, %select_n3A_2481, %select_n3A_2511 : vector<256x128xi1>, vector<256x128xi32>
    %and3A_2525 = arith.constant 64 : i32
    %and3A_2526 = vector.broadcast %and3A_2525 : i32 to vector<256x1xi32>
    %and3A_2527 = arith.andi %iota3A_1403, %and3A_2526 : vector<256x1xi32>
    %ne3A_2528 = arith.constant 0 : i32
    %ne3A_2529 = vector.broadcast %ne3A_2528 : i32 to vector<256x1xi32>
    %ne3A_2530 = arith.cmpi ne, %and3A_2527, %ne3A_2529 : vector<256x1xi32>
    %slice3A_2531 = vector.extract_strided_slice %select_n3A_2523 {offsets = [64, 0], sizes = [192, 128], strides = [1, 1]} : vector<256x128xi32> to vector<192x128xi32>
    %slice3A_2532 = vector.extract_strided_slice %select_n3A_2523 {offsets = [0, 0], sizes = [64, 128], strides = [1, 1]} : vector<256x128xi32> to vector<64x128xi32>
    %concatenate3A_2533 = tpu.concatenate %slice3A_2531, %slice3A_2532 in 0 : vector<192x128xi32>, vector<64x128xi32> -> vector<256x128xi32>
    %slice3A_2534 = vector.extract_strided_slice %select_n3A_2523 {offsets = [192, 0], sizes = [64, 128], strides = [1, 1]} : vector<256x128xi32> to vector<64x128xi32>
    %slice3A_2535 = vector.extract_strided_slice %select_n3A_2523 {offsets = [0, 0], sizes = [192, 128], strides = [1, 1]} : vector<256x128xi32> to vector<192x128xi32>
    %concatenate3A_2536 = tpu.concatenate %slice3A_2534, %slice3A_2535 in 0 : vector<64x128xi32>, vector<192x128xi32> -> vector<256x128xi32>
    %slice3A_2537 = vector.extract_strided_slice %select_n3A_2524 {offsets = [64, 0], sizes = [192, 128], strides = [1, 1]} : vector<256x128xi32> to vector<192x128xi32>
    %slice3A_2538 = vector.extract_strided_slice %select_n3A_2524 {offsets = [0, 0], sizes = [64, 128], strides = [1, 1]} : vector<256x128xi32> to vector<64x128xi32>
    %concatenate3A_2539 = tpu.concatenate %slice3A_2537, %slice3A_2538 in 0 : vector<192x128xi32>, vector<64x128xi32> -> vector<256x128xi32>
    %slice3A_2540 = vector.extract_strided_slice %select_n3A_2524 {offsets = [192, 0], sizes = [64, 128], strides = [1, 1]} : vector<256x128xi32> to vector<64x128xi32>
    %slice3A_2541 = vector.extract_strided_slice %select_n3A_2524 {offsets = [0, 0], sizes = [192, 128], strides = [1, 1]} : vector<256x128xi32> to vector<192x128xi32>
    %concatenate3A_2542 = tpu.concatenate %slice3A_2540, %slice3A_2541 in 0 : vector<64x128xi32>, vector<192x128xi32> -> vector<256x128xi32>
    %broadcast_in_dim3A_2543 = vector.shape_cast %ne3A_2530 : vector<256x1xi1> to vector<256x1xi1>
    %broadcast_in_dim3A_2544 = vector.broadcast %broadcast_in_dim3A_2543 : vector<256x1xi1> to vector<256x128xi1>
    %select_n3A_2545 = arith.select %broadcast_in_dim3A_2544, %concatenate3A_2536, %concatenate3A_2533 : vector<256x128xi1>, vector<256x128xi32>
    %broadcast_in_dim3A_2546 = vector.shape_cast %ne3A_2530 : vector<256x1xi1> to vector<256x1xi1>
    %broadcast_in_dim3A_2547 = vector.broadcast %broadcast_in_dim3A_2546 : vector<256x1xi1> to vector<256x128xi1>
    %select_n3A_2548 = arith.select %broadcast_in_dim3A_2547, %concatenate3A_2542, %concatenate3A_2539 : vector<256x128xi1>, vector<256x128xi32>
    %gt3A_2549 = arith.cmpi sgt, %select_n3A_2523, %select_n3A_2545 : vector<256x128xi32>
    %eq3A_2550 = arith.cmpi eq, %select_n3A_2523, %select_n3A_2545 : vector<256x128xi32>
    %lt3A_2551 = arith.cmpi slt, %select_n3A_2524, %select_n3A_2548 : vector<256x128xi32>
    %and3A_2552 = arith.andi %eq3A_2550, %lt3A_2551 : vector<256x128xi1>
    %or3A_2553 = arith.ori %gt3A_2549, %and3A_2552 : vector<256x128xi1>
    %xor3A_2554 = vector.broadcast %ne3A_2530 : vector<256x1xi1> to vector<256x128xi1>
    %xor3A_2555 = arith.xori %or3A_2553, %xor3A_2554 : vector<256x128xi1>
    %not3A_2556 = arith.constant dense<true> : vector<256x1xi1>
    %not3A_2557 = arith.xori %eq3A_2487, %not3A_2556 : vector<256x1xi1>
    %xor3A_2558 = vector.broadcast %not3A_2557 : vector<256x1xi1> to vector<256x128xi1>
    %xor3A_2559 = arith.xori %xor3A_2555, %xor3A_2558 : vector<256x128xi1>
    %select_n3A_2560 = arith.select %xor3A_2559, %select_n3A_2523, %select_n3A_2545 : vector<256x128xi1>, vector<256x128xi32>
    %select_n3A_2561 = arith.select %xor3A_2559, %select_n3A_2524, %select_n3A_2548 : vector<256x128xi1>, vector<256x128xi32>
    %and3A_2562 = arith.constant 32 : i32
    %and3A_2563 = vector.broadcast %and3A_2562 : i32 to vector<256x1xi32>
    %and3A_2564 = arith.andi %iota3A_1403, %and3A_2563 : vector<256x1xi32>
    %ne3A_2565 = arith.constant 0 : i32
    %ne3A_2566 = vector.broadcast %ne3A_2565 : i32 to vector<256x1xi32>
    %ne3A_2567 = arith.cmpi ne, %and3A_2564, %ne3A_2566 : vector<256x1xi32>
    %slice3A_2568 = vector.extract_strided_slice %select_n3A_2560 {offsets = [32, 0], sizes = [224, 128], strides = [1, 1]} : vector<256x128xi32> to vector<224x128xi32>
    %slice3A_2569 = vector.extract_strided_slice %select_n3A_2560 {offsets = [0, 0], sizes = [32, 128], strides = [1, 1]} : vector<256x128xi32> to vector<32x128xi32>
    %concatenate3A_2570 = tpu.concatenate %slice3A_2568, %slice3A_2569 in 0 : vector<224x128xi32>, vector<32x128xi32> -> vector<256x128xi32>
    %slice3A_2571 = vector.extract_strided_slice %select_n3A_2560 {offsets = [224, 0], sizes = [32, 128], strides = [1, 1]} : vector<256x128xi32> to vector<32x128xi32>
    %slice3A_2572 = vector.extract_strided_slice %select_n3A_2560 {offsets = [0, 0], sizes = [224, 128], strides = [1, 1]} : vector<256x128xi32> to vector<224x128xi32>
    %concatenate3A_2573 = tpu.concatenate %slice3A_2571, %slice3A_2572 in 0 : vector<32x128xi32>, vector<224x128xi32> -> vector<256x128xi32>
    %slice3A_2574 = vector.extract_strided_slice %select_n3A_2561 {offsets = [32, 0], sizes = [224, 128], strides = [1, 1]} : vector<256x128xi32> to vector<224x128xi32>
    %slice3A_2575 = vector.extract_strided_slice %select_n3A_2561 {offsets = [0, 0], sizes = [32, 128], strides = [1, 1]} : vector<256x128xi32> to vector<32x128xi32>
    %concatenate3A_2576 = tpu.concatenate %slice3A_2574, %slice3A_2575 in 0 : vector<224x128xi32>, vector<32x128xi32> -> vector<256x128xi32>
    %slice3A_2577 = vector.extract_strided_slice %select_n3A_2561 {offsets = [224, 0], sizes = [32, 128], strides = [1, 1]} : vector<256x128xi32> to vector<32x128xi32>
    %slice3A_2578 = vector.extract_strided_slice %select_n3A_2561 {offsets = [0, 0], sizes = [224, 128], strides = [1, 1]} : vector<256x128xi32> to vector<224x128xi32>
    %concatenate3A_2579 = tpu.concatenate %slice3A_2577, %slice3A_2578 in 0 : vector<32x128xi32>, vector<224x128xi32> -> vector<256x128xi32>
    %broadcast_in_dim3A_2580 = vector.shape_cast %ne3A_2567 : vector<256x1xi1> to vector<256x1xi1>
    %broadcast_in_dim3A_2581 = vector.broadcast %broadcast_in_dim3A_2580 : vector<256x1xi1> to vector<256x128xi1>
    %select_n3A_2582 = arith.select %broadcast_in_dim3A_2581, %concatenate3A_2573, %concatenate3A_2570 : vector<256x128xi1>, vector<256x128xi32>
    %broadcast_in_dim3A_2583 = vector.shape_cast %ne3A_2567 : vector<256x1xi1> to vector<256x1xi1>
    %broadcast_in_dim3A_2584 = vector.broadcast %broadcast_in_dim3A_2583 : vector<256x1xi1> to vector<256x128xi1>
    %select_n3A_2585 = arith.select %broadcast_in_dim3A_2584, %concatenate3A_2579, %concatenate3A_2576 : vector<256x128xi1>, vector<256x128xi32>
    %gt3A_2586 = arith.cmpi sgt, %select_n3A_2560, %select_n3A_2582 : vector<256x128xi32>
    %eq3A_2587 = arith.cmpi eq, %select_n3A_2560, %select_n3A_2582 : vector<256x128xi32>
    %lt3A_2588 = arith.cmpi slt, %select_n3A_2561, %select_n3A_2585 : vector<256x128xi32>
    %and3A_2589 = arith.andi %eq3A_2587, %lt3A_2588 : vector<256x128xi1>
    %or3A_2590 = arith.ori %gt3A_2586, %and3A_2589 : vector<256x128xi1>
    %xor3A_2591 = vector.broadcast %ne3A_2567 : vector<256x1xi1> to vector<256x128xi1>
    %xor3A_2592 = arith.xori %or3A_2590, %xor3A_2591 : vector<256x128xi1>
    %not3A_2593 = arith.constant dense<true> : vector<256x1xi1>
    %not3A_2594 = arith.xori %eq3A_2487, %not3A_2593 : vector<256x1xi1>
    %xor3A_2595 = vector.broadcast %not3A_2594 : vector<256x1xi1> to vector<256x128xi1>
    %xor3A_2596 = arith.xori %xor3A_2592, %xor3A_2595 : vector<256x128xi1>
    %select_n3A_2597 = arith.select %xor3A_2596, %select_n3A_2560, %select_n3A_2582 : vector<256x128xi1>, vector<256x128xi32>
    %select_n3A_2598 = arith.select %xor3A_2596, %select_n3A_2561, %select_n3A_2585 : vector<256x128xi1>, vector<256x128xi32>
    %and3A_2599 = arith.constant 16 : i32
    %and3A_2600 = vector.broadcast %and3A_2599 : i32 to vector<256x1xi32>
    %and3A_2601 = arith.andi %iota3A_1403, %and3A_2600 : vector<256x1xi32>
    %ne3A_2602 = arith.constant 0 : i32
    %ne3A_2603 = vector.broadcast %ne3A_2602 : i32 to vector<256x1xi32>
    %ne3A_2604 = arith.cmpi ne, %and3A_2601, %ne3A_2603 : vector<256x1xi32>
    %slice3A_2605 = vector.extract_strided_slice %select_n3A_2597 {offsets = [16, 0], sizes = [240, 128], strides = [1, 1]} : vector<256x128xi32> to vector<240x128xi32>
    %slice3A_2606 = vector.extract_strided_slice %select_n3A_2597 {offsets = [0, 0], sizes = [16, 128], strides = [1, 1]} : vector<256x128xi32> to vector<16x128xi32>
    %concatenate3A_2607 = tpu.concatenate %slice3A_2605, %slice3A_2606 in 0 : vector<240x128xi32>, vector<16x128xi32> -> vector<256x128xi32>
    %slice3A_2608 = vector.extract_strided_slice %select_n3A_2597 {offsets = [240, 0], sizes = [16, 128], strides = [1, 1]} : vector<256x128xi32> to vector<16x128xi32>
    %slice3A_2609 = vector.extract_strided_slice %select_n3A_2597 {offsets = [0, 0], sizes = [240, 128], strides = [1, 1]} : vector<256x128xi32> to vector<240x128xi32>
    %concatenate3A_2610 = tpu.concatenate %slice3A_2608, %slice3A_2609 in 0 : vector<16x128xi32>, vector<240x128xi32> -> vector<256x128xi32>
    %slice3A_2611 = vector.extract_strided_slice %select_n3A_2598 {offsets = [16, 0], sizes = [240, 128], strides = [1, 1]} : vector<256x128xi32> to vector<240x128xi32>
    %slice3A_2612 = vector.extract_strided_slice %select_n3A_2598 {offsets = [0, 0], sizes = [16, 128], strides = [1, 1]} : vector<256x128xi32> to vector<16x128xi32>
    %concatenate3A_2613 = tpu.concatenate %slice3A_2611, %slice3A_2612 in 0 : vector<240x128xi32>, vector<16x128xi32> -> vector<256x128xi32>
    %slice3A_2614 = vector.extract_strided_slice %select_n3A_2598 {offsets = [240, 0], sizes = [16, 128], strides = [1, 1]} : vector<256x128xi32> to vector<16x128xi32>
    %slice3A_2615 = vector.extract_strided_slice %select_n3A_2598 {offsets = [0, 0], sizes = [240, 128], strides = [1, 1]} : vector<256x128xi32> to vector<240x128xi32>
    %concatenate3A_2616 = tpu.concatenate %slice3A_2614, %slice3A_2615 in 0 : vector<16x128xi32>, vector<240x128xi32> -> vector<256x128xi32>
    %broadcast_in_dim3A_2617 = vector.shape_cast %ne3A_2604 : vector<256x1xi1> to vector<256x1xi1>
    %broadcast_in_dim3A_2618 = vector.broadcast %broadcast_in_dim3A_2617 : vector<256x1xi1> to vector<256x128xi1>
    %select_n3A_2619 = arith.select %broadcast_in_dim3A_2618, %concatenate3A_2610, %concatenate3A_2607 : vector<256x128xi1>, vector<256x128xi32>
    %broadcast_in_dim3A_2620 = vector.shape_cast %ne3A_2604 : vector<256x1xi1> to vector<256x1xi1>
    %broadcast_in_dim3A_2621 = vector.broadcast %broadcast_in_dim3A_2620 : vector<256x1xi1> to vector<256x128xi1>
    %select_n3A_2622 = arith.select %broadcast_in_dim3A_2621, %concatenate3A_2616, %concatenate3A_2613 : vector<256x128xi1>, vector<256x128xi32>
    %gt3A_2623 = arith.cmpi sgt, %select_n3A_2597, %select_n3A_2619 : vector<256x128xi32>
    %eq3A_2624 = arith.cmpi eq, %select_n3A_2597, %select_n3A_2619 : vector<256x128xi32>
    %lt3A_2625 = arith.cmpi slt, %select_n3A_2598, %select_n3A_2622 : vector<256x128xi32>
    %and3A_2626 = arith.andi %eq3A_2624, %lt3A_2625 : vector<256x128xi1>
    %or3A_2627 = arith.ori %gt3A_2623, %and3A_2626 : vector<256x128xi1>
    %xor3A_2628 = vector.broadcast %ne3A_2604 : vector<256x1xi1> to vector<256x128xi1>
    %xor3A_2629 = arith.xori %or3A_2627, %xor3A_2628 : vector<256x128xi1>
    %not3A_2630 = arith.constant dense<true> : vector<256x1xi1>
    %not3A_2631 = arith.xori %eq3A_2487, %not3A_2630 : vector<256x1xi1>
    %xor3A_2632 = vector.broadcast %not3A_2631 : vector<256x1xi1> to vector<256x128xi1>
    %xor3A_2633 = arith.xori %xor3A_2629, %xor3A_2632 : vector<256x128xi1>
    %select_n3A_2634 = arith.select %xor3A_2633, %select_n3A_2597, %select_n3A_2619 : vector<256x128xi1>, vector<256x128xi32>
    %select_n3A_2635 = arith.select %xor3A_2633, %select_n3A_2598, %select_n3A_2622 : vector<256x128xi1>, vector<256x128xi32>
    %and3A_2636 = arith.constant 8 : i32
    %and3A_2637 = vector.broadcast %and3A_2636 : i32 to vector<256x1xi32>
    %and3A_2638 = arith.andi %iota3A_1403, %and3A_2637 : vector<256x1xi32>
    %ne3A_2639 = arith.constant 0 : i32
    %ne3A_2640 = vector.broadcast %ne3A_2639 : i32 to vector<256x1xi32>
    %ne3A_2641 = arith.cmpi ne, %and3A_2638, %ne3A_2640 : vector<256x1xi32>
    %slice3A_2642 = vector.extract_strided_slice %select_n3A_2634 {offsets = [8, 0], sizes = [248, 128], strides = [1, 1]} : vector<256x128xi32> to vector<248x128xi32>
    %slice3A_2643 = vector.extract_strided_slice %select_n3A_2634 {offsets = [0, 0], sizes = [8, 128], strides = [1, 1]} : vector<256x128xi32> to vector<8x128xi32>
    %concatenate3A_2644 = tpu.concatenate %slice3A_2642, %slice3A_2643 in 0 : vector<248x128xi32>, vector<8x128xi32> -> vector<256x128xi32>
    %slice3A_2645 = vector.extract_strided_slice %select_n3A_2634 {offsets = [248, 0], sizes = [8, 128], strides = [1, 1]} : vector<256x128xi32> to vector<8x128xi32>
    %slice3A_2646 = vector.extract_strided_slice %select_n3A_2634 {offsets = [0, 0], sizes = [248, 128], strides = [1, 1]} : vector<256x128xi32> to vector<248x128xi32>
    %concatenate3A_2647 = tpu.concatenate %slice3A_2645, %slice3A_2646 in 0 : vector<8x128xi32>, vector<248x128xi32> -> vector<256x128xi32>
    %slice3A_2648 = vector.extract_strided_slice %select_n3A_2635 {offsets = [8, 0], sizes = [248, 128], strides = [1, 1]} : vector<256x128xi32> to vector<248x128xi32>
    %slice3A_2649 = vector.extract_strided_slice %select_n3A_2635 {offsets = [0, 0], sizes = [8, 128], strides = [1, 1]} : vector<256x128xi32> to vector<8x128xi32>
    %concatenate3A_2650 = tpu.concatenate %slice3A_2648, %slice3A_2649 in 0 : vector<248x128xi32>, vector<8x128xi32> -> vector<256x128xi32>
    %slice3A_2651 = vector.extract_strided_slice %select_n3A_2635 {offsets = [248, 0], sizes = [8, 128], strides = [1, 1]} : vector<256x128xi32> to vector<8x128xi32>
    %slice3A_2652 = vector.extract_strided_slice %select_n3A_2635 {offsets = [0, 0], sizes = [248, 128], strides = [1, 1]} : vector<256x128xi32> to vector<248x128xi32>
    %concatenate3A_2653 = tpu.concatenate %slice3A_2651, %slice3A_2652 in 0 : vector<8x128xi32>, vector<248x128xi32> -> vector<256x128xi32>
    %broadcast_in_dim3A_2654 = vector.shape_cast %ne3A_2641 : vector<256x1xi1> to vector<256x1xi1>
    %broadcast_in_dim3A_2655 = vector.broadcast %broadcast_in_dim3A_2654 : vector<256x1xi1> to vector<256x128xi1>
    %select_n3A_2656 = arith.select %broadcast_in_dim3A_2655, %concatenate3A_2647, %concatenate3A_2644 : vector<256x128xi1>, vector<256x128xi32>
    %broadcast_in_dim3A_2657 = vector.shape_cast %ne3A_2641 : vector<256x1xi1> to vector<256x1xi1>
    %broadcast_in_dim3A_2658 = vector.broadcast %broadcast_in_dim3A_2657 : vector<256x1xi1> to vector<256x128xi1>
    %select_n3A_2659 = arith.select %broadcast_in_dim3A_2658, %concatenate3A_2653, %concatenate3A_2650 : vector<256x128xi1>, vector<256x128xi32>
    %gt3A_2660 = arith.cmpi sgt, %select_n3A_2634, %select_n3A_2656 : vector<256x128xi32>
    %eq3A_2661 = arith.cmpi eq, %select_n3A_2634, %select_n3A_2656 : vector<256x128xi32>
    %lt3A_2662 = arith.cmpi slt, %select_n3A_2635, %select_n3A_2659 : vector<256x128xi32>
    %and3A_2663 = arith.andi %eq3A_2661, %lt3A_2662 : vector<256x128xi1>
    %or3A_2664 = arith.ori %gt3A_2660, %and3A_2663 : vector<256x128xi1>
    %xor3A_2665 = vector.broadcast %ne3A_2641 : vector<256x1xi1> to vector<256x128xi1>
    %xor3A_2666 = arith.xori %or3A_2664, %xor3A_2665 : vector<256x128xi1>
    %not3A_2667 = arith.constant dense<true> : vector<256x1xi1>
    %not3A_2668 = arith.xori %eq3A_2487, %not3A_2667 : vector<256x1xi1>
    %xor3A_2669 = vector.broadcast %not3A_2668 : vector<256x1xi1> to vector<256x128xi1>
    %xor3A_2670 = arith.xori %xor3A_2666, %xor3A_2669 : vector<256x128xi1>
    %select_n3A_2671 = arith.select %xor3A_2670, %select_n3A_2634, %select_n3A_2656 : vector<256x128xi1>, vector<256x128xi32>
    %select_n3A_2672 = arith.select %xor3A_2670, %select_n3A_2635, %select_n3A_2659 : vector<256x128xi1>, vector<256x128xi32>
    %and3A_2673 = arith.constant 4 : i32
    %and3A_2674 = vector.broadcast %and3A_2673 : i32 to vector<256x1xi32>
    %and3A_2675 = arith.andi %iota3A_1403, %and3A_2674 : vector<256x1xi32>
    %ne3A_2676 = arith.constant 0 : i32
    %ne3A_2677 = vector.broadcast %ne3A_2676 : i32 to vector<256x1xi32>
    %ne3A_2678 = arith.cmpi ne, %and3A_2675, %ne3A_2677 : vector<256x1xi32>
    %slice3A_2679 = vector.extract_strided_slice %select_n3A_2671 {offsets = [4, 0], sizes = [252, 128], strides = [1, 1]} : vector<256x128xi32> to vector<252x128xi32>
    %slice3A_2680 = vector.extract_strided_slice %select_n3A_2671 {offsets = [0, 0], sizes = [4, 128], strides = [1, 1]} : vector<256x128xi32> to vector<4x128xi32>
    %concatenate3A_2681 = tpu.concatenate %slice3A_2679, %slice3A_2680 in 0 : vector<252x128xi32>, vector<4x128xi32> -> vector<256x128xi32>
    %slice3A_2682 = vector.extract_strided_slice %select_n3A_2671 {offsets = [252, 0], sizes = [4, 128], strides = [1, 1]} : vector<256x128xi32> to vector<4x128xi32>
    %slice3A_2683 = vector.extract_strided_slice %select_n3A_2671 {offsets = [0, 0], sizes = [252, 128], strides = [1, 1]} : vector<256x128xi32> to vector<252x128xi32>
    %concatenate3A_2684 = tpu.concatenate %slice3A_2682, %slice3A_2683 in 0 : vector<4x128xi32>, vector<252x128xi32> -> vector<256x128xi32>
    %slice3A_2685 = vector.extract_strided_slice %select_n3A_2672 {offsets = [4, 0], sizes = [252, 128], strides = [1, 1]} : vector<256x128xi32> to vector<252x128xi32>
    %slice3A_2686 = vector.extract_strided_slice %select_n3A_2672 {offsets = [0, 0], sizes = [4, 128], strides = [1, 1]} : vector<256x128xi32> to vector<4x128xi32>
    %concatenate3A_2687 = tpu.concatenate %slice3A_2685, %slice3A_2686 in 0 : vector<252x128xi32>, vector<4x128xi32> -> vector<256x128xi32>
    %slice3A_2688 = vector.extract_strided_slice %select_n3A_2672 {offsets = [252, 0], sizes = [4, 128], strides = [1, 1]} : vector<256x128xi32> to vector<4x128xi32>
    %slice3A_2689 = vector.extract_strided_slice %select_n3A_2672 {offsets = [0, 0], sizes = [252, 128], strides = [1, 1]} : vector<256x128xi32> to vector<252x128xi32>
    %concatenate3A_2690 = tpu.concatenate %slice3A_2688, %slice3A_2689 in 0 : vector<4x128xi32>, vector<252x128xi32> -> vector<256x128xi32>
    %broadcast_in_dim3A_2691 = vector.shape_cast %ne3A_2678 : vector<256x1xi1> to vector<256x1xi1>
    %broadcast_in_dim3A_2692 = vector.broadcast %broadcast_in_dim3A_2691 : vector<256x1xi1> to vector<256x128xi1>
    %select_n3A_2693 = arith.select %broadcast_in_dim3A_2692, %concatenate3A_2684, %concatenate3A_2681 : vector<256x128xi1>, vector<256x128xi32>
    %broadcast_in_dim3A_2694 = vector.shape_cast %ne3A_2678 : vector<256x1xi1> to vector<256x1xi1>
    %broadcast_in_dim3A_2695 = vector.broadcast %broadcast_in_dim3A_2694 : vector<256x1xi1> to vector<256x128xi1>
    %select_n3A_2696 = arith.select %broadcast_in_dim3A_2695, %concatenate3A_2690, %concatenate3A_2687 : vector<256x128xi1>, vector<256x128xi32>
    %gt3A_2697 = arith.cmpi sgt, %select_n3A_2671, %select_n3A_2693 : vector<256x128xi32>
    %eq3A_2698 = arith.cmpi eq, %select_n3A_2671, %select_n3A_2693 : vector<256x128xi32>
    %lt3A_2699 = arith.cmpi slt, %select_n3A_2672, %select_n3A_2696 : vector<256x128xi32>
    %and3A_2700 = arith.andi %eq3A_2698, %lt3A_2699 : vector<256x128xi1>
    %or3A_2701 = arith.ori %gt3A_2697, %and3A_2700 : vector<256x128xi1>
    %xor3A_2702 = vector.broadcast %ne3A_2678 : vector<256x1xi1> to vector<256x128xi1>
    %xor3A_2703 = arith.xori %or3A_2701, %xor3A_2702 : vector<256x128xi1>
    %not3A_2704 = arith.constant dense<true> : vector<256x1xi1>
    %not3A_2705 = arith.xori %eq3A_2487, %not3A_2704 : vector<256x1xi1>
    %xor3A_2706 = vector.broadcast %not3A_2705 : vector<256x1xi1> to vector<256x128xi1>
    %xor3A_2707 = arith.xori %xor3A_2703, %xor3A_2706 : vector<256x128xi1>
    %select_n3A_2708 = arith.select %xor3A_2707, %select_n3A_2671, %select_n3A_2693 : vector<256x128xi1>, vector<256x128xi32>
    %select_n3A_2709 = arith.select %xor3A_2707, %select_n3A_2672, %select_n3A_2696 : vector<256x128xi1>, vector<256x128xi32>
    %and3A_2710 = arith.constant 2 : i32
    %and3A_2711 = vector.broadcast %and3A_2710 : i32 to vector<256x1xi32>
    %and3A_2712 = arith.andi %iota3A_1403, %and3A_2711 : vector<256x1xi32>
    %ne3A_2713 = arith.constant 0 : i32
    %ne3A_2714 = vector.broadcast %ne3A_2713 : i32 to vector<256x1xi32>
    %ne3A_2715 = arith.cmpi ne, %and3A_2712, %ne3A_2714 : vector<256x1xi32>
    %slice3A_2716 = vector.extract_strided_slice %select_n3A_2708 {offsets = [2, 0], sizes = [254, 128], strides = [1, 1]} : vector<256x128xi32> to vector<254x128xi32>
    %slice3A_2717 = vector.extract_strided_slice %select_n3A_2708 {offsets = [0, 0], sizes = [2, 128], strides = [1, 1]} : vector<256x128xi32> to vector<2x128xi32>
    %concatenate3A_2718 = tpu.concatenate %slice3A_2716, %slice3A_2717 in 0 : vector<254x128xi32>, vector<2x128xi32> -> vector<256x128xi32>
    %slice3A_2719 = vector.extract_strided_slice %select_n3A_2708 {offsets = [254, 0], sizes = [2, 128], strides = [1, 1]} : vector<256x128xi32> to vector<2x128xi32>
    %slice3A_2720 = vector.extract_strided_slice %select_n3A_2708 {offsets = [0, 0], sizes = [254, 128], strides = [1, 1]} : vector<256x128xi32> to vector<254x128xi32>
    %concatenate3A_2721 = tpu.concatenate %slice3A_2719, %slice3A_2720 in 0 : vector<2x128xi32>, vector<254x128xi32> -> vector<256x128xi32>
    %slice3A_2722 = vector.extract_strided_slice %select_n3A_2709 {offsets = [2, 0], sizes = [254, 128], strides = [1, 1]} : vector<256x128xi32> to vector<254x128xi32>
    %slice3A_2723 = vector.extract_strided_slice %select_n3A_2709 {offsets = [0, 0], sizes = [2, 128], strides = [1, 1]} : vector<256x128xi32> to vector<2x128xi32>
    %concatenate3A_2724 = tpu.concatenate %slice3A_2722, %slice3A_2723 in 0 : vector<254x128xi32>, vector<2x128xi32> -> vector<256x128xi32>
    %slice3A_2725 = vector.extract_strided_slice %select_n3A_2709 {offsets = [254, 0], sizes = [2, 128], strides = [1, 1]} : vector<256x128xi32> to vector<2x128xi32>
    %slice3A_2726 = vector.extract_strided_slice %select_n3A_2709 {offsets = [0, 0], sizes = [254, 128], strides = [1, 1]} : vector<256x128xi32> to vector<254x128xi32>
    %concatenate3A_2727 = tpu.concatenate %slice3A_2725, %slice3A_2726 in 0 : vector<2x128xi32>, vector<254x128xi32> -> vector<256x128xi32>
    %broadcast_in_dim3A_2728 = vector.shape_cast %ne3A_2715 : vector<256x1xi1> to vector<256x1xi1>
    %broadcast_in_dim3A_2729 = vector.broadcast %broadcast_in_dim3A_2728 : vector<256x1xi1> to vector<256x128xi1>
    %select_n3A_2730 = arith.select %broadcast_in_dim3A_2729, %concatenate3A_2721, %concatenate3A_2718 : vector<256x128xi1>, vector<256x128xi32>
    %broadcast_in_dim3A_2731 = vector.shape_cast %ne3A_2715 : vector<256x1xi1> to vector<256x1xi1>
    %broadcast_in_dim3A_2732 = vector.broadcast %broadcast_in_dim3A_2731 : vector<256x1xi1> to vector<256x128xi1>
    %select_n3A_2733 = arith.select %broadcast_in_dim3A_2732, %concatenate3A_2727, %concatenate3A_2724 : vector<256x128xi1>, vector<256x128xi32>
    %gt3A_2734 = arith.cmpi sgt, %select_n3A_2708, %select_n3A_2730 : vector<256x128xi32>
    %eq3A_2735 = arith.cmpi eq, %select_n3A_2708, %select_n3A_2730 : vector<256x128xi32>
    %lt3A_2736 = arith.cmpi slt, %select_n3A_2709, %select_n3A_2733 : vector<256x128xi32>
    %and3A_2737 = arith.andi %eq3A_2735, %lt3A_2736 : vector<256x128xi1>
    %or3A_2738 = arith.ori %gt3A_2734, %and3A_2737 : vector<256x128xi1>
    %xor3A_2739 = vector.broadcast %ne3A_2715 : vector<256x1xi1> to vector<256x128xi1>
    %xor3A_2740 = arith.xori %or3A_2738, %xor3A_2739 : vector<256x128xi1>
    %not3A_2741 = arith.constant dense<true> : vector<256x1xi1>
    %not3A_2742 = arith.xori %eq3A_2487, %not3A_2741 : vector<256x1xi1>
    %xor3A_2743 = vector.broadcast %not3A_2742 : vector<256x1xi1> to vector<256x128xi1>
    %xor3A_2744 = arith.xori %xor3A_2740, %xor3A_2743 : vector<256x128xi1>
    %select_n3A_2745 = arith.select %xor3A_2744, %select_n3A_2708, %select_n3A_2730 : vector<256x128xi1>, vector<256x128xi32>
    %select_n3A_2746 = arith.select %xor3A_2744, %select_n3A_2709, %select_n3A_2733 : vector<256x128xi1>, vector<256x128xi32>
    %and3A_2747 = arith.constant 1 : i32
    %and3A_2748 = vector.broadcast %and3A_2747 : i32 to vector<256x1xi32>
    %and3A_2749 = arith.andi %iota3A_1403, %and3A_2748 : vector<256x1xi32>
    %ne3A_2750 = arith.constant 0 : i32
    %ne3A_2751 = vector.broadcast %ne3A_2750 : i32 to vector<256x1xi32>
    %ne3A_2752 = arith.cmpi ne, %and3A_2749, %ne3A_2751 : vector<256x1xi32>
    %slice3A_2753 = vector.extract_strided_slice %select_n3A_2745 {offsets = [1, 0], sizes = [255, 128], strides = [1, 1]} : vector<256x128xi32> to vector<255x128xi32>
    %slice3A_2754 = vector.extract_strided_slice %select_n3A_2745 {offsets = [0, 0], sizes = [1, 128], strides = [1, 1]} : vector<256x128xi32> to vector<1x128xi32>
    %concatenate3A_2755 = tpu.concatenate %slice3A_2753, %slice3A_2754 in 0 : vector<255x128xi32>, vector<1x128xi32> -> vector<256x128xi32>
    %slice3A_2756 = vector.extract_strided_slice %select_n3A_2745 {offsets = [255, 0], sizes = [1, 128], strides = [1, 1]} : vector<256x128xi32> to vector<1x128xi32>
    %slice3A_2757 = vector.extract_strided_slice %select_n3A_2745 {offsets = [0, 0], sizes = [255, 128], strides = [1, 1]} : vector<256x128xi32> to vector<255x128xi32>
    %concatenate3A_2758 = tpu.concatenate %slice3A_2756, %slice3A_2757 in 0 : vector<1x128xi32>, vector<255x128xi32> -> vector<256x128xi32>
    %slice3A_2759 = vector.extract_strided_slice %select_n3A_2746 {offsets = [1, 0], sizes = [255, 128], strides = [1, 1]} : vector<256x128xi32> to vector<255x128xi32>
    %slice3A_2760 = vector.extract_strided_slice %select_n3A_2746 {offsets = [0, 0], sizes = [1, 128], strides = [1, 1]} : vector<256x128xi32> to vector<1x128xi32>
    %concatenate3A_2761 = tpu.concatenate %slice3A_2759, %slice3A_2760 in 0 : vector<255x128xi32>, vector<1x128xi32> -> vector<256x128xi32>
    %slice3A_2762 = vector.extract_strided_slice %select_n3A_2746 {offsets = [255, 0], sizes = [1, 128], strides = [1, 1]} : vector<256x128xi32> to vector<1x128xi32>
    %slice3A_2763 = vector.extract_strided_slice %select_n3A_2746 {offsets = [0, 0], sizes = [255, 128], strides = [1, 1]} : vector<256x128xi32> to vector<255x128xi32>
    %concatenate3A_2764 = tpu.concatenate %slice3A_2762, %slice3A_2763 in 0 : vector<1x128xi32>, vector<255x128xi32> -> vector<256x128xi32>
    %broadcast_in_dim3A_2765 = vector.shape_cast %ne3A_2752 : vector<256x1xi1> to vector<256x1xi1>
    %broadcast_in_dim3A_2766 = vector.broadcast %broadcast_in_dim3A_2765 : vector<256x1xi1> to vector<256x128xi1>
    %select_n3A_2767 = arith.select %broadcast_in_dim3A_2766, %concatenate3A_2758, %concatenate3A_2755 : vector<256x128xi1>, vector<256x128xi32>
    %broadcast_in_dim3A_2768 = vector.shape_cast %ne3A_2752 : vector<256x1xi1> to vector<256x1xi1>
    %broadcast_in_dim3A_2769 = vector.broadcast %broadcast_in_dim3A_2768 : vector<256x1xi1> to vector<256x128xi1>
    %select_n3A_2770 = arith.select %broadcast_in_dim3A_2769, %concatenate3A_2764, %concatenate3A_2761 : vector<256x128xi1>, vector<256x128xi32>
    %gt3A_2771 = arith.cmpi sgt, %select_n3A_2745, %select_n3A_2767 : vector<256x128xi32>
    %eq3A_2772 = arith.cmpi eq, %select_n3A_2745, %select_n3A_2767 : vector<256x128xi32>
    %lt3A_2773 = arith.cmpi slt, %select_n3A_2746, %select_n3A_2770 : vector<256x128xi32>
    %and3A_2774 = arith.andi %eq3A_2772, %lt3A_2773 : vector<256x128xi1>
    %or3A_2775 = arith.ori %gt3A_2771, %and3A_2774 : vector<256x128xi1>
    %xor3A_2776 = vector.broadcast %ne3A_2752 : vector<256x1xi1> to vector<256x128xi1>
    %xor3A_2777 = arith.xori %or3A_2775, %xor3A_2776 : vector<256x128xi1>
    %not3A_2778 = arith.constant dense<true> : vector<256x1xi1>
    %not3A_2779 = arith.xori %eq3A_2487, %not3A_2778 : vector<256x1xi1>
    %xor3A_2780 = vector.broadcast %not3A_2779 : vector<256x1xi1> to vector<256x128xi1>
    %xor3A_2781 = arith.xori %xor3A_2777, %xor3A_2780 : vector<256x128xi1>
    %select_n3A_2782 = arith.select %xor3A_2781, %select_n3A_2746, %select_n3A_2770 : vector<256x128xi1>, vector<256x128xi32>
    %slice3A_2783 = vector.extract_strided_slice %select_n3A_2782 {offsets = [0, 0], sizes = [128, 128], strides = [1, 1]} : vector<256x128xi32> to vector<128x128xi32>
    %swap3A_2784 = arith.constant 0 : index
    %swap3A_2785 = arith.constant 0 : index
    %swap3A_2786 = arith.constant 128 : index
    %swap3A_2787 = vector.load %arg2[%swap3A_2784, %swap3A_2785, %swap3A_2786] : memref<1x128x256xi32, #tpu.memory_space<vmem>>, vector<1x128x128xi32>
    %swap3A_2788 = vector.shape_cast %swap3A_2787 : vector<1x128x128xi32> to vector<128x128xi32>
    %swap3A_2789 = vector.shape_cast %slice3A_2783 : vector<128x128xi32> to vector<1x128x128xi32>
    tpu.vector_store %arg2[%swap3A_2784, %swap3A_2785, %swap3A_2786], %swap3A_2789 {strides = array<i32>} : memref<1x128x256xi32, #tpu.memory_space<vmem>>, vector<1x128x128xi32>,
    return
  }
  func.func @transform_0(%arg0: i32) -> (i32, i32, i32) {
    %c0_i32 = arith.constant 0 : i32
    %c0_i32_0 = arith.constant 0 : i32
    %c0_i32_1 = arith.constant 0 : i32
    return %arg0, %c0_i32, %c0_i32_0 : i32, i32, i32
  }
  func.func @transform_1(%arg0: i32) -> (i32, i32, i32) {
    %c0_i32 = arith.constant 0 : i32
    %c0_i32_0 = arith.constant 0 : i32
    %c0_i32_1 = arith.constant 0 : i32
    return %arg0, %c0_i32, %c0_i32_0 : i32, i32, i32
  }
}

module attributes {stable_mosaic.version = 14 : i64} {
  func.func @_merge_body(%arg0: i32, %arg1: memref<1x128x256xf32, #tpu.memory_space<vmem>>, %arg2: memref<1x256x96xf32, #tpu.memory_space<vmem>>, %arg3: memref<1x1x128x96xf32, #tpu.memory_space<vmem>>) attributes {dimension_semantics = [#tpu.dimension_semantics<arbitrary>], iteration_bounds = array<i64: 8>, scalar_prefetch = 0 : i64, scratch_operands = 0 : i64, tpu.core_type = #tpu.core_type<tc>, window_params = [{transform_indices = @transform_0, window_bounds = array<i64: 1, 128, 256>}, {transform_indices = @transform_1, window_bounds = array<i64: 1, 256, 96>}, {transform_indices = @transform_2, window_bounds = array<i64: 1, 1, 128, 96>}]} {
    %get3A = arith.constant 0 : index
    %get3A_0 = arith.constant 0 : index
    %get3A_1 = arith.constant 0 : index
    %get3A_2 = vector.load %arg1[%get3A, %get3A_0, %get3A_1] : memref<1x128x256xf32, #tpu.memory_space<vmem>>, vector<1x128x256xf32>
    %get3A_3 = vector.shape_cast %get3A_2 : vector<1x128x256xf32> to vector<128x256xf32>
    %get3A_4 = arith.constant 0 : index
    %get3A_5 = arith.constant 0 : index
    %get3A_6 = arith.constant 0 : index
    %get3A_7 = vector.load %arg2[%get3A_4, %get3A_5, %get3A_6] : memref<1x256x96xf32, #tpu.memory_space<vmem>>, vector<1x256x96xf32>
    %get3A_8 = vector.shape_cast %get3A_7 : vector<1x256x96xf32> to vector<256x96xf32>
    %dot_general3A = arith.constant dense<0.000000e+00> : vector<128x96xf32>
    %dot_general3A_9 = tpu.matmul %get3A_3, %get3A_8, %dot_general3A {dimension_numbers = #tpu.dot_dimension_numbers<[1], [0], [0], [1], [0, 0, 1, 1], [], []>, transpose_lhs_hint = false} : vector<128x256xf32>, vector<256x96xf32>, vector<128x96xf32> -> vector<128x96xf32>
    %mul3A = arith.constant 3.906250e-03 : f32
    %mul3A_10 = vector.broadcast %mul3A : f32 to vector<128x96xf32>
    %mul3A_11 = arith.mulf %dot_general3A_9, %mul3A_10 : vector<128x96xf32>
    %swap3A = arith.constant 0 : index
    %swap3A_12 = arith.constant 0 : index
    %swap3A_13 = arith.constant 0 : index
    %swap3A_14 = arith.constant 0 : index
    %swap3A_15 = vector.load %arg3[%swap3A, %swap3A_12, %swap3A_13, %swap3A_14] : memref<1x1x128x96xf32, #tpu.memory_space<vmem>>, vector<1x1x128x96xf32>
    %swap3A_16 = vector.shape_cast %swap3A_15 : vector<1x1x128x96xf32> to vector<128x96xf32>
    %swap3A_17 = vector.shape_cast %mul3A_11 : vector<128x96xf32> to vector<1x1x128x96xf32>
    tpu.vector_store %arg3[%swap3A, %swap3A_12, %swap3A_13, %swap3A_14], %swap3A_17 {strides = array<i32>} : memref<1x1x128x96xf32, #tpu.memory_space<vmem>>, vector<1x1x128x96xf32>,
    return
  }
  func.func @transform_0(%arg0: i32) -> (i32, i32, i32) {
    %c0_i32 = arith.constant 0 : i32
    %c0_i32_0 = arith.constant 0 : i32
    %c0_i32_1 = arith.constant 0 : i32
    return %arg0, %c0_i32, %c0_i32_0 : i32, i32, i32
  }
  func.func @transform_1(%arg0: i32) -> (i32, i32, i32) {
    %c0_i32 = arith.constant 0 : i32
    %c0_i32_0 = arith.constant 0 : i32
    %c0_i32_1 = arith.constant 0 : i32
    return %arg0, %c0_i32, %c0_i32_0 : i32, i32, i32
  }
  func.func @transform_2(%arg0: i32) -> (i32, i32, i32, i32) {
    %c0_i32 = arith.constant 0 : i32
    %c0_i32_0 = arith.constant 0 : i32
    %c0_i32_1 = arith.constant 0 : i32
    %c0_i32_2 = arith.constant 0 : i32
    return %arg0, %c0_i32, %c0_i32_0, %c0_i32_1 : i32, i32, i32, i32
  }
}

</mosaic_0001>

<sc_bundles>
// kernel: kernel.10.cloned.1.call-start
scs
__scs_entry_jumppad:
0x0: {  	(pc) =	sbr.rel $0x88, $3  }
0x1: {  	(tag) =	ssettag $0x0;
	lr =	simm.s32 $0x1  }
0x2: {  	[smem:$0x3FA0] =	sst lr;
	_ =	strace $0xD0000000  }
0x3: {  	_ = 	snop  }
0x4: {  	_ = 	snop  }
0x5: {  	_ = 	snop  }
0x6: {  	_ = 	snop  }
0x7: {  	_ = 	snop  }
__scs_overlays_trampoline_lowered:
0x8: {  	[smem:$0x3FAF] =	sst s0  }
0x9: {  	[smem:$0x3FB0] =	sst s1  }
0xa: {  	[smem:$0x3FB1] =	sst s2  }
0xb: {  	[smem:$0x3FB2] =	sst s3  }
0xc: {  	[smem:$0x3FB3] =	sst s4  }
0xd: {  	[smem:$0x3FB4] =	sst s5  }
0xe: {  	[smem:$0x3FB5] =	sst s6  }
0xf: {  	[smem:$0x3FB6] =	sst s7  }
0x10: {  	[smem:$0x3FB7] =	sst s8  }
0x11: {  	[smem:$0x3FB8] =	sst s9;
	s0 =	simm.s32 @!p0 $0x0  }
0x12: {  	s1 =	sld [smem:$0x3F9E];
	s0 =	simm.s32 @p0 $0x1  }
0x13: {  	[smem:$0x3FB9] =	sst s0;
	s0 =	simm.s32 @!p1 $0x0  }
0x14: {  	s2 =	sld [smem:$0x3F9D];
	s0 =	simm.s32 @p1 $0x1  }
0x15: {  	[smem:$0x3FBA] =	sst s0;
	s0 =	simm.s32 @!p2 $0x0  }
0x16: {  	s3 =	sld [smem:$0x3FDB];
	s0 =	simm.s32 @p2 $0x1  }
0x17: {  	s4 =	simm.s32 $0x1BF5;
	[smem:$0x3FBC] =	sst s0  }
0x18: {  	s0 =	sld [smem:$0x3F9F];
	_ =	swait.ge [sflag:s4], $0x0  }
0x19: {  	s7 =	sld [smem:$0x3FA0]  }
0x1a: {  	s8 =	sadd.s32 $0xFFFFE003, lr  }
0x1b: {  	s9 =	sadd.s32 $0xFFFFFEF7, lr;
	s5 =	simm.s32 $0xFFFFFFFF;
	p2 =	slt.u32 s8, $0xFFFFF086  }
0x1c: {  	p1 =	slt.u32 s9, $0xF7A;
	s5 =	simm.s32 @!p2 $0x0  }
0x1d: {  	s5 =	simm.s32 @p1 $0x1;
	p0 =	seq.s32 s7, s2  }
0x1e: {  	s7 =	smul.u32 @!p0 $0xF7A, s2;
	p2 =	seq.s32 @!p0 s5, $0x0  }
0x1f: {  	s9 =	smul.u32 $0xF7A, s1;
	s8 =	simm.s32 @!p0 $0x1BF5;
	p2 =	por !p2, p0  }
0x20: {  	[sflag:s8] =	ssyncset.s32 @!p0 $0xFFFFF086;
	s6 =	sadd.s32 @!p0 s3, s7;
	s7 =	simm.s32 @!p0 $0x108  }
0x21: {  	s3 =	sadd.s32 s3, s9;
	s6 =	sadd.s32 @!p0 $0x88, s6;
	s7 =	simm.s32 @p2 $0x1082  }
0x22: {  	[simem:s7], [sflag:s8] =	dma.local @!p0 [hbm:s6], $0xF7A  }
0x23: {  	s9 =	sor.u32 $0xD0000000, s2;
	s6 =	simm.s32 $0x108;
	_ =	swait.ge @!p0 [sflag:s8], $0x0  }
0x24: {  	s3 =	sadd.s32 $0x88, s3;
	s6 =	simm.s32 @!p1 $0x1082;
	[sflag:s4] =	ssyncset.s32 $0xFFFFF086  }
0x25: {  	[simem:s6], [sflag:s4] =	dma.local [hbm:s3], $0xF7A  }
0x26: {  	[smem:$0x3FA0] =	sst s1;
	(tag) =	ssettag s2;
	_ =	strace s9  }
0x27: {  	s1 =	sld [smem:$0x3FB0]  }
0x28: {  	s2 =	sld [smem:$0x3FB1]  }
0x29: {  	s4 =	sld [smem:$0x3FB3]  }
0x2a: {  	p0 =	seq.s32 s5, $0x0;
	s5 =	sld [smem:$0x3FB4]  }
0x2b: {  	s6 =	sld [smem:$0x3FB5]  }
0x2c: {  	s7 =	sld [smem:$0x3FB6]  }
0x2d: {  	s3 =	simm.s32 $0x108;
	s8 =	sld [smem:$0x3FB7]  }
0x2e: {  	s3 =	simm.s32 @!p0 $0x1082;
	s9 =	sld [smem:$0x3FB8]  }
0x2f: {  	lr =	sadd.s32 s0, s3;
	s0 =	sld [smem:$0x3FAF]  }
0x30: {  	s3 =	sld [smem:$0x3FB2]  }
0x31: {  	[smem:$0x3FBB] =	sst s10  }
0x32: {  	s10 =	sld [smem:$0x3FB9];
	_ =	sdelay $0x3  }
0x33: {  	p0 =	seq.s32 s10, $0x1;
	s10 =	sld [smem:$0x3FBB];
	_ =	sdelay $0x3  }
0x34: {  	[smem:$0x3FBB] =	sst s10  }
0x35: {  	s10 =	sld [smem:$0x3FBA];
	_ =	sdelay $0x3  }
0x36: {  	p1 =	seq.s32 s10, $0x1;
	s10 =	sld [smem:$0x3FBB];
	_ =	sdelay $0x3  }
0x37: {  	[smem:$0x3FBB] =	sst s10  }
0x38: {  	s10 =	sld [smem:$0x3FBC]  }
0x39: {  	_ = 	snop;
	(pc) =	sbr.ind lr, $3  }
0x3a: {  	_ = 	snop  }
0x3b: {  	_ = 	snop  }
0x3c: {  	p2 =	seq.s32 s10, $0x1;
	s10 =	sld [smem:$0x3FBB]  }
0x3d: {  	_ =	shalt  }
0x3e: {  	_ =	shalt  }
0x3f: {  	_ =	shalt  }
0x40: {  	_ =	shalt  }
0x41: {  	_ =	shalt  }
0x42: {  	_ =	shalt  }
0x43: {  	_ =	shalt  }
0x44: {  	_ =	shalt  }
0x45: {  	_ =	shalt  }
0x46: {  	_ =	shalt  }
0x47: {  	_ =	shalt  }
0x48: {  	_ =	shalt  }
0x49: {  	_ =	shalt  }
0x4a: {  	_ =	shalt  }
0x4b: {  	_ =	shalt  }
0x4c: {  	_ =	shalt  }
0x4d: {  	_ =	shalt  }
0x4e: {  	_ =	shalt  }
0x4f: {  	_ =	shalt  }
0x50: {  	_ =	shalt  }
0x51: {  	_ =	shalt  }
0x52: {  	_ =	shalt  }
0x53: {  	_ =	shalt  }
0x54: {  	_ =	shalt  }
0x55: {  	_ =	shalt  }
0x56: {  	_ =	shalt  }
0x57: {  	_ =	shalt  }
0x58: {  	_ =	shalt  }
0x59: {  	_ =	shalt  }
0x5a: {  	_ =	shalt  }
0x5b: {  	_ =	shalt  }
0x5c: {  	_ =	shalt  }
0x5d: {  	_ =	shalt  }
0x5e: {  	_ =	shalt  }
0x5f: {  	_ =	shalt  }
0x60: {  	_ =	shalt  }
0x61: {  	_ =	shalt  }
0x62: {  	_ =	shalt  }
0x63: {  	_ =	shalt  }
0x64: {  	_ =	shalt  }
0x65: {  	_ =	shalt  }
0x66: {  	_ =	shalt  }
0x67: {  	_ =	shalt  }
0x68: {  	_ =	shalt  }
0x69: {  	_ =	shalt  }
0x6a: {  	_ =	shalt  }
0x6b: {  	_ =	shalt  }
0x6c: {  	_ =	shalt  }
0x6d: {  	_ =	shalt  }
0x6e: {  	_ =	shalt  }
0x6f: {  	_ =	shalt  }
0x70: {  	_ =	shalt  }
0x71: {  	_ =	shalt  }
0x72: {  	_ =	shalt  }
0x73: {  	_ =	shalt  }
0x74: {  	_ =	shalt  }
0x75: {  	_ =	shalt  }
0x76: {  	_ =	shalt  }
0x77: {  	_ =	shalt  }
0x78: {  	_ =	shalt  }
0x79: {  	_ =	shalt  }
0x7a: {  	_ =	shalt  }
0x7b: {  	_ =	shalt  }
0x7c: {  	_ =	shalt  }
0x7d: {  	_ =	shalt  }
0x7e: {  	_ =	shalt  }
0x7f: {  	_ =	shalt  }
0x80: {  	_ =	shalt  }
0x81: {  	_ =	shalt  }
0x82: {  	_ =	shalt  }
0x83: {  	_ =	shalt  }
0x84: {  	_ =	shalt  }
0x85: {  	_ =	shalt  }
0x86: {  	_ =	shalt  }
0x87: {  	_ =	shalt  }
.Lfunc_end0:
.L_simem_size_0:
called_computation.1_lowered:
.L_overlay_start_0:
0x88: {  	s2 =	sld [smem:$0x3FD9]  }
0x89: {  	s3 =	sld [smem:$0x3FFE];
	_ =	sdelay $0x1  }
0x8a: {  	s1 =	srdreg.scid  }
0x8b: {  	s0 =	sand.u32 $0x1, s1  }
0x8c: {  	s16 =	sshll.u32 s0, $0xA;
	s2 =	sadd.s32 s3, s2  }
0x8d: {  	s2 =	sadd.s32 s2, s16  }
0x8e: {  	[smem:$0x3FC7] =	sst s2  }
0x8f: {  	_ = 	snop  }
0x90: {  	(tm) =	ssettm $0x1  }
0x91: {  	s17 =	sld [smem:$0x3FFB];
	_ =	sdelay $0x3  }
0x92: {  	_ =	strace s17  }
0x93: {  	s2 =	sld [smem:$0x3FFC];
	_ =	sdelay $0x3  }
0x94: {  	_ =	strace s2  }
0x95: {  	s2 =	sld [smem:$0x3FFD];
	_ =	sdelay $0x3  }
0x96: {  	_ =	strace s2  }
0x97: {  	_ =	strace $0x8FFFFFFF  }
0x98: {  	s18 =	sld [smem:$0x3FDB];
	_ =	sdelay $0x1  }
0x99: {  	s19 =	simm.s32 $_scs_section_size  }
0x9a: {  	s4 =	simm.s32 $_size__tile_overlayer_lowered;
	s5 =	simm.s32 $_tile_overlayer_lowered  }
0x9b: {  	s22 =	simm.s32 $0x1BFF;
	s21 =	sshll.u32 s5, $0x1;
	s2 =	sadd.s32 s19, s18  }
0x9c: {  	s6 =	simm.s32 $0x0;
	s20 =	sshll.u32 s4, $0x1;
	s4 =	sadd.s32 s21, s2  }
0x9d: {  	[timem:s6], [sflag:s22] =	dma.local [hbm:s4], s20  }
0x9e: {  	_ =	swait.ge [sflag:s22], s20  }
0x9f: {  	s3 =	ssub.s32 $0x0, s20;
	[sflag:s22] =	ssyncset.done $0x0  }
0xa0: {  	[sflag:s22] =	ssyncadd.s32 s3;
	_ =	sdelay $0x1  }
0xa1: {  	s23 =	simm.s32 $0x1B8B  }
0xa2: {  	_ =	swait.ge [sflag:s23], $0x1  }
0xa3: {  	[sflag:s23] =	ssyncset.done $0x0  }
0xa4: {  	s25 =	simm.s32 $0x1B8E;
	s24 =	sld [smem:$0x3FFE];
	[sflag:s23] =	ssyncadd.s32 $0xFFFFFFFF  }
0xa5: {  	s26 =	simm.s32 $execute0_lowered;
	[smem:$0x3FD2] =	sst s25  }
0xa6: {  	s4 =	sshll.u32 s26, $0x1;
	_ =	strace $0x80000046;
	[dreg:$0x1] =	wrdreg $0xFFFFFFFF  }
0xa7: {  	s28 =	simm.s32 $_size_execute0_lowered;
	s2 =	sadd.s32 s2, s4;
	[dreg:$0x0] =	wrdreg $0x0  }
0xa8: {  	s4 =	sshll.u32 s28, $0x1;
	[dreg:$0x2] =	wrdreg s2  }
0xa9: {  	[dreg:$0x3] =	wrdreg s4  }
0xaa: {  	[dreg:$0x4] =	wrdreg $0xC0  }
0xab: {  	_ =	task [dreg:s6], $0x5FFFF  }
0xac: {  	[dreg:$0x1] =	wrdreg $0xFFFFFFFF  }
0xad: {  	[dreg:$0x0] =	wrdreg $0x60  }
0xae: {  	[dreg:$0x2] =	wrdreg s24  }
0xaf: {  	[dreg:$0x3] =	wrdreg $0xA  }
0xb0: {  	_ =	task.clear_ibuf [dreg:s6], $0x4FFFF;
	_ =	strace $0x90000046  }
0xb1: {  	s29 =	simm.s32 $0xA;
	_ =	strace $0x80000048  }
0xb2: {  	_ =	swait.ge [sflag:s29], $0x1  }
0xb3: {  	[sflag:s29] =	ssyncadd.s32 $0xFFFFFFFF  }
0xb4: {  	_ =	strace $0x90000048  }
0xb5: {  	_ =	sfence  }
0xb6: {  	s30 =	sld [smem:$0x0];
	_ =	sdelay $0x2  }
0xb7: {  	s31 =	sshll.u32 s1, $0xD;
	s1 =	sshrl.u32 s1, $0x2  }
0xb8: {  	s3 =	sand.u32 $0x4000, s31;
	s1 =	sadd.s32 s1, s30  }
0xb9: {  	s0 =	sor.u32 s3, s0;
	s1 =	sshll.u32 s1, $0x11  }
0xba: {  	s0 =	sor.u32 s1, s0  }
0xbb: {  	s0 =	sadd.s32 $0x8F2B, s0  }
0xbc: {  	[sflag:s0] =	ssyncadd.remote.s32 $0x1  }
0xbd: {  	_ =	sfence.sel $0xFFFF  }
0xbe: {  	[dreg:$0x0] =	wrdreg $0xFFFFFFFF;
	(pc) =	sbr.abs _section_cstart, $3  }
0xbf: {  	[dreg:$0x1] =	wrdreg $0xFFFFFFFF  }
0xc0: {  	_ =	task.clear_ibuf [dreg:s6], $0x2FFFF;
	_ =	strace $0x9FFFFFFF  }
0xc1: {  	(tm) =	ssettm $0x7FFFFFFF  }
tec
execute0_lowered:
.L_overlay_start_1:
0x0: {  	(tag) =	ssettag $0x1  }
0x1: {  	s3 =	rddreg [dreg:$0x0]  }
0x2: {  	s0 =	rddreg [dreg:$0x1];
	s4 =	srdreg.scid  }
0x3: {  	s2 =	simm.s32 $0x0;
	s1 =	stileid.u32;
	s4 =	sand.u32 $0x1, s4  }
0x4: {  	s7 =	simm.s32 $0x1000;
	s5 =	sshll.u32 s1, $0xA;
	s6 =	sshll.u32 s4, $0x9  }
0x5: {  	s8 =	simm.s32 $0x0;
	s4 =	ssub.s32 $0x2, s4;
	s5 =	sor.u32 s6, s5  }
0x6: {  	v1 =	vlaneseq.u32;
	[smem:$0x7FF] =	sst s2;
	s31 =	sshrl.u32 s4, $0x1;
	s5 =	sadd.s32 s5, s3  }
0x7: {  	v1 =	vmul.u32 $0x100, v1;
	_ =	strace $0x80000047;
	s6 =	ssub.s32 s4, s31;
	s3 =	sadd.s32 $0xA00, s5  }
0x8: {  	v0 =	vimm.f32 $0.0e+00;
	v2 =	vimm.f32 $1.000000000e+00;
	s4 =	sadd.s32 $0x4A00, s5;
	s5 =	smax.u32 s6, $0x1;
	s6 =	simm.s32 $0x1  }
.LBB2_1:
0x9: {  	[tilespmem:s2], [sflag:$0x1] =	stream.linear.gather [hbm4b:s3+s2], $0x1000, $0x38;
	[tilespmem:$0x2000] =	vst v63  }
0xa: {  	_ =	swait.ge [sflag:s6], $0x1000  }
0xb: {  	[sflag:s6] =	ssyncset.done $0x0  }
0xc: {  	s9 =	simm.s32 $0x0;
	[sflag:s6] =	ssyncadd.s32 $0xFFFFF000  }
.LBB2_2:
0xd: {  	p0 =	sne.s32 s9, $0x3F00  }
.Ltmp0:
0xe: {  	s10 =	sshra.s32 s9, $0x2;
	(pc) =	sbr.rel @p0 .LBB2_2-.Ltmp0, $4  }
0xf: {  	[tilespmem:s10+$0x1000] =	vst v0  }
0x10: {  	[tilespmem:s10+$0x1010] =	vst v0  }
0x11: {  	[tilespmem:s10+$0x1020] =	vst v0  }
0x12: {  	s9 =	sadd.s32 $0x100, s9;
	[tilespmem:s10+$0x1030] =	vst v0  }
0x13: {  	s9 =	simm.s32 $0x0  }
.LBB2_4:
0x14: {  	v3 =	vor.u32 s9, v1;
	_ =	sdelay $0x4  }
0x15: {  	v3 =	vld.idx.msk [tilespmem:v3+s2+$0x0], $0xffff;
	_ =	sdelay $0x4  }
0x16: {  	s10 =	sadd.s32 $0x1, s9;
	v3 =	vadd.s32 v1, v3  }
0x17: {  	v4 =	vor.u32 s10, v1;
	_ =	sdelay $0x3  }
0x18: {  	[tilespmem:v3+s7+$0x0] =	vst.idx.add.f32.msk $0xffff, v2  }
0x19: {  	v3 =	vld.idx.msk [tilespmem:v4+s2+$0x0], $0xffff;
	_ =	sdelay $0x4  }
0x1a: {  	s30 =	sadd.s32 $0x2, s9;
	v3 =	vadd.s32 v1, v3  }
0x1b: {  	v62 =	vor.u32 s30, v1;
	_ =	sdelay $0x3  }
0x1c: {  	[tilespmem:v3+s7+$0x0] =	vst.idx.add.f32.msk $0xffff, v2  }
0x1d: {  	v3 =	vld.idx.msk [tilespmem:v62+s2+$0x0], $0xffff;
	_ =	sdelay $0x4  }
0x1e: {  	s31 =	sadd.s32 $0x3, s9;
	v3 =	vadd.s32 v1, v3  }
0x1f: {  	v63 =	vor.u32 s31, v1;
	_ =	sdelay $0x3  }
0x20: {  	[tilespmem:v3+s7+$0x0] =	vst.idx.add.f32.msk $0xffff, v2  }
0x21: {  	v3 =	vld.idx.msk [tilespmem:v63+s2+$0x0], $0xffff;
	_ =	sdelay $0x4  }
0x22: {  	p0 =	sne.s32 s9, $0xFC;
	v3 =	vadd.s32 v1, v3  }
.Ltmp1:
0x23: {  	_ = 	snop;
	(pc) =	sbr.rel @p0 .LBB2_4-.Ltmp1, $2  }
0x24: {  	_ =	sdelay $0x2  }
0x25: {  	s9 =	sadd.s32 $0x4, s9;
	[tilespmem:v3+s7+$0x0] =	vst.idx.add.f32.msk $0xffff, v2  }
0x26: {  	s8 =	sadd.s32 $0x1, s8  }
0x27: {  	p0 =	sne.s32 s8, s5  }
.Ltmp2:
0x28: {  	_ = 	snop;
	(pc) =	sbr.rel @p0 .LBB2_1-.Ltmp2, $4  }
0x29: {  	[hbm4b:s4+s2] =	stream.linear.scatter [tilespmem:s7], [sflag:$0x1], $0x1000, $0x38;
	[tilespmem:$0x2000] =	vst v63  }
0x2a: {  	_ =	swait.ge [sflag:s6], $0x1000  }
0x2b: {  	[sflag:s6] =	ssyncset.done $0x0  }
0x2c: {  	[sflag:s6] =	ssyncadd.s32 $0xFFFFF000  }
0x2d: {  	_ =	sfence.sel $0x180000  }
0x2e: {  	[bflag:$0x0] =	sbarrier.arrive $0xFFFF  }
0x2f: {  	p0 =	sne.s32 s1, $0x0;
	_ =	strace $0x90000047  }
0x30: {  	s0 =	sadd.s32 @!p0 $0x100000, s0;
	[bflag:$0x2] =	sbarrier.arrive $0xFFFF  }
0x31: {  	[sflag:s0] =	ssyncadd.tile.s32 @!p0 $0x1;
	_ =	shalt  }
.Lfunc_end2:
_tile_overlayer_lowered:
.L_overlay_start_2:
0x32: {  	(tag) =	ssettag $0x2  }
0x33: {  	s0 =	rddreg [dreg:$0x0];
	s2 =	stileid.u32  }
0x34: {  	s1 =	rddreg [dreg:$0x1];
	p0 =	sne.s32 s2, $0x0  }
0x35: {  	s3 =	rddreg [dreg:$0x2];
	[bflag:$0x3] =	sbarrier.arrive $0xFFFF;
	s2 =	simm.s32 @!p0 $0x1C01  }
0x36: {  	[timem:s3], [sflag:s2] =	dma.local @!p0 [hbm:s0], s1  }
0x37: {  	s0 =	simm.s32 @!p0 $0x1  }
0x38: {  	_ =	swait.ge @!p0 [sflag:s0], s1  }
0x39: {  	s1 =	ssub.s32 @!p0 $0x0, s1;
	[sflag:s0] =	ssyncset.done @!p0 $0x0  }
0x3a: {  	[sflag:s0] =	ssyncadd.s32 @!p0 s1  }
0x3b: {  	[bflag:$0x3] =	sbarrier.arrive $0xFFFF  }
0x3c: {  	_ =	shalt  }

// kernel: kernel.7.cloned.1.call-start
scs
__scs_entry_jumppad:
0x0: {  	(pc) =	sbr.rel $0x88, $3  }
0x1: {  	(tag) =	ssettag $0x0;
	lr =	simm.s32 $0x1  }
0x2: {  	[smem:$0x3FA0] =	sst lr;
	_ =	strace $0xD0000000  }
0x3: {  	_ = 	snop  }
0x4: {  	_ = 	snop  }
0x5: {  	_ = 	snop  }
0x6: {  	_ = 	snop  }
0x7: {  	_ = 	snop  }
__scs_overlays_trampoline_lowered:
0x8: {  	[smem:$0x3FAF] =	sst s0  }
0x9: {  	[smem:$0x3FB0] =	sst s1  }
0xa: {  	[smem:$0x3FB1] =	sst s2  }
0xb: {  	[smem:$0x3FB2] =	sst s3  }
0xc: {  	[smem:$0x3FB3] =	sst s4  }
0xd: {  	[smem:$0x3FB4] =	sst s5  }
0xe: {  	[smem:$0x3FB5] =	sst s6  }
0xf: {  	[smem:$0x3FB6] =	sst s7  }
0x10: {  	[smem:$0x3FB7] =	sst s8  }
0x11: {  	[smem:$0x3FB8] =	sst s9;
	s0 =	simm.s32 @!p0 $0x0  }
0x12: {  	s1 =	sld [smem:$0x3F9E];
	s0 =	simm.s32 @p0 $0x1  }
0x13: {  	[smem:$0x3FB9] =	sst s0;
	s0 =	simm.s32 @!p1 $0x0  }
0x14: {  	s2 =	sld [smem:$0x3F9D];
	s0 =	simm.s32 @p1 $0x1  }
0x15: {  	[smem:$0x3FBA] =	sst s0;
	s0 =	simm.s32 @!p2 $0x0  }
0x16: {  	s3 =	sld [smem:$0x3FDB];
	s0 =	simm.s32 @p2 $0x1  }
0x17: {  	s4 =	simm.s32 $0x1BF5;
	[smem:$0x3FBC] =	sst s0  }
0x18: {  	s0 =	sld [smem:$0x3F9F];
	_ =	swait.ge [sflag:s4], $0x0  }
0x19: {  	s7 =	sld [smem:$0x3FA0]  }
0x1a: {  	s8 =	sadd.s32 $0xFFFFE003, lr  }
0x1b: {  	s9 =	sadd.s32 $0xFFFFFEF7, lr;
	s5 =	simm.s32 $0xFFFFFFFF;
	p2 =	slt.u32 s8, $0xFFFFF086  }
0x1c: {  	p1 =	slt.u32 s9, $0xF7A;
	s5 =	simm.s32 @!p2 $0x0  }
0x1d: {  	s5 =	simm.s32 @p1 $0x1;
	p0 =	seq.s32 s7, s2  }
0x1e: {  	s7 =	smul.u32 @!p0 $0xF7A, s2;
	p2 =	seq.s32 @!p0 s5, $0x0  }
0x1f: {  	s9 =	smul.u32 $0xF7A, s1;
	s8 =	simm.s32 @!p0 $0x1BF5;
	p2 =	por !p2, p0  }
0x20: {  	[sflag:s8] =	ssyncset.s32 @!p0 $0xFFFFF086;
	s6 =	sadd.s32 @!p0 s3, s7;
	s7 =	simm.s32 @!p0 $0x108  }
0x21: {  	s3 =	sadd.s32 s3, s9;
	s6 =	sadd.s32 @!p0 $0x88, s6;
	s7 =	simm.s32 @p2 $0x1082  }
0x22: {  	[simem:s7], [sflag:s8] =	dma.local @!p0 [hbm:s6], $0xF7A  }
0x23: {  	s9 =	sor.u32 $0xD0000000, s2;
	s6 =	simm.s32 $0x108;
	_ =	swait.ge @!p0 [sflag:s8], $0x0  }
0x24: {  	s3 =	sadd.s32 $0x88, s3;
	s6 =	simm.s32 @!p1 $0x1082;
	[sflag:s4] =	ssyncset.s32 $0xFFFFF086  }
0x25: {  	[simem:s6], [sflag:s4] =	dma.local [hbm:s3], $0xF7A  }
0x26: {  	[smem:$0x3FA0] =	sst s1;
	(tag) =	ssettag s2;
	_ =	strace s9  }
0x27: {  	s1 =	sld [smem:$0x3FB0]  }
0x28: {  	s2 =	sld [smem:$0x3FB1]  }
0x29: {  	s4 =	sld [smem:$0x3FB3]  }
0x2a: {  	p0 =	seq.s32 s5, $0x0;
	s5 =	sld [smem:$0x3FB4]  }
0x2b: {  	s6 =	sld [smem:$0x3FB5]  }
0x2c: {  	s7 =	sld [smem:$0x3FB6]  }
0x2d: {  	s3 =	simm.s32 $0x108;
	s8 =	sld [smem:$0x3FB7]  }
0x2e: {  	s3 =	simm.s32 @!p0 $0x1082;
	s9 =	sld [smem:$0x3FB8]  }
0x2f: {  	lr =	sadd.s32 s0, s3;
	s0 =	sld [smem:$0x3FAF]  }
0x30: {  	s3 =	sld [smem:$0x3FB2]  }
0x31: {  	[smem:$0x3FBB] =	sst s10  }
0x32: {  	s10 =	sld [smem:$0x3FB9];
	_ =	sdelay $0x3  }
0x33: {  	p0 =	seq.s32 s10, $0x1;
	s10 =	sld [smem:$0x3FBB];
	_ =	sdelay $0x3  }
0x34: {  	[smem:$0x3FBB] =	sst s10  }
0x35: {  	s10 =	sld [smem:$0x3FBA];
	_ =	sdelay $0x3  }
0x36: {  	p1 =	seq.s32 s10, $0x1;
	s10 =	sld [smem:$0x3FBB];
	_ =	sdelay $0x3  }
0x37: {  	[smem:$0x3FBB] =	sst s10  }
0x38: {  	s10 =	sld [smem:$0x3FBC]  }
0x39: {  	_ = 	snop;
	(pc) =	sbr.ind lr, $3  }
0x3a: {  	_ = 	snop  }
0x3b: {  	_ = 	snop  }
0x3c: {  	p2 =	seq.s32 s10, $0x1;
	s10 =	sld [smem:$0x3FBB]  }
0x3d: {  	_ =	shalt  }
0x3e: {  	_ =	shalt  }
0x3f: {  	_ =	shalt  }
0x40: {  	_ =	shalt  }
0x41: {  	_ =	shalt  }
0x42: {  	_ =	shalt  }
0x43: {  	_ =	shalt  }
0x44: {  	_ =	shalt  }
0x45: {  	_ =	shalt  }
0x46: {  	_ =	shalt  }
0x47: {  	_ =	shalt  }
0x48: {  	_ =	shalt  }
0x49: {  	_ =	shalt  }
0x4a: {  	_ =	shalt  }
0x4b: {  	_ =	shalt  }
0x4c: {  	_ =	shalt  }
0x4d: {  	_ =	shalt  }
0x4e: {  	_ =	shalt  }
0x4f: {  	_ =	shalt  }
0x50: {  	_ =	shalt  }
0x51: {  	_ =	shalt  }
0x52: {  	_ =	shalt  }
0x53: {  	_ =	shalt  }
0x54: {  	_ =	shalt  }
0x55: {  	_ =	shalt  }
0x56: {  	_ =	shalt  }
0x57: {  	_ =	shalt  }
0x58: {  	_ =	shalt  }
0x59: {  	_ =	shalt  }
0x5a: {  	_ =	shalt  }
0x5b: {  	_ =	shalt  }
0x5c: {  	_ =	shalt  }
0x5d: {  	_ =	shalt  }
0x5e: {  	_ =	shalt  }
0x5f: {  	_ =	shalt  }
0x60: {  	_ =	shalt  }
0x61: {  	_ =	shalt  }
0x62: {  	_ =	shalt  }
0x63: {  	_ =	shalt  }
0x64: {  	_ =	shalt  }
0x65: {  	_ =	shalt  }
0x66: {  	_ =	shalt  }
0x67: {  	_ =	shalt  }
0x68: {  	_ =	shalt  }
0x69: {  	_ =	shalt  }
0x6a: {  	_ =	shalt  }
0x6b: {  	_ =	shalt  }
0x6c: {  	_ =	shalt  }
0x6d: {  	_ =	shalt  }
0x6e: {  	_ =	shalt  }
0x6f: {  	_ =	shalt  }
0x70: {  	_ =	shalt  }
0x71: {  	_ =	shalt  }
0x72: {  	_ =	shalt  }
0x73: {  	_ =	shalt  }
0x74: {  	_ =	shalt  }
0x75: {  	_ =	shalt  }
0x76: {  	_ =	shalt  }
0x77: {  	_ =	shalt  }
0x78: {  	_ =	shalt  }
0x79: {  	_ =	shalt  }
0x7a: {  	_ =	shalt  }
0x7b: {  	_ =	shalt  }
0x7c: {  	_ =	shalt  }
0x7d: {  	_ =	shalt  }
0x7e: {  	_ =	shalt  }
0x7f: {  	_ =	shalt  }
0x80: {  	_ =	shalt  }
0x81: {  	_ =	shalt  }
0x82: {  	_ =	shalt  }
0x83: {  	_ =	shalt  }
0x84: {  	_ =	shalt  }
0x85: {  	_ =	shalt  }
0x86: {  	_ =	shalt  }
0x87: {  	_ =	shalt  }
.Lfunc_end0:
.L_simem_size_0:
called_computation_lowered:
.L_overlay_start_0:
0x88: {  	s2 =	sld [smem:$0x3FD9]  }
0x89: {  	s3 =	sld [smem:$0x3FFE];
	_ =	sdelay $0x1  }
0x8a: {  	s1 =	srdreg.scid  }
0x8b: {  	s0 =	sand.u32 $0x1, s1  }
0x8c: {  	s17 =	sshll.u32 s0, $0xA;
	s2 =	sadd.s32 s3, s2  }
0x8d: {  	s2 =	sadd.s32 s2, s17  }
0x8e: {  	[smem:$0x3FC7] =	sst s2  }
0x8f: {  	_ = 	snop  }
0x90: {  	(tm) =	ssettm $0x1  }
0x91: {  	s18 =	sld [smem:$0x3FFB];
	_ =	sdelay $0x3  }
0x92: {  	_ =	strace s18  }
0x93: {  	s2 =	sld [smem:$0x3FFC];
	_ =	sdelay $0x3  }
0x94: {  	_ =	strace s2  }
0x95: {  	s2 =	sld [smem:$0x3FFD];
	_ =	sdelay $0x3  }
0x96: {  	_ =	strace s2  }
0x97: {  	_ =	strace $0x8FFFFFFF  }
0x98: {  	s19 =	sld [smem:$0x3FDB];
	_ =	sdelay $0x1  }
0x99: {  	s20 =	simm.s32 $_scs_section_size  }
0x9a: {  	s4 =	simm.s32 $_size__tile_overlayer_lowered;
	s5 =	simm.s32 $_tile_overlayer_lowered  }
0x9b: {  	s6 =	simm.s32 $0x1BFF;
	s21 =	sshll.u32 s5, $0x1;
	s3 =	sadd.s32 s20, s19  }
0x9c: {  	s22 =	simm.s32 $0x0;
	s4 =	sshll.u32 s4, $0x1;
	s5 =	sadd.s32 s21, s3  }
0x9d: {  	[timem:s22], [sflag:s6] =	dma.local [hbm:s5], s4  }
0x9e: {  	_ =	swait.ge [sflag:s6], s4  }
0x9f: {  	s4 =	ssub.s32 $0x0, s4;
	[sflag:s6] =	ssyncset.done $0x0  }
0xa0: {  	[sflag:s6] =	ssyncadd.s32 s4;
	_ =	sdelay $0x1  }
0xa1: {  	s23 =	simm.s32 $0x1B8B  }
0xa2: {  	_ =	swait.ge [sflag:s23], $0x1  }
0xa3: {  	[sflag:s23] =	ssyncset.done $0x0  }
0xa4: {  	[sflag:s23] =	ssyncadd.s32 $0xFFFFFFFF  }
0xa5: {  	s4 =	sld [smem:$0x0]  }
0xa6: {  	s5 =	sand.u32 $0xFFFFFFFE, s1  }
0xa7: {  	p0 =	sne.s32 s1, s5  }
0xa8: {  	s5 =	sshll.u32 @p0 s5, $0xE  }
0xa9: {  	s5 =	sadd.s32 @p0 $0x11B8D, s5;
	s6 =	sshll.u32 @p0 s4, $0x11  }
0xaa: {  	s5 =	sor.u32 @p0 s6, s5  }
0xab: {  	[sflag:s5] =	ssyncadd.remote.s32 @p0 $0x1;
	_ =	sdelay $0x1  }
0xac: {  	s5 =	simm.s32 @p0 $0x1B8D  }
0xad: {  	_ =	swait.eq @p0 [sflag:s5], $0x1  }
0xae: {  	[sflag:s5] =	ssyncadd.s32 @p0 $0xFFFFFFFF  }
0xaf: {  	s6 =	sshll.u32 @!p0 s1, $0xE  }
0xb0: {  	s6 =	sor.u32 @!p0 $0x4000, s6;
	s5 =	simm.s32 @!p0 $0x1B8D  }
0xb1: {  	s4 =	sshll.u32 @!p0 s4, $0x11;
	s6 =	sadd.s32 @!p0 $0x11B8D, s6;
	_ =	swait.eq @!p0 [sflag:s5], $0x1  }
0xb2: {  	s4 =	sor.u32 @!p0 s4, s6;
	[sflag:s5] =	ssyncadd.s32 @!p0 $0xFFFFFFFF  }
0xb3: {  	s25 =	simm.s32 $0x1B8E;
	s24 =	sld [smem:$0x3FFE];
	[sflag:s4] =	ssyncadd.remote.s32 @!p0 $0x1  }
0xb4: {  	s26 =	simm.s32 $execute0_lowered;
	[smem:$0x3FD2] =	sst s25  }
0xb5: {  	s5 =	sshll.u32 s26, $0x1;
	_ =	strace $0x80000049;
	[dreg:$0x1] =	wrdreg $0xFFFFFFFF  }
0xb6: {  	s28 =	simm.s32 $_size_execute0_lowered;
	s3 =	sadd.s32 s3, s5;
	[dreg:$0x0] =	wrdreg $0x0  }
0xb7: {  	s5 =	sshll.u32 s28, $0x1;
	[dreg:$0x2] =	wrdreg s3  }
0xb8: {  	[dreg:$0x3] =	wrdreg s5  }
0xb9: {  	[dreg:$0x4] =	wrdreg $0xC0  }
0xba: {  	_ =	task [dreg:s22], $0x5FFFF  }
0xbb: {  	[dreg:$0x1] =	wrdreg $0xFFFFFFFF  }
0xbc: {  	[dreg:$0x0] =	wrdreg $0x60  }
0xbd: {  	[dreg:$0x2] =	wrdreg s24  }
0xbe: {  	[dreg:$0x3] =	wrdreg $0x9  }
0xbf: {  	_ =	task.clear_ibuf [dreg:s22], $0x4FFFF;
	_ =	strace $0x90000049  }
0xc0: {  	s29 =	simm.s32 $0x9;
	_ =	strace $0x8000004B  }
0xc1: {  	_ =	swait.ge [sflag:s29], $0x1  }
0xc2: {  	[sflag:s29] =	ssyncadd.s32 $0xFFFFFFFF  }
0xc3: {  	_ =	strace $0x9000004B  }
0xc4: {  	_ =	sfence  }
0xc5: {  	s30 =	sld [smem:$0x0];
	_ =	sdelay $0x2  }
0xc6: {  	s31 =	sshll.u32 s1, $0xD;
	s1 =	sshrl.u32 s1, $0x2  }
0xc7: {  	s4 =	sand.u32 $0x4000, s31;
	s1 =	sadd.s32 s1, s30  }
0xc8: {  	s0 =	sor.u32 s4, s0;
	s1 =	sshll.u32 s1, $0x11  }
0xc9: {  	s0 =	sor.u32 s1, s0  }
0xca: {  	s0 =	sadd.s32 $0x8F2B, s0  }
0xcb: {  	[sflag:s0] =	ssyncadd.remote.s32 $0x1  }
0xcc: {  	_ =	sfence.sel $0xFFFF  }
0xcd: {  	[dreg:$0x0] =	wrdreg $0xFFFFFFFF;
	(pc) =	sbr.abs _section_cstart, $3  }
0xce: {  	[dreg:$0x1] =	wrdreg $0xFFFFFFFF  }
0xcf: {  	_ =	task.clear_ibuf [dreg:s22], $0x2FFFF;
	_ =	strace $0x9FFFFFFF  }
0xd0: {  	(tm) =	ssettm $0x7FFFFFFF  }
0xd1: {  	_ =	shalt  }
tec
execute0_lowered:
.L_overlay_start_1:
0x0: {  	(tag) =	ssettag $0x1  }
0x1: {  	s3 =	rddreg [dreg:$0x0]  }
0x2: {  	s0 =	rddreg [dreg:$0x1];
	s4 =	srdreg.scid  }
0x3: {  	s2 =	simm.s32 $0x0;
	s1 =	stileid.u32;
	s4 =	sand.u32 $0x1, s4  }
0x4: {  	s7 =	simm.s32 $0x1000;
	s5 =	sshll.u32 s1, $0xA;
	s6 =	sshll.u32 s4, $0x9  }
0x5: {  	s8 =	simm.s32 $0x0;
	s4 =	ssub.s32 $0x2, s4;
	s5 =	sor.u32 s6, s5  }
0x6: {  	v1 =	vlaneseq.u32;
	[smem:$0x7FF] =	sst s2;
	s31 =	sshrl.u32 s4, $0x1;
	s5 =	sadd.s32 s5, s3  }
0x7: {  	v1 =	vmul.u32 $0x100, v1;
	_ =	strace $0x8000004A;
	s6 =	ssub.s32 s4, s31;
	s3 =	sadd.s32 $0x8A00, s5  }
0x8: {  	v0 =	vimm.f32 $0.0e+00;
	v2 =	vimm.f32 $1.000000000e+00;
	s4 =	sadd.s32 $0xCA00, s5;
	s5 =	smax.u32 s6, $0x1;
	s6 =	simm.s32 $0x1  }
.LBB2_1:
0x9: {  	[tilespmem:s2], [sflag:$0x1] =	stream.linear.gather [hbm4b:s3+s2], $0x1000, $0x38;
	[tilespmem:$0x2000] =	vst v63  }
0xa: {  	_ =	swait.ge [sflag:s6], $0x1000  }
0xb: {  	[sflag:s6] =	ssyncset.done $0x0  }
0xc: {  	s9 =	simm.s32 $0x0;
	[sflag:s6] =	ssyncadd.s32 $0xFFFFF000  }
.LBB2_2:
0xd: {  	p0 =	sne.s32 s9, $0x3F00  }
.Ltmp0:
0xe: {  	s10 =	sshra.s32 s9, $0x2;
	(pc) =	sbr.rel @p0 .LBB2_2-.Ltmp0, $4  }
0xf: {  	[tilespmem:s10+$0x1000] =	vst v0  }
0x10: {  	[tilespmem:s10+$0x1010] =	vst v0  }
0x11: {  	[tilespmem:s10+$0x1020] =	vst v0  }
0x12: {  	s9 =	sadd.s32 $0x100, s9;
	[tilespmem:s10+$0x1030] =	vst v0  }
0x13: {  	s9 =	simm.s32 $0x0  }
.LBB2_4:
0x14: {  	v3 =	vor.u32 s9, v1;
	_ =	sdelay $0x4  }
0x15: {  	v3 =	vld.idx.msk [tilespmem:v3+s2+$0x0], $0xffff;
	_ =	sdelay $0x4  }
0x16: {  	s10 =	sadd.s32 $0x1, s9;
	v3 =	vadd.s32 v1, v3  }
0x17: {  	v4 =	vor.u32 s10, v1;
	_ =	sdelay $0x3  }
0x18: {  	[tilespmem:v3+s7+$0x0] =	vst.idx.add.f32.msk $0xffff, v2  }
0x19: {  	v3 =	vld.idx.msk [tilespmem:v4+s2+$0x0], $0xffff;
	_ =	sdelay $0x4  }
0x1a: {  	s30 =	sadd.s32 $0x2, s9;
	v3 =	vadd.s32 v1, v3  }
0x1b: {  	v62 =	vor.u32 s30, v1;
	_ =	sdelay $0x3  }
0x1c: {  	[tilespmem:v3+s7+$0x0] =	vst.idx.add.f32.msk $0xffff, v2  }
0x1d: {  	v3 =	vld.idx.msk [tilespmem:v62+s2+$0x0], $0xffff;
	_ =	sdelay $0x4  }
0x1e: {  	s31 =	sadd.s32 $0x3, s9;
	v3 =	vadd.s32 v1, v3  }
0x1f: {  	v63 =	vor.u32 s31, v1;
	_ =	sdelay $0x3  }
0x20: {  	[tilespmem:v3+s7+$0x0] =	vst.idx.add.f32.msk $0xffff, v2  }
0x21: {  	v3 =	vld.idx.msk [tilespmem:v63+s2+$0x0], $0xffff;
	_ =	sdelay $0x4  }
0x22: {  	p0 =	sne.s32 s9, $0xFC;
	v3 =	vadd.s32 v1, v3  }
.Ltmp1:
0x23: {  	_ = 	snop;
	(pc) =	sbr.rel @p0 .LBB2_4-.Ltmp1, $2  }
0x24: {  	_ =	sdelay $0x2  }
0x25: {  	s9 =	sadd.s32 $0x4, s9;
	[tilespmem:v3+s7+$0x0] =	vst.idx.add.f32.msk $0xffff, v2  }
0x26: {  	s8 =	sadd.s32 $0x1, s8  }
0x27: {  	p0 =	sne.s32 s8, s5  }
.Ltmp2:
0x28: {  	_ = 	snop;
	(pc) =	sbr.rel @p0 .LBB2_1-.Ltmp2, $4  }
0x29: {  	[hbm4b:s4+s2] =	stream.linear.scatter [tilespmem:s7], [sflag:$0x1], $0x1000, $0x38;
	[tilespmem:$0x2000] =	vst v63  }
0x2a: {  	_ =	swait.ge [sflag:s6], $0x1000  }
0x2b: {  	[sflag:s6] =	ssyncset.done $0x0  }
0x2c: {  	[sflag:s6] =	ssyncadd.s32 $0xFFFFF000  }
0x2d: {  	_ =	sfence.sel $0x180000  }
0x2e: {  	[bflag:$0x0] =	sbarrier.arrive $0xFFFF  }
0x2f: {  	p0 =	sne.s32 s1, $0x0;
	_ =	strace $0x9000004A  }
0x30: {  	s0 =	sadd.s32 @!p0 $0x100000, s0;
	[bflag:$0x2] =	sbarrier.arrive $0xFFFF  }
0x31: {  	[sflag:s0] =	ssyncadd.tile.s32 @!p0 $0x1;
	_ =	shalt  }
.Lfunc_end2:
_tile_overlayer_lowered:
.L_overlay_start_2:
0x32: {  	(tag) =	ssettag $0x2  }
0x33: {  	s0 =	rddreg [dreg:$0x0];
	s2 =	stileid.u32  }
0x34: {  	s1 =	rddreg [dreg:$0x1];
	p0 =	sne.s32 s2, $0x0  }
0x35: {  	s3 =	rddreg [dreg:$0x2];
	[bflag:$0x3] =	sbarrier.arrive $0xFFFF;
	s2 =	simm.s32 @!p0 $0x1C01  }
0x36: {  	[timem:s3], [sflag:s2] =	dma.local @!p0 [hbm:s0], s1  }
0x37: {  	s0 =	simm.s32 @!p0 $0x1  }
0x38: {  	_ =	swait.ge @!p0 [sflag:s0], s1  }
0x39: {  	s1 =	ssub.s32 @!p0 $0x0, s1;
	[sflag:s0] =	ssyncset.done @!p0 $0x0  }
0x3a: {  	[sflag:s0] =	ssyncadd.s32 @!p0 s1  }
0x3b: {  	[bflag:$0x3] =	sbarrier.arrive $0xFFFF  }
0x3c: {  	_ =	shalt  }

</sc_bundles>
